<compile_context>
chip_gen: v7x
topology: tpu7x:2x2x1
jax: 0.10.2.dev20260603
libtpu: 0.0.44.dev20260713+nightly
codegen_flags: <defaults>
</compile_context>

<pallas_src>
import functools

import jax
import jax.numpy as jnp
from jax import lax
from jax.experimental import pallas as pl
from jax.experimental.pallas import tpu as pltpu
from jax.experimental.pallas import tpu_sc as plsc

N_PAD = 10240
E_CHUNK = 128
N_CHUNKS = 1280
HALF = 128
ROWS_PER_TILE = N_PAD // 16

_MESH = plsc.VectorSubcoreMesh(
    core_axis_name="c", subcore_axis_name="s", num_cores=2, num_subcores=16)


def _deg_body(dst_hbm, ones_hbm, deg_hbm, acc, ones_v, idx_v, bounce,
              dsem):
    c = lax.axis_index("c")
    s = lax.axis_index("s")
    w = s * 2 + c
    ncw = N_CHUNKS // 32
    base = w * ncw
    row0 = s * ROWS_PER_TILE
    pltpu.sync_copy(ones_hbm.at[pl.ds(row0, ROWS_PER_TILE)], bounce)
    pltpu.sync_copy(bounce, acc.at[pl.ds(row0, ROWS_PER_TILE)])
    pltpu.sync_copy(ones_hbm.at[pl.ds(0, E_CHUNK)], ones_v)
    pltpu.sync_copy(dst_hbm.at[pl.ds(base, ncw)], idx_v)
    plsc.subcore_barrier()

    def body(i, carry):
        for k in range(8):
            pltpu.async_copy(ones_v, acc.at[idx_v.at[i * 8 + k]], dsem,
                             add=True)
        for k in range(8):
            pltpu.make_async_copy(ones_v, acc.at[idx_v.at[0]], dsem).wait()
        return carry

    lax.fori_loop(0, ncw // 8, body, 0)
    plsc.subcore_barrier()
    pltpu.sync_copy(acc.at[pl.ds(row0, ROWS_PER_TILE)], bounce)
    pltpu.sync_copy(bounce, deg_hbm.at[c, pl.ds(row0, ROWS_PER_TILE)])


_deg_call = functools.partial(
    pl.kernel,
    out_type=jax.ShapeDtypeStruct((2, N_PAD, 16), jnp.float32),
    mesh=_MESH,
    scratch_types=[
        pltpu.VMEM_SHARED((N_PAD, 16), jnp.float32),
        pltpu.VMEM((E_CHUNK, 16), jnp.float32),
        pltpu.VMEM((N_CHUNKS // 32, E_CHUNK), jnp.int32),
        pltpu.VMEM((ROWS_PER_TILE, 16), jnp.float32),
        pltpu.SemaphoreType.DMA,
    ],
)(_deg_body)


def _agg_body(src_hbm, dst_hbm, y_hbm, agg_hbm, acc, rows, sidx, didx,
              gsem, ssem, isem_s, isem_d):
    c = lax.axis_index("c")
    s = lax.axis_index("s")
    row0 = s * ROWS_PER_TILE

    def init(i, carry):
        r = row0 + i * E_CHUNK
        pltpu.sync_copy(y_hbm.at[pl.ds(c * N_PAD + r, E_CHUNK)], rows.at[0])
        pltpu.sync_copy(rows.at[0], acc.at[pl.ds(r, E_CHUNK)])
        return carry

    lax.fori_loop(0, ROWS_PER_TILE // E_CHUNK, init, 0)
    plsc.subcore_barrier()

    ncw = N_CHUNKS // 16

    pltpu.async_copy(src_hbm.at[c, s], sidx.at[0], isem_s.at[0])
    pltpu.async_copy(dst_hbm.at[s], didx.at[0], isem_d.at[0])
    pltpu.async_copy(src_hbm.at[c, s + 16], sidx.at[1], isem_s.at[1])
    pltpu.async_copy(dst_hbm.at[s + 16], didx.at[1], isem_d.at[1])
    pltpu.make_async_copy(src_hbm.at[c, s], sidx.at[0], isem_s.at[0]).wait()
    pltpu.async_copy(y_hbm.at[sidx.at[0]], rows.at[0], gsem.at[0])

    def body(i, carry):
        for k in range(4):
            q = 4 * i + k
            j = s + q * 16
            p = k % 2
            pltpu.make_async_copy(
                y_hbm.at[sidx.at[p]], rows.at[p], gsem.at[p]).wait()
            pltpu.make_async_copy(
                dst_hbm.at[s], didx.at[k], isem_d.at[k]).wait()
            pltpu.async_copy(rows.at[p], acc.at[pl.ds(row0, E_CHUNK)], ssem.at[p])

            @pl.when(q >= 1)
            def _():
                pltpu.make_async_copy(
                    rows.at[1 - p], acc.at[pl.ds(row0, E_CHUNK)],
                    ssem.at[1 - p]).wait()

            @pl.when(q + 2 < ncw)
            def _():
                pltpu.async_copy(src_hbm.at[c, j + 32], sidx.at[p],
                                 isem_s.at[p])
                pltpu.async_copy(dst_hbm.at[j + 32], didx.at[(k + 2) % 4],
                                 isem_d.at[(k + 2) % 4])

            @pl.when(q + 1 < ncw)
            def _():
                pltpu.make_async_copy(
                    src_hbm.at[c, s], sidx.at[1 - p],
                    isem_s.at[1 - p]).wait()
                pltpu.async_copy(y_hbm.at[sidx.at[1 - p]], rows.at[1 - p],
                                 gsem.at[1 - p])
        return carry

    lax.fori_loop(0, ncw // 4, body, 0)
    pltpu.make_async_copy(
        rows.at[1], acc.at[pl.ds(row0, E_CHUNK)], ssem.at[1]).wait()
    plsc.subcore_barrier()

    def fini(i, carry):
        r = row0 + i * E_CHUNK
        pltpu.sync_copy(acc.at[pl.ds(r, E_CHUNK)], rows.at[0])
        pltpu.sync_copy(rows.at[0], agg_hbm.at[c, pl.ds(r, E_CHUNK)])
        return carry

    lax.fori_loop(0, ROWS_PER_TILE // E_CHUNK, fini, 0)


_agg_call = functools.partial(
    pl.kernel,
    out_type=jax.ShapeDtypeStruct((2, N_PAD, HALF), jnp.float32),
    mesh=_MESH,
    scratch_types=[
        pltpu.VMEM_SHARED((N_PAD, HALF), jnp.float32),
        pltpu.VMEM((2, E_CHUNK, HALF), jnp.float32),
        pltpu.VMEM((2, E_CHUNK), jnp.int32),
        pltpu.VMEM((4, E_CHUNK), jnp.int32),
        pltpu.SemaphoreType.DMA((2,)),
        pltpu.SemaphoreType.DMA((2,)),
        pltpu.SemaphoreType.DMA((2,)),
        pltpu.SemaphoreType.DMA((4,)),
    ],
)(_agg_body)


_BLK = 1024


def _prep_body(deg_ref, x_ref, dinv_ref, y0_ref):
    deg = deg_ref[0, :, 0:1] + deg_ref[1, :, 0:1] - 1.0
    dinv = lax.rsqrt(deg)
    dinv_ref[...] = dinv
    y = x_ref[...] * dinv
    y0_ref[0] = y[:, :HALF]
    y0_ref[1] = y[:, HALF:]


def _prep_call(degp, xp):
    return pl.pallas_call(
        _prep_body,
        grid=(N_PAD // _BLK,),
        in_specs=[
            pl.BlockSpec((2, _BLK, 16), lambda i: (0, i, 0)),
            pl.BlockSpec((_BLK, 256), lambda i: (i, 0)),
        ],
        out_specs=[
            pl.BlockSpec((_BLK, 1), lambda i: (i, 0)),
            pl.BlockSpec((2, _BLK, HALF), lambda i: (0, i, 0)),
        ],
        out_shape=[
            jax.ShapeDtypeStruct((N_PAD, 1), jnp.float32),
            jax.ShapeDtypeStruct((2, N_PAD, HALF), jnp.float32),
        ],
    )(degp, xp)


def _mid_body(a_ref, dinv_ref, w1_ref, b1_ref, w2_ref, y1_ref):
    dinv = dinv_ref[...]
    z = jnp.concatenate([a_ref[0], a_ref[1]], axis=1) * dinv
    h = jnp.dot(z, w1_ref[...], preferred_element_type=jnp.float32)
    h = jnp.maximum(h + b1_ref[...], 0.0)
    t = jnp.dot(h, w2_ref[...], preferred_element_type=jnp.float32)
    y = t * dinv
    y1_ref[0] = y[:, :HALF]
    y1_ref[1] = y[:, HALF:]


def _mid_call(a0, dinv, w1, b1, w2):
    return pl.pallas_call(
        _mid_body,
        grid=(N_PAD // _BLK,),
        in_specs=[
            pl.BlockSpec((2, _BLK, HALF), lambda i: (0, i, 0)),
            pl.BlockSpec((_BLK, 1), lambda i: (i, 0)),
            pl.BlockSpec((256, 512), lambda i: (0, 0)),
            pl.BlockSpec((1, 512), lambda i: (0, 0)),
            pl.BlockSpec((512, 256), lambda i: (0, 0)),
        ],
        out_specs=pl.BlockSpec((2, _BLK, HALF), lambda i: (0, i, 0)),
        out_shape=jax.ShapeDtypeStruct((2, N_PAD, HALF), jnp.float32),
    )(a0, dinv, w1, b1, w2)


def _fin_body(a_ref, dinv_ref, b2_ref, o_ref):
    o_ref[...] = (jnp.concatenate([a_ref[0], a_ref[1]], axis=1)
                  * dinv_ref[...] + b2_ref[...])


def _fin_call(a1, dinv, b2):
    return pl.pallas_call(
        _fin_body,
        grid=(N_PAD // _BLK,),
        in_specs=[
            pl.BlockSpec((2, _BLK, HALF), lambda i: (0, i, 0)),
            pl.BlockSpec((_BLK, 1), lambda i: (i, 0)),
            pl.BlockSpec((1, 256), lambda i: (0, 0)),
        ],
        out_specs=pl.BlockSpec((_BLK, 256), lambda i: (i, 0)),
        out_shape=jax.ShapeDtypeStruct((N_PAD, 256), jnp.float32),
    )(a1, dinv, b2)


@jax.jit
def kernel(x, edge_index, W1, b1, W2, b2):
    n = x.shape[0]
    e = edge_index.shape[1]
    ei = edge_index.astype(jnp.int32)
    pad = N_CHUNKS * E_CHUNK - e
    pad_idx = jnp.arange(pad, dtype=jnp.int32)
    srcp = jnp.concatenate([ei[0], pad_idx % n])
    dstp = jnp.concatenate([ei[1], n + pad_idx % (N_PAD - n)])
    dst2 = dstp.reshape(N_CHUNKS, E_CHUNK)
    src2 = jnp.stack([srcp, srcp + N_PAD]).reshape(2, N_CHUNKS, E_CHUNK)
    ones16 = jnp.ones((N_PAD, 16), jnp.float32)
    xp = jnp.pad(x, ((0, N_PAD - n), (0, 0)))

    degp = _deg_call(dst2, ones16)
    dinv, y0 = _prep_call(degp, xp)
    a0 = _agg_call(src2, dst2, y0.reshape(2 * N_PAD, HALF))
    y1 = _mid_call(a0, dinv, W1, b1.reshape(1, -1), W2)
    a1 = _agg_call(src2, dst2, y1.reshape(2 * N_PAD, HALF))
    outp = _fin_call(a1, dinv, b2.reshape(1, -1))
    return outp[:n]

# --- scband reference (transcript-rebuilt; emitter-appended) ---
"""Pipeline reference for scband-gcn-75977971466460 (READ-ONLY COPY).

The authoritative reference and input builder live on the scoring server;
editing this copy changes nothing except your own understanding.
"""

import jax, jax.numpy as jnp
import numpy as np

N_NODES = 10000

def gcn_conv(x, edge_index, W, b):
    n = x.shape[0]
    loop = jnp.arange(n, dtype=edge_index.dtype)
    src = jnp.concatenate([edge_index[0], loop])
    dst = jnp.concatenate([edge_index[1], loop])
    # linear transform first (PyG GCNConv applies lin before propagate)
    h = x @ W
    # symmetric normalization: deg computed on dst (col) with unit edge weights
    deg = jnp.zeros((n,), dtype=x.dtype).at[dst].add(1.0)
    dinv = jnp.where(deg > 0, 1.0 / jnp.sqrt(deg), 0.0)
    norm = dinv[src] * dinv[dst]
    msg = h[src] * norm[:, None]
    out = jnp.zeros((n, W.shape[1]), dtype=x.dtype).at[dst].add(msg)
    return out + b

def setup_inputs(seed: int = 0) -> dict:
    key = jax.random.key(seed)
    k1, k2, k3, k4, k5, k6 = jax.random.split(key, 6)
    x = jax.random.normal(k1, (N_NODES, 256), dtype=jnp.float32)
    edge_index = jax.random.randint(k2, (2, 160000), 0, N_NODES, dtype=jnp.int64)
    s1 = 1.0 / np.sqrt(256)
    s2 = 1.0 / np.sqrt(512)
    W1 = jax.random.uniform(k3, (256, 512), jnp.float32, -s1, s1)
    b1 = jax.random.uniform(k4, (512,), jnp.float32, -s1, s1)
    W2 = jax.random.uniform(k5, (512, 256), jnp.float32, -s2, s2)
    b2 = jax.random.uniform(k6, (256,), jnp.float32, -s2, s2)
    return {"x": x, "edge_index": edge_index, "W1": W1, "b1": b1, "W2": W2, "b2": b2}

def reference(x, edge_index, W1, b1, W2, b2):
    h = jax.nn.relu(gcn_conv(x, edge_index, W1, b1))
    # dropout p=0.0 / eval mode -> identity
    out = gcn_conv(h, edge_index, W2, b2)
    return out

if __name__ == "__main__":
    import jax
    _d = setup_inputs()
    print(jax.jit(kernel)(*tuple(_d.values())))

</pallas_src>

<mosaic_0001>
#map = affine_map<(d0, d1) -> (0, 0)>
#map1 = affine_map<(d0, d1) -> (0, 0, 0)>
module attributes {stable_mosaic.version = 14 : i64} {
  func.func @_deg_body(%arg0: i32, %arg1: i32, %arg2: memref<1280x128xi32, #tpu.memory_space<hbm>>, %arg3: memref<10240x16xf32, #tpu.memory_space<hbm>>, %arg4: memref<2x10240x16xf32, #tpu.memory_space<hbm>>, %arg5: memref<10240x16xf32, #tpu.memory_space<vmem_shared>>, %arg6: memref<128x16xf32, #tpu.memory_space<vmem>>, %arg7: memref<40x128xi32, #tpu.memory_space<vmem>>, %arg8: memref<640x16xf32, #tpu.memory_space<vmem>>, %arg9: memref<!tpu.dma_semaphore, #tpu.memory_space<semaphore_mem>>) attributes {dimension_semantics = [#tpu.dimension_semantics<core_parallel>, #tpu.dimension_semantics<subcore_parallel>], iteration_bounds = array<i64: 2, 16>, scalar_prefetch = 0 : i64, scratch_operands = 5 : i64, tpu.core_type = #tpu.core_type<sc_vector_subcore>, window_params = [{transform_indices = #map}, {transform_indices = #map}, {transform_indices = #map1}]} {
    %mul3A = arith.constant 2 : i32
    %mul3A_0 = arith.muli %arg1, %mul3A : i32
    %add3A = arith.addi %mul3A_0, %arg0 : i32
    %mul3A_1 = arith.constant 40 : i32
    %mul3A_2 = arith.muli %add3A, %mul3A_1 : i32
    %mul3A_3 = arith.constant 640 : i32
    %mul3A_4 = arith.muli %arg1, %mul3A_3 : i32
    "tpu.region"() ({
      %run_scoped3A = tpu.sem_alloc : memref<!tpu.dma_semaphore, #tpu.memory_space<semaphore_mem>>
      %dma_start3A = arith.constant 0 : i32
      %dma_start3A_11 = tpu.memref_slice %arg3[%mul3A_4, %dma_start3A] : memref<10240x16xf32, #tpu.memory_space<hbm>> -> memref<640x16xf32, #tpu.memory_space<hbm>>
      %dma_start3A_12 = arith.constant 0 : i32
      %dma_start3A_13 = tpu.memref_slice %arg3[%mul3A_4, %dma_start3A_12] : memref<10240x16xf32, #tpu.memory_space<hbm>> -> memref<640x16xf32, #tpu.memory_space<hbm>>
      tpu.enqueue_dma source(%dma_start3A_13 : memref<640x16xf32, #tpu.memory_space<hbm>>) target(%arg8 : memref<640x16xf32, #tpu.memory_space<vmem>>) target_semaphore(%run_scoped3A : memref<!tpu.dma_semaphore, #tpu.memory_space<semaphore_mem>>)
      %dma_wait3A = arith.constant 0 : i32
      %dma_wait3A_14 = tpu.memref_slice %arg3[%mul3A_4, %dma_wait3A] : memref<10240x16xf32, #tpu.memory_space<hbm>> -> memref<640x16xf32, #tpu.memory_space<hbm>>
      %dma_wait3A_15 = arith.constant 0 : i32
      %dma_wait3A_16 = tpu.memref_slice %arg3[%mul3A_4, %dma_wait3A_15] : memref<10240x16xf32, #tpu.memory_space<hbm>> -> memref<640x16xf32, #tpu.memory_space<hbm>>
      tpu.wait_dma2 semaphore(%run_scoped3A : memref<!tpu.dma_semaphore, #tpu.memory_space<semaphore_mem>>) src(%dma_wait3A_16 : memref<640x16xf32, #tpu.memory_space<hbm>>) dst(%arg8 : memref<640x16xf32, #tpu.memory_space<vmem>>)
      tpu.yield
    }) : () -> ()
    "tpu.region"() ({
      %run_scoped3A = tpu.sem_alloc : memref<!tpu.dma_semaphore, #tpu.memory_space<semaphore_mem>>
      %dma_start3A = arith.constant 0 : i32
      %dma_start3A_11 = tpu.memref_slice %arg5[%mul3A_4, %dma_start3A] : memref<10240x16xf32, #tpu.memory_space<vmem_shared>> -> memref<640x16xf32, #tpu.memory_space<vmem_shared>>
      %dma_start3A_12 = arith.constant 0 : i32
      %dma_start3A_13 = tpu.memref_slice %arg5[%mul3A_4, %dma_start3A_12] : memref<10240x16xf32, #tpu.memory_space<vmem_shared>> -> memref<640x16xf32, #tpu.memory_space<vmem_shared>>
      tpu.enqueue_dma source(%arg8 : memref<640x16xf32, #tpu.memory_space<vmem>>) target(%dma_start3A_13 : memref<640x16xf32, #tpu.memory_space<vmem_shared>>) target_semaphore(%run_scoped3A : memref<!tpu.dma_semaphore, #tpu.memory_space<semaphore_mem>>)
      %dma_wait3A = arith.constant 0 : i32
      %dma_wait3A_14 = tpu.memref_slice %arg5[%mul3A_4, %dma_wait3A] : memref<10240x16xf32, #tpu.memory_space<vmem_shared>> -> memref<640x16xf32, #tpu.memory_space<vmem_shared>>
      %dma_wait3A_15 = arith.constant 0 : i32
      %dma_wait3A_16 = tpu.memref_slice %arg5[%mul3A_4, %dma_wait3A_15] : memref<10240x16xf32, #tpu.memory_space<vmem_shared>> -> memref<640x16xf32, #tpu.memory_space<vmem_shared>>
      tpu.wait_dma2 semaphore(%run_scoped3A : memref<!tpu.dma_semaphore, #tpu.memory_space<semaphore_mem>>) src(%arg8 : memref<640x16xf32, #tpu.memory_space<vmem>>) dst(%dma_wait3A_16 : memref<640x16xf32, #tpu.memory_space<vmem_shared>>)
      tpu.yield
    }) : () -> ()
    "tpu.region"() ({
      %run_scoped3A = tpu.sem_alloc : memref<!tpu.dma_semaphore, #tpu.memory_space<semaphore_mem>>
      %dma_start3A = arith.constant 0 : i32
      %dma_start3A_11 = arith.constant 0 : i32
      %dma_start3A_12 = tpu.memref_slice %arg3[%dma_start3A, %dma_start3A_11] : memref<10240x16xf32, #tpu.memory_space<hbm>> -> memref<128x16xf32, #tpu.memory_space<hbm>>
      %dma_start3A_13 = arith.constant 0 : i32
      %dma_start3A_14 = arith.constant 0 : i32
      %dma_start3A_15 = tpu.memref_slice %arg3[%dma_start3A_13, %dma_start3A_14] : memref<10240x16xf32, #tpu.memory_space<hbm>> -> memref<128x16xf32, #tpu.memory_space<hbm>>
      tpu.enqueue_dma source(%dma_start3A_15 : memref<128x16xf32, #tpu.memory_space<hbm>>) target(%arg6 : memref<128x16xf32, #tpu.memory_space<vmem>>) target_semaphore(%run_scoped3A : memref<!tpu.dma_semaphore, #tpu.memory_space<semaphore_mem>>)
      %dma_wait3A = arith.constant 0 : i32
      %dma_wait3A_16 = arith.constant 0 : i32
      %dma_wait3A_17 = tpu.memref_slice %arg3[%dma_wait3A, %dma_wait3A_16] : memref<10240x16xf32, #tpu.memory_space<hbm>> -> memref<128x16xf32, #tpu.memory_space<hbm>>
      %dma_wait3A_18 = arith.constant 0 : i32
      %dma_wait3A_19 = arith.constant 0 : i32
      %dma_wait3A_20 = tpu.memref_slice %arg3[%dma_wait3A_18, %dma_wait3A_19] : memref<10240x16xf32, #tpu.memory_space<hbm>> -> memref<128x16xf32, #tpu.memory_space<hbm>>
      tpu.wait_dma2 semaphore(%run_scoped3A : memref<!tpu.dma_semaphore, #tpu.memory_space<semaphore_mem>>) src(%dma_wait3A_20 : memref<128x16xf32, #tpu.memory_space<hbm>>) dst(%arg6 : memref<128x16xf32, #tpu.memory_space<vmem>>)
      tpu.yield
    }) : () -> ()
    "tpu.region"() ({
      %run_scoped3A = tpu.sem_alloc : memref<!tpu.dma_semaphore, #tpu.memory_space<semaphore_mem>>
      %dma_start3A = arith.constant 0 : i32
      %dma_start3A_11 = tpu.memref_slice %arg2[%mul3A_2, %dma_start3A] : memref<1280x128xi32, #tpu.memory_space<hbm>> -> memref<40x128xi32, #tpu.memory_space<hbm>>
      %dma_start3A_12 = arith.constant 0 : i32
      %dma_start3A_13 = tpu.memref_slice %arg2[%mul3A_2, %dma_start3A_12] : memref<1280x128xi32, #tpu.memory_space<hbm>> -> memref<40x128xi32, #tpu.memory_space<hbm>>
      tpu.enqueue_dma source(%dma_start3A_13 : memref<40x128xi32, #tpu.memory_space<hbm>>) target(%arg7 : memref<40x128xi32, #tpu.memory_space<vmem>>) target_semaphore(%run_scoped3A : memref<!tpu.dma_semaphore, #tpu.memory_space<semaphore_mem>>)
      %dma_wait3A = arith.constant 0 : i32
      %dma_wait3A_14 = tpu.memref_slice %arg2[%mul3A_2, %dma_wait3A] : memref<1280x128xi32, #tpu.memory_space<hbm>> -> memref<40x128xi32, #tpu.memory_space<hbm>>
      %dma_wait3A_15 = arith.constant 0 : i32
      %dma_wait3A_16 = tpu.memref_slice %arg2[%mul3A_2, %dma_wait3A_15] : memref<1280x128xi32, #tpu.memory_space<hbm>> -> memref<40x128xi32, #tpu.memory_space<hbm>>
      tpu.wait_dma2 semaphore(%run_scoped3A : memref<!tpu.dma_semaphore, #tpu.memory_space<semaphore_mem>>) src(%dma_wait3A_16 : memref<40x128xi32, #tpu.memory_space<hbm>>) dst(%arg7 : memref<40x128xi32, #tpu.memory_space<vmem>>)
      tpu.yield
    }) : () -> ()
    %barrier3A = arith.constant 0 : index
    tpu.barrier barrier_id(%barrier3A)
    %scan3A = arith.constant 0 : i32
    %scan3A_5 = arith.constant 0 : i32
    %scan3A_6 = arith.constant 5 : i32
    %scan3A_7 = arith.addi %scan3A_5, %scan3A_6 : i32
    %scan3A_8 = arith.constant 1 : i32
    scf.for %scan3A_11 = %scan3A_5 to %scan3A_7 step %scan3A_8  : i32 {
      %mul3A_12 = arith.constant 8 : i32
      %mul3A_13 = arith.muli %scan3A_11, %mul3A_12 : i32
      %add3A_14 = arith.constant 0 : i32
      %add3A_15 = arith.addi %mul3A_13, %add3A_14 : i32
      %dma_start3A = arith.constant 0 : i32
      %dma_start3A_16 = tpu.memref_slice %arg7[%add3A_15, %dma_start3A] : memref<40x128xi32, #tpu.memory_space<vmem>> -> memref<1x128xi32, #tpu.memory_space<vmem>>
      %dma_start3A_17 = tpu.memref_squeeze %dma_start3A_16 : memref<1x128xi32, #tpu.memory_space<vmem>> -> memref<128xi32, #tpu.memory_space<vmem>>
      %dma_start3A_18 = arith.constant 0 : i32
      %dma_start3A_19 = arith.constant 0 : i32
      %dma_start3A_20 = tpu.memref_slice %arg5[%dma_start3A_18, %dma_start3A_19] : memref<10240x16xf32, #tpu.memory_space<vmem_shared>> -> memref<10240x16xf32, #tpu.memory_space<vmem_shared>>
      tpu.enqueue_indirect_dma source(%arg6 : memref<128x16xf32, #tpu.memory_space<vmem>>) target(%dma_start3A_20 : memref<10240x16xf32, #tpu.memory_space<vmem_shared>>) offsets(%dma_start3A_17 : memref<128xi32, #tpu.memory_space<vmem>>) semaphore(%arg9 : memref<!tpu.dma_semaphore, #tpu.memory_space<semaphore_mem>>) {add = true}
      %mul3A_21 = arith.constant 8 : i32
      %mul3A_22 = arith.muli %scan3A_11, %mul3A_21 : i32
      %add3A_23 = arith.constant 1 : i32
      %add3A_24 = arith.addi %mul3A_22, %add3A_23 : i32
      %dma_start3A_25 = arith.constant 0 : i32
      %dma_start3A_26 = tpu.memref_slice %arg7[%add3A_24, %dma_start3A_25] : memref<40x128xi32, #tpu.memory_space<vmem>> -> memref<1x128xi32, #tpu.memory_space<vmem>>
      %dma_start3A_27 = tpu.memref_squeeze %dma_start3A_26 : memref<1x128xi32, #tpu.memory_space<vmem>> -> memref<128xi32, #tpu.memory_space<vmem>>
      %dma_start3A_28 = arith.constant 0 : i32
      %dma_start3A_29 = arith.constant 0 : i32
      %dma_start3A_30 = tpu.memref_slice %arg5[%dma_start3A_28, %dma_start3A_29] : memref<10240x16xf32, #tpu.memory_space<vmem_shared>> -> memref<10240x16xf32, #tpu.memory_space<vmem_shared>>
      tpu.enqueue_indirect_dma source(%arg6 : memref<128x16xf32, #tpu.memory_space<vmem>>) target(%dma_start3A_30 : memref<10240x16xf32, #tpu.memory_space<vmem_shared>>) offsets(%dma_start3A_27 : memref<128xi32, #tpu.memory_space<vmem>>) semaphore(%arg9 : memref<!tpu.dma_semaphore, #tpu.memory_space<semaphore_mem>>) {add = true}
      %mul3A_31 = arith.constant 8 : i32
      %mul3A_32 = arith.muli %scan3A_11, %mul3A_31 : i32
      %add3A_33 = arith.constant 2 : i32
      %add3A_34 = arith.addi %mul3A_32, %add3A_33 : i32
      %dma_start3A_35 = arith.constant 0 : i32
      %dma_start3A_36 = tpu.memref_slice %arg7[%add3A_34, %dma_start3A_35] : memref<40x128xi32, #tpu.memory_space<vmem>> -> memref<1x128xi32, #tpu.memory_space<vmem>>
      %dma_start3A_37 = tpu.memref_squeeze %dma_start3A_36 : memref<1x128xi32, #tpu.memory_space<vmem>> -> memref<128xi32, #tpu.memory_space<vmem>>
      %dma_start3A_38 = arith.constant 0 : i32
      %dma_start3A_39 = arith.constant 0 : i32
      %dma_start3A_40 = tpu.memref_slice %arg5[%dma_start3A_38, %dma_start3A_39] : memref<10240x16xf32, #tpu.memory_space<vmem_shared>> -> memref<10240x16xf32, #tpu.memory_space<vmem_shared>>
      tpu.enqueue_indirect_dma source(%arg6 : memref<128x16xf32, #tpu.memory_space<vmem>>) target(%dma_start3A_40 : memref<10240x16xf32, #tpu.memory_space<vmem_shared>>) offsets(%dma_start3A_37 : memref<128xi32, #tpu.memory_space<vmem>>) semaphore(%arg9 : memref<!tpu.dma_semaphore, #tpu.memory_space<semaphore_mem>>) {add = true}
      %mul3A_41 = arith.constant 8 : i32
      %mul3A_42 = arith.muli %scan3A_11, %mul3A_41 : i32
      %add3A_43 = arith.constant 3 : i32
      %add3A_44 = arith.addi %mul3A_42, %add3A_43 : i32
      %dma_start3A_45 = arith.constant 0 : i32
      %dma_start3A_46 = tpu.memref_slice %arg7[%add3A_44, %dma_start3A_45] : memref<40x128xi32, #tpu.memory_space<vmem>> -> memref<1x128xi32, #tpu.memory_space<vmem>>
      %dma_start3A_47 = tpu.memref_squeeze %dma_start3A_46 : memref<1x128xi32, #tpu.memory_space<vmem>> -> memref<128xi32, #tpu.memory_space<vmem>>
      %dma_start3A_48 = arith.constant 0 : i32
      %dma_start3A_49 = arith.constant 0 : i32
      %dma_start3A_50 = tpu.memref_slice %arg5[%dma_start3A_48, %dma_start3A_49] : memref<10240x16xf32, #tpu.memory_space<vmem_shared>> -> memref<10240x16xf32, #tpu.memory_space<vmem_shared>>
      tpu.enqueue_indirect_dma source(%arg6 : memref<128x16xf32, #tpu.memory_space<vmem>>) target(%dma_start3A_50 : memref<10240x16xf32, #tpu.memory_space<vmem_shared>>) offsets(%dma_start3A_47 : memref<128xi32, #tpu.memory_space<vmem>>) semaphore(%arg9 : memref<!tpu.dma_semaphore, #tpu.memory_space<semaphore_mem>>) {add = true}
      %mul3A_51 = arith.constant 8 : i32
      %mul3A_52 = arith.muli %scan3A_11, %mul3A_51 : i32
      %add3A_53 = arith.constant 4 : i32
      %add3A_54 = arith.addi %mul3A_52, %add3A_53 : i32
      %dma_start3A_55 = arith.constant 0 : i32
      %dma_start3A_56 = tpu.memref_slice %arg7[%add3A_54, %dma_start3A_55] : memref<40x128xi32, #tpu.memory_space<vmem>> -> memref<1x128xi32, #tpu.memory_space<vmem>>
      %dma_start3A_57 = tpu.memref_squeeze %dma_start3A_56 : memref<1x128xi32, #tpu.memory_space<vmem>> -> memref<128xi32, #tpu.memory_space<vmem>>
      %dma_start3A_58 = arith.constant 0 : i32
      %dma_start3A_59 = arith.constant 0 : i32
      %dma_start3A_60 = tpu.memref_slice %arg5[%dma_start3A_58, %dma_start3A_59] : memref<10240x16xf32, #tpu.memory_space<vmem_shared>> -> memref<10240x16xf32, #tpu.memory_space<vmem_shared>>
      tpu.enqueue_indirect_dma source(%arg6 : memref<128x16xf32, #tpu.memory_space<vmem>>) target(%dma_start3A_60 : memref<10240x16xf32, #tpu.memory_space<vmem_shared>>) offsets(%dma_start3A_57 : memref<128xi32, #tpu.memory_space<vmem>>) semaphore(%arg9 : memref<!tpu.dma_semaphore, #tpu.memory_space<semaphore_mem>>) {add = true}
      %mul3A_61 = arith.constant 8 : i32
      %mul3A_62 = arith.muli %scan3A_11, %mul3A_61 : i32
      %add3A_63 = arith.constant 5 : i32
      %add3A_64 = arith.addi %mul3A_62, %add3A_63 : i32
      %dma_start3A_65 = arith.constant 0 : i32
      %dma_start3A_66 = tpu.memref_slice %arg7[%add3A_64, %dma_start3A_65] : memref<40x128xi32, #tpu.memory_space<vmem>> -> memref<1x128xi32, #tpu.memory_space<vmem>>
      %dma_start3A_67 = tpu.memref_squeeze %dma_start3A_66 : memref<1x128xi32, #tpu.memory_space<vmem>> -> memref<128xi32, #tpu.memory_space<vmem>>
      %dma_start3A_68 = arith.constant 0 : i32
      %dma_start3A_69 = arith.constant 0 : i32
      %dma_start3A_70 = tpu.memref_slice %arg5[%dma_start3A_68, %dma_start3A_69] : memref<10240x16xf32, #tpu.memory_space<vmem_shared>> -> memref<10240x16xf32, #tpu.memory_space<vmem_shared>>
      tpu.enqueue_indirect_dma source(%arg6 : memref<128x16xf32, #tpu.memory_space<vmem>>) target(%dma_start3A_70 : memref<10240x16xf32, #tpu.memory_space<vmem_shared>>) offsets(%dma_start3A_67 : memref<128xi32, #tpu.memory_space<vmem>>) semaphore(%arg9 : memref<!tpu.dma_semaphore, #tpu.memory_space<semaphore_mem>>) {add = true}
      %mul3A_71 = arith.constant 8 : i32
      %mul3A_72 = arith.muli %scan3A_11, %mul3A_71 : i32
      %add3A_73 = arith.constant 6 : i32
      %add3A_74 = arith.addi %mul3A_72, %add3A_73 : i32
      %dma_start3A_75 = arith.constant 0 : i32
      %dma_start3A_76 = tpu.memref_slice %arg7[%add3A_74, %dma_start3A_75] : memref<40x128xi32, #tpu.memory_space<vmem>> -> memref<1x128xi32, #tpu.memory_space<vmem>>
      %dma_start3A_77 = tpu.memref_squeeze %dma_start3A_76 : memref<1x128xi32, #tpu.memory_space<vmem>> -> memref<128xi32, #tpu.memory_space<vmem>>
      %dma_start3A_78 = arith.constant 0 : i32
      %dma_start3A_79 = arith.constant 0 : i32
      %dma_start3A_80 = tpu.memref_slice %arg5[%dma_start3A_78, %dma_start3A_79] : memref<10240x16xf32, #tpu.memory_space<vmem_shared>> -> memref<10240x16xf32, #tpu.memory_space<vmem_shared>>
      tpu.enqueue_indirect_dma source(%arg6 : memref<128x16xf32, #tpu.memory_space<vmem>>) target(%dma_start3A_80 : memref<10240x16xf32, #tpu.memory_space<vmem_shared>>) offsets(%dma_start3A_77 : memref<128xi32, #tpu.memory_space<vmem>>) semaphore(%arg9 : memref<!tpu.dma_semaphore, #tpu.memory_space<semaphore_mem>>) {add = true}
      %mul3A_81 = arith.constant 8 : i32
      %mul3A_82 = arith.muli %scan3A_11, %mul3A_81 : i32
      %add3A_83 = arith.constant 7 : i32
      %add3A_84 = arith.addi %mul3A_82, %add3A_83 : i32
      %dma_start3A_85 = arith.constant 0 : i32
      %dma_start3A_86 = tpu.memref_slice %arg7[%add3A_84, %dma_start3A_85] : memref<40x128xi32, #tpu.memory_space<vmem>> -> memref<1x128xi32, #tpu.memory_space<vmem>>
      %dma_start3A_87 = tpu.memref_squeeze %dma_start3A_86 : memref<1x128xi32, #tpu.memory_space<vmem>> -> memref<128xi32, #tpu.memory_space<vmem>>
      %dma_start3A_88 = arith.constant 0 : i32
      %dma_start3A_89 = arith.constant 0 : i32
      %dma_start3A_90 = tpu.memref_slice %arg5[%dma_start3A_88, %dma_start3A_89] : memref<10240x16xf32, #tpu.memory_space<vmem_shared>> -> memref<10240x16xf32, #tpu.memory_space<vmem_shared>>
      tpu.enqueue_indirect_dma source(%arg6 : memref<128x16xf32, #tpu.memory_space<vmem>>) target(%dma_start3A_90 : memref<10240x16xf32, #tpu.memory_space<vmem_shared>>) offsets(%dma_start3A_87 : memref<128xi32, #tpu.memory_space<vmem>>) semaphore(%arg9 : memref<!tpu.dma_semaphore, #tpu.memory_space<semaphore_mem>>) {add = true}
      %dma_wait3A = arith.constant 0 : i32
      %dma_wait3A_91 = arith.constant 0 : i32
      %dma_wait3A_92 = tpu.memref_slice %arg7[%dma_wait3A, %dma_wait3A_91] : memref<40x128xi32, #tpu.memory_space<vmem>> -> memref<1x128xi32, #tpu.memory_space<vmem>>
      %dma_wait3A_93 = tpu.memref_squeeze %dma_wait3A_92 : memref<1x128xi32, #tpu.memory_space<vmem>> -> memref<128xi32, #tpu.memory_space<vmem>>
      %dma_wait3A_94 = arith.constant 0 : i32
      %dma_wait3A_95 = arith.constant 0 : i32
      %dma_wait3A_96 = tpu.memref_slice %arg5[%dma_wait3A_94, %dma_wait3A_95] : memref<10240x16xf32, #tpu.memory_space<vmem_shared>> -> memref<10240x16xf32, #tpu.memory_space<vmem_shared>>
      tpu.wait_indirect_dma semaphore(%arg9 : memref<!tpu.dma_semaphore, #tpu.memory_space<semaphore_mem>>) src(%arg6 : memref<128x16xf32, #tpu.memory_space<vmem>>) dst(%dma_wait3A_96 : memref<10240x16xf32, #tpu.memory_space<vmem_shared>>)
      %dma_wait3A_97 = arith.constant 0 : i32
      %dma_wait3A_98 = arith.constant 0 : i32
      %dma_wait3A_99 = tpu.memref_slice %arg7[%dma_wait3A_97, %dma_wait3A_98] : memref<40x128xi32, #tpu.memory_space<vmem>> -> memref<1x128xi32, #tpu.memory_space<vmem>>
      %dma_wait3A_100 = tpu.memref_squeeze %dma_wait3A_99 : memref<1x128xi32, #tpu.memory_space<vmem>> -> memref<128xi32, #tpu.memory_space<vmem>>
      %dma_wait3A_101 = arith.constant 0 : i32
      %dma_wait3A_102 = arith.constant 0 : i32
      %dma_wait3A_103 = tpu.memref_slice %arg5[%dma_wait3A_101, %dma_wait3A_102] : memref<10240x16xf32, #tpu.memory_space<vmem_shared>> -> memref<10240x16xf32, #tpu.memory_space<vmem_shared>>
      tpu.wait_indirect_dma semaphore(%arg9 : memref<!tpu.dma_semaphore, #tpu.memory_space<semaphore_mem>>) src(%arg6 : memref<128x16xf32, #tpu.memory_space<vmem>>) dst(%dma_wait3A_103 : memref<10240x16xf32, #tpu.memory_space<vmem_shared>>)
      %dma_wait3A_104 = arith.constant 0 : i32
      %dma_wait3A_105 = arith.constant 0 : i32
      %dma_wait3A_106 = tpu.memref_slice %arg7[%dma_wait3A_104, %dma_wait3A_105] : memref<40x128xi32, #tpu.memory_space<vmem>> -> memref<1x128xi32, #tpu.memory_space<vmem>>
      %dma_wait3A_107 = tpu.memref_squeeze %dma_wait3A_106 : memref<1x128xi32, #tpu.memory_space<vmem>> -> memref<128xi32, #tpu.memory_space<vmem>>
      %dma_wait3A_108 = arith.constant 0 : i32
      %dma_wait3A_109 = arith.constant 0 : i32
      %dma_wait3A_110 = tpu.memref_slice %arg5[%dma_wait3A_108, %dma_wait3A_109] : memref<10240x16xf32, #tpu.memory_space<vmem_shared>> -> memref<10240x16xf32, #tpu.memory_space<vmem_shared>>
      tpu.wait_indirect_dma semaphore(%arg9 : memref<!tpu.dma_semaphore, #tpu.memory_space<semaphore_mem>>) src(%arg6 : memref<128x16xf32, #tpu.memory_space<vmem>>) dst(%dma_wait3A_110 : memref<10240x16xf32, #tpu.memory_space<vmem_shared>>)
      %dma_wait3A_111 = arith.constant 0 : i32
      %dma_wait3A_112 = arith.constant 0 : i32
      %dma_wait3A_113 = tpu.memref_slice %arg7[%dma_wait3A_111, %dma_wait3A_112] : memref<40x128xi32, #tpu.memory_space<vmem>> -> memref<1x128xi32, #tpu.memory_space<vmem>>
      %dma_wait3A_114 = tpu.memref_squeeze %dma_wait3A_113 : memref<1x128xi32, #tpu.memory_space<vmem>> -> memref<128xi32, #tpu.memory_space<vmem>>
      %dma_wait3A_115 = arith.constant 0 : i32
      %dma_wait3A_116 = arith.constant 0 : i32
      %dma_wait3A_117 = tpu.memref_slice %arg5[%dma_wait3A_115, %dma_wait3A_116] : memref<10240x16xf32, #tpu.memory_space<vmem_shared>> -> memref<10240x16xf32, #tpu.memory_space<vmem_shared>>
      tpu.wait_indirect_dma semaphore(%arg9 : memref<!tpu.dma_semaphore, #tpu.memory_space<semaphore_mem>>) src(%arg6 : memref<128x16xf32, #tpu.memory_space<vmem>>) dst(%dma_wait3A_117 : memref<10240x16xf32, #tpu.memory_space<vmem_shared>>)
      %dma_wait3A_118 = arith.constant 0 : i32
      %dma_wait3A_119 = arith.constant 0 : i32
      %dma_wait3A_120 = tpu.memref_slice %arg7[%dma_wait3A_118, %dma_wait3A_119] : memref<40x128xi32, #tpu.memory_space<vmem>> -> memref<1x128xi32, #tpu.memory_space<vmem>>
      %dma_wait3A_121 = tpu.memref_squeeze %dma_wait3A_120 : memref<1x128xi32, #tpu.memory_space<vmem>> -> memref<128xi32, #tpu.memory_space<vmem>>
      %dma_wait3A_122 = arith.constant 0 : i32
      %dma_wait3A_123 = arith.constant 0 : i32
      %dma_wait3A_124 = tpu.memref_slice %arg5[%dma_wait3A_122, %dma_wait3A_123] : memref<10240x16xf32, #tpu.memory_space<vmem_shared>> -> memref<10240x16xf32, #tpu.memory_space<vmem_shared>>
      tpu.wait_indirect_dma semaphore(%arg9 : memref<!tpu.dma_semaphore, #tpu.memory_space<semaphore_mem>>) src(%arg6 : memref<128x16xf32, #tpu.memory_space<vmem>>) dst(%dma_wait3A_124 : memref<10240x16xf32, #tpu.memory_space<vmem_shared>>)
      %dma_wait3A_125 = arith.constant 0 : i32
      %dma_wait3A_126 = arith.constant 0 : i32
      %dma_wait3A_127 = tpu.memref_slice %arg7[%dma_wait3A_125, %dma_wait3A_126] : memref<40x128xi32, #tpu.memory_space<vmem>> -> memref<1x128xi32, #tpu.memory_space<vmem>>
      %dma_wait3A_128 = tpu.memref_squeeze %dma_wait3A_127 : memref<1x128xi32, #tpu.memory_space<vmem>> -> memref<128xi32, #tpu.memory_space<vmem>>
      %dma_wait3A_129 = arith.constant 0 : i32
      %dma_wait3A_130 = arith.constant 0 : i32
      %dma_wait3A_131 = tpu.memref_slice %arg5[%dma_wait3A_129, %dma_wait3A_130] : memref<10240x16xf32, #tpu.memory_space<vmem_shared>> -> memref<10240x16xf32, #tpu.memory_space<vmem_shared>>
      tpu.wait_indirect_dma semaphore(%arg9 : memref<!tpu.dma_semaphore, #tpu.memory_space<semaphore_mem>>) src(%arg6 : memref<128x16xf32, #tpu.memory_space<vmem>>) dst(%dma_wait3A_131 : memref<10240x16xf32, #tpu.memory_space<vmem_shared>>)
      %dma_wait3A_132 = arith.constant 0 : i32
      %dma_wait3A_133 = arith.constant 0 : i32
      %dma_wait3A_134 = tpu.memref_slice %arg7[%dma_wait3A_132, %dma_wait3A_133] : memref<40x128xi32, #tpu.memory_space<vmem>> -> memref<1x128xi32, #tpu.memory_space<vmem>>
      %dma_wait3A_135 = tpu.memref_squeeze %dma_wait3A_134 : memref<1x128xi32, #tpu.memory_space<vmem>> -> memref<128xi32, #tpu.memory_space<vmem>>
      %dma_wait3A_136 = arith.constant 0 : i32
      %dma_wait3A_137 = arith.constant 0 : i32
      %dma_wait3A_138 = tpu.memref_slice %arg5[%dma_wait3A_136, %dma_wait3A_137] : memref<10240x16xf32, #tpu.memory_space<vmem_shared>> -> memref<10240x16xf32, #tpu.memory_space<vmem_shared>>
      tpu.wait_indirect_dma semaphore(%arg9 : memref<!tpu.dma_semaphore, #tpu.memory_space<semaphore_mem>>) src(%arg6 : memref<128x16xf32, #tpu.memory_space<vmem>>) dst(%dma_wait3A_138 : memref<10240x16xf32, #tpu.memory_space<vmem_shared>>)
      %dma_wait3A_139 = arith.constant 0 : i32
      %dma_wait3A_140 = arith.constant 0 : i32
      %dma_wait3A_141 = tpu.memref_slice %arg7[%dma_wait3A_139, %dma_wait3A_140] : memref<40x128xi32, #tpu.memory_space<vmem>> -> memref<1x128xi32, #tpu.memory_space<vmem>>
      %dma_wait3A_142 = tpu.memref_squeeze %dma_wait3A_141 : memref<1x128xi32, #tpu.memory_space<vmem>> -> memref<128xi32, #tpu.memory_space<vmem>>
      %dma_wait3A_143 = arith.constant 0 : i32
      %dma_wait3A_144 = arith.constant 0 : i32
      %dma_wait3A_145 = tpu.memref_slice %arg5[%dma_wait3A_143, %dma_wait3A_144] : memref<10240x16xf32, #tpu.memory_space<vmem_shared>> -> memref<10240x16xf32, #tpu.memory_space<vmem_shared>>
      tpu.wait_indirect_dma semaphore(%arg9 : memref<!tpu.dma_semaphore, #tpu.memory_space<semaphore_mem>>) src(%arg6 : memref<128x16xf32, #tpu.memory_space<vmem>>) dst(%dma_wait3A_145 : memref<10240x16xf32, #tpu.memory_space<vmem_shared>>)
    }
    %scan3A_9 = arith.constant 5 : i32
    %barrier3A_10 = arith.constant 0 : index
    tpu.barrier barrier_id(%barrier3A_10)
    "tpu.region"() ({
      %run_scoped3A = tpu.sem_alloc : memref<!tpu.dma_semaphore, #tpu.memory_space<semaphore_mem>>
      %dma_start3A = arith.constant 0 : i32
      %dma_start3A_11 = tpu.memref_slice %arg5[%mul3A_4, %dma_start3A] : memref<10240x16xf32, #tpu.memory_space<vmem_shared>> -> memref<640x16xf32, #tpu.memory_space<vmem_shared>>
      %dma_start3A_12 = arith.constant 0 : i32
      %dma_start3A_13 = tpu.memref_slice %arg5[%mul3A_4, %dma_start3A_12] : memref<10240x16xf32, #tpu.memory_space<vmem_shared>> -> memref<640x16xf32, #tpu.memory_space<vmem_shared>>
      tpu.enqueue_dma source(%dma_start3A_13 : memref<640x16xf32, #tpu.memory_space<vmem_shared>>) target(%arg8 : memref<640x16xf32, #tpu.memory_space<vmem>>) target_semaphore(%run_scoped3A : memref<!tpu.dma_semaphore, #tpu.memory_space<semaphore_mem>>)
      %dma_wait3A = arith.constant 0 : i32
      %dma_wait3A_14 = tpu.memref_slice %arg5[%mul3A_4, %dma_wait3A] : memref<10240x16xf32, #tpu.memory_space<vmem_shared>> -> memref<640x16xf32, #tpu.memory_space<vmem_shared>>
      %dma_wait3A_15 = arith.constant 0 : i32
      %dma_wait3A_16 = tpu.memref_slice %arg5[%mul3A_4, %dma_wait3A_15] : memref<10240x16xf32, #tpu.memory_space<vmem_shared>> -> memref<640x16xf32, #tpu.memory_space<vmem_shared>>
      tpu.wait_dma2 semaphore(%run_scoped3A : memref<!tpu.dma_semaphore, #tpu.memory_space<semaphore_mem>>) src(%dma_wait3A_16 : memref<640x16xf32, #tpu.memory_space<vmem_shared>>) dst(%arg8 : memref<640x16xf32, #tpu.memory_space<vmem>>)
      tpu.yield
    }) : () -> ()
    "tpu.region"() ({
      %run_scoped3A = tpu.sem_alloc : memref<!tpu.dma_semaphore, #tpu.memory_space<semaphore_mem>>
      %dma_start3A = arith.constant 0 : i32
      %dma_start3A_11 = tpu.memref_slice %arg4[%arg0, %mul3A_4, %dma_start3A] : memref<2x10240x16xf32, #tpu.memory_space<hbm>> -> memref<1x640x16xf32, #tpu.memory_space<hbm>>
      %dma_start3A_12 = tpu.memref_squeeze %dma_start3A_11 : memref<1x640x16xf32, #tpu.memory_space<hbm>> -> memref<640x16xf32, #tpu.memory_space<hbm>>
      %dma_start3A_13 = arith.constant 0 : i32
      %dma_start3A_14 = tpu.memref_slice %arg4[%arg0, %mul3A_4, %dma_start3A_13] : memref<2x10240x16xf32, #tpu.memory_space<hbm>> -> memref<1x640x16xf32, #tpu.memory_space<hbm>>
      %dma_start3A_15 = tpu.memref_squeeze %dma_start3A_14 : memref<1x640x16xf32, #tpu.memory_space<hbm>> -> memref<640x16xf32, #tpu.memory_space<hbm>>
      tpu.enqueue_dma source(%arg8 : memref<640x16xf32, #tpu.memory_space<vmem>>) target(%dma_start3A_15 : memref<640x16xf32, #tpu.memory_space<hbm>>) target_semaphore(%run_scoped3A : memref<!tpu.dma_semaphore, #tpu.memory_space<semaphore_mem>>)
      %dma_wait3A = arith.constant 0 : i32
      %dma_wait3A_16 = tpu.memref_slice %arg4[%arg0, %mul3A_4, %dma_wait3A] : memref<2x10240x16xf32, #tpu.memory_space<hbm>> -> memref<1x640x16xf32, #tpu.memory_space<hbm>>
      %dma_wait3A_17 = tpu.memref_squeeze %dma_wait3A_16 : memref<1x640x16xf32, #tpu.memory_space<hbm>> -> memref<640x16xf32, #tpu.memory_space<hbm>>
      %dma_wait3A_18 = arith.constant 0 : i32
      %dma_wait3A_19 = tpu.memref_slice %arg4[%arg0, %mul3A_4, %dma_wait3A_18] : memref<2x10240x16xf32, #tpu.memory_space<hbm>> -> memref<1x640x16xf32, #tpu.memory_space<hbm>>
      %dma_wait3A_20 = tpu.memref_squeeze %dma_wait3A_19 : memref<1x640x16xf32, #tpu.memory_space<hbm>> -> memref<640x16xf32, #tpu.memory_space<hbm>>
      tpu.wait_dma2 semaphore(%run_scoped3A : memref<!tpu.dma_semaphore, #tpu.memory_space<semaphore_mem>>) src(%arg8 : memref<640x16xf32, #tpu.memory_space<vmem>>) dst(%dma_wait3A_20 : memref<640x16xf32, #tpu.memory_space<hbm>>)
      tpu.yield
    }) : () -> ()
    return
  }
}

#map = affine_map<(d0, d1) -> (0, 0, 0)>
#map1 = affine_map<(d0, d1) -> (0, 0)>
module attributes {stable_mosaic.version = 14 : i64} {
  func.func @_agg_body(%arg0: i32, %arg1: i32, %arg2: memref<2x1280x128xi32, #tpu.memory_space<hbm>>, %arg3: memref<1280x128xi32, #tpu.memory_space<hbm>>, %arg4: memref<20480x128xf32, #tpu.memory_space<hbm>>, %arg5: memref<2x10240x128xf32, #tpu.memory_space<hbm>>, %arg6: memref<10240x128xf32, #tpu.memory_space<vmem_shared>>, %arg7: memref<2x128x128xf32, #tpu.memory_space<vmem>>, %arg8: memref<2x128xi32, #tpu.memory_space<vmem>>, %arg9: memref<4x128xi32, #tpu.memory_space<vmem>>, %arg10: memref<2x!tpu.dma_semaphore, #tpu.memory_space<semaphore_mem>>, %arg11: memref<2x!tpu.dma_semaphore, #tpu.memory_space<semaphore_mem>>, %arg12: memref<2x!tpu.dma_semaphore, #tpu.memory_space<semaphore_mem>>, %arg13: memref<4x!tpu.dma_semaphore, #tpu.memory_space<semaphore_mem>>) attributes {dimension_semantics = [#tpu.dimension_semantics<core_parallel>, #tpu.dimension_semantics<subcore_parallel>], iteration_bounds = array<i64: 2, 16>, scalar_prefetch = 0 : i64, scratch_operands = 8 : i64, tpu.core_type = #tpu.core_type<sc_vector_subcore>, window_params = [{transform_indices = #map}, {transform_indices = #map1}, {transform_indices = #map1}, {transform_indices = #map}]} {
    %mul3A = arith.constant 640 : i32
    %mul3A_0 = arith.muli %arg1, %mul3A : i32
    %scan3A = arith.constant 0 : i32
    %scan3A_1 = arith.constant 0 : i32
    %scan3A_2 = arith.constant 5 : i32
    %scan3A_3 = arith.addi %scan3A_1, %scan3A_2 : i32
    %scan3A_4 = arith.constant 1 : i32
    scf.for %scan3A_131 = %scan3A_1 to %scan3A_3 step %scan3A_4  : i32 {
      %mul3A_132 = arith.constant 128 : i32
      %mul3A_133 = arith.muli %scan3A_131, %mul3A_132 : i32
      %add3A_134 = arith.addi %mul3A_0, %mul3A_133 : i32
      %mul3A_135 = arith.constant 10240 : i32
      %mul3A_136 = arith.muli %arg0, %mul3A_135 : i32
      %add3A_137 = arith.addi %mul3A_136, %add3A_134 : i32
      %run_scoped3A = arith.constant 0 : i32
      "tpu.region"() ({
        %run_scoped3A_139 = tpu.sem_alloc : memref<!tpu.dma_semaphore, #tpu.memory_space<semaphore_mem>>
        %dma_start3A_140 = arith.constant 0 : i32
        %dma_start3A_141 = arith.constant 0 : i32
        %dma_start3A_142 = tpu.memref_slice %arg7[%run_scoped3A, %dma_start3A_140, %dma_start3A_141] : memref<2x128x128xf32, #tpu.memory_space<vmem>> -> memref<1x128x128xf32, #tpu.memory_space<vmem>>
        %dma_start3A_143 = tpu.memref_squeeze %dma_start3A_142 : memref<1x128x128xf32, #tpu.memory_space<vmem>> -> memref<128x128xf32, #tpu.memory_space<vmem>>
        %dma_start3A_144 = arith.constant 0 : i32
        %dma_start3A_145 = tpu.memref_slice %arg4[%add3A_137, %dma_start3A_144] : memref<20480x128xf32, #tpu.memory_space<hbm>> -> memref<128x128xf32, #tpu.memory_space<hbm>>
        %dma_start3A_146 = arith.constant 0 : i32
        %dma_start3A_147 = arith.constant 0 : i32
        %dma_start3A_148 = tpu.memref_slice %arg7[%run_scoped3A, %dma_start3A_146, %dma_start3A_147] : memref<2x128x128xf32, #tpu.memory_space<vmem>> -> memref<1x128x128xf32, #tpu.memory_space<vmem>>
        %dma_start3A_149 = tpu.memref_squeeze %dma_start3A_148 : memref<1x128x128xf32, #tpu.memory_space<vmem>> -> memref<128x128xf32, #tpu.memory_space<vmem>>
        %dma_start3A_150 = arith.constant 0 : i32
        %dma_start3A_151 = tpu.memref_slice %arg4[%add3A_137, %dma_start3A_150] : memref<20480x128xf32, #tpu.memory_space<hbm>> -> memref<128x128xf32, #tpu.memory_space<hbm>>
        tpu.enqueue_dma source(%dma_start3A_151 : memref<128x128xf32, #tpu.memory_space<hbm>>) target(%dma_start3A_149 : memref<128x128xf32, #tpu.memory_space<vmem>>) target_semaphore(%run_scoped3A_139 : memref<!tpu.dma_semaphore, #tpu.memory_space<semaphore_mem>>)
        %dma_wait3A_152 = arith.constant 0 : i32
        %dma_wait3A_153 = arith.constant 0 : i32
        %dma_wait3A_154 = tpu.memref_slice %arg7[%run_scoped3A, %dma_wait3A_152, %dma_wait3A_153] : memref<2x128x128xf32, #tpu.memory_space<vmem>> -> memref<1x128x128xf32, #tpu.memory_space<vmem>>
        %dma_wait3A_155 = tpu.memref_squeeze %dma_wait3A_154 : memref<1x128x128xf32, #tpu.memory_space<vmem>> -> memref<128x128xf32, #tpu.memory_space<vmem>>
        %dma_wait3A_156 = arith.constant 0 : i32
        %dma_wait3A_157 = tpu.memref_slice %arg4[%add3A_137, %dma_wait3A_156] : memref<20480x128xf32, #tpu.memory_space<hbm>> -> memref<128x128xf32, #tpu.memory_space<hbm>>
        %dma_wait3A_158 = arith.constant 0 : i32
        %dma_wait3A_159 = arith.constant 0 : i32
        %dma_wait3A_160 = tpu.memref_slice %arg7[%run_scoped3A, %dma_wait3A_158, %dma_wait3A_159] : memref<2x128x128xf32, #tpu.memory_space<vmem>> -> memref<1x128x128xf32, #tpu.memory_space<vmem>>
        %dma_wait3A_161 = tpu.memref_squeeze %dma_wait3A_160 : memref<1x128x128xf32, #tpu.memory_space<vmem>> -> memref<128x128xf32, #tpu.memory_space<vmem>>
        %dma_wait3A_162 = arith.constant 0 : i32
        %dma_wait3A_163 = tpu.memref_slice %arg4[%add3A_137, %dma_wait3A_162] : memref<20480x128xf32, #tpu.memory_space<hbm>> -> memref<128x128xf32, #tpu.memory_space<hbm>>
        tpu.wait_dma2 semaphore(%run_scoped3A_139 : memref<!tpu.dma_semaphore, #tpu.memory_space<semaphore_mem>>) src(%dma_wait3A_163 : memref<128x128xf32, #tpu.memory_space<hbm>>) dst(%dma_wait3A_161 : memref<128x128xf32, #tpu.memory_space<vmem>>)
        tpu.yield
      }) : () -> ()
      %run_scoped3A_138 = arith.constant 0 : i32
      "tpu.region"() ({
        %run_scoped3A_139 = tpu.sem_alloc : memref<!tpu.dma_semaphore, #tpu.memory_space<semaphore_mem>>
        %dma_start3A_140 = arith.constant 0 : i32
        %dma_start3A_141 = arith.constant 0 : i32
        %dma_start3A_142 = tpu.memref_slice %arg7[%run_scoped3A_138, %dma_start3A_140, %dma_start3A_141] : memref<2x128x128xf32, #tpu.memory_space<vmem>> -> memref<1x128x128xf32, #tpu.memory_space<vmem>>
        %dma_start3A_143 = tpu.memref_squeeze %dma_start3A_142 : memref<1x128x128xf32, #tpu.memory_space<vmem>> -> memref<128x128xf32, #tpu.memory_space<vmem>>
        %dma_start3A_144 = arith.constant 0 : i32
        %dma_start3A_145 = tpu.memref_slice %arg6[%add3A_134, %dma_start3A_144] : memref<10240x128xf32, #tpu.memory_space<vmem_shared>> -> memref<128x128xf32, #tpu.memory_space<vmem_shared>>
        %dma_start3A_146 = arith.constant 0 : i32
        %dma_start3A_147 = tpu.memref_slice %arg6[%add3A_134, %dma_start3A_146] : memref<10240x128xf32, #tpu.memory_space<vmem_shared>> -> memref<128x128xf32, #tpu.memory_space<vmem_shared>>
        %dma_start3A_148 = arith.constant 0 : i32
        %dma_start3A_149 = arith.constant 0 : i32
        %dma_start3A_150 = tpu.memref_slice %arg7[%run_scoped3A_138, %dma_start3A_148, %dma_start3A_149] : memref<2x128x128xf32, #tpu.memory_space<vmem>> -> memref<1x128x128xf32, #tpu.memory_space<vmem>>
        %dma_start3A_151 = tpu.memref_squeeze %dma_start3A_150 : memref<1x128x128xf32, #tpu.memory_space<vmem>> -> memref<128x128xf32, #tpu.memory_space<vmem>>
        tpu.enqueue_dma source(%dma_start3A_151 : memref<128x128xf32, #tpu.memory_space<vmem>>) target(%dma_start3A_147 : memref<128x128xf32, #tpu.memory_space<vmem_shared>>) target_semaphore(%run_scoped3A_139 : memref<!tpu.dma_semaphore, #tpu.memory_space<semaphore_mem>>)
        %dma_wait3A_152 = arith.constant 0 : i32
        %dma_wait3A_153 = arith.constant 0 : i32
        %dma_wait3A_154 = tpu.memref_slice %arg7[%run_scoped3A_138, %dma_wait3A_152, %dma_wait3A_153] : memref<2x128x128xf32, #tpu.memory_space<vmem>> -> memref<1x128x128xf32, #tpu.memory_space<vmem>>
        %dma_wait3A_155 = tpu.memref_squeeze %dma_wait3A_154 : memref<1x128x128xf32, #tpu.memory_space<vmem>> -> memref<128x128xf32, #tpu.memory_space<vmem>>
        %dma_wait3A_156 = arith.constant 0 : i32
        %dma_wait3A_157 = tpu.memref_slice %arg6[%add3A_134, %dma_wait3A_156] : memref<10240x128xf32, #tpu.memory_space<vmem_shared>> -> memref<128x128xf32, #tpu.memory_space<vmem_shared>>
        %dma_wait3A_158 = arith.constant 0 : i32
        %dma_wait3A_159 = tpu.memref_slice %arg6[%add3A_134, %dma_wait3A_158] : memref<10240x128xf32, #tpu.memory_space<vmem_shared>> -> memref<128x128xf32, #tpu.memory_space<vmem_shared>>
        %dma_wait3A_160 = arith.constant 0 : i32
        %dma_wait3A_161 = arith.constant 0 : i32
        %dma_wait3A_162 = tpu.memref_slice %arg7[%run_scoped3A_138, %dma_wait3A_160, %dma_wait3A_161] : memref<2x128x128xf32, #tpu.memory_space<vmem>> -> memref<1x128x128xf32, #tpu.memory_space<vmem>>
        %dma_wait3A_163 = tpu.memref_squeeze %dma_wait3A_162 : memref<1x128x128xf32, #tpu.memory_space<vmem>> -> memref<128x128xf32, #tpu.memory_space<vmem>>
        tpu.wait_dma2 semaphore(%run_scoped3A_139 : memref<!tpu.dma_semaphore, #tpu.memory_space<semaphore_mem>>) src(%dma_wait3A_163 : memref<128x128xf32, #tpu.memory_space<vmem>>) dst(%dma_wait3A_159 : memref<128x128xf32, #tpu.memory_space<vmem_shared>>)
        tpu.yield
      }) : () -> ()
    }
    %scan3A_5 = arith.constant 5 : i32
    %barrier3A = arith.constant 0 : index
    tpu.barrier barrier_id(%barrier3A)
    %dma_start3A = arith.constant 0 : i32
    %dma_start3A_6 = arith.constant 0 : i32
    %dma_start3A_7 = arith.constant 0 : i32
    %dma_start3A_8 = tpu.memref_slice %arg8[%dma_start3A, %dma_start3A_7] : memref<2x128xi32, #tpu.memory_space<vmem>> -> memref<1x128xi32, #tpu.memory_space<vmem>>
    %dma_start3A_9 = tpu.memref_squeeze %dma_start3A_8 : memref<1x128xi32, #tpu.memory_space<vmem>> -> memref<128xi32, #tpu.memory_space<vmem>>
    %dma_start3A_10 = arith.constant 0 : i32
    %dma_start3A_11 = tpu.memref_slice %arg2[%arg0, %arg1, %dma_start3A_10] : memref<2x1280x128xi32, #tpu.memory_space<hbm>> -> memref<1x1x128xi32, #tpu.memory_space<hbm>>
    %dma_start3A_12 = tpu.memref_squeeze %dma_start3A_11 : memref<1x1x128xi32, #tpu.memory_space<hbm>> -> memref<128xi32, #tpu.memory_space<hbm>>
    %dma_start3A_13 = tpu.memref_slice %arg12[%dma_start3A_6] : memref<2x!tpu.dma_semaphore, #tpu.memory_space<semaphore_mem>> -> memref<1x!tpu.dma_semaphore, #tpu.memory_space<semaphore_mem>>
    %dma_start3A_14 = tpu.memref_squeeze %dma_start3A_13 : memref<1x!tpu.dma_semaphore, #tpu.memory_space<semaphore_mem>> -> memref<!tpu.dma_semaphore, #tpu.memory_space<semaphore_mem>>
    %dma_start3A_15 = arith.constant 0 : i32
    %dma_start3A_16 = tpu.memref_slice %arg8[%dma_start3A, %dma_start3A_15] : memref<2x128xi32, #tpu.memory_space<vmem>> -> memref<1x128xi32, #tpu.memory_space<vmem>>
    %dma_start3A_17 = tpu.memref_squeeze %dma_start3A_16 : memref<1x128xi32, #tpu.memory_space<vmem>> -> memref<128xi32, #tpu.memory_space<vmem>>
    %dma_start3A_18 = arith.constant 0 : i32
    %dma_start3A_19 = tpu.memref_slice %arg2[%arg0, %arg1, %dma_start3A_18] : memref<2x1280x128xi32, #tpu.memory_space<hbm>> -> memref<1x1x128xi32, #tpu.memory_space<hbm>>
    %dma_start3A_20 = tpu.memref_squeeze %dma_start3A_19 : memref<1x1x128xi32, #tpu.memory_space<hbm>> -> memref<128xi32, #tpu.memory_space<hbm>>
    tpu.enqueue_dma source(%dma_start3A_20 : memref<128xi32, #tpu.memory_space<hbm>>) target(%dma_start3A_17 : memref<128xi32, #tpu.memory_space<vmem>>) target_semaphore(%dma_start3A_14 : memref<!tpu.dma_semaphore, #tpu.memory_space<semaphore_mem>>)
    %dma_start3A_21 = arith.constant 0 : i32
    %dma_start3A_22 = arith.constant 0 : i32
    %dma_start3A_23 = arith.constant 0 : i32
    %dma_start3A_24 = tpu.memref_slice %arg9[%dma_start3A_21, %dma_start3A_23] : memref<4x128xi32, #tpu.memory_space<vmem>> -> memref<1x128xi32, #tpu.memory_space<vmem>>
    %dma_start3A_25 = tpu.memref_squeeze %dma_start3A_24 : memref<1x128xi32, #tpu.memory_space<vmem>> -> memref<128xi32, #tpu.memory_space<vmem>>
    %dma_start3A_26 = arith.constant 0 : i32
    %dma_start3A_27 = tpu.memref_slice %arg3[%arg1, %dma_start3A_26] : memref<1280x128xi32, #tpu.memory_space<hbm>> -> memref<1x128xi32, #tpu.memory_space<hbm>>
    %dma_start3A_28 = tpu.memref_squeeze %dma_start3A_27 : memref<1x128xi32, #tpu.memory_space<hbm>> -> memref<128xi32, #tpu.memory_space<hbm>>
    %dma_start3A_29 = tpu.memref_slice %arg13[%dma_start3A_22] : memref<4x!tpu.dma_semaphore, #tpu.memory_space<semaphore_mem>> -> memref<1x!tpu.dma_semaphore, #tpu.memory_space<semaphore_mem>>
    %dma_start3A_30 = tpu.memref_squeeze %dma_start3A_29 : memref<1x!tpu.dma_semaphore, #tpu.memory_space<semaphore_mem>> -> memref<!tpu.dma_semaphore, #tpu.memory_space<semaphore_mem>>
    %dma_start3A_31 = arith.constant 0 : i32
    %dma_start3A_32 = tpu.memref_slice %arg9[%dma_start3A_21, %dma_start3A_31] : memref<4x128xi32, #tpu.memory_space<vmem>> -> memref<1x128xi32, #tpu.memory_space<vmem>>
    %dma_start3A_33 = tpu.memref_squeeze %dma_start3A_32 : memref<1x128xi32, #tpu.memory_space<vmem>> -> memref<128xi32, #tpu.memory_space<vmem>>
    %dma_start3A_34 = arith.constant 0 : i32
    %dma_start3A_35 = tpu.memref_slice %arg3[%arg1, %dma_start3A_34] : memref<1280x128xi32, #tpu.memory_space<hbm>> -> memref<1x128xi32, #tpu.memory_space<hbm>>
    %dma_start3A_36 = tpu.memref_squeeze %dma_start3A_35 : memref<1x128xi32, #tpu.memory_space<hbm>> -> memref<128xi32, #tpu.memory_space<hbm>>
    tpu.enqueue_dma source(%dma_start3A_36 : memref<128xi32, #tpu.memory_space<hbm>>) target(%dma_start3A_33 : memref<128xi32, #tpu.memory_space<vmem>>) target_semaphore(%dma_start3A_30 : memref<!tpu.dma_semaphore, #tpu.memory_space<semaphore_mem>>)
    %add3A = arith.constant 16 : i32
    %add3A_37 = arith.addi %arg1, %add3A : i32
    %dma_start3A_38 = arith.constant 1 : i32
    %dma_start3A_39 = arith.constant 1 : i32
    %dma_start3A_40 = arith.constant 0 : i32
    %dma_start3A_41 = tpu.memref_slice %arg8[%dma_start3A_38, %dma_start3A_40] : memref<2x128xi32, #tpu.memory_space<vmem>> -> memref<1x128xi32, #tpu.memory_space<vmem>>
    %dma_start3A_42 = tpu.memref_squeeze %dma_start3A_41 : memref<1x128xi32, #tpu.memory_space<vmem>> -> memref<128xi32, #tpu.memory_space<vmem>>
    %dma_start3A_43 = arith.constant 0 : i32
    %dma_start3A_44 = tpu.memref_slice %arg2[%arg0, %add3A_37, %dma_start3A_43] : memref<2x1280x128xi32, #tpu.memory_space<hbm>> -> memref<1x1x128xi32, #tpu.memory_space<hbm>>
    %dma_start3A_45 = tpu.memref_squeeze %dma_start3A_44 : memref<1x1x128xi32, #tpu.memory_space<hbm>> -> memref<128xi32, #tpu.memory_space<hbm>>
    %dma_start3A_46 = tpu.memref_slice %arg12[%dma_start3A_39] : memref<2x!tpu.dma_semaphore, #tpu.memory_space<semaphore_mem>> -> memref<1x!tpu.dma_semaphore, #tpu.memory_space<semaphore_mem>>
    %dma_start3A_47 = tpu.memref_squeeze %dma_start3A_46 : memref<1x!tpu.dma_semaphore, #tpu.memory_space<semaphore_mem>> -> memref<!tpu.dma_semaphore, #tpu.memory_space<semaphore_mem>>
    %dma_start3A_48 = arith.constant 0 : i32
    %dma_start3A_49 = tpu.memref_slice %arg8[%dma_start3A_38, %dma_start3A_48] : memref<2x128xi32, #tpu.memory_space<vmem>> -> memref<1x128xi32, #tpu.memory_space<vmem>>
    %dma_start3A_50 = tpu.memref_squeeze %dma_start3A_49 : memref<1x128xi32, #tpu.memory_space<vmem>> -> memref<128xi32, #tpu.memory_space<vmem>>
    %dma_start3A_51 = arith.constant 0 : i32
    %dma_start3A_52 = tpu.memref_slice %arg2[%arg0, %add3A_37, %dma_start3A_51] : memref<2x1280x128xi32, #tpu.memory_space<hbm>> -> memref<1x1x128xi32, #tpu.memory_space<hbm>>
    %dma_start3A_53 = tpu.memref_squeeze %dma_start3A_52 : memref<1x1x128xi32, #tpu.memory_space<hbm>> -> memref<128xi32, #tpu.memory_space<hbm>>
    tpu.enqueue_dma source(%dma_start3A_53 : memref<128xi32, #tpu.memory_space<hbm>>) target(%dma_start3A_50 : memref<128xi32, #tpu.memory_space<vmem>>) target_semaphore(%dma_start3A_47 : memref<!tpu.dma_semaphore, #tpu.memory_space<semaphore_mem>>)
    %add3A_54 = arith.constant 16 : i32
    %add3A_55 = arith.addi %arg1, %add3A_54 : i32
    %dma_start3A_56 = arith.constant 1 : i32
    %dma_start3A_57 = arith.constant 1 : i32
    %dma_start3A_58 = arith.constant 0 : i32
    %dma_start3A_59 = tpu.memref_slice %arg9[%dma_start3A_56, %dma_start3A_58] : memref<4x128xi32, #tpu.memory_space<vmem>> -> memref<1x128xi32, #tpu.memory_space<vmem>>
    %dma_start3A_60 = tpu.memref_squeeze %dma_start3A_59 : memref<1x128xi32, #tpu.memory_space<vmem>> -> memref<128xi32, #tpu.memory_space<vmem>>
    %dma_start3A_61 = arith.constant 0 : i32
    %dma_start3A_62 = tpu.memref_slice %arg3[%add3A_55, %dma_start3A_61] : memref<1280x128xi32, #tpu.memory_space<hbm>> -> memref<1x128xi32, #tpu.memory_space<hbm>>
    %dma_start3A_63 = tpu.memref_squeeze %dma_start3A_62 : memref<1x128xi32, #tpu.memory_space<hbm>> -> memref<128xi32, #tpu.memory_space<hbm>>
    %dma_start3A_64 = tpu.memref_slice %arg13[%dma_start3A_57] : memref<4x!tpu.dma_semaphore, #tpu.memory_space<semaphore_mem>> -> memref<1x!tpu.dma_semaphore, #tpu.memory_space<semaphore_mem>>
    %dma_start3A_65 = tpu.memref_squeeze %dma_start3A_64 : memref<1x!tpu.dma_semaphore, #tpu.memory_space<semaphore_mem>> -> memref<!tpu.dma_semaphore, #tpu.memory_space<semaphore_mem>>
    %dma_start3A_66 = arith.constant 0 : i32
    %dma_start3A_67 = tpu.memref_slice %arg9[%dma_start3A_56, %dma_start3A_66] : memref<4x128xi32, #tpu.memory_space<vmem>> -> memref<1x128xi32, #tpu.memory_space<vmem>>
    %dma_start3A_68 = tpu.memref_squeeze %dma_start3A_67 : memref<1x128xi32, #tpu.memory_space<vmem>> -> memref<128xi32, #tpu.memory_space<vmem>>
    %dma_start3A_69 = arith.constant 0 : i32
    %dma_start3A_70 = tpu.memref_slice %arg3[%add3A_55, %dma_start3A_69] : memref<1280x128xi32, #tpu.memory_space<hbm>> -> memref<1x128xi32, #tpu.memory_space<hbm>>
    %dma_start3A_71 = tpu.memref_squeeze %dma_start3A_70 : memref<1x128xi32, #tpu.memory_space<hbm>> -> memref<128xi32, #tpu.memory_space<hbm>>
    tpu.enqueue_dma source(%dma_start3A_71 : memref<128xi32, #tpu.memory_space<hbm>>) target(%dma_start3A_68 : memref<128xi32, #tpu.memory_space<vmem>>) target_semaphore(%dma_start3A_65 : memref<!tpu.dma_semaphore, #tpu.memory_space<semaphore_mem>>)
    %dma_wait3A = arith.constant 0 : i32
    %dma_wait3A_72 = arith.constant 0 : i32
    %dma_wait3A_73 = arith.constant 0 : i32
    %dma_wait3A_74 = tpu.memref_slice %arg8[%dma_wait3A, %dma_wait3A_73] : memref<2x128xi32, #tpu.memory_space<vmem>> -> memref<1x128xi32, #tpu.memory_space<vmem>>
    %dma_wait3A_75 = tpu.memref_squeeze %dma_wait3A_74 : memref<1x128xi32, #tpu.memory_space<vmem>> -> memref<128xi32, #tpu.memory_space<vmem>>
    %dma_wait3A_76 = arith.constant 0 : i32
    %dma_wait3A_77 = tpu.memref_slice %arg2[%arg0, %arg1, %dma_wait3A_76] : memref<2x1280x128xi32, #tpu.memory_space<hbm>> -> memref<1x1x128xi32, #tpu.memory_space<hbm>>
    %dma_wait3A_78 = tpu.memref_squeeze %dma_wait3A_77 : memref<1x1x128xi32, #tpu.memory_space<hbm>> -> memref<128xi32, #tpu.memory_space<hbm>>
    %dma_wait3A_79 = tpu.memref_slice %arg12[%dma_wait3A_72] : memref<2x!tpu.dma_semaphore, #tpu.memory_space<semaphore_mem>> -> memref<1x!tpu.dma_semaphore, #tpu.memory_space<semaphore_mem>>
    %dma_wait3A_80 = tpu.memref_squeeze %dma_wait3A_79 : memref<1x!tpu.dma_semaphore, #tpu.memory_space<semaphore_mem>> -> memref<!tpu.dma_semaphore, #tpu.memory_space<semaphore_mem>>
    %dma_wait3A_81 = arith.constant 0 : i32
    %dma_wait3A_82 = tpu.memref_slice %arg8[%dma_wait3A, %dma_wait3A_81] : memref<2x128xi32, #tpu.memory_space<vmem>> -> memref<1x128xi32, #tpu.memory_space<vmem>>
    %dma_wait3A_83 = tpu.memref_squeeze %dma_wait3A_82 : memref<1x128xi32, #tpu.memory_space<vmem>> -> memref<128xi32, #tpu.memory_space<vmem>>
    %dma_wait3A_84 = arith.constant 0 : i32
    %dma_wait3A_85 = tpu.memref_slice %arg2[%arg0, %arg1, %dma_wait3A_84] : memref<2x1280x128xi32, #tpu.memory_space<hbm>> -> memref<1x1x128xi32, #tpu.memory_space<hbm>>
    %dma_wait3A_86 = tpu.memref_squeeze %dma_wait3A_85 : memref<1x1x128xi32, #tpu.memory_space<hbm>> -> memref<128xi32, #tpu.memory_space<hbm>>
    tpu.wait_dma2 semaphore(%dma_wait3A_80 : memref<!tpu.dma_semaphore, #tpu.memory_space<semaphore_mem>>) src(%dma_wait3A_86 : memref<128xi32, #tpu.memory_space<hbm>>) dst(%dma_wait3A_83 : memref<128xi32, #tpu.memory_space<vmem>>)
    %dma_start3A_87 = arith.constant 0 : i32
    %dma_start3A_88 = arith.constant 0 : i32
    %dma_start3A_89 = arith.constant 0 : i32
    %dma_start3A_90 = arith.constant 0 : i32
    %dma_start3A_91 = arith.constant 0 : i32
    %dma_start3A_92 = tpu.memref_slice %arg7[%dma_start3A_88, %dma_start3A_90, %dma_start3A_91] : memref<2x128x128xf32, #tpu.memory_space<vmem>> -> memref<1x128x128xf32, #tpu.memory_space<vmem>>
    %dma_start3A_93 = tpu.memref_squeeze %dma_start3A_92 : memref<1x128x128xf32, #tpu.memory_space<vmem>> -> memref<128x128xf32, #tpu.memory_space<vmem>>
    %dma_start3A_94 = arith.constant 0 : i32
    %dma_start3A_95 = tpu.memref_slice %arg8[%dma_start3A_87, %dma_start3A_94] : memref<2x128xi32, #tpu.memory_space<vmem>> -> memref<1x128xi32, #tpu.memory_space<vmem>>
    %dma_start3A_96 = tpu.memref_squeeze %dma_start3A_95 : memref<1x128xi32, #tpu.memory_space<vmem>> -> memref<128xi32, #tpu.memory_space<vmem>>
    %dma_start3A_97 = arith.constant 0 : i32
    %dma_start3A_98 = arith.constant 0 : i32
    %dma_start3A_99 = tpu.memref_slice %arg4[%dma_start3A_97, %dma_start3A_98] : memref<20480x128xf32, #tpu.memory_space<hbm>> -> memref<20480x128xf32, #tpu.memory_space<hbm>>
    %dma_start3A_100 = tpu.memref_slice %arg10[%dma_start3A_89] : memref<2x!tpu.dma_semaphore, #tpu.memory_space<semaphore_mem>> -> memref<1x!tpu.dma_semaphore, #tpu.memory_space<semaphore_mem>>
    %dma_start3A_101 = tpu.memref_squeeze %dma_start3A_100 : memref<1x!tpu.dma_semaphore, #tpu.memory_space<semaphore_mem>> -> memref<!tpu.dma_semaphore, #tpu.memory_space<semaphore_mem>>
    tpu.enqueue_indirect_dma source(%dma_start3A_99 : memref<20480x128xf32, #tpu.memory_space<hbm>>) target(%dma_start3A_93 : memref<128x128xf32, #tpu.memory_space<vmem>>) offsets(%dma_start3A_96 : memref<128xi32, #tpu.memory_space<vmem>>) semaphore(%dma_start3A_101 : memref<!tpu.dma_semaphore, #tpu.memory_space<semaphore_mem>>)
    %scan3A_102 = arith.constant 0 : i32
    %scan3A_103 = arith.constant 0 : i32
    %scan3A_104 = arith.constant 20 : i32
    %scan3A_105 = arith.addi %scan3A_103, %scan3A_104 : i32
    %scan3A_106 = arith.constant 1 : i32
    scf.for %scan3A_131 = %scan3A_103 to %scan3A_105 step %scan3A_106  : i32 {
      %mul3A_132 = arith.constant 4 : i32
      %mul3A_133 = arith.muli %mul3A_132, %scan3A_131 : i32
      %add3A_134 = arith.constant 0 : i32
      %add3A_135 = arith.addi %mul3A_133, %add3A_134 : i32
      %mul3A_136 = arith.constant 16 : i32
      %mul3A_137 = arith.muli %add3A_135, %mul3A_136 : i32
      %add3A_138 = arith.addi %arg1, %mul3A_137 : i32
      %dma_wait3A_139 = arith.constant 0 : i32
      %dma_wait3A_140 = arith.constant 0 : i32
      %dma_wait3A_141 = arith.constant 0 : i32
      %dma_wait3A_142 = arith.constant 0 : i32
      %dma_wait3A_143 = arith.constant 0 : i32
      %dma_wait3A_144 = tpu.memref_slice %arg7[%dma_wait3A_140, %dma_wait3A_142, %dma_wait3A_143] : memref<2x128x128xf32, #tpu.memory_space<vmem>> -> memref<1x128x128xf32, #tpu.memory_space<vmem>>
      %dma_wait3A_145 = tpu.memref_squeeze %dma_wait3A_144 : memref<1x128x128xf32, #tpu.memory_space<vmem>> -> memref<128x128xf32, #tpu.memory_space<vmem>>
      %dma_wait3A_146 = arith.constant 0 : i32
      %dma_wait3A_147 = tpu.memref_slice %arg8[%dma_wait3A_139, %dma_wait3A_146] : memref<2x128xi32, #tpu.memory_space<vmem>> -> memref<1x128xi32, #tpu.memory_space<vmem>>
      %dma_wait3A_148 = tpu.memref_squeeze %dma_wait3A_147 : memref<1x128xi32, #tpu.memory_space<vmem>> -> memref<128xi32, #tpu.memory_space<vmem>>
      %dma_wait3A_149 = arith.constant 0 : i32
      %dma_wait3A_150 = arith.constant 0 : i32
      %dma_wait3A_151 = tpu.memref_slice %arg4[%dma_wait3A_149, %dma_wait3A_150] : memref<20480x128xf32, #tpu.memory_space<hbm>> -> memref<20480x128xf32, #tpu.memory_space<hbm>>
      %dma_wait3A_152 = tpu.memref_slice %arg10[%dma_wait3A_141] : memref<2x!tpu.dma_semaphore, #tpu.memory_space<semaphore_mem>> -> memref<1x!tpu.dma_semaphore, #tpu.memory_space<semaphore_mem>>
      %dma_wait3A_153 = tpu.memref_squeeze %dma_wait3A_152 : memref<1x!tpu.dma_semaphore, #tpu.memory_space<semaphore_mem>> -> memref<!tpu.dma_semaphore, #tpu.memory_space<semaphore_mem>>
      tpu.wait_indirect_dma semaphore(%dma_wait3A_153 : memref<!tpu.dma_semaphore, #tpu.memory_space<semaphore_mem>>) src(%dma_wait3A_151 : memref<20480x128xf32, #tpu.memory_space<hbm>>) dst(%dma_wait3A_145 : memref<128x128xf32, #tpu.memory_space<vmem>>)
      %dma_wait3A_154 = arith.constant 0 : i32
      %dma_wait3A_155 = arith.constant 0 : i32
      %dma_wait3A_156 = arith.constant 0 : i32
      %dma_wait3A_157 = tpu.memref_slice %arg9[%dma_wait3A_154, %dma_wait3A_156] : memref<4x128xi32, #tpu.memory_space<vmem>> -> memref<1x128xi32, #tpu.memory_space<vmem>>
      %dma_wait3A_158 = tpu.memref_squeeze %dma_wait3A_157 : memref<1x128xi32, #tpu.memory_space<vmem>> -> memref<128xi32, #tpu.memory_space<vmem>>
      %dma_wait3A_159 = arith.constant 0 : i32
      %dma_wait3A_160 = tpu.memref_slice %arg3[%arg1, %dma_wait3A_159] : memref<1280x128xi32, #tpu.memory_space<hbm>> -> memref<1x128xi32, #tpu.memory_space<hbm>>
      %dma_wait3A_161 = tpu.memref_squeeze %dma_wait3A_160 : memref<1x128xi32, #tpu.memory_space<hbm>> -> memref<128xi32, #tpu.memory_space<hbm>>
      %dma_wait3A_162 = tpu.memref_slice %arg13[%dma_wait3A_155] : memref<4x!tpu.dma_semaphore, #tpu.memory_space<semaphore_mem>> -> memref<1x!tpu.dma_semaphore, #tpu.memory_space<semaphore_mem>>
      %dma_wait3A_163 = tpu.memref_squeeze %dma_wait3A_162 : memref<1x!tpu.dma_semaphore, #tpu.memory_space<semaphore_mem>> -> memref<!tpu.dma_semaphore, #tpu.memory_space<semaphore_mem>>
      %dma_wait3A_164 = arith.constant 0 : i32
      %dma_wait3A_165 = tpu.memref_slice %arg9[%dma_wait3A_154, %dma_wait3A_164] : memref<4x128xi32, #tpu.memory_space<vmem>> -> memref<1x128xi32, #tpu.memory_space<vmem>>
      %dma_wait3A_166 = tpu.memref_squeeze %dma_wait3A_165 : memref<1x128xi32, #tpu.memory_space<vmem>> -> memref<128xi32, #tpu.memory_space<vmem>>
      %dma_wait3A_167 = arith.constant 0 : i32
      %dma_wait3A_168 = tpu.memref_slice %arg3[%arg1, %dma_wait3A_167] : memref<1280x128xi32, #tpu.memory_space<hbm>> -> memref<1x128xi32, #tpu.memory_space<hbm>>
      %dma_wait3A_169 = tpu.memref_squeeze %dma_wait3A_168 : memref<1x128xi32, #tpu.memory_space<hbm>> -> memref<128xi32, #tpu.memory_space<hbm>>
      tpu.wait_dma2 semaphore(%dma_wait3A_163 : memref<!tpu.dma_semaphore, #tpu.memory_space<semaphore_mem>>) src(%dma_wait3A_169 : memref<128xi32, #tpu.memory_space<hbm>>) dst(%dma_wait3A_166 : memref<128xi32, #tpu.memory_space<vmem>>)
      %dma_start3A_170 = arith.constant 0 : i32
      %dma_start3A_171 = arith.constant 0 : i32
      %dma_start3A_172 = arith.constant 0 : i32
      %dma_start3A_173 = arith.constant 0 : i32
      %dma_start3A_174 = tpu.memref_slice %arg7[%dma_start3A_170, %dma_start3A_172, %dma_start3A_173] : memref<2x128x128xf32, #tpu.memory_space<vmem>> -> memref<1x128x128xf32, #tpu.memory_space<vmem>>
      %dma_start3A_175 = tpu.memref_squeeze %dma_start3A_174 : memref<1x128x128xf32, #tpu.memory_space<vmem>> -> memref<128x128xf32, #tpu.memory_space<vmem>>
      %dma_start3A_176 = arith.constant 0 : i32
      %dma_start3A_177 = tpu.memref_slice %arg6[%mul3A_0, %dma_start3A_176] : memref<10240x128xf32, #tpu.memory_space<vmem_shared>> -> memref<128x128xf32, #tpu.memory_space<vmem_shared>>
      %dma_start3A_178 = tpu.memref_slice %arg11[%dma_start3A_171] : memref<2x!tpu.dma_semaphore, #tpu.memory_space<semaphore_mem>> -> memref<1x!tpu.dma_semaphore, #tpu.memory_space<semaphore_mem>>
      %dma_start3A_179 = tpu.memref_squeeze %dma_start3A_178 : memref<1x!tpu.dma_semaphore, #tpu.memory_space<semaphore_mem>> -> memref<!tpu.dma_semaphore, #tpu.memory_space<semaphore_mem>>
      %dma_start3A_180 = arith.constant 0 : i32
      %dma_start3A_181 = tpu.memref_slice %arg6[%mul3A_0, %dma_start3A_180] : memref<10240x128xf32, #tpu.memory_space<vmem_shared>> -> memref<128x128xf32, #tpu.memory_space<vmem_shared>>
      %dma_start3A_182 = arith.constant 0 : i32
      %dma_start3A_183 = arith.constant 0 : i32
      %dma_start3A_184 = tpu.memref_slice %arg7[%dma_start3A_170, %dma_start3A_182, %dma_start3A_183] : memref<2x128x128xf32, #tpu.memory_space<vmem>> -> memref<1x128x128xf32, #tpu.memory_space<vmem>>
      %dma_start3A_185 = tpu.memref_squeeze %dma_start3A_184 : memref<1x128x128xf32, #tpu.memory_space<vmem>> -> memref<128x128xf32, #tpu.memory_space<vmem>>
      tpu.enqueue_dma source(%dma_start3A_185 : memref<128x128xf32, #tpu.memory_space<vmem>>) target(%dma_start3A_181 : memref<128x128xf32, #tpu.memory_space<vmem_shared>>) target_semaphore(%dma_start3A_179 : memref<!tpu.dma_semaphore, #tpu.memory_space<semaphore_mem>>)
      %ge3A = arith.constant 1 : i32
      %ge3A_186 = arith.cmpi sge, %add3A_135, %ge3A : i32
      %convert_element_type3A = arith.extui %ge3A_186 : i1 to i32
      %cond3A = arith.constant 0 : i32
      %cond3A_187 = arith.cmpi ne, %convert_element_type3A, %cond3A : i32
      scf.if %cond3A_187 {
        %dma_wait3A_420 = arith.constant 1 : i32
        %dma_wait3A_421 = arith.constant 1 : i32
        %dma_wait3A_422 = arith.constant 0 : i32
        %dma_wait3A_423 = arith.constant 0 : i32
        %dma_wait3A_424 = tpu.memref_slice %arg7[%dma_wait3A_420, %dma_wait3A_422, %dma_wait3A_423] : memref<2x128x128xf32, #tpu.memory_space<vmem>> -> memref<1x128x128xf32, #tpu.memory_space<vmem>>
        %dma_wait3A_425 = tpu.memref_squeeze %dma_wait3A_424 : memref<1x128x128xf32, #tpu.memory_space<vmem>> -> memref<128x128xf32, #tpu.memory_space<vmem>>
        %dma_wait3A_426 = arith.constant 0 : i32
        %dma_wait3A_427 = tpu.memref_slice %arg6[%mul3A_0, %dma_wait3A_426] : memref<10240x128xf32, #tpu.memory_space<vmem_shared>> -> memref<128x128xf32, #tpu.memory_space<vmem_shared>>
        %dma_wait3A_428 = tpu.memref_slice %arg11[%dma_wait3A_421] : memref<2x!tpu.dma_semaphore, #tpu.memory_space<semaphore_mem>> -> memref<1x!tpu.dma_semaphore, #tpu.memory_space<semaphore_mem>>
        %dma_wait3A_429 = tpu.memref_squeeze %dma_wait3A_428 : memref<1x!tpu.dma_semaphore, #tpu.memory_space<semaphore_mem>> -> memref<!tpu.dma_semaphore, #tpu.memory_space<semaphore_mem>>
        %dma_wait3A_430 = arith.constant 0 : i32
        %dma_wait3A_431 = tpu.memref_slice %arg6[%mul3A_0, %dma_wait3A_430] : memref<10240x128xf32, #tpu.memory_space<vmem_shared>> -> memref<128x128xf32, #tpu.memory_space<vmem_shared>>
        %dma_wait3A_432 = arith.constant 0 : i32
        %dma_wait3A_433 = arith.constant 0 : i32
        %dma_wait3A_434 = tpu.memref_slice %arg7[%dma_wait3A_420, %dma_wait3A_432, %dma_wait3A_433] : memref<2x128x128xf32, #tpu.memory_space<vmem>> -> memref<1x128x128xf32, #tpu.memory_space<vmem>>
        %dma_wait3A_435 = tpu.memref_squeeze %dma_wait3A_434 : memref<1x128x128xf32, #tpu.memory_space<vmem>> -> memref<128x128xf32, #tpu.memory_space<vmem>>
        tpu.wait_dma2 semaphore(%dma_wait3A_429 : memref<!tpu.dma_semaphore, #tpu.memory_space<semaphore_mem>>) src(%dma_wait3A_435 : memref<128x128xf32, #tpu.memory_space<vmem>>) dst(%dma_wait3A_431 : memref<128x128xf32, #tpu.memory_space<vmem_shared>>)
      } else {
      }
      %add3A_188 = arith.constant 2 : i32
      %add3A_189 = arith.addi %add3A_135, %add3A_188 : i32
      %lt3A = arith.constant 80 : i32
      %lt3A_190 = arith.cmpi slt, %add3A_189, %lt3A : i32
      %convert_element_type3A_191 = arith.extui %lt3A_190 : i1 to i32
      %cond3A_192 = arith.constant 0 : i32
      %cond3A_193 = arith.cmpi ne, %convert_element_type3A_191, %cond3A_192 : i32
      scf.if %cond3A_193 {
        %add3A_420 = arith.constant 32 : i32
        %add3A_421 = arith.addi %add3A_138, %add3A_420 : i32
        %dma_start3A_422 = arith.constant 0 : i32
        %dma_start3A_423 = arith.constant 0 : i32
        %dma_start3A_424 = arith.constant 0 : i32
        %dma_start3A_425 = tpu.memref_slice %arg8[%dma_start3A_422, %dma_start3A_424] : memref<2x128xi32, #tpu.memory_space<vmem>> -> memref<1x128xi32, #tpu.memory_space<vmem>>
        %dma_start3A_426 = tpu.memref_squeeze %dma_start3A_425 : memref<1x128xi32, #tpu.memory_space<vmem>> -> memref<128xi32, #tpu.memory_space<vmem>>
        %dma_start3A_427 = arith.constant 0 : i32
        %dma_start3A_428 = tpu.memref_slice %arg2[%arg0, %add3A_421, %dma_start3A_427] : memref<2x1280x128xi32, #tpu.memory_space<hbm>> -> memref<1x1x128xi32, #tpu.memory_space<hbm>>
        %dma_start3A_429 = tpu.memref_squeeze %dma_start3A_428 : memref<1x1x128xi32, #tpu.memory_space<hbm>> -> memref<128xi32, #tpu.memory_space<hbm>>
        %dma_start3A_430 = tpu.memref_slice %arg12[%dma_start3A_423] : memref<2x!tpu.dma_semaphore, #tpu.memory_space<semaphore_mem>> -> memref<1x!tpu.dma_semaphore, #tpu.memory_space<semaphore_mem>>
        %dma_start3A_431 = tpu.memref_squeeze %dma_start3A_430 : memref<1x!tpu.dma_semaphore, #tpu.memory_space<semaphore_mem>> -> memref<!tpu.dma_semaphore, #tpu.memory_space<semaphore_mem>>
        %dma_start3A_432 = arith.constant 0 : i32
        %dma_start3A_433 = tpu.memref_slice %arg8[%dma_start3A_422, %dma_start3A_432] : memref<2x128xi32, #tpu.memory_space<vmem>> -> memref<1x128xi32, #tpu.memory_space<vmem>>
        %dma_start3A_434 = tpu.memref_squeeze %dma_start3A_433 : memref<1x128xi32, #tpu.memory_space<vmem>> -> memref<128xi32, #tpu.memory_space<vmem>>
        %dma_start3A_435 = arith.constant 0 : i32
        %dma_start3A_436 = tpu.memref_slice %arg2[%arg0, %add3A_421, %dma_start3A_435] : memref<2x1280x128xi32, #tpu.memory_space<hbm>> -> memref<1x1x128xi32, #tpu.memory_space<hbm>>
        %dma_start3A_437 = tpu.memref_squeeze %dma_start3A_436 : memref<1x1x128xi32, #tpu.memory_space<hbm>> -> memref<128xi32, #tpu.memory_space<hbm>>
        tpu.enqueue_dma source(%dma_start3A_437 : memref<128xi32, #tpu.memory_space<hbm>>) target(%dma_start3A_434 : memref<128xi32, #tpu.memory_space<vmem>>) target_semaphore(%dma_start3A_431 : memref<!tpu.dma_semaphore, #tpu.memory_space<semaphore_mem>>)
        %add3A_438 = arith.constant 32 : i32
        %add3A_439 = arith.addi %add3A_138, %add3A_438 : i32
        %dma_start3A_440 = arith.constant 2 : i32
        %dma_start3A_441 = arith.constant 2 : i32
        %dma_start3A_442 = arith.constant 0 : i32
        %dma_start3A_443 = tpu.memref_slice %arg9[%dma_start3A_440, %dma_start3A_442] : memref<4x128xi32, #tpu.memory_space<vmem>> -> memref<1x128xi32, #tpu.memory_space<vmem>>
        %dma_start3A_444 = tpu.memref_squeeze %dma_start3A_443 : memref<1x128xi32, #tpu.memory_space<vmem>> -> memref<128xi32, #tpu.memory_space<vmem>>
        %dma_start3A_445 = arith.constant 0 : i32
        %dma_start3A_446 = tpu.memref_slice %arg3[%add3A_439, %dma_start3A_445] : memref<1280x128xi32, #tpu.memory_space<hbm>> -> memref<1x128xi32, #tpu.memory_space<hbm>>
        %dma_start3A_447 = tpu.memref_squeeze %dma_start3A_446 : memref<1x128xi32, #tpu.memory_space<hbm>> -> memref<128xi32, #tpu.memory_space<hbm>>
        %dma_start3A_448 = tpu.memref_slice %arg13[%dma_start3A_441] : memref<4x!tpu.dma_semaphore, #tpu.memory_space<semaphore_mem>> -> memref<1x!tpu.dma_semaphore, #tpu.memory_space<semaphore_mem>>
        %dma_start3A_449 = tpu.memref_squeeze %dma_start3A_448 : memref<1x!tpu.dma_semaphore, #tpu.memory_space<semaphore_mem>> -> memref<!tpu.dma_semaphore, #tpu.memory_space<semaphore_mem>>
        %dma_start3A_450 = arith.constant 0 : i32
        %dma_start3A_451 = tpu.memref_slice %arg9[%dma_start3A_440, %dma_start3A_450] : memref<4x128xi32, #tpu.memory_space<vmem>> -> memref<1x128xi32, #tpu.memory_space<vmem>>
        %dma_start3A_452 = tpu.memref_squeeze %dma_start3A_451 : memref<1x128xi32, #tpu.memory_space<vmem>> -> memref<128xi32, #tpu.memory_space<vmem>>
        %dma_start3A_453 = arith.constant 0 : i32
        %dma_start3A_454 = tpu.memref_slice %arg3[%add3A_439, %dma_start3A_453] : memref<1280x128xi32, #tpu.memory_space<hbm>> -> memref<1x128xi32, #tpu.memory_space<hbm>>
        %dma_start3A_455 = tpu.memref_squeeze %dma_start3A_454 : memref<1x128xi32, #tpu.memory_space<hbm>> -> memref<128xi32, #tpu.memory_space<hbm>>
        tpu.enqueue_dma source(%dma_start3A_455 : memref<128xi32, #tpu.memory_space<hbm>>) target(%dma_start3A_452 : memref<128xi32, #tpu.memory_space<vmem>>) target_semaphore(%dma_start3A_449 : memref<!tpu.dma_semaphore, #tpu.memory_space<semaphore_mem>>)
      } else {
      }
      %add3A_194 = arith.constant 1 : i32
      %add3A_195 = arith.addi %add3A_135, %add3A_194 : i32
      %lt3A_196 = arith.constant 80 : i32
      %lt3A_197 = arith.cmpi slt, %add3A_195, %lt3A_196 : i32
      %convert_element_type3A_198 = arith.extui %lt3A_197 : i1 to i32
      %cond3A_199 = arith.constant 0 : i32
      %cond3A_200 = arith.cmpi ne, %convert_element_type3A_198, %cond3A_199 : i32
      scf.if %cond3A_200 {
        %dma_wait3A_420 = arith.constant 1 : i32
        %dma_wait3A_421 = arith.constant 1 : i32
        %dma_wait3A_422 = arith.constant 0 : i32
        %dma_wait3A_423 = tpu.memref_slice %arg8[%dma_wait3A_420, %dma_wait3A_422] : memref<2x128xi32, #tpu.memory_space<vmem>> -> memref<1x128xi32, #tpu.memory_space<vmem>>
        %dma_wait3A_424 = tpu.memref_squeeze %dma_wait3A_423 : memref<1x128xi32, #tpu.memory_space<vmem>> -> memref<128xi32, #tpu.memory_space<vmem>>
        %dma_wait3A_425 = arith.constant 0 : i32
        %dma_wait3A_426 = tpu.memref_slice %arg2[%arg0, %arg1, %dma_wait3A_425] : memref<2x1280x128xi32, #tpu.memory_space<hbm>> -> memref<1x1x128xi32, #tpu.memory_space<hbm>>
        %dma_wait3A_427 = tpu.memref_squeeze %dma_wait3A_426 : memref<1x1x128xi32, #tpu.memory_space<hbm>> -> memref<128xi32, #tpu.memory_space<hbm>>
        %dma_wait3A_428 = tpu.memref_slice %arg12[%dma_wait3A_421] : memref<2x!tpu.dma_semaphore, #tpu.memory_space<semaphore_mem>> -> memref<1x!tpu.dma_semaphore, #tpu.memory_space<semaphore_mem>>
        %dma_wait3A_429 = tpu.memref_squeeze %dma_wait3A_428 : memref<1x!tpu.dma_semaphore, #tpu.memory_space<semaphore_mem>> -> memref<!tpu.dma_semaphore, #tpu.memory_space<semaphore_mem>>
        %dma_wait3A_430 = arith.constant 0 : i32
        %dma_wait3A_431 = tpu.memref_slice %arg8[%dma_wait3A_420, %dma_wait3A_430] : memref<2x128xi32, #tpu.memory_space<vmem>> -> memref<1x128xi32, #tpu.memory_space<vmem>>
        %dma_wait3A_432 = tpu.memref_squeeze %dma_wait3A_431 : memref<1x128xi32, #tpu.memory_space<vmem>> -> memref<128xi32, #tpu.memory_space<vmem>>
        %dma_wait3A_433 = arith.constant 0 : i32
        %dma_wait3A_434 = tpu.memref_slice %arg2[%arg0, %arg1, %dma_wait3A_433] : memref<2x1280x128xi32, #tpu.memory_space<hbm>> -> memref<1x1x128xi32, #tpu.memory_space<hbm>>
        %dma_wait3A_435 = tpu.memref_squeeze %dma_wait3A_434 : memref<1x1x128xi32, #tpu.memory_space<hbm>> -> memref<128xi32, #tpu.memory_space<hbm>>
        tpu.wait_dma2 semaphore(%dma_wait3A_429 : memref<!tpu.dma_semaphore, #tpu.memory_space<semaphore_mem>>) src(%dma_wait3A_435 : memref<128xi32, #tpu.memory_space<hbm>>) dst(%dma_wait3A_432 : memref<128xi32, #tpu.memory_space<vmem>>)
        %dma_start3A_436 = arith.constant 1 : i32
        %dma_start3A_437 = arith.constant 1 : i32
        %dma_start3A_438 = arith.constant 1 : i32
        %dma_start3A_439 = arith.constant 0 : i32
        %dma_start3A_440 = arith.constant 0 : i32
        %dma_start3A_441 = tpu.memref_slice %arg7[%dma_start3A_437, %dma_start3A_439, %dma_start3A_440] : memref<2x128x128xf32, #tpu.memory_space<vmem>> -> memref<1x128x128xf32, #tpu.memory_space<vmem>>
        %dma_start3A_442 = tpu.memref_squeeze %dma_start3A_441 : memref<1x128x128xf32, #tpu.memory_space<vmem>> -> memref<128x128xf32, #tpu.memory_space<vmem>>
        %dma_start3A_443 = arith.constant 0 : i32
        %dma_start3A_444 = tpu.memref_slice %arg8[%dma_start3A_436, %dma_start3A_443] : memref<2x128xi32, #tpu.memory_space<vmem>> -> memref<1x128xi32, #tpu.memory_space<vmem>>
        %dma_start3A_445 = tpu.memref_squeeze %dma_start3A_444 : memref<1x128xi32, #tpu.memory_space<vmem>> -> memref<128xi32, #tpu.memory_space<vmem>>
        %dma_start3A_446 = arith.constant 0 : i32
        %dma_start3A_447 = arith.constant 0 : i32
        %dma_start3A_448 = tpu.memref_slice %arg4[%dma_start3A_446, %dma_start3A_447] : memref<20480x128xf32, #tpu.memory_space<hbm>> -> memref<20480x128xf32, #tpu.memory_space<hbm>>
        %dma_start3A_449 = tpu.memref_slice %arg10[%dma_start3A_438] : memref<2x!tpu.dma_semaphore, #tpu.memory_space<semaphore_mem>> -> memref<1x!tpu.dma_semaphore, #tpu.memory_space<semaphore_mem>>
        %dma_start3A_450 = tpu.memref_squeeze %dma_start3A_449 : memref<1x!tpu.dma_semaphore, #tpu.memory_space<semaphore_mem>> -> memref<!tpu.dma_semaphore, #tpu.memory_space<semaphore_mem>>
        tpu.enqueue_indirect_dma source(%dma_start3A_448 : memref<20480x128xf32, #tpu.memory_space<hbm>>) target(%dma_start3A_442 : memref<128x128xf32, #tpu.memory_space<vmem>>) offsets(%dma_start3A_445 : memref<128xi32, #tpu.memory_space<vmem>>) semaphore(%dma_start3A_450 : memref<!tpu.dma_semaphore, #tpu.memory_space<semaphore_mem>>)
      } else {
      }
      %mul3A_201 = arith.constant 4 : i32
      %mul3A_202 = arith.muli %mul3A_201, %scan3A_131 : i32
      %add3A_203 = arith.constant 1 : i32
      %add3A_204 = arith.addi %mul3A_202, %add3A_203 : i32
      %mul3A_205 = arith.constant 16 : i32
      %mul3A_206 = arith.muli %add3A_204, %mul3A_205 : i32
      %add3A_207 = arith.addi %arg1, %mul3A_206 : i32
      %dma_wait3A_208 = arith.constant 1 : i32
      %dma_wait3A_209 = arith.constant 1 : i32
      %dma_wait3A_210 = arith.constant 1 : i32
      %dma_wait3A_211 = arith.constant 0 : i32
      %dma_wait3A_212 = arith.constant 0 : i32
      %dma_wait3A_213 = tpu.memref_slice %arg7[%dma_wait3A_209, %dma_wait3A_211, %dma_wait3A_212] : memref<2x128x128xf32, #tpu.memory_space<vmem>> -> memref<1x128x128xf32, #tpu.memory_space<vmem>>
      %dma_wait3A_214 = tpu.memref_squeeze %dma_wait3A_213 : memref<1x128x128xf32, #tpu.memory_space<vmem>> -> memref<128x128xf32, #tpu.memory_space<vmem>>
      %dma_wait3A_215 = arith.constant 0 : i32
      %dma_wait3A_216 = tpu.memref_slice %arg8[%dma_wait3A_208, %dma_wait3A_215] : memref<2x128xi32, #tpu.memory_space<vmem>> -> memref<1x128xi32, #tpu.memory_space<vmem>>
      %dma_wait3A_217 = tpu.memref_squeeze %dma_wait3A_216 : memref<1x128xi32, #tpu.memory_space<vmem>> -> memref<128xi32, #tpu.memory_space<vmem>>
      %dma_wait3A_218 = arith.constant 0 : i32
      %dma_wait3A_219 = arith.constant 0 : i32
      %dma_wait3A_220 = tpu.memref_slice %arg4[%dma_wait3A_218, %dma_wait3A_219] : memref<20480x128xf32, #tpu.memory_space<hbm>> -> memref<20480x128xf32, #tpu.memory_space<hbm>>
      %dma_wait3A_221 = tpu.memref_slice %arg10[%dma_wait3A_210] : memref<2x!tpu.dma_semaphore, #tpu.memory_space<semaphore_mem>> -> memref<1x!tpu.dma_semaphore, #tpu.memory_space<semaphore_mem>>
      %dma_wait3A_222 = tpu.memref_squeeze %dma_wait3A_221 : memref<1x!tpu.dma_semaphore, #tpu.memory_space<semaphore_mem>> -> memref<!tpu.dma_semaphore, #tpu.memory_space<semaphore_mem>>
      tpu.wait_indirect_dma semaphore(%dma_wait3A_222 : memref<!tpu.dma_semaphore, #tpu.memory_space<semaphore_mem>>) src(%dma_wait3A_220 : memref<20480x128xf32, #tpu.memory_space<hbm>>) dst(%dma_wait3A_214 : memref<128x128xf32, #tpu.memory_space<vmem>>)
      %dma_wait3A_223 = arith.constant 1 : i32
      %dma_wait3A_224 = arith.constant 1 : i32
      %dma_wait3A_225 = arith.constant 0 : i32
      %dma_wait3A_226 = tpu.memref_slice %arg9[%dma_wait3A_223, %dma_wait3A_225] : memref<4x128xi32, #tpu.memory_space<vmem>> -> memref<1x128xi32, #tpu.memory_space<vmem>>
      %dma_wait3A_227 = tpu.memref_squeeze %dma_wait3A_226 : memref<1x128xi32, #tpu.memory_space<vmem>> -> memref<128xi32, #tpu.memory_space<vmem>>
      %dma_wait3A_228 = arith.constant 0 : i32
      %dma_wait3A_229 = tpu.memref_slice %arg3[%arg1, %dma_wait3A_228] : memref<1280x128xi32, #tpu.memory_space<hbm>> -> memref<1x128xi32, #tpu.memory_space<hbm>>
      %dma_wait3A_230 = tpu.memref_squeeze %dma_wait3A_229 : memref<1x128xi32, #tpu.memory_space<hbm>> -> memref<128xi32, #tpu.memory_space<hbm>>
      %dma_wait3A_231 = tpu.memref_slice %arg13[%dma_wait3A_224] : memref<4x!tpu.dma_semaphore, #tpu.memory_space<semaphore_mem>> -> memref<1x!tpu.dma_semaphore, #tpu.memory_space<semaphore_mem>>
      %dma_wait3A_232 = tpu.memref_squeeze %dma_wait3A_231 : memref<1x!tpu.dma_semaphore, #tpu.memory_space<semaphore_mem>> -> memref<!tpu.dma_semaphore, #tpu.memory_space<semaphore_mem>>
      %dma_wait3A_233 = arith.constant 0 : i32
      %dma_wait3A_234 = tpu.memref_slice %arg9[%dma_wait3A_223, %dma_wait3A_233] : memref<4x128xi32, #tpu.memory_space<vmem>> -> memref<1x128xi32, #tpu.memory_space<vmem>>
      %dma_wait3A_235 = tpu.memref_squeeze %dma_wait3A_234 : memref<1x128xi32, #tpu.memory_space<vmem>> -> memref<128xi32, #tpu.memory_space<vmem>>
      %dma_wait3A_236 = arith.constant 0 : i32
      %dma_wait3A_237 = tpu.memref_slice %arg3[%arg1, %dma_wait3A_236] : memref<1280x128xi32, #tpu.memory_space<hbm>> -> memref<1x128xi32, #tpu.memory_space<hbm>>
      %dma_wait3A_238 = tpu.memref_squeeze %dma_wait3A_237 : memref<1x128xi32, #tpu.memory_space<hbm>> -> memref<128xi32, #tpu.memory_space<hbm>>
      tpu.wait_dma2 semaphore(%dma_wait3A_232 : memref<!tpu.dma_semaphore, #tpu.memory_space<semaphore_mem>>) src(%dma_wait3A_238 : memref<128xi32, #tpu.memory_space<hbm>>) dst(%dma_wait3A_235 : memref<128xi32, #tpu.memory_space<vmem>>)
      %dma_start3A_239 = arith.constant 1 : i32
      %dma_start3A_240 = arith.constant 1 : i32
      %dma_start3A_241 = arith.constant 0 : i32
      %dma_start3A_242 = arith.constant 0 : i32
      %dma_start3A_243 = tpu.memref_slice %arg7[%dma_start3A_239, %dma_start3A_241, %dma_start3A_242] : memref<2x128x128xf32, #tpu.memory_space<vmem>> -> memref<1x128x128xf32, #tpu.memory_space<vmem>>
      %dma_start3A_244 = tpu.memref_squeeze %dma_start3A_243 : memref<1x128x128xf32, #tpu.memory_space<vmem>> -> memref<128x128xf32, #tpu.memory_space<vmem>>
      %dma_start3A_245 = arith.constant 0 : i32
      %dma_start3A_246 = tpu.memref_slice %arg6[%mul3A_0, %dma_start3A_245] : memref<10240x128xf32, #tpu.memory_space<vmem_shared>> -> memref<128x128xf32, #tpu.memory_space<vmem_shared>>
      %dma_start3A_247 = tpu.memref_slice %arg11[%dma_start3A_240] : memref<2x!tpu.dma_semaphore, #tpu.memory_space<semaphore_mem>> -> memref<1x!tpu.dma_semaphore, #tpu.memory_space<semaphore_mem>>
      %dma_start3A_248 = tpu.memref_squeeze %dma_start3A_247 : memref<1x!tpu.dma_semaphore, #tpu.memory_space<semaphore_mem>> -> memref<!tpu.dma_semaphore, #tpu.memory_space<semaphore_mem>>
      %dma_start3A_249 = arith.constant 0 : i32
      %dma_start3A_250 = tpu.memref_slice %arg6[%mul3A_0, %dma_start3A_249] : memref<10240x128xf32, #tpu.memory_space<vmem_shared>> -> memref<128x128xf32, #tpu.memory_space<vmem_shared>>
      %dma_start3A_251 = arith.constant 0 : i32
      %dma_start3A_252 = arith.constant 0 : i32
      %dma_start3A_253 = tpu.memref_slice %arg7[%dma_start3A_239, %dma_start3A_251, %dma_start3A_252] : memref<2x128x128xf32, #tpu.memory_space<vmem>> -> memref<1x128x128xf32, #tpu.memory_space<vmem>>
      %dma_start3A_254 = tpu.memref_squeeze %dma_start3A_253 : memref<1x128x128xf32, #tpu.memory_space<vmem>> -> memref<128x128xf32, #tpu.memory_space<vmem>>
      tpu.enqueue_dma source(%dma_start3A_254 : memref<128x128xf32, #tpu.memory_space<vmem>>) target(%dma_start3A_250 : memref<128x128xf32, #tpu.memory_space<vmem_shared>>) target_semaphore(%dma_start3A_248 : memref<!tpu.dma_semaphore, #tpu.memory_space<semaphore_mem>>)
      %ge3A_255 = arith.constant 1 : i32
      %ge3A_256 = arith.cmpi sge, %add3A_204, %ge3A_255 : i32
      %convert_element_type3A_257 = arith.extui %ge3A_256 : i1 to i32
      %cond3A_258 = arith.constant 0 : i32
      %cond3A_259 = arith.cmpi ne, %convert_element_type3A_257, %cond3A_258 : i32
      scf.if %cond3A_259 {
        %dma_wait3A_420 = arith.constant 0 : i32
        %dma_wait3A_421 = arith.constant 0 : i32
        %dma_wait3A_422 = arith.constant 0 : i32
        %dma_wait3A_423 = arith.constant 0 : i32
        %dma_wait3A_424 = tpu.memref_slice %arg7[%dma_wait3A_420, %dma_wait3A_422, %dma_wait3A_423] : memref<2x128x128xf32, #tpu.memory_space<vmem>> -> memref<1x128x128xf32, #tpu.memory_space<vmem>>
        %dma_wait3A_425 = tpu.memref_squeeze %dma_wait3A_424 : memref<1x128x128xf32, #tpu.memory_space<vmem>> -> memref<128x128xf32, #tpu.memory_space<vmem>>
        %dma_wait3A_426 = arith.constant 0 : i32
        %dma_wait3A_427 = tpu.memref_slice %arg6[%mul3A_0, %dma_wait3A_426] : memref<10240x128xf32, #tpu.memory_space<vmem_shared>> -> memref<128x128xf32, #tpu.memory_space<vmem_shared>>
        %dma_wait3A_428 = tpu.memref_slice %arg11[%dma_wait3A_421] : memref<2x!tpu.dma_semaphore, #tpu.memory_space<semaphore_mem>> -> memref<1x!tpu.dma_semaphore, #tpu.memory_space<semaphore_mem>>
        %dma_wait3A_429 = tpu.memref_squeeze %dma_wait3A_428 : memref<1x!tpu.dma_semaphore, #tpu.memory_space<semaphore_mem>> -> memref<!tpu.dma_semaphore, #tpu.memory_space<semaphore_mem>>
        %dma_wait3A_430 = arith.constant 0 : i32
        %dma_wait3A_431 = tpu.memref_slice %arg6[%mul3A_0, %dma_wait3A_430] : memref<10240x128xf32, #tpu.memory_space<vmem_shared>> -> memref<128x128xf32, #tpu.memory_space<vmem_shared>>
        %dma_wait3A_432 = arith.constant 0 : i32
        %dma_wait3A_433 = arith.constant 0 : i32
        %dma_wait3A_434 = tpu.memref_slice %arg7[%dma_wait3A_420, %dma_wait3A_432, %dma_wait3A_433] : memref<2x128x128xf32, #tpu.memory_space<vmem>> -> memref<1x128x128xf32, #tpu.memory_space<vmem>>
        %dma_wait3A_435 = tpu.memref_squeeze %dma_wait3A_434 : memref<1x128x128xf32, #tpu.memory_space<vmem>> -> memref<128x128xf32, #tpu.memory_space<vmem>>
        tpu.wait_dma2 semaphore(%dma_wait3A_429 : memref<!tpu.dma_semaphore, #tpu.memory_space<semaphore_mem>>) src(%dma_wait3A_435 : memref<128x128xf32, #tpu.memory_space<vmem>>) dst(%dma_wait3A_431 : memref<128x128xf32, #tpu.memory_space<vmem_shared>>)
      } else {
      }
      %add3A_260 = arith.constant 2 : i32
      %add3A_261 = arith.addi %add3A_204, %add3A_260 : i32
      %lt3A_262 = arith.constant 80 : i32
      %lt3A_263 = arith.cmpi slt, %add3A_261, %lt3A_262 : i32
      %convert_element_type3A_264 = arith.extui %lt3A_263 : i1 to i32
      %cond3A_265 = arith.constant 0 : i32
      %cond3A_266 = arith.cmpi ne, %convert_element_type3A_264, %cond3A_265 : i32
      scf.if %cond3A_266 {
        %add3A_420 = arith.constant 32 : i32
        %add3A_421 = arith.addi %add3A_207, %add3A_420 : i32
        %dma_start3A_422 = arith.constant 1 : i32
        %dma_start3A_423 = arith.constant 1 : i32
        %dma_start3A_424 = arith.constant 0 : i32
        %dma_start3A_425 = tpu.memref_slice %arg8[%dma_start3A_422, %dma_start3A_424] : memref<2x128xi32, #tpu.memory_space<vmem>> -> memref<1x128xi32, #tpu.memory_space<vmem>>
        %dma_start3A_426 = tpu.memref_squeeze %dma_start3A_425 : memref<1x128xi32, #tpu.memory_space<vmem>> -> memref<128xi32, #tpu.memory_space<vmem>>
        %dma_start3A_427 = arith.constant 0 : i32
        %dma_start3A_428 = tpu.memref_slice %arg2[%arg0, %add3A_421, %dma_start3A_427] : memref<2x1280x128xi32, #tpu.memory_space<hbm>> -> memref<1x1x128xi32, #tpu.memory_space<hbm>>
        %dma_start3A_429 = tpu.memref_squeeze %dma_start3A_428 : memref<1x1x128xi32, #tpu.memory_space<hbm>> -> memref<128xi32, #tpu.memory_space<hbm>>
        %dma_start3A_430 = tpu.memref_slice %arg12[%dma_start3A_423] : memref<2x!tpu.dma_semaphore, #tpu.memory_space<semaphore_mem>> -> memref<1x!tpu.dma_semaphore, #tpu.memory_space<semaphore_mem>>
        %dma_start3A_431 = tpu.memref_squeeze %dma_start3A_430 : memref<1x!tpu.dma_semaphore, #tpu.memory_space<semaphore_mem>> -> memref<!tpu.dma_semaphore, #tpu.memory_space<semaphore_mem>>
        %dma_start3A_432 = arith.constant 0 : i32
        %dma_start3A_433 = tpu.memref_slice %arg8[%dma_start3A_422, %dma_start3A_432] : memref<2x128xi32, #tpu.memory_space<vmem>> -> memref<1x128xi32, #tpu.memory_space<vmem>>
        %dma_start3A_434 = tpu.memref_squeeze %dma_start3A_433 : memref<1x128xi32, #tpu.memory_space<vmem>> -> memref<128xi32, #tpu.memory_space<vmem>>
        %dma_start3A_435 = arith.constant 0 : i32
        %dma_start3A_436 = tpu.memref_slice %arg2[%arg0, %add3A_421, %dma_start3A_435] : memref<2x1280x128xi32, #tpu.memory_space<hbm>> -> memref<1x1x128xi32, #tpu.memory_space<hbm>>
        %dma_start3A_437 = tpu.memref_squeeze %dma_start3A_436 : memref<1x1x128xi32, #tpu.memory_space<hbm>> -> memref<128xi32, #tpu.memory_space<hbm>>
        tpu.enqueue_dma source(%dma_start3A_437 : memref<128xi32, #tpu.memory_space<hbm>>) target(%dma_start3A_434 : memref<128xi32, #tpu.memory_space<vmem>>) target_semaphore(%dma_start3A_431 : memref<!tpu.dma_semaphore, #tpu.memory_space<semaphore_mem>>)
        %add3A_438 = arith.constant 32 : i32
        %add3A_439 = arith.addi %add3A_207, %add3A_438 : i32
        %dma_start3A_440 = arith.constant 3 : i32
        %dma_start3A_441 = arith.constant 3 : i32
        %dma_start3A_442 = arith.constant 0 : i32
        %dma_start3A_443 = tpu.memref_slice %arg9[%dma_start3A_440, %dma_start3A_442] : memref<4x128xi32, #tpu.memory_space<vmem>> -> memref<1x128xi32, #tpu.memory_space<vmem>>
        %dma_start3A_444 = tpu.memref_squeeze %dma_start3A_443 : memref<1x128xi32, #tpu.memory_space<vmem>> -> memref<128xi32, #tpu.memory_space<vmem>>
        %dma_start3A_445 = arith.constant 0 : i32
        %dma_start3A_446 = tpu.memref_slice %arg3[%add3A_439, %dma_start3A_445] : memref<1280x128xi32, #tpu.memory_space<hbm>> -> memref<1x128xi32, #tpu.memory_space<hbm>>
        %dma_start3A_447 = tpu.memref_squeeze %dma_start3A_446 : memref<1x128xi32, #tpu.memory_space<hbm>> -> memref<128xi32, #tpu.memory_space<hbm>>
        %dma_start3A_448 = tpu.memref_slice %arg13[%dma_start3A_441] : memref<4x!tpu.dma_semaphore, #tpu.memory_space<semaphore_mem>> -> memref<1x!tpu.dma_semaphore, #tpu.memory_space<semaphore_mem>>
        %dma_start3A_449 = tpu.memref_squeeze %dma_start3A_448 : memref<1x!tpu.dma_semaphore, #tpu.memory_space<semaphore_mem>> -> memref<!tpu.dma_semaphore, #tpu.memory_space<semaphore_mem>>
        %dma_start3A_450 = arith.constant 0 : i32
        %dma_start3A_451 = tpu.memref_slice %arg9[%dma_start3A_440, %dma_start3A_450] : memref<4x128xi32, #tpu.memory_space<vmem>> -> memref<1x128xi32, #tpu.memory_space<vmem>>
        %dma_start3A_452 = tpu.memref_squeeze %dma_start3A_451 : memref<1x128xi32, #tpu.memory_space<vmem>> -> memref<128xi32, #tpu.memory_space<vmem>>
        %dma_start3A_453 = arith.constant 0 : i32
        %dma_start3A_454 = tpu.memref_slice %arg3[%add3A_439, %dma_start3A_453] : memref<1280x128xi32, #tpu.memory_space<hbm>> -> memref<1x128xi32, #tpu.memory_space<hbm>>
        %dma_start3A_455 = tpu.memref_squeeze %dma_start3A_454 : memref<1x128xi32, #tpu.memory_space<hbm>> -> memref<128xi32, #tpu.memory_space<hbm>>
        tpu.enqueue_dma source(%dma_start3A_455 : memref<128xi32, #tpu.memory_space<hbm>>) target(%dma_start3A_452 : memref<128xi32, #tpu.memory_space<vmem>>) target_semaphore(%dma_start3A_449 : memref<!tpu.dma_semaphore, #tpu.memory_space<semaphore_mem>>)
      } else {
      }
      %add3A_267 = arith.constant 1 : i32
      %add3A_268 = arith.addi %add3A_204, %add3A_267 : i32
      %lt3A_269 = arith.constant 80 : i32
      %lt3A_270 = arith.cmpi slt, %add3A_268, %lt3A_269 : i32
      %convert_element_type3A_271 = arith.extui %lt3A_270 : i1 to i32
      %cond3A_272 = arith.constant 0 : i32
      %cond3A_273 = arith.cmpi ne, %convert_element_type3A_271, %cond3A_272 : i32
      scf.if %cond3A_273 {
        %dma_wait3A_420 = arith.constant 0 : i32
        %dma_wait3A_421 = arith.constant 0 : i32
        %dma_wait3A_422 = arith.constant 0 : i32
        %dma_wait3A_423 = tpu.memref_slice %arg8[%dma_wait3A_420, %dma_wait3A_422] : memref<2x128xi32, #tpu.memory_space<vmem>> -> memref<1x128xi32, #tpu.memory_space<vmem>>
        %dma_wait3A_424 = tpu.memref_squeeze %dma_wait3A_423 : memref<1x128xi32, #tpu.memory_space<vmem>> -> memref<128xi32, #tpu.memory_space<vmem>>
        %dma_wait3A_425 = arith.constant 0 : i32
        %dma_wait3A_426 = tpu.memref_slice %arg2[%arg0, %arg1, %dma_wait3A_425] : memref<2x1280x128xi32, #tpu.memory_space<hbm>> -> memref<1x1x128xi32, #tpu.memory_space<hbm>>
        %dma_wait3A_427 = tpu.memref_squeeze %dma_wait3A_426 : memref<1x1x128xi32, #tpu.memory_space<hbm>> -> memref<128xi32, #tpu.memory_space<hbm>>
        %dma_wait3A_428 = tpu.memref_slice %arg12[%dma_wait3A_421] : memref<2x!tpu.dma_semaphore, #tpu.memory_space<semaphore_mem>> -> memref<1x!tpu.dma_semaphore, #tpu.memory_space<semaphore_mem>>
        %dma_wait3A_429 = tpu.memref_squeeze %dma_wait3A_428 : memref<1x!tpu.dma_semaphore, #tpu.memory_space<semaphore_mem>> -> memref<!tpu.dma_semaphore, #tpu.memory_space<semaphore_mem>>
        %dma_wait3A_430 = arith.constant 0 : i32
        %dma_wait3A_431 = tpu.memref_slice %arg8[%dma_wait3A_420, %dma_wait3A_430] : memref<2x128xi32, #tpu.memory_space<vmem>> -> memref<1x128xi32, #tpu.memory_space<vmem>>
        %dma_wait3A_432 = tpu.memref_squeeze %dma_wait3A_431 : memref<1x128xi32, #tpu.memory_space<vmem>> -> memref<128xi32, #tpu.memory_space<vmem>>
        %dma_wait3A_433 = arith.constant 0 : i32
        %dma_wait3A_434 = tpu.memref_slice %arg2[%arg0, %arg1, %dma_wait3A_433] : memref<2x1280x128xi32, #tpu.memory_space<hbm>> -> memref<1x1x128xi32, #tpu.memory_space<hbm>>
        %dma_wait3A_435 = tpu.memref_squeeze %dma_wait3A_434 : memref<1x1x128xi32, #tpu.memory_space<hbm>> -> memref<128xi32, #tpu.memory_space<hbm>>
        tpu.wait_dma2 semaphore(%dma_wait3A_429 : memref<!tpu.dma_semaphore, #tpu.memory_space<semaphore_mem>>) src(%dma_wait3A_435 : memref<128xi32, #tpu.memory_space<hbm>>) dst(%dma_wait3A_432 : memref<128xi32, #tpu.memory_space<vmem>>)
        %dma_start3A_436 = arith.constant 0 : i32
        %dma_start3A_437 = arith.constant 0 : i32
        %dma_start3A_438 = arith.constant 0 : i32
        %dma_start3A_439 = arith.constant 0 : i32
        %dma_start3A_440 = arith.constant 0 : i32
        %dma_start3A_441 = tpu.memref_slice %arg7[%dma_start3A_437, %dma_start3A_439, %dma_start3A_440] : memref<2x128x128xf32, #tpu.memory_space<vmem>> -> memref<1x128x128xf32, #tpu.memory_space<vmem>>
        %dma_start3A_442 = tpu.memref_squeeze %dma_start3A_441 : memref<1x128x128xf32, #tpu.memory_space<vmem>> -> memref<128x128xf32, #tpu.memory_space<vmem>>
        %dma_start3A_443 = arith.constant 0 : i32
        %dma_start3A_444 = tpu.memref_slice %arg8[%dma_start3A_436, %dma_start3A_443] : memref<2x128xi32, #tpu.memory_space<vmem>> -> memref<1x128xi32, #tpu.memory_space<vmem>>
        %dma_start3A_445 = tpu.memref_squeeze %dma_start3A_444 : memref<1x128xi32, #tpu.memory_space<vmem>> -> memref<128xi32, #tpu.memory_space<vmem>>
        %dma_start3A_446 = arith.constant 0 : i32
        %dma_start3A_447 = arith.constant 0 : i32
        %dma_start3A_448 = tpu.memref_slice %arg4[%dma_start3A_446, %dma_start3A_447] : memref<20480x128xf32, #tpu.memory_space<hbm>> -> memref<20480x128xf32, #tpu.memory_space<hbm>>
        %dma_start3A_449 = tpu.memref_slice %arg10[%dma_start3A_438] : memref<2x!tpu.dma_semaphore, #tpu.memory_space<semaphore_mem>> -> memref<1x!tpu.dma_semaphore, #tpu.memory_space<semaphore_mem>>
        %dma_start3A_450 = tpu.memref_squeeze %dma_start3A_449 : memref<1x!tpu.dma_semaphore, #tpu.memory_space<semaphore_mem>> -> memref<!tpu.dma_semaphore, #tpu.memory_space<semaphore_mem>>
        tpu.enqueue_indirect_dma source(%dma_start3A_448 : memref<20480x128xf32, #tpu.memory_space<hbm>>) target(%dma_start3A_442 : memref<128x128xf32, #tpu.memory_space<vmem>>) offsets(%dma_start3A_445 : memref<128xi32, #tpu.memory_space<vmem>>) semaphore(%dma_start3A_450 : memref<!tpu.dma_semaphore, #tpu.memory_space<semaphore_mem>>)
      } else {
      }
      %mul3A_274 = arith.constant 4 : i32
      %mul3A_275 = arith.muli %mul3A_274, %scan3A_131 : i32
      %add3A_276 = arith.constant 2 : i32
      %add3A_277 = arith.addi %mul3A_275, %add3A_276 : i32
      %mul3A_278 = arith.constant 16 : i32
      %mul3A_279 = arith.muli %add3A_277, %mul3A_278 : i32
      %add3A_280 = arith.addi %arg1, %mul3A_279 : i32
      %dma_wait3A_281 = arith.constant 0 : i32
      %dma_wait3A_282 = arith.constant 0 : i32
      %dma_wait3A_283 = arith.constant 0 : i32
      %dma_wait3A_284 = arith.constant 0 : i32
      %dma_wait3A_285 = arith.constant 0 : i32
      %dma_wait3A_286 = tpu.memref_slice %arg7[%dma_wait3A_282, %dma_wait3A_284, %dma_wait3A_285] : memref<2x128x128xf32, #tpu.memory_space<vmem>> -> memref<1x128x128xf32, #tpu.memory_space<vmem>>
      %dma_wait3A_287 = tpu.memref_squeeze %dma_wait3A_286 : memref<1x128x128xf32, #tpu.memory_space<vmem>> -> memref<128x128xf32, #tpu.memory_space<vmem>>
      %dma_wait3A_288 = arith.constant 0 : i32
      %dma_wait3A_289 = tpu.memref_slice %arg8[%dma_wait3A_281, %dma_wait3A_288] : memref<2x128xi32, #tpu.memory_space<vmem>> -> memref<1x128xi32, #tpu.memory_space<vmem>>
      %dma_wait3A_290 = tpu.memref_squeeze %dma_wait3A_289 : memref<1x128xi32, #tpu.memory_space<vmem>> -> memref<128xi32, #tpu.memory_space<vmem>>
      %dma_wait3A_291 = arith.constant 0 : i32
      %dma_wait3A_292 = arith.constant 0 : i32
      %dma_wait3A_293 = tpu.memref_slice %arg4[%dma_wait3A_291, %dma_wait3A_292] : memref<20480x128xf32, #tpu.memory_space<hbm>> -> memref<20480x128xf32, #tpu.memory_space<hbm>>
      %dma_wait3A_294 = tpu.memref_slice %arg10[%dma_wait3A_283] : memref<2x!tpu.dma_semaphore, #tpu.memory_space<semaphore_mem>> -> memref<1x!tpu.dma_semaphore, #tpu.memory_space<semaphore_mem>>
      %dma_wait3A_295 = tpu.memref_squeeze %dma_wait3A_294 : memref<1x!tpu.dma_semaphore, #tpu.memory_space<semaphore_mem>> -> memref<!tpu.dma_semaphore, #tpu.memory_space<semaphore_mem>>
      tpu.wait_indirect_dma semaphore(%dma_wait3A_295 : memref<!tpu.dma_semaphore, #tpu.memory_space<semaphore_mem>>) src(%dma_wait3A_293 : memref<20480x128xf32, #tpu.memory_space<hbm>>) dst(%dma_wait3A_287 : memref<128x128xf32, #tpu.memory_space<vmem>>)
      %dma_wait3A_296 = arith.constant 2 : i32
      %dma_wait3A_297 = arith.constant 2 : i32
      %dma_wait3A_298 = arith.constant 0 : i32
      %dma_wait3A_299 = tpu.memref_slice %arg9[%dma_wait3A_296, %dma_wait3A_298] : memref<4x128xi32, #tpu.memory_space<vmem>> -> memref<1x128xi32, #tpu.memory_space<vmem>>
      %dma_wait3A_300 = tpu.memref_squeeze %dma_wait3A_299 : memref<1x128xi32, #tpu.memory_space<vmem>> -> memref<128xi32, #tpu.memory_space<vmem>>
      %dma_wait3A_301 = arith.constant 0 : i32
      %dma_wait3A_302 = tpu.memref_slice %arg3[%arg1, %dma_wait3A_301] : memref<1280x128xi32, #tpu.memory_space<hbm>> -> memref<1x128xi32, #tpu.memory_space<hbm>>
      %dma_wait3A_303 = tpu.memref_squeeze %dma_wait3A_302 : memref<1x128xi32, #tpu.memory_space<hbm>> -> memref<128xi32, #tpu.memory_space<hbm>>
      %dma_wait3A_304 = tpu.memref_slice %arg13[%dma_wait3A_297] : memref<4x!tpu.dma_semaphore, #tpu.memory_space<semaphore_mem>> -> memref<1x!tpu.dma_semaphore, #tpu.memory_space<semaphore_mem>>
      %dma_wait3A_305 = tpu.memref_squeeze %dma_wait3A_304 : memref<1x!tpu.dma_semaphore, #tpu.memory_space<semaphore_mem>> -> memref<!tpu.dma_semaphore, #tpu.memory_space<semaphore_mem>>
      %dma_wait3A_306 = arith.constant 0 : i32
      %dma_wait3A_307 = tpu.memref_slice %arg9[%dma_wait3A_296, %dma_wait3A_306] : memref<4x128xi32, #tpu.memory_space<vmem>> -> memref<1x128xi32, #tpu.memory_space<vmem>>
      %dma_wait3A_308 = tpu.memref_squeeze %dma_wait3A_307 : memref<1x128xi32, #tpu.memory_space<vmem>> -> memref<128xi32, #tpu.memory_space<vmem>>
      %dma_wait3A_309 = arith.constant 0 : i32
      %dma_wait3A_310 = tpu.memref_slice %arg3[%arg1, %dma_wait3A_309] : memref<1280x128xi32, #tpu.memory_space<hbm>> -> memref<1x128xi32, #tpu.memory_space<hbm>>
      %dma_wait3A_311 = tpu.memref_squeeze %dma_wait3A_310 : memref<1x128xi32, #tpu.memory_space<hbm>> -> memref<128xi32, #tpu.memory_space<hbm>>
      tpu.wait_dma2 semaphore(%dma_wait3A_305 : memref<!tpu.dma_semaphore, #tpu.memory_space<semaphore_mem>>) src(%dma_wait3A_311 : memref<128xi32, #tpu.memory_space<hbm>>) dst(%dma_wait3A_308 : memref<128xi32, #tpu.memory_space<vmem>>)
      %dma_start3A_312 = arith.constant 0 : i32
      %dma_start3A_313 = arith.constant 0 : i32
      %dma_start3A_314 = arith.constant 0 : i32
      %dma_start3A_315 = arith.constant 0 : i32
      %dma_start3A_316 = tpu.memref_slice %arg7[%dma_start3A_312, %dma_start3A_314, %dma_start3A_315] : memref<2x128x128xf32, #tpu.memory_space<vmem>> -> memref<1x128x128xf32, #tpu.memory_space<vmem>>
      %dma_start3A_317 = tpu.memref_squeeze %dma_start3A_316 : memref<1x128x128xf32, #tpu.memory_space<vmem>> -> memref<128x128xf32, #tpu.memory_space<vmem>>
      %dma_start3A_318 = arith.constant 0 : i32
      %dma_start3A_319 = tpu.memref_slice %arg6[%mul3A_0, %dma_start3A_318] : memref<10240x128xf32, #tpu.memory_space<vmem_shared>> -> memref<128x128xf32, #tpu.memory_space<vmem_shared>>
      %dma_start3A_320 = tpu.memref_slice %arg11[%dma_start3A_313] : memref<2x!tpu.dma_semaphore, #tpu.memory_space<semaphore_mem>> -> memref<1x!tpu.dma_semaphore, #tpu.memory_space<semaphore_mem>>
      %dma_start3A_321 = tpu.memref_squeeze %dma_start3A_320 : memref<1x!tpu.dma_semaphore, #tpu.memory_space<semaphore_mem>> -> memref<!tpu.dma_semaphore, #tpu.memory_space<semaphore_mem>>
      %dma_start3A_322 = arith.constant 0 : i32
      %dma_start3A_323 = tpu.memref_slice %arg6[%mul3A_0, %dma_start3A_322] : memref<10240x128xf32, #tpu.memory_space<vmem_shared>> -> memref<128x128xf32, #tpu.memory_space<vmem_shared>>
      %dma_start3A_324 = arith.constant 0 : i32
      %dma_start3A_325 = arith.constant 0 : i32
      %dma_start3A_326 = tpu.memref_slice %arg7[%dma_start3A_312, %dma_start3A_324, %dma_start3A_325] : memref<2x128x128xf32, #tpu.memory_space<vmem>> -> memref<1x128x128xf32, #tpu.memory_space<vmem>>
      %dma_start3A_327 = tpu.memref_squeeze %dma_start3A_326 : memref<1x128x128xf32, #tpu.memory_space<vmem>> -> memref<128x128xf32, #tpu.memory_space<vmem>>
      tpu.enqueue_dma source(%dma_start3A_327 : memref<128x128xf32, #tpu.memory_space<vmem>>) target(%dma_start3A_323 : memref<128x128xf32, #tpu.memory_space<vmem_shared>>) target_semaphore(%dma_start3A_321 : memref<!tpu.dma_semaphore, #tpu.memory_space<semaphore_mem>>)
      %ge3A_328 = arith.constant 1 : i32
      %ge3A_329 = arith.cmpi sge, %add3A_277, %ge3A_328 : i32
      %convert_element_type3A_330 = arith.extui %ge3A_329 : i1 to i32
      %cond3A_331 = arith.constant 0 : i32
      %cond3A_332 = arith.cmpi ne, %convert_element_type3A_330, %cond3A_331 : i32
      scf.if %cond3A_332 {
        %dma_wait3A_420 = arith.constant 1 : i32
        %dma_wait3A_421 = arith.constant 1 : i32
        %dma_wait3A_422 = arith.constant 0 : i32
        %dma_wait3A_423 = arith.constant 0 : i32
        %dma_wait3A_424 = tpu.memref_slice %arg7[%dma_wait3A_420, %dma_wait3A_422, %dma_wait3A_423] : memref<2x128x128xf32, #tpu.memory_space<vmem>> -> memref<1x128x128xf32, #tpu.memory_space<vmem>>
        %dma_wait3A_425 = tpu.memref_squeeze %dma_wait3A_424 : memref<1x128x128xf32, #tpu.memory_space<vmem>> -> memref<128x128xf32, #tpu.memory_space<vmem>>
        %dma_wait3A_426 = arith.constant 0 : i32
        %dma_wait3A_427 = tpu.memref_slice %arg6[%mul3A_0, %dma_wait3A_426] : memref<10240x128xf32, #tpu.memory_space<vmem_shared>> -> memref<128x128xf32, #tpu.memory_space<vmem_shared>>
        %dma_wait3A_428 = tpu.memref_slice %arg11[%dma_wait3A_421] : memref<2x!tpu.dma_semaphore, #tpu.memory_space<semaphore_mem>> -> memref<1x!tpu.dma_semaphore, #tpu.memory_space<semaphore_mem>>
        %dma_wait3A_429 = tpu.memref_squeeze %dma_wait3A_428 : memref<1x!tpu.dma_semaphore, #tpu.memory_space<semaphore_mem>> -> memref<!tpu.dma_semaphore, #tpu.memory_space<semaphore_mem>>
        %dma_wait3A_430 = arith.constant 0 : i32
        %dma_wait3A_431 = tpu.memref_slice %arg6[%mul3A_0, %dma_wait3A_430] : memref<10240x128xf32, #tpu.memory_space<vmem_shared>> -> memref<128x128xf32, #tpu.memory_space<vmem_shared>>
        %dma_wait3A_432 = arith.constant 0 : i32
        %dma_wait3A_433 = arith.constant 0 : i32
        %dma_wait3A_434 = tpu.memref_slice %arg7[%dma_wait3A_420, %dma_wait3A_432, %dma_wait3A_433] : memref<2x128x128xf32, #tpu.memory_space<vmem>> -> memref<1x128x128xf32, #tpu.memory_space<vmem>>
        %dma_wait3A_435 = tpu.memref_squeeze %dma_wait3A_434 : memref<1x128x128xf32, #tpu.memory_space<vmem>> -> memref<128x128xf32, #tpu.memory_space<vmem>>
        tpu.wait_dma2 semaphore(%dma_wait3A_429 : memref<!tpu.dma_semaphore, #tpu.memory_space<semaphore_mem>>) src(%dma_wait3A_435 : memref<128x128xf32, #tpu.memory_space<vmem>>) dst(%dma_wait3A_431 : memref<128x128xf32, #tpu.memory_space<vmem_shared>>)
      } else {
      }
      %add3A_333 = arith.constant 2 : i32
      %add3A_334 = arith.addi %add3A_277, %add3A_333 : i32
      %lt3A_335 = arith.constant 80 : i32
      %lt3A_336 = arith.cmpi slt, %add3A_334, %lt3A_335 : i32
      %convert_element_type3A_337 = arith.extui %lt3A_336 : i1 to i32
      %cond3A_338 = arith.constant 0 : i32
      %cond3A_339 = arith.cmpi ne, %convert_element_type3A_337, %cond3A_338 : i32
      scf.if %cond3A_339 {
        %add3A_420 = arith.constant 32 : i32
        %add3A_421 = arith.addi %add3A_280, %add3A_420 : i32
        %dma_start3A_422 = arith.constant 0 : i32
        %dma_start3A_423 = arith.constant 0 : i32
        %dma_start3A_424 = arith.constant 0 : i32
        %dma_start3A_425 = tpu.memref_slice %arg8[%dma_start3A_422, %dma_start3A_424] : memref<2x128xi32, #tpu.memory_space<vmem>> -> memref<1x128xi32, #tpu.memory_space<vmem>>
        %dma_start3A_426 = tpu.memref_squeeze %dma_start3A_425 : memref<1x128xi32, #tpu.memory_space<vmem>> -> memref<128xi32, #tpu.memory_space<vmem>>
        %dma_start3A_427 = arith.constant 0 : i32
        %dma_start3A_428 = tpu.memref_slice %arg2[%arg0, %add3A_421, %dma_start3A_427] : memref<2x1280x128xi32, #tpu.memory_space<hbm>> -> memref<1x1x128xi32, #tpu.memory_space<hbm>>
        %dma_start3A_429 = tpu.memref_squeeze %dma_start3A_428 : memref<1x1x128xi32, #tpu.memory_space<hbm>> -> memref<128xi32, #tpu.memory_space<hbm>>
        %dma_start3A_430 = tpu.memref_slice %arg12[%dma_start3A_423] : memref<2x!tpu.dma_semaphore, #tpu.memory_space<semaphore_mem>> -> memref<1x!tpu.dma_semaphore, #tpu.memory_space<semaphore_mem>>
        %dma_start3A_431 = tpu.memref_squeeze %dma_start3A_430 : memref<1x!tpu.dma_semaphore, #tpu.memory_space<semaphore_mem>> -> memref<!tpu.dma_semaphore, #tpu.memory_space<semaphore_mem>>
        %dma_start3A_432 = arith.constant 0 : i32
        %dma_start3A_433 = tpu.memref_slice %arg8[%dma_start3A_422, %dma_start3A_432] : memref<2x128xi32, #tpu.memory_space<vmem>> -> memref<1x128xi32, #tpu.memory_space<vmem>>
        %dma_start3A_434 = tpu.memref_squeeze %dma_start3A_433 : memref<1x128xi32, #tpu.memory_space<vmem>> -> memref<128xi32, #tpu.memory_space<vmem>>
        %dma_start3A_435 = arith.constant 0 : i32
        %dma_start3A_436 = tpu.memref_slice %arg2[%arg0, %add3A_421, %dma_start3A_435] : memref<2x1280x128xi32, #tpu.memory_space<hbm>> -> memref<1x1x128xi32, #tpu.memory_space<hbm>>
        %dma_start3A_437 = tpu.memref_squeeze %dma_start3A_436 : memref<1x1x128xi32, #tpu.memory_space<hbm>> -> memref<128xi32, #tpu.memory_space<hbm>>
        tpu.enqueue_dma source(%dma_start3A_437 : memref<128xi32, #tpu.memory_space<hbm>>) target(%dma_start3A_434 : memref<128xi32, #tpu.memory_space<vmem>>) target_semaphore(%dma_start3A_431 : memref<!tpu.dma_semaphore, #tpu.memory_space<semaphore_mem>>)
        %add3A_438 = arith.constant 32 : i32
        %add3A_439 = arith.addi %add3A_280, %add3A_438 : i32
        %dma_start3A_440 = arith.constant 0 : i32
        %dma_start3A_441 = arith.constant 0 : i32
        %dma_start3A_442 = arith.constant 0 : i32
        %dma_start3A_443 = tpu.memref_slice %arg9[%dma_start3A_440, %dma_start3A_442] : memref<4x128xi32, #tpu.memory_space<vmem>> -> memref<1x128xi32, #tpu.memory_space<vmem>>
        %dma_start3A_444 = tpu.memref_squeeze %dma_start3A_443 : memref<1x128xi32, #tpu.memory_space<vmem>> -> memref<128xi32, #tpu.memory_space<vmem>>
        %dma_start3A_445 = arith.constant 0 : i32
        %dma_start3A_446 = tpu.memref_slice %arg3[%add3A_439, %dma_start3A_445] : memref<1280x128xi32, #tpu.memory_space<hbm>> -> memref<1x128xi32, #tpu.memory_space<hbm>>
        %dma_start3A_447 = tpu.memref_squeeze %dma_start3A_446 : memref<1x128xi32, #tpu.memory_space<hbm>> -> memref<128xi32, #tpu.memory_space<hbm>>
        %dma_start3A_448 = tpu.memref_slice %arg13[%dma_start3A_441] : memref<4x!tpu.dma_semaphore, #tpu.memory_space<semaphore_mem>> -> memref<1x!tpu.dma_semaphore, #tpu.memory_space<semaphore_mem>>
        %dma_start3A_449 = tpu.memref_squeeze %dma_start3A_448 : memref<1x!tpu.dma_semaphore, #tpu.memory_space<semaphore_mem>> -> memref<!tpu.dma_semaphore, #tpu.memory_space<semaphore_mem>>
        %dma_start3A_450 = arith.constant 0 : i32
        %dma_start3A_451 = tpu.memref_slice %arg9[%dma_start3A_440, %dma_start3A_450] : memref<4x128xi32, #tpu.memory_space<vmem>> -> memref<1x128xi32, #tpu.memory_space<vmem>>
        %dma_start3A_452 = tpu.memref_squeeze %dma_start3A_451 : memref<1x128xi32, #tpu.memory_space<vmem>> -> memref<128xi32, #tpu.memory_space<vmem>>
        %dma_start3A_453 = arith.constant 0 : i32
        %dma_start3A_454 = tpu.memref_slice %arg3[%add3A_439, %dma_start3A_453] : memref<1280x128xi32, #tpu.memory_space<hbm>> -> memref<1x128xi32, #tpu.memory_space<hbm>>
        %dma_start3A_455 = tpu.memref_squeeze %dma_start3A_454 : memref<1x128xi32, #tpu.memory_space<hbm>> -> memref<128xi32, #tpu.memory_space<hbm>>
        tpu.enqueue_dma source(%dma_start3A_455 : memref<128xi32, #tpu.memory_space<hbm>>) target(%dma_start3A_452 : memref<128xi32, #tpu.memory_space<vmem>>) target_semaphore(%dma_start3A_449 : memref<!tpu.dma_semaphore, #tpu.memory_space<semaphore_mem>>)
      } else {
      }
      %add3A_340 = arith.constant 1 : i32
      %add3A_341 = arith.addi %add3A_277, %add3A_340 : i32
      %lt3A_342 = arith.constant 80 : i32
      %lt3A_343 = arith.cmpi slt, %add3A_341, %lt3A_342 : i32
      %convert_element_type3A_344 = arith.extui %lt3A_343 : i1 to i32
      %cond3A_345 = arith.constant 0 : i32
      %cond3A_346 = arith.cmpi ne, %convert_element_type3A_344, %cond3A_345 : i32
      scf.if %cond3A_346 {
        %dma_wait3A_420 = arith.constant 1 : i32
        %dma_wait3A_421 = arith.constant 1 : i32
        %dma_wait3A_422 = arith.constant 0 : i32
        %dma_wait3A_423 = tpu.memref_slice %arg8[%dma_wait3A_420, %dma_wait3A_422] : memref<2x128xi32, #tpu.memory_space<vmem>> -> memref<1x128xi32, #tpu.memory_space<vmem>>
        %dma_wait3A_424 = tpu.memref_squeeze %dma_wait3A_423 : memref<1x128xi32, #tpu.memory_space<vmem>> -> memref<128xi32, #tpu.memory_space<vmem>>
        %dma_wait3A_425 = arith.constant 0 : i32
        %dma_wait3A_426 = tpu.memref_slice %arg2[%arg0, %arg1, %dma_wait3A_425] : memref<2x1280x128xi32, #tpu.memory_space<hbm>> -> memref<1x1x128xi32, #tpu.memory_space<hbm>>
        %dma_wait3A_427 = tpu.memref_squeeze %dma_wait3A_426 : memref<1x1x128xi32, #tpu.memory_space<hbm>> -> memref<128xi32, #tpu.memory_space<hbm>>
        %dma_wait3A_428 = tpu.memref_slice %arg12[%dma_wait3A_421] : memref<2x!tpu.dma_semaphore, #tpu.memory_space<semaphore_mem>> -> memref<1x!tpu.dma_semaphore, #tpu.memory_space<semaphore_mem>>
        %dma_wait3A_429 = tpu.memref_squeeze %dma_wait3A_428 : memref<1x!tpu.dma_semaphore, #tpu.memory_space<semaphore_mem>> -> memref<!tpu.dma_semaphore, #tpu.memory_space<semaphore_mem>>
        %dma_wait3A_430 = arith.constant 0 : i32
        %dma_wait3A_431 = tpu.memref_slice %arg8[%dma_wait3A_420, %dma_wait3A_430] : memref<2x128xi32, #tpu.memory_space<vmem>> -> memref<1x128xi32, #tpu.memory_space<vmem>>
        %dma_wait3A_432 = tpu.memref_squeeze %dma_wait3A_431 : memref<1x128xi32, #tpu.memory_space<vmem>> -> memref<128xi32, #tpu.memory_space<vmem>>
        %dma_wait3A_433 = arith.constant 0 : i32
        %dma_wait3A_434 = tpu.memref_slice %arg2[%arg0, %arg1, %dma_wait3A_433] : memref<2x1280x128xi32, #tpu.memory_space<hbm>> -> memref<1x1x128xi32, #tpu.memory_space<hbm>>
        %dma_wait3A_435 = tpu.memref_squeeze %dma_wait3A_434 : memref<1x1x128xi32, #tpu.memory_space<hbm>> -> memref<128xi32, #tpu.memory_space<hbm>>
        tpu.wait_dma2 semaphore(%dma_wait3A_429 : memref<!tpu.dma_semaphore, #tpu.memory_space<semaphore_mem>>) src(%dma_wait3A_435 : memref<128xi32, #tpu.memory_space<hbm>>) dst(%dma_wait3A_432 : memref<128xi32, #tpu.memory_space<vmem>>)
        %dma_start3A_436 = arith.constant 1 : i32
        %dma_start3A_437 = arith.constant 1 : i32
        %dma_start3A_438 = arith.constant 1 : i32
        %dma_start3A_439 = arith.constant 0 : i32
        %dma_start3A_440 = arith.constant 0 : i32
        %dma_start3A_441 = tpu.memref_slice %arg7[%dma_start3A_437, %dma_start3A_439, %dma_start3A_440] : memref<2x128x128xf32, #tpu.memory_space<vmem>> -> memref<1x128x128xf32, #tpu.memory_space<vmem>>
        %dma_start3A_442 = tpu.memref_squeeze %dma_start3A_441 : memref<1x128x128xf32, #tpu.memory_space<vmem>> -> memref<128x128xf32, #tpu.memory_space<vmem>>
        %dma_start3A_443 = arith.constant 0 : i32
        %dma_start3A_444 = tpu.memref_slice %arg8[%dma_start3A_436, %dma_start3A_443] : memref<2x128xi32, #tpu.memory_space<vmem>> -> memref<1x128xi32, #tpu.memory_space<vmem>>
        %dma_start3A_445 = tpu.memref_squeeze %dma_start3A_444 : memref<1x128xi32, #tpu.memory_space<vmem>> -> memref<128xi32, #tpu.memory_space<vmem>>
        %dma_start3A_446 = arith.constant 0 : i32
        %dma_start3A_447 = arith.constant 0 : i32
        %dma_start3A_448 = tpu.memref_slice %arg4[%dma_start3A_446, %dma_start3A_447] : memref<20480x128xf32, #tpu.memory_space<hbm>> -> memref<20480x128xf32, #tpu.memory_space<hbm>>
        %dma_start3A_449 = tpu.memref_slice %arg10[%dma_start3A_438] : memref<2x!tpu.dma_semaphore, #tpu.memory_space<semaphore_mem>> -> memref<1x!tpu.dma_semaphore, #tpu.memory_space<semaphore_mem>>
        %dma_start3A_450 = tpu.memref_squeeze %dma_start3A_449 : memref<1x!tpu.dma_semaphore, #tpu.memory_space<semaphore_mem>> -> memref<!tpu.dma_semaphore, #tpu.memory_space<semaphore_mem>>
        tpu.enqueue_indirect_dma source(%dma_start3A_448 : memref<20480x128xf32, #tpu.memory_space<hbm>>) target(%dma_start3A_442 : memref<128x128xf32, #tpu.memory_space<vmem>>) offsets(%dma_start3A_445 : memref<128xi32, #tpu.memory_space<vmem>>) semaphore(%dma_start3A_450 : memref<!tpu.dma_semaphore, #tpu.memory_space<semaphore_mem>>)
      } else {
      }
      %mul3A_347 = arith.constant 4 : i32
      %mul3A_348 = arith.muli %mul3A_347, %scan3A_131 : i32
      %add3A_349 = arith.constant 3 : i32
      %add3A_350 = arith.addi %mul3A_348, %add3A_349 : i32
      %mul3A_351 = arith.constant 16 : i32
      %mul3A_352 = arith.muli %add3A_350, %mul3A_351 : i32
      %add3A_353 = arith.addi %arg1, %mul3A_352 : i32
      %dma_wait3A_354 = arith.constant 1 : i32
      %dma_wait3A_355 = arith.constant 1 : i32
      %dma_wait3A_356 = arith.constant 1 : i32
      %dma_wait3A_357 = arith.constant 0 : i32
      %dma_wait3A_358 = arith.constant 0 : i32
      %dma_wait3A_359 = tpu.memref_slice %arg7[%dma_wait3A_355, %dma_wait3A_357, %dma_wait3A_358] : memref<2x128x128xf32, #tpu.memory_space<vmem>> -> memref<1x128x128xf32, #tpu.memory_space<vmem>>
      %dma_wait3A_360 = tpu.memref_squeeze %dma_wait3A_359 : memref<1x128x128xf32, #tpu.memory_space<vmem>> -> memref<128x128xf32, #tpu.memory_space<vmem>>
      %dma_wait3A_361 = arith.constant 0 : i32
      %dma_wait3A_362 = tpu.memref_slice %arg8[%dma_wait3A_354, %dma_wait3A_361] : memref<2x128xi32, #tpu.memory_space<vmem>> -> memref<1x128xi32, #tpu.memory_space<vmem>>
      %dma_wait3A_363 = tpu.memref_squeeze %dma_wait3A_362 : memref<1x128xi32, #tpu.memory_space<vmem>> -> memref<128xi32, #tpu.memory_space<vmem>>
      %dma_wait3A_364 = arith.constant 0 : i32
      %dma_wait3A_365 = arith.constant 0 : i32
      %dma_wait3A_366 = tpu.memref_slice %arg4[%dma_wait3A_364, %dma_wait3A_365] : memref<20480x128xf32, #tpu.memory_space<hbm>> -> memref<20480x128xf32, #tpu.memory_space<hbm>>
      %dma_wait3A_367 = tpu.memref_slice %arg10[%dma_wait3A_356] : memref<2x!tpu.dma_semaphore, #tpu.memory_space<semaphore_mem>> -> memref<1x!tpu.dma_semaphore, #tpu.memory_space<semaphore_mem>>
      %dma_wait3A_368 = tpu.memref_squeeze %dma_wait3A_367 : memref<1x!tpu.dma_semaphore, #tpu.memory_space<semaphore_mem>> -> memref<!tpu.dma_semaphore, #tpu.memory_space<semaphore_mem>>
      tpu.wait_indirect_dma semaphore(%dma_wait3A_368 : memref<!tpu.dma_semaphore, #tpu.memory_space<semaphore_mem>>) src(%dma_wait3A_366 : memref<20480x128xf32, #tpu.memory_space<hbm>>) dst(%dma_wait3A_360 : memref<128x128xf32, #tpu.memory_space<vmem>>)
      %dma_wait3A_369 = arith.constant 3 : i32
      %dma_wait3A_370 = arith.constant 3 : i32
      %dma_wait3A_371 = arith.constant 0 : i32
      %dma_wait3A_372 = tpu.memref_slice %arg9[%dma_wait3A_369, %dma_wait3A_371] : memref<4x128xi32, #tpu.memory_space<vmem>> -> memref<1x128xi32, #tpu.memory_space<vmem>>
      %dma_wait3A_373 = tpu.memref_squeeze %dma_wait3A_372 : memref<1x128xi32, #tpu.memory_space<vmem>> -> memref<128xi32, #tpu.memory_space<vmem>>
      %dma_wait3A_374 = arith.constant 0 : i32
      %dma_wait3A_375 = tpu.memref_slice %arg3[%arg1, %dma_wait3A_374] : memref<1280x128xi32, #tpu.memory_space<hbm>> -> memref<1x128xi32, #tpu.memory_space<hbm>>
      %dma_wait3A_376 = tpu.memref_squeeze %dma_wait3A_375 : memref<1x128xi32, #tpu.memory_space<hbm>> -> memref<128xi32, #tpu.memory_space<hbm>>
      %dma_wait3A_377 = tpu.memref_slice %arg13[%dma_wait3A_370] : memref<4x!tpu.dma_semaphore, #tpu.memory_space<semaphore_mem>> -> memref<1x!tpu.dma_semaphore, #tpu.memory_space<semaphore_mem>>
      %dma_wait3A_378 = tpu.memref_squeeze %dma_wait3A_377 : memref<1x!tpu.dma_semaphore, #tpu.memory_space<semaphore_mem>> -> memref<!tpu.dma_semaphore, #tpu.memory_space<semaphore_mem>>
      %dma_wait3A_379 = arith.constant 0 : i32
      %dma_wait3A_380 = tpu.memref_slice %arg9[%dma_wait3A_369, %dma_wait3A_379] : memref<4x128xi32, #tpu.memory_space<vmem>> -> memref<1x128xi32, #tpu.memory_space<vmem>>
      %dma_wait3A_381 = tpu.memref_squeeze %dma_wait3A_380 : memref<1x128xi32, #tpu.memory_space<vmem>> -> memref<128xi32, #tpu.memory_space<vmem>>
      %dma_wait3A_382 = arith.constant 0 : i32
      %dma_wait3A_383 = tpu.memref_slice %arg3[%arg1, %dma_wait3A_382] : memref<1280x128xi32, #tpu.memory_space<hbm>> -> memref<1x128xi32, #tpu.memory_space<hbm>>
      %dma_wait3A_384 = tpu.memref_squeeze %dma_wait3A_383 : memref<1x128xi32, #tpu.memory_space<hbm>> -> memref<128xi32, #tpu.memory_space<hbm>>
      tpu.wait_dma2 semaphore(%dma_wait3A_378 : memref<!tpu.dma_semaphore, #tpu.memory_space<semaphore_mem>>) src(%dma_wait3A_384 : memref<128xi32, #tpu.memory_space<hbm>>) dst(%dma_wait3A_381 : memref<128xi32, #tpu.memory_space<vmem>>)
      %dma_start3A_385 = arith.constant 1 : i32
      %dma_start3A_386 = arith.constant 1 : i32
      %dma_start3A_387 = arith.constant 0 : i32
      %dma_start3A_388 = arith.constant 0 : i32
      %dma_start3A_389 = tpu.memref_slice %arg7[%dma_start3A_385, %dma_start3A_387, %dma_start3A_388] : memref<2x128x128xf32, #tpu.memory_space<vmem>> -> memref<1x128x128xf32, #tpu.memory_space<vmem>>
      %dma_start3A_390 = tpu.memref_squeeze %dma_start3A_389 : memref<1x128x128xf32, #tpu.memory_space<vmem>> -> memref<128x128xf32, #tpu.memory_space<vmem>>
      %dma_start3A_391 = arith.constant 0 : i32
      %dma_start3A_392 = tpu.memref_slice %arg6[%mul3A_0, %dma_start3A_391] : memref<10240x128xf32, #tpu.memory_space<vmem_shared>> -> memref<128x128xf32, #tpu.memory_space<vmem_shared>>
      %dma_start3A_393 = tpu.memref_slice %arg11[%dma_start3A_386] : memref<2x!tpu.dma_semaphore, #tpu.memory_space<semaphore_mem>> -> memref<1x!tpu.dma_semaphore, #tpu.memory_space<semaphore_mem>>
      %dma_start3A_394 = tpu.memref_squeeze %dma_start3A_393 : memref<1x!tpu.dma_semaphore, #tpu.memory_space<semaphore_mem>> -> memref<!tpu.dma_semaphore, #tpu.memory_space<semaphore_mem>>
      %dma_start3A_395 = arith.constant 0 : i32
      %dma_start3A_396 = tpu.memref_slice %arg6[%mul3A_0, %dma_start3A_395] : memref<10240x128xf32, #tpu.memory_space<vmem_shared>> -> memref<128x128xf32, #tpu.memory_space<vmem_shared>>
      %dma_start3A_397 = arith.constant 0 : i32
      %dma_start3A_398 = arith.constant 0 : i32
      %dma_start3A_399 = tpu.memref_slice %arg7[%dma_start3A_385, %dma_start3A_397, %dma_start3A_398] : memref<2x128x128xf32, #tpu.memory_space<vmem>> -> memref<1x128x128xf32, #tpu.memory_space<vmem>>
      %dma_start3A_400 = tpu.memref_squeeze %dma_start3A_399 : memref<1x128x128xf32, #tpu.memory_space<vmem>> -> memref<128x128xf32, #tpu.memory_space<vmem>>
      tpu.enqueue_dma source(%dma_start3A_400 : memref<128x128xf32, #tpu.memory_space<vmem>>) target(%dma_start3A_396 : memref<128x128xf32, #tpu.memory_space<vmem_shared>>) target_semaphore(%dma_start3A_394 : memref<!tpu.dma_semaphore, #tpu.memory_space<semaphore_mem>>)
      %ge3A_401 = arith.constant 1 : i32
      %ge3A_402 = arith.cmpi sge, %add3A_350, %ge3A_401 : i32
      %convert_element_type3A_403 = arith.extui %ge3A_402 : i1 to i32
      %cond3A_404 = arith.constant 0 : i32
      %cond3A_405 = arith.cmpi ne, %convert_element_type3A_403, %cond3A_404 : i32
      scf.if %cond3A_405 {
        %dma_wait3A_420 = arith.constant 0 : i32
        %dma_wait3A_421 = arith.constant 0 : i32
        %dma_wait3A_422 = arith.constant 0 : i32
        %dma_wait3A_423 = arith.constant 0 : i32
        %dma_wait3A_424 = tpu.memref_slice %arg7[%dma_wait3A_420, %dma_wait3A_422, %dma_wait3A_423] : memref<2x128x128xf32, #tpu.memory_space<vmem>> -> memref<1x128x128xf32, #tpu.memory_space<vmem>>
        %dma_wait3A_425 = tpu.memref_squeeze %dma_wait3A_424 : memref<1x128x128xf32, #tpu.memory_space<vmem>> -> memref<128x128xf32, #tpu.memory_space<vmem>>
        %dma_wait3A_426 = arith.constant 0 : i32
        %dma_wait3A_427 = tpu.memref_slice %arg6[%mul3A_0, %dma_wait3A_426] : memref<10240x128xf32, #tpu.memory_space<vmem_shared>> -> memref<128x128xf32, #tpu.memory_space<vmem_shared>>
        %dma_wait3A_428 = tpu.memref_slice %arg11[%dma_wait3A_421] : memref<2x!tpu.dma_semaphore, #tpu.memory_space<semaphore_mem>> -> memref<1x!tpu.dma_semaphore, #tpu.memory_space<semaphore_mem>>
        %dma_wait3A_429 = tpu.memref_squeeze %dma_wait3A_428 : memref<1x!tpu.dma_semaphore, #tpu.memory_space<semaphore_mem>> -> memref<!tpu.dma_semaphore, #tpu.memory_space<semaphore_mem>>
        %dma_wait3A_430 = arith.constant 0 : i32
        %dma_wait3A_431 = tpu.memref_slice %arg6[%mul3A_0, %dma_wait3A_430] : memref<10240x128xf32, #tpu.memory_space<vmem_shared>> -> memref<128x128xf32, #tpu.memory_space<vmem_shared>>
        %dma_wait3A_432 = arith.constant 0 : i32
        %dma_wait3A_433 = arith.constant 0 : i32
        %dma_wait3A_434 = tpu.memref_slice %arg7[%dma_wait3A_420, %dma_wait3A_432, %dma_wait3A_433] : memref<2x128x128xf32, #tpu.memory_space<vmem>> -> memref<1x128x128xf32, #tpu.memory_space<vmem>>
        %dma_wait3A_435 = tpu.memref_squeeze %dma_wait3A_434 : memref<1x128x128xf32, #tpu.memory_space<vmem>> -> memref<128x128xf32, #tpu.memory_space<vmem>>
        tpu.wait_dma2 semaphore(%dma_wait3A_429 : memref<!tpu.dma_semaphore, #tpu.memory_space<semaphore_mem>>) src(%dma_wait3A_435 : memref<128x128xf32, #tpu.memory_space<vmem>>) dst(%dma_wait3A_431 : memref<128x128xf32, #tpu.memory_space<vmem_shared>>)
      } else {
      }
      %add3A_406 = arith.constant 2 : i32
      %add3A_407 = arith.addi %add3A_350, %add3A_406 : i32
      %lt3A_408 = arith.constant 80 : i32
      %lt3A_409 = arith.cmpi slt, %add3A_407, %lt3A_408 : i32
      %convert_element_type3A_410 = arith.extui %lt3A_409 : i1 to i32
      %cond3A_411 = arith.constant 0 : i32
      %cond3A_412 = arith.cmpi ne, %convert_element_type3A_410, %cond3A_411 : i32
      scf.if %cond3A_412 {
        %add3A_420 = arith.constant 32 : i32
        %add3A_421 = arith.addi %add3A_353, %add3A_420 : i32
        %dma_start3A_422 = arith.constant 1 : i32
        %dma_start3A_423 = arith.constant 1 : i32
        %dma_start3A_424 = arith.constant 0 : i32
        %dma_start3A_425 = tpu.memref_slice %arg8[%dma_start3A_422, %dma_start3A_424] : memref<2x128xi32, #tpu.memory_space<vmem>> -> memref<1x128xi32, #tpu.memory_space<vmem>>
        %dma_start3A_426 = tpu.memref_squeeze %dma_start3A_425 : memref<1x128xi32, #tpu.memory_space<vmem>> -> memref<128xi32, #tpu.memory_space<vmem>>
        %dma_start3A_427 = arith.constant 0 : i32
        %dma_start3A_428 = tpu.memref_slice %arg2[%arg0, %add3A_421, %dma_start3A_427] : memref<2x1280x128xi32, #tpu.memory_space<hbm>> -> memref<1x1x128xi32, #tpu.memory_space<hbm>>
        %dma_start3A_429 = tpu.memref_squeeze %dma_start3A_428 : memref<1x1x128xi32, #tpu.memory_space<hbm>> -> memref<128xi32, #tpu.memory_space<hbm>>
        %dma_start3A_430 = tpu.memref_slice %arg12[%dma_start3A_423] : memref<2x!tpu.dma_semaphore, #tpu.memory_space<semaphore_mem>> -> memref<1x!tpu.dma_semaphore, #tpu.memory_space<semaphore_mem>>
        %dma_start3A_431 = tpu.memref_squeeze %dma_start3A_430 : memref<1x!tpu.dma_semaphore, #tpu.memory_space<semaphore_mem>> -> memref<!tpu.dma_semaphore, #tpu.memory_space<semaphore_mem>>
        %dma_start3A_432 = arith.constant 0 : i32
        %dma_start3A_433 = tpu.memref_slice %arg8[%dma_start3A_422, %dma_start3A_432] : memref<2x128xi32, #tpu.memory_space<vmem>> -> memref<1x128xi32, #tpu.memory_space<vmem>>
        %dma_start3A_434 = tpu.memref_squeeze %dma_start3A_433 : memref<1x128xi32, #tpu.memory_space<vmem>> -> memref<128xi32, #tpu.memory_space<vmem>>
        %dma_start3A_435 = arith.constant 0 : i32
        %dma_start3A_436 = tpu.memref_slice %arg2[%arg0, %add3A_421, %dma_start3A_435] : memref<2x1280x128xi32, #tpu.memory_space<hbm>> -> memref<1x1x128xi32, #tpu.memory_space<hbm>>
        %dma_start3A_437 = tpu.memref_squeeze %dma_start3A_436 : memref<1x1x128xi32, #tpu.memory_space<hbm>> -> memref<128xi32, #tpu.memory_space<hbm>>
        tpu.enqueue_dma source(%dma_start3A_437 : memref<128xi32, #tpu.memory_space<hbm>>) target(%dma_start3A_434 : memref<128xi32, #tpu.memory_space<vmem>>) target_semaphore(%dma_start3A_431 : memref<!tpu.dma_semaphore, #tpu.memory_space<semaphore_mem>>)
        %add3A_438 = arith.constant 32 : i32
        %add3A_439 = arith.addi %add3A_353, %add3A_438 : i32
        %dma_start3A_440 = arith.constant 1 : i32
        %dma_start3A_441 = arith.constant 1 : i32
        %dma_start3A_442 = arith.constant 0 : i32
        %dma_start3A_443 = tpu.memref_slice %arg9[%dma_start3A_440, %dma_start3A_442] : memref<4x128xi32, #tpu.memory_space<vmem>> -> memref<1x128xi32, #tpu.memory_space<vmem>>
        %dma_start3A_444 = tpu.memref_squeeze %dma_start3A_443 : memref<1x128xi32, #tpu.memory_space<vmem>> -> memref<128xi32, #tpu.memory_space<vmem>>
        %dma_start3A_445 = arith.constant 0 : i32
        %dma_start3A_446 = tpu.memref_slice %arg3[%add3A_439, %dma_start3A_445] : memref<1280x128xi32, #tpu.memory_space<hbm>> -> memref<1x128xi32, #tpu.memory_space<hbm>>
        %dma_start3A_447 = tpu.memref_squeeze %dma_start3A_446 : memref<1x128xi32, #tpu.memory_space<hbm>> -> memref<128xi32, #tpu.memory_space<hbm>>
        %dma_start3A_448 = tpu.memref_slice %arg13[%dma_start3A_441] : memref<4x!tpu.dma_semaphore, #tpu.memory_space<semaphore_mem>> -> memref<1x!tpu.dma_semaphore, #tpu.memory_space<semaphore_mem>>
        %dma_start3A_449 = tpu.memref_squeeze %dma_start3A_448 : memref<1x!tpu.dma_semaphore, #tpu.memory_space<semaphore_mem>> -> memref<!tpu.dma_semaphore, #tpu.memory_space<semaphore_mem>>
        %dma_start3A_450 = arith.constant 0 : i32
        %dma_start3A_451 = tpu.memref_slice %arg9[%dma_start3A_440, %dma_start3A_450] : memref<4x128xi32, #tpu.memory_space<vmem>> -> memref<1x128xi32, #tpu.memory_space<vmem>>
        %dma_start3A_452 = tpu.memref_squeeze %dma_start3A_451 : memref<1x128xi32, #tpu.memory_space<vmem>> -> memref<128xi32, #tpu.memory_space<vmem>>
        %dma_start3A_453 = arith.constant 0 : i32
        %dma_start3A_454 = tpu.memref_slice %arg3[%add3A_439, %dma_start3A_453] : memref<1280x128xi32, #tpu.memory_space<hbm>> -> memref<1x128xi32, #tpu.memory_space<hbm>>
        %dma_start3A_455 = tpu.memref_squeeze %dma_start3A_454 : memref<1x128xi32, #tpu.memory_space<hbm>> -> memref<128xi32, #tpu.memory_space<hbm>>
        tpu.enqueue_dma source(%dma_start3A_455 : memref<128xi32, #tpu.memory_space<hbm>>) target(%dma_start3A_452 : memref<128xi32, #tpu.memory_space<vmem>>) target_semaphore(%dma_start3A_449 : memref<!tpu.dma_semaphore, #tpu.memory_space<semaphore_mem>>)
      } else {
      }
      %add3A_413 = arith.constant 1 : i32
      %add3A_414 = arith.addi %add3A_350, %add3A_413 : i32
      %lt3A_415 = arith.constant 80 : i32
      %lt3A_416 = arith.cmpi slt, %add3A_414, %lt3A_415 : i32
      %convert_element_type3A_417 = arith.extui %lt3A_416 : i1 to i32
      %cond3A_418 = arith.constant 0 : i32
      %cond3A_419 = arith.cmpi ne, %convert_element_type3A_417, %cond3A_418 : i32
      scf.if %cond3A_419 {
        %dma_wait3A_420 = arith.constant 0 : i32
        %dma_wait3A_421 = arith.constant 0 : i32
        %dma_wait3A_422 = arith.constant 0 : i32
        %dma_wait3A_423 = tpu.memref_slice %arg8[%dma_wait3A_420, %dma_wait3A_422] : memref<2x128xi32, #tpu.memory_space<vmem>> -> memref<1x128xi32, #tpu.memory_space<vmem>>
        %dma_wait3A_424 = tpu.memref_squeeze %dma_wait3A_423 : memref<1x128xi32, #tpu.memory_space<vmem>> -> memref<128xi32, #tpu.memory_space<vmem>>
        %dma_wait3A_425 = arith.constant 0 : i32
        %dma_wait3A_426 = tpu.memref_slice %arg2[%arg0, %arg1, %dma_wait3A_425] : memref<2x1280x128xi32, #tpu.memory_space<hbm>> -> memref<1x1x128xi32, #tpu.memory_space<hbm>>
        %dma_wait3A_427 = tpu.memref_squeeze %dma_wait3A_426 : memref<1x1x128xi32, #tpu.memory_space<hbm>> -> memref<128xi32, #tpu.memory_space<hbm>>
        %dma_wait3A_428 = tpu.memref_slice %arg12[%dma_wait3A_421] : memref<2x!tpu.dma_semaphore, #tpu.memory_space<semaphore_mem>> -> memref<1x!tpu.dma_semaphore, #tpu.memory_space<semaphore_mem>>
        %dma_wait3A_429 = tpu.memref_squeeze %dma_wait3A_428 : memref<1x!tpu.dma_semaphore, #tpu.memory_space<semaphore_mem>> -> memref<!tpu.dma_semaphore, #tpu.memory_space<semaphore_mem>>
        %dma_wait3A_430 = arith.constant 0 : i32
        %dma_wait3A_431 = tpu.memref_slice %arg8[%dma_wait3A_420, %dma_wait3A_430] : memref<2x128xi32, #tpu.memory_space<vmem>> -> memref<1x128xi32, #tpu.memory_space<vmem>>
        %dma_wait3A_432 = tpu.memref_squeeze %dma_wait3A_431 : memref<1x128xi32, #tpu.memory_space<vmem>> -> memref<128xi32, #tpu.memory_space<vmem>>
        %dma_wait3A_433 = arith.constant 0 : i32
        %dma_wait3A_434 = tpu.memref_slice %arg2[%arg0, %arg1, %dma_wait3A_433] : memref<2x1280x128xi32, #tpu.memory_space<hbm>> -> memref<1x1x128xi32, #tpu.memory_space<hbm>>
        %dma_wait3A_435 = tpu.memref_squeeze %dma_wait3A_434 : memref<1x1x128xi32, #tpu.memory_space<hbm>> -> memref<128xi32, #tpu.memory_space<hbm>>
        tpu.wait_dma2 semaphore(%dma_wait3A_429 : memref<!tpu.dma_semaphore, #tpu.memory_space<semaphore_mem>>) src(%dma_wait3A_435 : memref<128xi32, #tpu.memory_space<hbm>>) dst(%dma_wait3A_432 : memref<128xi32, #tpu.memory_space<vmem>>)
        %dma_start3A_436 = arith.constant 0 : i32
        %dma_start3A_437 = arith.constant 0 : i32
        %dma_start3A_438 = arith.constant 0 : i32
        %dma_start3A_439 = arith.constant 0 : i32
        %dma_start3A_440 = arith.constant 0 : i32
        %dma_start3A_441 = tpu.memref_slice %arg7[%dma_start3A_437, %dma_start3A_439, %dma_start3A_440] : memref<2x128x128xf32, #tpu.memory_space<vmem>> -> memref<1x128x128xf32, #tpu.memory_space<vmem>>
        %dma_start3A_442 = tpu.memref_squeeze %dma_start3A_441 : memref<1x128x128xf32, #tpu.memory_space<vmem>> -> memref<128x128xf32, #tpu.memory_space<vmem>>
        %dma_start3A_443 = arith.constant 0 : i32
        %dma_start3A_444 = tpu.memref_slice %arg8[%dma_start3A_436, %dma_start3A_443] : memref<2x128xi32, #tpu.memory_space<vmem>> -> memref<1x128xi32, #tpu.memory_space<vmem>>
        %dma_start3A_445 = tpu.memref_squeeze %dma_start3A_444 : memref<1x128xi32, #tpu.memory_space<vmem>> -> memref<128xi32, #tpu.memory_space<vmem>>
        %dma_start3A_446 = arith.constant 0 : i32
        %dma_start3A_447 = arith.constant 0 : i32
        %dma_start3A_448 = tpu.memref_slice %arg4[%dma_start3A_446, %dma_start3A_447] : memref<20480x128xf32, #tpu.memory_space<hbm>> -> memref<20480x128xf32, #tpu.memory_space<hbm>>
        %dma_start3A_449 = tpu.memref_slice %arg10[%dma_start3A_438] : memref<2x!tpu.dma_semaphore, #tpu.memory_space<semaphore_mem>> -> memref<1x!tpu.dma_semaphore, #tpu.memory_space<semaphore_mem>>
        %dma_start3A_450 = tpu.memref_squeeze %dma_start3A_449 : memref<1x!tpu.dma_semaphore, #tpu.memory_space<semaphore_mem>> -> memref<!tpu.dma_semaphore, #tpu.memory_space<semaphore_mem>>
        tpu.enqueue_indirect_dma source(%dma_start3A_448 : memref<20480x128xf32, #tpu.memory_space<hbm>>) target(%dma_start3A_442 : memref<128x128xf32, #tpu.memory_space<vmem>>) offsets(%dma_start3A_445 : memref<128xi32, #tpu.memory_space<vmem>>) semaphore(%dma_start3A_450 : memref<!tpu.dma_semaphore, #tpu.memory_space<semaphore_mem>>)
      } else {
      }
    }
    %scan3A_107 = arith.constant 20 : i32
    %dma_wait3A_108 = arith.constant 1 : i32
    %dma_wait3A_109 = arith.constant 1 : i32
    %dma_wait3A_110 = arith.constant 0 : i32
    %dma_wait3A_111 = arith.constant 0 : i32
    %dma_wait3A_112 = tpu.memref_slice %arg7[%dma_wait3A_108, %dma_wait3A_110, %dma_wait3A_111] : memref<2x128x128xf32, #tpu.memory_space<vmem>> -> memref<1x128x128xf32, #tpu.memory_space<vmem>>
    %dma_wait3A_113 = tpu.memref_squeeze %dma_wait3A_112 : memref<1x128x128xf32, #tpu.memory_space<vmem>> -> memref<128x128xf32, #tpu.memory_space<vmem>>
    %dma_wait3A_114 = arith.constant 0 : i32
    %dma_wait3A_115 = tpu.memref_slice %arg6[%mul3A_0, %dma_wait3A_114] : memref<10240x128xf32, #tpu.memory_space<vmem_shared>> -> memref<128x128xf32, #tpu.memory_space<vmem_shared>>
    %dma_wait3A_116 = tpu.memref_slice %arg11[%dma_wait3A_109] : memref<2x!tpu.dma_semaphore, #tpu.memory_space<semaphore_mem>> -> memref<1x!tpu.dma_semaphore, #tpu.memory_space<semaphore_mem>>
    %dma_wait3A_117 = tpu.memref_squeeze %dma_wait3A_116 : memref<1x!tpu.dma_semaphore, #tpu.memory_space<semaphore_mem>> -> memref<!tpu.dma_semaphore, #tpu.memory_space<semaphore_mem>>
    %dma_wait3A_118 = arith.constant 0 : i32
    %dma_wait3A_119 = tpu.memref_slice %arg6[%mul3A_0, %dma_wait3A_118] : memref<10240x128xf32, #tpu.memory_space<vmem_shared>> -> memref<128x128xf32, #tpu.memory_space<vmem_shared>>
    %dma_wait3A_120 = arith.constant 0 : i32
    %dma_wait3A_121 = arith.constant 0 : i32
    %dma_wait3A_122 = tpu.memref_slice %arg7[%dma_wait3A_108, %dma_wait3A_120, %dma_wait3A_121] : memref<2x128x128xf32, #tpu.memory_space<vmem>> -> memref<1x128x128xf32, #tpu.memory_space<vmem>>
    %dma_wait3A_123 = tpu.memref_squeeze %dma_wait3A_122 : memref<1x128x128xf32, #tpu.memory_space<vmem>> -> memref<128x128xf32, #tpu.memory_space<vmem>>
    tpu.wait_dma2 semaphore(%dma_wait3A_117 : memref<!tpu.dma_semaphore, #tpu.memory_space<semaphore_mem>>) src(%dma_wait3A_123 : memref<128x128xf32, #tpu.memory_space<vmem>>) dst(%dma_wait3A_119 : memref<128x128xf32, #tpu.memory_space<vmem_shared>>)
    %barrier3A_124 = arith.constant 0 : index
    tpu.barrier barrier_id(%barrier3A_124)
    %scan3A_125 = arith.constant 0 : i32
    %scan3A_126 = arith.constant 0 : i32
    %scan3A_127 = arith.constant 5 : i32
    %scan3A_128 = arith.addi %scan3A_126, %scan3A_127 : i32
    %scan3A_129 = arith.constant 1 : i32
    scf.for %scan3A_131 = %scan3A_126 to %scan3A_128 step %scan3A_129  : i32 {
      %mul3A_132 = arith.constant 128 : i32
      %mul3A_133 = arith.muli %scan3A_131, %mul3A_132 : i32
      %add3A_134 = arith.addi %mul3A_0, %mul3A_133 : i32
      %run_scoped3A = arith.constant 0 : i32
      "tpu.region"() ({
        %run_scoped3A_136 = tpu.sem_alloc : memref<!tpu.dma_semaphore, #tpu.memory_space<semaphore_mem>>
        %dma_start3A_137 = arith.constant 0 : i32
        %dma_start3A_138 = arith.constant 0 : i32
        %dma_start3A_139 = tpu.memref_slice %arg7[%run_scoped3A, %dma_start3A_137, %dma_start3A_138] : memref<2x128x128xf32, #tpu.memory_space<vmem>> -> memref<1x128x128xf32, #tpu.memory_space<vmem>>
        %dma_start3A_140 = tpu.memref_squeeze %dma_start3A_139 : memref<1x128x128xf32, #tpu.memory_space<vmem>> -> memref<128x128xf32, #tpu.memory_space<vmem>>
        %dma_start3A_141 = arith.constant 0 : i32
        %dma_start3A_142 = tpu.memref_slice %arg6[%add3A_134, %dma_start3A_141] : memref<10240x128xf32, #tpu.memory_space<vmem_shared>> -> memref<128x128xf32, #tpu.memory_space<vmem_shared>>
        %dma_start3A_143 = arith.constant 0 : i32
        %dma_start3A_144 = arith.constant 0 : i32
        %dma_start3A_145 = tpu.memref_slice %arg7[%run_scoped3A, %dma_start3A_143, %dma_start3A_144] : memref<2x128x128xf32, #tpu.memory_space<vmem>> -> memref<1x128x128xf32, #tpu.memory_space<vmem>>
        %dma_start3A_146 = tpu.memref_squeeze %dma_start3A_145 : memref<1x128x128xf32, #tpu.memory_space<vmem>> -> memref<128x128xf32, #tpu.memory_space<vmem>>
        %dma_start3A_147 = arith.constant 0 : i32
        %dma_start3A_148 = tpu.memref_slice %arg6[%add3A_134, %dma_start3A_147] : memref<10240x128xf32, #tpu.memory_space<vmem_shared>> -> memref<128x128xf32, #tpu.memory_space<vmem_shared>>
        tpu.enqueue_dma source(%dma_start3A_148 : memref<128x128xf32, #tpu.memory_space<vmem_shared>>) target(%dma_start3A_146 : memref<128x128xf32, #tpu.memory_space<vmem>>) target_semaphore(%run_scoped3A_136 : memref<!tpu.dma_semaphore, #tpu.memory_space<semaphore_mem>>)
        %dma_wait3A_149 = arith.constant 0 : i32
        %dma_wait3A_150 = arith.constant 0 : i32
        %dma_wait3A_151 = tpu.memref_slice %arg7[%run_scoped3A, %dma_wait3A_149, %dma_wait3A_150] : memref<2x128x128xf32, #tpu.memory_space<vmem>> -> memref<1x128x128xf32, #tpu.memory_space<vmem>>
        %dma_wait3A_152 = tpu.memref_squeeze %dma_wait3A_151 : memref<1x128x128xf32, #tpu.memory_space<vmem>> -> memref<128x128xf32, #tpu.memory_space<vmem>>
        %dma_wait3A_153 = arith.constant 0 : i32
        %dma_wait3A_154 = tpu.memref_slice %arg6[%add3A_134, %dma_wait3A_153] : memref<10240x128xf32, #tpu.memory_space<vmem_shared>> -> memref<128x128xf32, #tpu.memory_space<vmem_shared>>
        %dma_wait3A_155 = arith.constant 0 : i32
        %dma_wait3A_156 = arith.constant 0 : i32
        %dma_wait3A_157 = tpu.memref_slice %arg7[%run_scoped3A, %dma_wait3A_155, %dma_wait3A_156] : memref<2x128x128xf32, #tpu.memory_space<vmem>> -> memref<1x128x128xf32, #tpu.memory_space<vmem>>
        %dma_wait3A_158 = tpu.memref_squeeze %dma_wait3A_157 : memref<1x128x128xf32, #tpu.memory_space<vmem>> -> memref<128x128xf32, #tpu.memory_space<vmem>>
        %dma_wait3A_159 = arith.constant 0 : i32
        %dma_wait3A_160 = tpu.memref_slice %arg6[%add3A_134, %dma_wait3A_159] : memref<10240x128xf32, #tpu.memory_space<vmem_shared>> -> memref<128x128xf32, #tpu.memory_space<vmem_shared>>
        tpu.wait_dma2 semaphore(%run_scoped3A_136 : memref<!tpu.dma_semaphore, #tpu.memory_space<semaphore_mem>>) src(%dma_wait3A_160 : memref<128x128xf32, #tpu.memory_space<vmem_shared>>) dst(%dma_wait3A_158 : memref<128x128xf32, #tpu.memory_space<vmem>>)
        tpu.yield
      }) : () -> ()
      %run_scoped3A_135 = arith.constant 0 : i32
      "tpu.region"() ({
        %run_scoped3A_136 = tpu.sem_alloc : memref<!tpu.dma_semaphore, #tpu.memory_space<semaphore_mem>>
        %dma_start3A_137 = arith.constant 0 : i32
        %dma_start3A_138 = arith.constant 0 : i32
        %dma_start3A_139 = tpu.memref_slice %arg7[%run_scoped3A_135, %dma_start3A_137, %dma_start3A_138] : memref<2x128x128xf32, #tpu.memory_space<vmem>> -> memref<1x128x128xf32, #tpu.memory_space<vmem>>
        %dma_start3A_140 = tpu.memref_squeeze %dma_start3A_139 : memref<1x128x128xf32, #tpu.memory_space<vmem>> -> memref<128x128xf32, #tpu.memory_space<vmem>>
        %dma_start3A_141 = arith.constant 0 : i32
        %dma_start3A_142 = tpu.memref_slice %arg5[%arg0, %add3A_134, %dma_start3A_141] : memref<2x10240x128xf32, #tpu.memory_space<hbm>> -> memref<1x128x128xf32, #tpu.memory_space<hbm>>
        %dma_start3A_143 = tpu.memref_squeeze %dma_start3A_142 : memref<1x128x128xf32, #tpu.memory_space<hbm>> -> memref<128x128xf32, #tpu.memory_space<hbm>>
        %dma_start3A_144 = arith.constant 0 : i32
        %dma_start3A_145 = tpu.memref_slice %arg5[%arg0, %add3A_134, %dma_start3A_144] : memref<2x10240x128xf32, #tpu.memory_space<hbm>> -> memref<1x128x128xf32, #tpu.memory_space<hbm>>
        %dma_start3A_146 = tpu.memref_squeeze %dma_start3A_145 : memref<1x128x128xf32, #tpu.memory_space<hbm>> -> memref<128x128xf32, #tpu.memory_space<hbm>>
        %dma_start3A_147 = arith.constant 0 : i32
        %dma_start3A_148 = arith.constant 0 : i32
        %dma_start3A_149 = tpu.memref_slice %arg7[%run_scoped3A_135, %dma_start3A_147, %dma_start3A_148] : memref<2x128x128xf32, #tpu.memory_space<vmem>> -> memref<1x128x128xf32, #tpu.memory_space<vmem>>
        %dma_start3A_150 = tpu.memref_squeeze %dma_start3A_149 : memref<1x128x128xf32, #tpu.memory_space<vmem>> -> memref<128x128xf32, #tpu.memory_space<vmem>>
        tpu.enqueue_dma source(%dma_start3A_150 : memref<128x128xf32, #tpu.memory_space<vmem>>) target(%dma_start3A_146 : memref<128x128xf32, #tpu.memory_space<hbm>>) target_semaphore(%run_scoped3A_136 : memref<!tpu.dma_semaphore, #tpu.memory_space<semaphore_mem>>)
        %dma_wait3A_151 = arith.constant 0 : i32
        %dma_wait3A_152 = arith.constant 0 : i32
        %dma_wait3A_153 = tpu.memref_slice %arg7[%run_scoped3A_135, %dma_wait3A_151, %dma_wait3A_152] : memref<2x128x128xf32, #tpu.memory_space<vmem>> -> memref<1x128x128xf32, #tpu.memory_space<vmem>>
        %dma_wait3A_154 = tpu.memref_squeeze %dma_wait3A_153 : memref<1x128x128xf32, #tpu.memory_space<vmem>> -> memref<128x128xf32, #tpu.memory_space<vmem>>
        %dma_wait3A_155 = arith.constant 0 : i32
        %dma_wait3A_156 = tpu.memref_slice %arg5[%arg0, %add3A_134, %dma_wait3A_155] : memref<2x10240x128xf32, #tpu.memory_space<hbm>> -> memref<1x128x128xf32, #tpu.memory_space<hbm>>
        %dma_wait3A_157 = tpu.memref_squeeze %dma_wait3A_156 : memref<1x128x128xf32, #tpu.memory_space<hbm>> -> memref<128x128xf32, #tpu.memory_space<hbm>>
        %dma_wait3A_158 = arith.constant 0 : i32
        %dma_wait3A_159 = tpu.memref_slice %arg5[%arg0, %add3A_134, %dma_wait3A_158] : memref<2x10240x128xf32, #tpu.memory_space<hbm>> -> memref<1x128x128xf32, #tpu.memory_space<hbm>>
        %dma_wait3A_160 = tpu.memref_squeeze %dma_wait3A_159 : memref<1x128x128xf32, #tpu.memory_space<hbm>> -> memref<128x128xf32, #tpu.memory_space<hbm>>
        %dma_wait3A_161 = arith.constant 0 : i32
        %dma_wait3A_162 = arith.constant 0 : i32
        %dma_wait3A_163 = tpu.memref_slice %arg7[%run_scoped3A_135, %dma_wait3A_161, %dma_wait3A_162] : memref<2x128x128xf32, #tpu.memory_space<vmem>> -> memref<1x128x128xf32, #tpu.memory_space<vmem>>
        %dma_wait3A_164 = tpu.memref_squeeze %dma_wait3A_163 : memref<1x128x128xf32, #tpu.memory_space<vmem>> -> memref<128x128xf32, #tpu.memory_space<vmem>>
        tpu.wait_dma2 semaphore(%run_scoped3A_136 : memref<!tpu.dma_semaphore, #tpu.memory_space<semaphore_mem>>) src(%dma_wait3A_164 : memref<128x128xf32, #tpu.memory_space<vmem>>) dst(%dma_wait3A_160 : memref<128x128xf32, #tpu.memory_space<hbm>>)
        tpu.yield
      }) : () -> ()
    }
    %scan3A_130 = arith.constant 5 : i32
    return
  }
}

#map = affine_map<(d0, d1) -> (0, 0, 0)>
#map1 = affine_map<(d0, d1) -> (0, 0)>
module attributes {stable_mosaic.version = 14 : i64} {
  func.func @_agg_body(%arg0: i32, %arg1: i32, %arg2: memref<2x1280x128xi32, #tpu.memory_space<hbm>>, %arg3: memref<1280x128xi32, #tpu.memory_space<hbm>>, %arg4: memref<20480x128xf32, #tpu.memory_space<hbm>>, %arg5: memref<2x10240x128xf32, #tpu.memory_space<hbm>>, %arg6: memref<10240x128xf32, #tpu.memory_space<vmem_shared>>, %arg7: memref<2x128x128xf32, #tpu.memory_space<vmem>>, %arg8: memref<2x128xi32, #tpu.memory_space<vmem>>, %arg9: memref<4x128xi32, #tpu.memory_space<vmem>>, %arg10: memref<2x!tpu.dma_semaphore, #tpu.memory_space<semaphore_mem>>, %arg11: memref<2x!tpu.dma_semaphore, #tpu.memory_space<semaphore_mem>>, %arg12: memref<2x!tpu.dma_semaphore, #tpu.memory_space<semaphore_mem>>, %arg13: memref<4x!tpu.dma_semaphore, #tpu.memory_space<semaphore_mem>>) attributes {dimension_semantics = [#tpu.dimension_semantics<core_parallel>, #tpu.dimension_semantics<subcore_parallel>], iteration_bounds = array<i64: 2, 16>, scalar_prefetch = 0 : i64, scratch_operands = 8 : i64, tpu.core_type = #tpu.core_type<sc_vector_subcore>, window_params = [{transform_indices = #map}, {transform_indices = #map1}, {transform_indices = #map1}, {transform_indices = #map}]} {
    %mul3A = arith.constant 640 : i32
    %mul3A_0 = arith.muli %arg1, %mul3A : i32
    %scan3A = arith.constant 0 : i32
    %scan3A_1 = arith.constant 0 : i32
    %scan3A_2 = arith.constant 5 : i32
    %scan3A_3 = arith.addi %scan3A_1, %scan3A_2 : i32
    %scan3A_4 = arith.constant 1 : i32
    scf.for %scan3A_131 = %scan3A_1 to %scan3A_3 step %scan3A_4  : i32 {
      %mul3A_132 = arith.constant 128 : i32
      %mul3A_133 = arith.muli %scan3A_131, %mul3A_132 : i32
      %add3A_134 = arith.addi %mul3A_0, %mul3A_133 : i32
      %mul3A_135 = arith.constant 10240 : i32
      %mul3A_136 = arith.muli %arg0, %mul3A_135 : i32
      %add3A_137 = arith.addi %mul3A_136, %add3A_134 : i32
      %run_scoped3A = arith.constant 0 : i32
      "tpu.region"() ({
        %run_scoped3A_139 = tpu.sem_alloc : memref<!tpu.dma_semaphore, #tpu.memory_space<semaphore_mem>>
        %dma_start3A_140 = arith.constant 0 : i32
        %dma_start3A_141 = arith.constant 0 : i32
        %dma_start3A_142 = tpu.memref_slice %arg7[%run_scoped3A, %dma_start3A_140, %dma_start3A_141] : memref<2x128x128xf32, #tpu.memory_space<vmem>> -> memref<1x128x128xf32, #tpu.memory_space<vmem>>
        %dma_start3A_143 = tpu.memref_squeeze %dma_start3A_142 : memref<1x128x128xf32, #tpu.memory_space<vmem>> -> memref<128x128xf32, #tpu.memory_space<vmem>>
        %dma_start3A_144 = arith.constant 0 : i32
        %dma_start3A_145 = tpu.memref_slice %arg4[%add3A_137, %dma_start3A_144] : memref<20480x128xf32, #tpu.memory_space<hbm>> -> memref<128x128xf32, #tpu.memory_space<hbm>>
        %dma_start3A_146 = arith.constant 0 : i32
        %dma_start3A_147 = arith.constant 0 : i32
        %dma_start3A_148 = tpu.memref_slice %arg7[%run_scoped3A, %dma_start3A_146, %dma_start3A_147] : memref<2x128x128xf32, #tpu.memory_space<vmem>> -> memref<1x128x128xf32, #tpu.memory_space<vmem>>
        %dma_start3A_149 = tpu.memref_squeeze %dma_start3A_148 : memref<1x128x128xf32, #tpu.memory_space<vmem>> -> memref<128x128xf32, #tpu.memory_space<vmem>>
        %dma_start3A_150 = arith.constant 0 : i32
        %dma_start3A_151 = tpu.memref_slice %arg4[%add3A_137, %dma_start3A_150] : memref<20480x128xf32, #tpu.memory_space<hbm>> -> memref<128x128xf32, #tpu.memory_space<hbm>>
        tpu.enqueue_dma source(%dma_start3A_151 : memref<128x128xf32, #tpu.memory_space<hbm>>) target(%dma_start3A_149 : memref<128x128xf32, #tpu.memory_space<vmem>>) target_semaphore(%run_scoped3A_139 : memref<!tpu.dma_semaphore, #tpu.memory_space<semaphore_mem>>)
        %dma_wait3A_152 = arith.constant 0 : i32
        %dma_wait3A_153 = arith.constant 0 : i32
        %dma_wait3A_154 = tpu.memref_slice %arg7[%run_scoped3A, %dma_wait3A_152, %dma_wait3A_153] : memref<2x128x128xf32, #tpu.memory_space<vmem>> -> memref<1x128x128xf32, #tpu.memory_space<vmem>>
        %dma_wait3A_155 = tpu.memref_squeeze %dma_wait3A_154 : memref<1x128x128xf32, #tpu.memory_space<vmem>> -> memref<128x128xf32, #tpu.memory_space<vmem>>
        %dma_wait3A_156 = arith.constant 0 : i32
        %dma_wait3A_157 = tpu.memref_slice %arg4[%add3A_137, %dma_wait3A_156] : memref<20480x128xf32, #tpu.memory_space<hbm>> -> memref<128x128xf32, #tpu.memory_space<hbm>>
        %dma_wait3A_158 = arith.constant 0 : i32
        %dma_wait3A_159 = arith.constant 0 : i32
        %dma_wait3A_160 = tpu.memref_slice %arg7[%run_scoped3A, %dma_wait3A_158, %dma_wait3A_159] : memref<2x128x128xf32, #tpu.memory_space<vmem>> -> memref<1x128x128xf32, #tpu.memory_space<vmem>>
        %dma_wait3A_161 = tpu.memref_squeeze %dma_wait3A_160 : memref<1x128x128xf32, #tpu.memory_space<vmem>> -> memref<128x128xf32, #tpu.memory_space<vmem>>
        %dma_wait3A_162 = arith.constant 0 : i32
        %dma_wait3A_163 = tpu.memref_slice %arg4[%add3A_137, %dma_wait3A_162] : memref<20480x128xf32, #tpu.memory_space<hbm>> -> memref<128x128xf32, #tpu.memory_space<hbm>>
        tpu.wait_dma2 semaphore(%run_scoped3A_139 : memref<!tpu.dma_semaphore, #tpu.memory_space<semaphore_mem>>) src(%dma_wait3A_163 : memref<128x128xf32, #tpu.memory_space<hbm>>) dst(%dma_wait3A_161 : memref<128x128xf32, #tpu.memory_space<vmem>>)
        tpu.yield
      }) : () -> ()
      %run_scoped3A_138 = arith.constant 0 : i32
      "tpu.region"() ({
        %run_scoped3A_139 = tpu.sem_alloc : memref<!tpu.dma_semaphore, #tpu.memory_space<semaphore_mem>>
        %dma_start3A_140 = arith.constant 0 : i32
        %dma_start3A_141 = arith.constant 0 : i32
        %dma_start3A_142 = tpu.memref_slice %arg7[%run_scoped3A_138, %dma_start3A_140, %dma_start3A_141] : memref<2x128x128xf32, #tpu.memory_space<vmem>> -> memref<1x128x128xf32, #tpu.memory_space<vmem>>
        %dma_start3A_143 = tpu.memref_squeeze %dma_start3A_142 : memref<1x128x128xf32, #tpu.memory_space<vmem>> -> memref<128x128xf32, #tpu.memory_space<vmem>>
        %dma_start3A_144 = arith.constant 0 : i32
        %dma_start3A_145 = tpu.memref_slice %arg6[%add3A_134, %dma_start3A_144] : memref<10240x128xf32, #tpu.memory_space<vmem_shared>> -> memref<128x128xf32, #tpu.memory_space<vmem_shared>>
        %dma_start3A_146 = arith.constant 0 : i32
        %dma_start3A_147 = tpu.memref_slice %arg6[%add3A_134, %dma_start3A_146] : memref<10240x128xf32, #tpu.memory_space<vmem_shared>> -> memref<128x128xf32, #tpu.memory_space<vmem_shared>>
        %dma_start3A_148 = arith.constant 0 : i32
        %dma_start3A_149 = arith.constant 0 : i32
        %dma_start3A_150 = tpu.memref_slice %arg7[%run_scoped3A_138, %dma_start3A_148, %dma_start3A_149] : memref<2x128x128xf32, #tpu.memory_space<vmem>> -> memref<1x128x128xf32, #tpu.memory_space<vmem>>
        %dma_start3A_151 = tpu.memref_squeeze %dma_start3A_150 : memref<1x128x128xf32, #tpu.memory_space<vmem>> -> memref<128x128xf32, #tpu.memory_space<vmem>>
        tpu.enqueue_dma source(%dma_start3A_151 : memref<128x128xf32, #tpu.memory_space<vmem>>) target(%dma_start3A_147 : memref<128x128xf32, #tpu.memory_space<vmem_shared>>) target_semaphore(%run_scoped3A_139 : memref<!tpu.dma_semaphore, #tpu.memory_space<semaphore_mem>>)
        %dma_wait3A_152 = arith.constant 0 : i32
        %dma_wait3A_153 = arith.constant 0 : i32
        %dma_wait3A_154 = tpu.memref_slice %arg7[%run_scoped3A_138, %dma_wait3A_152, %dma_wait3A_153] : memref<2x128x128xf32, #tpu.memory_space<vmem>> -> memref<1x128x128xf32, #tpu.memory_space<vmem>>
        %dma_wait3A_155 = tpu.memref_squeeze %dma_wait3A_154 : memref<1x128x128xf32, #tpu.memory_space<vmem>> -> memref<128x128xf32, #tpu.memory_space<vmem>>
        %dma_wait3A_156 = arith.constant 0 : i32
        %dma_wait3A_157 = tpu.memref_slice %arg6[%add3A_134, %dma_wait3A_156] : memref<10240x128xf32, #tpu.memory_space<vmem_shared>> -> memref<128x128xf32, #tpu.memory_space<vmem_shared>>
        %dma_wait3A_158 = arith.constant 0 : i32
        %dma_wait3A_159 = tpu.memref_slice %arg6[%add3A_134, %dma_wait3A_158] : memref<10240x128xf32, #tpu.memory_space<vmem_shared>> -> memref<128x128xf32, #tpu.memory_space<vmem_shared>>
        %dma_wait3A_160 = arith.constant 0 : i32
        %dma_wait3A_161 = arith.constant 0 : i32
        %dma_wait3A_162 = tpu.memref_slice %arg7[%run_scoped3A_138, %dma_wait3A_160, %dma_wait3A_161] : memref<2x128x128xf32, #tpu.memory_space<vmem>> -> memref<1x128x128xf32, #tpu.memory_space<vmem>>
        %dma_wait3A_163 = tpu.memref_squeeze %dma_wait3A_162 : memref<1x128x128xf32, #tpu.memory_space<vmem>> -> memref<128x128xf32, #tpu.memory_space<vmem>>
        tpu.wait_dma2 semaphore(%run_scoped3A_139 : memref<!tpu.dma_semaphore, #tpu.memory_space<semaphore_mem>>) src(%dma_wait3A_163 : memref<128x128xf32, #tpu.memory_space<vmem>>) dst(%dma_wait3A_159 : memref<128x128xf32, #tpu.memory_space<vmem_shared>>)
        tpu.yield
      }) : () -> ()
    }
    %scan3A_5 = arith.constant 5 : i32
    %barrier3A = arith.constant 0 : index
    tpu.barrier barrier_id(%barrier3A)
    %dma_start3A = arith.constant 0 : i32
    %dma_start3A_6 = arith.constant 0 : i32
    %dma_start3A_7 = arith.constant 0 : i32
    %dma_start3A_8 = tpu.memref_slice %arg8[%dma_start3A, %dma_start3A_7] : memref<2x128xi32, #tpu.memory_space<vmem>> -> memref<1x128xi32, #tpu.memory_space<vmem>>
    %dma_start3A_9 = tpu.memref_squeeze %dma_start3A_8 : memref<1x128xi32, #tpu.memory_space<vmem>> -> memref<128xi32, #tpu.memory_space<vmem>>
    %dma_start3A_10 = arith.constant 0 : i32
    %dma_start3A_11 = tpu.memref_slice %arg2[%arg0, %arg1, %dma_start3A_10] : memref<2x1280x128xi32, #tpu.memory_space<hbm>> -> memref<1x1x128xi32, #tpu.memory_space<hbm>>
    %dma_start3A_12 = tpu.memref_squeeze %dma_start3A_11 : memref<1x1x128xi32, #tpu.memory_space<hbm>> -> memref<128xi32, #tpu.memory_space<hbm>>
    %dma_start3A_13 = tpu.memref_slice %arg12[%dma_start3A_6] : memref<2x!tpu.dma_semaphore, #tpu.memory_space<semaphore_mem>> -> memref<1x!tpu.dma_semaphore, #tpu.memory_space<semaphore_mem>>
    %dma_start3A_14 = tpu.memref_squeeze %dma_start3A_13 : memref<1x!tpu.dma_semaphore, #tpu.memory_space<semaphore_mem>> -> memref<!tpu.dma_semaphore, #tpu.memory_space<semaphore_mem>>
    %dma_start3A_15 = arith.constant 0 : i32
    %dma_start3A_16 = tpu.memref_slice %arg8[%dma_start3A, %dma_start3A_15] : memref<2x128xi32, #tpu.memory_space<vmem>> -> memref<1x128xi32, #tpu.memory_space<vmem>>
    %dma_start3A_17 = tpu.memref_squeeze %dma_start3A_16 : memref<1x128xi32, #tpu.memory_space<vmem>> -> memref<128xi32, #tpu.memory_space<vmem>>
    %dma_start3A_18 = arith.constant 0 : i32
    %dma_start3A_19 = tpu.memref_slice %arg2[%arg0, %arg1, %dma_start3A_18] : memref<2x1280x128xi32, #tpu.memory_space<hbm>> -> memref<1x1x128xi32, #tpu.memory_space<hbm>>
    %dma_start3A_20 = tpu.memref_squeeze %dma_start3A_19 : memref<1x1x128xi32, #tpu.memory_space<hbm>> -> memref<128xi32, #tpu.memory_space<hbm>>
    tpu.enqueue_dma source(%dma_start3A_20 : memref<128xi32, #tpu.memory_space<hbm>>) target(%dma_start3A_17 : memref<128xi32, #tpu.memory_space<vmem>>) target_semaphore(%dma_start3A_14 : memref<!tpu.dma_semaphore, #tpu.memory_space<semaphore_mem>>)
    %dma_start3A_21 = arith.constant 0 : i32
    %dma_start3A_22 = arith.constant 0 : i32
    %dma_start3A_23 = arith.constant 0 : i32
    %dma_start3A_24 = tpu.memref_slice %arg9[%dma_start3A_21, %dma_start3A_23] : memref<4x128xi32, #tpu.memory_space<vmem>> -> memref<1x128xi32, #tpu.memory_space<vmem>>
    %dma_start3A_25 = tpu.memref_squeeze %dma_start3A_24 : memref<1x128xi32, #tpu.memory_space<vmem>> -> memref<128xi32, #tpu.memory_space<vmem>>
    %dma_start3A_26 = arith.constant 0 : i32
    %dma_start3A_27 = tpu.memref_slice %arg3[%arg1, %dma_start3A_26] : memref<1280x128xi32, #tpu.memory_space<hbm>> -> memref<1x128xi32, #tpu.memory_space<hbm>>
    %dma_start3A_28 = tpu.memref_squeeze %dma_start3A_27 : memref<1x128xi32, #tpu.memory_space<hbm>> -> memref<128xi32, #tpu.memory_space<hbm>>
    %dma_start3A_29 = tpu.memref_slice %arg13[%dma_start3A_22] : memref<4x!tpu.dma_semaphore, #tpu.memory_space<semaphore_mem>> -> memref<1x!tpu.dma_semaphore, #tpu.memory_space<semaphore_mem>>
    %dma_start3A_30 = tpu.memref_squeeze %dma_start3A_29 : memref<1x!tpu.dma_semaphore, #tpu.memory_space<semaphore_mem>> -> memref<!tpu.dma_semaphore, #tpu.memory_space<semaphore_mem>>
    %dma_start3A_31 = arith.constant 0 : i32
    %dma_start3A_32 = tpu.memref_slice %arg9[%dma_start3A_21, %dma_start3A_31] : memref<4x128xi32, #tpu.memory_space<vmem>> -> memref<1x128xi32, #tpu.memory_space<vmem>>
    %dma_start3A_33 = tpu.memref_squeeze %dma_start3A_32 : memref<1x128xi32, #tpu.memory_space<vmem>> -> memref<128xi32, #tpu.memory_space<vmem>>
    %dma_start3A_34 = arith.constant 0 : i32
    %dma_start3A_35 = tpu.memref_slice %arg3[%arg1, %dma_start3A_34] : memref<1280x128xi32, #tpu.memory_space<hbm>> -> memref<1x128xi32, #tpu.memory_space<hbm>>
    %dma_start3A_36 = tpu.memref_squeeze %dma_start3A_35 : memref<1x128xi32, #tpu.memory_space<hbm>> -> memref<128xi32, #tpu.memory_space<hbm>>
    tpu.enqueue_dma source(%dma_start3A_36 : memref<128xi32, #tpu.memory_space<hbm>>) target(%dma_start3A_33 : memref<128xi32, #tpu.memory_space<vmem>>) target_semaphore(%dma_start3A_30 : memref<!tpu.dma_semaphore, #tpu.memory_space<semaphore_mem>>)
    %add3A = arith.constant 16 : i32
    %add3A_37 = arith.addi %arg1, %add3A : i32
    %dma_start3A_38 = arith.constant 1 : i32
    %dma_start3A_39 = arith.constant 1 : i32
    %dma_start3A_40 = arith.constant 0 : i32
    %dma_start3A_41 = tpu.memref_slice %arg8[%dma_start3A_38, %dma_start3A_40] : memref<2x128xi32, #tpu.memory_space<vmem>> -> memref<1x128xi32, #tpu.memory_space<vmem>>
    %dma_start3A_42 = tpu.memref_squeeze %dma_start3A_41 : memref<1x128xi32, #tpu.memory_space<vmem>> -> memref<128xi32, #tpu.memory_space<vmem>>
    %dma_start3A_43 = arith.constant 0 : i32
    %dma_start3A_44 = tpu.memref_slice %arg2[%arg0, %add3A_37, %dma_start3A_43] : memref<2x1280x128xi32, #tpu.memory_space<hbm>> -> memref<1x1x128xi32, #tpu.memory_space<hbm>>
    %dma_start3A_45 = tpu.memref_squeeze %dma_start3A_44 : memref<1x1x128xi32, #tpu.memory_space<hbm>> -> memref<128xi32, #tpu.memory_space<hbm>>
    %dma_start3A_46 = tpu.memref_slice %arg12[%dma_start3A_39] : memref<2x!tpu.dma_semaphore, #tpu.memory_space<semaphore_mem>> -> memref<1x!tpu.dma_semaphore, #tpu.memory_space<semaphore_mem>>
    %dma_start3A_47 = tpu.memref_squeeze %dma_start3A_46 : memref<1x!tpu.dma_semaphore, #tpu.memory_space<semaphore_mem>> -> memref<!tpu.dma_semaphore, #tpu.memory_space<semaphore_mem>>
    %dma_start3A_48 = arith.constant 0 : i32
    %dma_start3A_49 = tpu.memref_slice %arg8[%dma_start3A_38, %dma_start3A_48] : memref<2x128xi32, #tpu.memory_space<vmem>> -> memref<1x128xi32, #tpu.memory_space<vmem>>
    %dma_start3A_50 = tpu.memref_squeeze %dma_start3A_49 : memref<1x128xi32, #tpu.memory_space<vmem>> -> memref<128xi32, #tpu.memory_space<vmem>>
    %dma_start3A_51 = arith.constant 0 : i32
    %dma_start3A_52 = tpu.memref_slice %arg2[%arg0, %add3A_37, %dma_start3A_51] : memref<2x1280x128xi32, #tpu.memory_space<hbm>> -> memref<1x1x128xi32, #tpu.memory_space<hbm>>
    %dma_start3A_53 = tpu.memref_squeeze %dma_start3A_52 : memref<1x1x128xi32, #tpu.memory_space<hbm>> -> memref<128xi32, #tpu.memory_space<hbm>>
    tpu.enqueue_dma source(%dma_start3A_53 : memref<128xi32, #tpu.memory_space<hbm>>) target(%dma_start3A_50 : memref<128xi32, #tpu.memory_space<vmem>>) target_semaphore(%dma_start3A_47 : memref<!tpu.dma_semaphore, #tpu.memory_space<semaphore_mem>>)
    %add3A_54 = arith.constant 16 : i32
    %add3A_55 = arith.addi %arg1, %add3A_54 : i32
    %dma_start3A_56 = arith.constant 1 : i32
    %dma_start3A_57 = arith.constant 1 : i32
    %dma_start3A_58 = arith.constant 0 : i32
    %dma_start3A_59 = tpu.memref_slice %arg9[%dma_start3A_56, %dma_start3A_58] : memref<4x128xi32, #tpu.memory_space<vmem>> -> memref<1x128xi32, #tpu.memory_space<vmem>>
    %dma_start3A_60 = tpu.memref_squeeze %dma_start3A_59 : memref<1x128xi32, #tpu.memory_space<vmem>> -> memref<128xi32, #tpu.memory_space<vmem>>
    %dma_start3A_61 = arith.constant 0 : i32
    %dma_start3A_62 = tpu.memref_slice %arg3[%add3A_55, %dma_start3A_61] : memref<1280x128xi32, #tpu.memory_space<hbm>> -> memref<1x128xi32, #tpu.memory_space<hbm>>
    %dma_start3A_63 = tpu.memref_squeeze %dma_start3A_62 : memref<1x128xi32, #tpu.memory_space<hbm>> -> memref<128xi32, #tpu.memory_space<hbm>>
    %dma_start3A_64 = tpu.memref_slice %arg13[%dma_start3A_57] : memref<4x!tpu.dma_semaphore, #tpu.memory_space<semaphore_mem>> -> memref<1x!tpu.dma_semaphore, #tpu.memory_space<semaphore_mem>>
    %dma_start3A_65 = tpu.memref_squeeze %dma_start3A_64 : memref<1x!tpu.dma_semaphore, #tpu.memory_space<semaphore_mem>> -> memref<!tpu.dma_semaphore, #tpu.memory_space<semaphore_mem>>
    %dma_start3A_66 = arith.constant 0 : i32
    %dma_start3A_67 = tpu.memref_slice %arg9[%dma_start3A_56, %dma_start3A_66] : memref<4x128xi32, #tpu.memory_space<vmem>> -> memref<1x128xi32, #tpu.memory_space<vmem>>
    %dma_start3A_68 = tpu.memref_squeeze %dma_start3A_67 : memref<1x128xi32, #tpu.memory_space<vmem>> -> memref<128xi32, #tpu.memory_space<vmem>>
    %dma_start3A_69 = arith.constant 0 : i32
    %dma_start3A_70 = tpu.memref_slice %arg3[%add3A_55, %dma_start3A_69] : memref<1280x128xi32, #tpu.memory_space<hbm>> -> memref<1x128xi32, #tpu.memory_space<hbm>>
    %dma_start3A_71 = tpu.memref_squeeze %dma_start3A_70 : memref<1x128xi32, #tpu.memory_space<hbm>> -> memref<128xi32, #tpu.memory_space<hbm>>
    tpu.enqueue_dma source(%dma_start3A_71 : memref<128xi32, #tpu.memory_space<hbm>>) target(%dma_start3A_68 : memref<128xi32, #tpu.memory_space<vmem>>) target_semaphore(%dma_start3A_65 : memref<!tpu.dma_semaphore, #tpu.memory_space<semaphore_mem>>)
    %dma_wait3A = arith.constant 0 : i32
    %dma_wait3A_72 = arith.constant 0 : i32
    %dma_wait3A_73 = arith.constant 0 : i32
    %dma_wait3A_74 = tpu.memref_slice %arg8[%dma_wait3A, %dma_wait3A_73] : memref<2x128xi32, #tpu.memory_space<vmem>> -> memref<1x128xi32, #tpu.memory_space<vmem>>
    %dma_wait3A_75 = tpu.memref_squeeze %dma_wait3A_74 : memref<1x128xi32, #tpu.memory_space<vmem>> -> memref<128xi32, #tpu.memory_space<vmem>>
    %dma_wait3A_76 = arith.constant 0 : i32
    %dma_wait3A_77 = tpu.memref_slice %arg2[%arg0, %arg1, %dma_wait3A_76] : memref<2x1280x128xi32, #tpu.memory_space<hbm>> -> memref<1x1x128xi32, #tpu.memory_space<hbm>>
    %dma_wait3A_78 = tpu.memref_squeeze %dma_wait3A_77 : memref<1x1x128xi32, #tpu.memory_space<hbm>> -> memref<128xi32, #tpu.memory_space<hbm>>
    %dma_wait3A_79 = tpu.memref_slice %arg12[%dma_wait3A_72] : memref<2x!tpu.dma_semaphore, #tpu.memory_space<semaphore_mem>> -> memref<1x!tpu.dma_semaphore, #tpu.memory_space<semaphore_mem>>
    %dma_wait3A_80 = tpu.memref_squeeze %dma_wait3A_79 : memref<1x!tpu.dma_semaphore, #tpu.memory_space<semaphore_mem>> -> memref<!tpu.dma_semaphore, #tpu.memory_space<semaphore_mem>>
    %dma_wait3A_81 = arith.constant 0 : i32
    %dma_wait3A_82 = tpu.memref_slice %arg8[%dma_wait3A, %dma_wait3A_81] : memref<2x128xi32, #tpu.memory_space<vmem>> -> memref<1x128xi32, #tpu.memory_space<vmem>>
    %dma_wait3A_83 = tpu.memref_squeeze %dma_wait3A_82 : memref<1x128xi32, #tpu.memory_space<vmem>> -> memref<128xi32, #tpu.memory_space<vmem>>
    %dma_wait3A_84 = arith.constant 0 : i32
    %dma_wait3A_85 = tpu.memref_slice %arg2[%arg0, %arg1, %dma_wait3A_84] : memref<2x1280x128xi32, #tpu.memory_space<hbm>> -> memref<1x1x128xi32, #tpu.memory_space<hbm>>
    %dma_wait3A_86 = tpu.memref_squeeze %dma_wait3A_85 : memref<1x1x128xi32, #tpu.memory_space<hbm>> -> memref<128xi32, #tpu.memory_space<hbm>>
    tpu.wait_dma2 semaphore(%dma_wait3A_80 : memref<!tpu.dma_semaphore, #tpu.memory_space<semaphore_mem>>) src(%dma_wait3A_86 : memref<128xi32, #tpu.memory_space<hbm>>) dst(%dma_wait3A_83 : memref<128xi32, #tpu.memory_space<vmem>>)
    %dma_start3A_87 = arith.constant 0 : i32
    %dma_start3A_88 = arith.constant 0 : i32
    %dma_start3A_89 = arith.constant 0 : i32
    %dma_start3A_90 = arith.constant 0 : i32
    %dma_start3A_91 = arith.constant 0 : i32
    %dma_start3A_92 = tpu.memref_slice %arg7[%dma_start3A_88, %dma_start3A_90, %dma_start3A_91] : memref<2x128x128xf32, #tpu.memory_space<vmem>> -> memref<1x128x128xf32, #tpu.memory_space<vmem>>
    %dma_start3A_93 = tpu.memref_squeeze %dma_start3A_92 : memref<1x128x128xf32, #tpu.memory_space<vmem>> -> memref<128x128xf32, #tpu.memory_space<vmem>>
    %dma_start3A_94 = arith.constant 0 : i32
    %dma_start3A_95 = tpu.memref_slice %arg8[%dma_start3A_87, %dma_start3A_94] : memref<2x128xi32, #tpu.memory_space<vmem>> -> memref<1x128xi32, #tpu.memory_space<vmem>>
    %dma_start3A_96 = tpu.memref_squeeze %dma_start3A_95 : memref<1x128xi32, #tpu.memory_space<vmem>> -> memref<128xi32, #tpu.memory_space<vmem>>
    %dma_start3A_97 = arith.constant 0 : i32
    %dma_start3A_98 = arith.constant 0 : i32
    %dma_start3A_99 = tpu.memref_slice %arg4[%dma_start3A_97, %dma_start3A_98] : memref<20480x128xf32, #tpu.memory_space<hbm>> -> memref<20480x128xf32, #tpu.memory_space<hbm>>
    %dma_start3A_100 = tpu.memref_slice %arg10[%dma_start3A_89] : memref<2x!tpu.dma_semaphore, #tpu.memory_space<semaphore_mem>> -> memref<1x!tpu.dma_semaphore, #tpu.memory_space<semaphore_mem>>
    %dma_start3A_101 = tpu.memref_squeeze %dma_start3A_100 : memref<1x!tpu.dma_semaphore, #tpu.memory_space<semaphore_mem>> -> memref<!tpu.dma_semaphore, #tpu.memory_space<semaphore_mem>>
    tpu.enqueue_indirect_dma source(%dma_start3A_99 : memref<20480x128xf32, #tpu.memory_space<hbm>>) target(%dma_start3A_93 : memref<128x128xf32, #tpu.memory_space<vmem>>) offsets(%dma_start3A_96 : memref<128xi32, #tpu.memory_space<vmem>>) semaphore(%dma_start3A_101 : memref<!tpu.dma_semaphore, #tpu.memory_space<semaphore_mem>>)
    %scan3A_102 = arith.constant 0 : i32
    %scan3A_103 = arith.constant 0 : i32
    %scan3A_104 = arith.constant 20 : i32
    %scan3A_105 = arith.addi %scan3A_103, %scan3A_104 : i32
    %scan3A_106 = arith.constant 1 : i32
    scf.for %scan3A_131 = %scan3A_103 to %scan3A_105 step %scan3A_106  : i32 {
      %mul3A_132 = arith.constant 4 : i32
      %mul3A_133 = arith.muli %mul3A_132, %scan3A_131 : i32
      %add3A_134 = arith.constant 0 : i32
      %add3A_135 = arith.addi %mul3A_133, %add3A_134 : i32
      %mul3A_136 = arith.constant 16 : i32
      %mul3A_137 = arith.muli %add3A_135, %mul3A_136 : i32
      %add3A_138 = arith.addi %arg1, %mul3A_137 : i32
      %dma_wait3A_139 = arith.constant 0 : i32
      %dma_wait3A_140 = arith.constant 0 : i32
      %dma_wait3A_141 = arith.constant 0 : i32
      %dma_wait3A_142 = arith.constant 0 : i32
      %dma_wait3A_143 = arith.constant 0 : i32
      %dma_wait3A_144 = tpu.memref_slice %arg7[%dma_wait3A_140, %dma_wait3A_142, %dma_wait3A_143] : memref<2x128x128xf32, #tpu.memory_space<vmem>> -> memref<1x128x128xf32, #tpu.memory_space<vmem>>
      %dma_wait3A_145 = tpu.memref_squeeze %dma_wait3A_144 : memref<1x128x128xf32, #tpu.memory_space<vmem>> -> memref<128x128xf32, #tpu.memory_space<vmem>>
      %dma_wait3A_146 = arith.constant 0 : i32
      %dma_wait3A_147 = tpu.memref_slice %arg8[%dma_wait3A_139, %dma_wait3A_146] : memref<2x128xi32, #tpu.memory_space<vmem>> -> memref<1x128xi32, #tpu.memory_space<vmem>>
      %dma_wait3A_148 = tpu.memref_squeeze %dma_wait3A_147 : memref<1x128xi32, #tpu.memory_space<vmem>> -> memref<128xi32, #tpu.memory_space<vmem>>
      %dma_wait3A_149 = arith.constant 0 : i32
      %dma_wait3A_150 = arith.constant 0 : i32
      %dma_wait3A_151 = tpu.memref_slice %arg4[%dma_wait3A_149, %dma_wait3A_150] : memref<20480x128xf32, #tpu.memory_space<hbm>> -> memref<20480x128xf32, #tpu.memory_space<hbm>>
      %dma_wait3A_152 = tpu.memref_slice %arg10[%dma_wait3A_141] : memref<2x!tpu.dma_semaphore, #tpu.memory_space<semaphore_mem>> -> memref<1x!tpu.dma_semaphore, #tpu.memory_space<semaphore_mem>>
      %dma_wait3A_153 = tpu.memref_squeeze %dma_wait3A_152 : memref<1x!tpu.dma_semaphore, #tpu.memory_space<semaphore_mem>> -> memref<!tpu.dma_semaphore, #tpu.memory_space<semaphore_mem>>
      tpu.wait_indirect_dma semaphore(%dma_wait3A_153 : memref<!tpu.dma_semaphore, #tpu.memory_space<semaphore_mem>>) src(%dma_wait3A_151 : memref<20480x128xf32, #tpu.memory_space<hbm>>) dst(%dma_wait3A_145 : memref<128x128xf32, #tpu.memory_space<vmem>>)
      %dma_wait3A_154 = arith.constant 0 : i32
      %dma_wait3A_155 = arith.constant 0 : i32
      %dma_wait3A_156 = arith.constant 0 : i32
      %dma_wait3A_157 = tpu.memref_slice %arg9[%dma_wait3A_154, %dma_wait3A_156] : memref<4x128xi32, #tpu.memory_space<vmem>> -> memref<1x128xi32, #tpu.memory_space<vmem>>
      %dma_wait3A_158 = tpu.memref_squeeze %dma_wait3A_157 : memref<1x128xi32, #tpu.memory_space<vmem>> -> memref<128xi32, #tpu.memory_space<vmem>>
      %dma_wait3A_159 = arith.constant 0 : i32
      %dma_wait3A_160 = tpu.memref_slice %arg3[%arg1, %dma_wait3A_159] : memref<1280x128xi32, #tpu.memory_space<hbm>> -> memref<1x128xi32, #tpu.memory_space<hbm>>
      %dma_wait3A_161 = tpu.memref_squeeze %dma_wait3A_160 : memref<1x128xi32, #tpu.memory_space<hbm>> -> memref<128xi32, #tpu.memory_space<hbm>>
      %dma_wait3A_162 = tpu.memref_slice %arg13[%dma_wait3A_155] : memref<4x!tpu.dma_semaphore, #tpu.memory_space<semaphore_mem>> -> memref<1x!tpu.dma_semaphore, #tpu.memory_space<semaphore_mem>>
      %dma_wait3A_163 = tpu.memref_squeeze %dma_wait3A_162 : memref<1x!tpu.dma_semaphore, #tpu.memory_space<semaphore_mem>> -> memref<!tpu.dma_semaphore, #tpu.memory_space<semaphore_mem>>
      %dma_wait3A_164 = arith.constant 0 : i32
      %dma_wait3A_165 = tpu.memref_slice %arg9[%dma_wait3A_154, %dma_wait3A_164] : memref<4x128xi32, #tpu.memory_space<vmem>> -> memref<1x128xi32, #tpu.memory_space<vmem>>
      %dma_wait3A_166 = tpu.memref_squeeze %dma_wait3A_165 : memref<1x128xi32, #tpu.memory_space<vmem>> -> memref<128xi32, #tpu.memory_space<vmem>>
      %dma_wait3A_167 = arith.constant 0 : i32
      %dma_wait3A_168 = tpu.memref_slice %arg3[%arg1, %dma_wait3A_167] : memref<1280x128xi32, #tpu.memory_space<hbm>> -> memref<1x128xi32, #tpu.memory_space<hbm>>
      %dma_wait3A_169 = tpu.memref_squeeze %dma_wait3A_168 : memref<1x128xi32, #tpu.memory_space<hbm>> -> memref<128xi32, #tpu.memory_space<hbm>>
      tpu.wait_dma2 semaphore(%dma_wait3A_163 : memref<!tpu.dma_semaphore, #tpu.memory_space<semaphore_mem>>) src(%dma_wait3A_169 : memref<128xi32, #tpu.memory_space<hbm>>) dst(%dma_wait3A_166 : memref<128xi32, #tpu.memory_space<vmem>>)
      %dma_start3A_170 = arith.constant 0 : i32
      %dma_start3A_171 = arith.constant 0 : i32
      %dma_start3A_172 = arith.constant 0 : i32
      %dma_start3A_173 = arith.constant 0 : i32
      %dma_start3A_174 = tpu.memref_slice %arg7[%dma_start3A_170, %dma_start3A_172, %dma_start3A_173] : memref<2x128x128xf32, #tpu.memory_space<vmem>> -> memref<1x128x128xf32, #tpu.memory_space<vmem>>
      %dma_start3A_175 = tpu.memref_squeeze %dma_start3A_174 : memref<1x128x128xf32, #tpu.memory_space<vmem>> -> memref<128x128xf32, #tpu.memory_space<vmem>>
      %dma_start3A_176 = arith.constant 0 : i32
      %dma_start3A_177 = tpu.memref_slice %arg6[%mul3A_0, %dma_start3A_176] : memref<10240x128xf32, #tpu.memory_space<vmem_shared>> -> memref<128x128xf32, #tpu.memory_space<vmem_shared>>
      %dma_start3A_178 = tpu.memref_slice %arg11[%dma_start3A_171] : memref<2x!tpu.dma_semaphore, #tpu.memory_space<semaphore_mem>> -> memref<1x!tpu.dma_semaphore, #tpu.memory_space<semaphore_mem>>
      %dma_start3A_179 = tpu.memref_squeeze %dma_start3A_178 : memref<1x!tpu.dma_semaphore, #tpu.memory_space<semaphore_mem>> -> memref<!tpu.dma_semaphore, #tpu.memory_space<semaphore_mem>>
      %dma_start3A_180 = arith.constant 0 : i32
      %dma_start3A_181 = tpu.memref_slice %arg6[%mul3A_0, %dma_start3A_180] : memref<10240x128xf32, #tpu.memory_space<vmem_shared>> -> memref<128x128xf32, #tpu.memory_space<vmem_shared>>
      %dma_start3A_182 = arith.constant 0 : i32
      %dma_start3A_183 = arith.constant 0 : i32
      %dma_start3A_184 = tpu.memref_slice %arg7[%dma_start3A_170, %dma_start3A_182, %dma_start3A_183] : memref<2x128x128xf32, #tpu.memory_space<vmem>> -> memref<1x128x128xf32, #tpu.memory_space<vmem>>
      %dma_start3A_185 = tpu.memref_squeeze %dma_start3A_184 : memref<1x128x128xf32, #tpu.memory_space<vmem>> -> memref<128x128xf32, #tpu.memory_space<vmem>>
      tpu.enqueue_dma source(%dma_start3A_185 : memref<128x128xf32, #tpu.memory_space<vmem>>) target(%dma_start3A_181 : memref<128x128xf32, #tpu.memory_space<vmem_shared>>) target_semaphore(%dma_start3A_179 : memref<!tpu.dma_semaphore, #tpu.memory_space<semaphore_mem>>)
      %ge3A = arith.constant 1 : i32
      %ge3A_186 = arith.cmpi sge, %add3A_135, %ge3A : i32
      %convert_element_type3A = arith.extui %ge3A_186 : i1 to i32
      %cond3A = arith.constant 0 : i32
      %cond3A_187 = arith.cmpi ne, %convert_element_type3A, %cond3A : i32
      scf.if %cond3A_187 {
        %dma_wait3A_420 = arith.constant 1 : i32
        %dma_wait3A_421 = arith.constant 1 : i32
        %dma_wait3A_422 = arith.constant 0 : i32
        %dma_wait3A_423 = arith.constant 0 : i32
        %dma_wait3A_424 = tpu.memref_slice %arg7[%dma_wait3A_420, %dma_wait3A_422, %dma_wait3A_423] : memref<2x128x128xf32, #tpu.memory_space<vmem>> -> memref<1x128x128xf32, #tpu.memory_space<vmem>>
        %dma_wait3A_425 = tpu.memref_squeeze %dma_wait3A_424 : memref<1x128x128xf32, #tpu.memory_space<vmem>> -> memref<128x128xf32, #tpu.memory_space<vmem>>
        %dma_wait3A_426 = arith.constant 0 : i32
        %dma_wait3A_427 = tpu.memref_slice %arg6[%mul3A_0, %dma_wait3A_426] : memref<10240x128xf32, #tpu.memory_space<vmem_shared>> -> memref<128x128xf32, #tpu.memory_space<vmem_shared>>
        %dma_wait3A_428 = tpu.memref_slice %arg11[%dma_wait3A_421] : memref<2x!tpu.dma_semaphore, #tpu.memory_space<semaphore_mem>> -> memref<1x!tpu.dma_semaphore, #tpu.memory_space<semaphore_mem>>
        %dma_wait3A_429 = tpu.memref_squeeze %dma_wait3A_428 : memref<1x!tpu.dma_semaphore, #tpu.memory_space<semaphore_mem>> -> memref<!tpu.dma_semaphore, #tpu.memory_space<semaphore_mem>>
        %dma_wait3A_430 = arith.constant 0 : i32
        %dma_wait3A_431 = tpu.memref_slice %arg6[%mul3A_0, %dma_wait3A_430] : memref<10240x128xf32, #tpu.memory_space<vmem_shared>> -> memref<128x128xf32, #tpu.memory_space<vmem_shared>>
        %dma_wait3A_432 = arith.constant 0 : i32
        %dma_wait3A_433 = arith.constant 0 : i32
        %dma_wait3A_434 = tpu.memref_slice %arg7[%dma_wait3A_420, %dma_wait3A_432, %dma_wait3A_433] : memref<2x128x128xf32, #tpu.memory_space<vmem>> -> memref<1x128x128xf32, #tpu.memory_space<vmem>>
        %dma_wait3A_435 = tpu.memref_squeeze %dma_wait3A_434 : memref<1x128x128xf32, #tpu.memory_space<vmem>> -> memref<128x128xf32, #tpu.memory_space<vmem>>
        tpu.wait_dma2 semaphore(%dma_wait3A_429 : memref<!tpu.dma_semaphore, #tpu.memory_space<semaphore_mem>>) src(%dma_wait3A_435 : memref<128x128xf32, #tpu.memory_space<vmem>>) dst(%dma_wait3A_431 : memref<128x128xf32, #tpu.memory_space<vmem_shared>>)
      } else {
      }
      %add3A_188 = arith.constant 2 : i32
      %add3A_189 = arith.addi %add3A_135, %add3A_188 : i32
      %lt3A = arith.constant 80 : i32
      %lt3A_190 = arith.cmpi slt, %add3A_189, %lt3A : i32
      %convert_element_type3A_191 = arith.extui %lt3A_190 : i1 to i32
      %cond3A_192 = arith.constant 0 : i32
      %cond3A_193 = arith.cmpi ne, %convert_element_type3A_191, %cond3A_192 : i32
      scf.if %cond3A_193 {
        %add3A_420 = arith.constant 32 : i32
        %add3A_421 = arith.addi %add3A_138, %add3A_420 : i32
        %dma_start3A_422 = arith.constant 0 : i32
        %dma_start3A_423 = arith.constant 0 : i32
        %dma_start3A_424 = arith.constant 0 : i32
        %dma_start3A_425 = tpu.memref_slice %arg8[%dma_start3A_422, %dma_start3A_424] : memref<2x128xi32, #tpu.memory_space<vmem>> -> memref<1x128xi32, #tpu.memory_space<vmem>>
        %dma_start3A_426 = tpu.memref_squeeze %dma_start3A_425 : memref<1x128xi32, #tpu.memory_space<vmem>> -> memref<128xi32, #tpu.memory_space<vmem>>
        %dma_start3A_427 = arith.constant 0 : i32
        %dma_start3A_428 = tpu.memref_slice %arg2[%arg0, %add3A_421, %dma_start3A_427] : memref<2x1280x128xi32, #tpu.memory_space<hbm>> -> memref<1x1x128xi32, #tpu.memory_space<hbm>>
        %dma_start3A_429 = tpu.memref_squeeze %dma_start3A_428 : memref<1x1x128xi32, #tpu.memory_space<hbm>> -> memref<128xi32, #tpu.memory_space<hbm>>
        %dma_start3A_430 = tpu.memref_slice %arg12[%dma_start3A_423] : memref<2x!tpu.dma_semaphore, #tpu.memory_space<semaphore_mem>> -> memref<1x!tpu.dma_semaphore, #tpu.memory_space<semaphore_mem>>
        %dma_start3A_431 = tpu.memref_squeeze %dma_start3A_430 : memref<1x!tpu.dma_semaphore, #tpu.memory_space<semaphore_mem>> -> memref<!tpu.dma_semaphore, #tpu.memory_space<semaphore_mem>>
        %dma_start3A_432 = arith.constant 0 : i32
        %dma_start3A_433 = tpu.memref_slice %arg8[%dma_start3A_422, %dma_start3A_432] : memref<2x128xi32, #tpu.memory_space<vmem>> -> memref<1x128xi32, #tpu.memory_space<vmem>>
        %dma_start3A_434 = tpu.memref_squeeze %dma_start3A_433 : memref<1x128xi32, #tpu.memory_space<vmem>> -> memref<128xi32, #tpu.memory_space<vmem>>
        %dma_start3A_435 = arith.constant 0 : i32
        %dma_start3A_436 = tpu.memref_slice %arg2[%arg0, %add3A_421, %dma_start3A_435] : memref<2x1280x128xi32, #tpu.memory_space<hbm>> -> memref<1x1x128xi32, #tpu.memory_space<hbm>>
        %dma_start3A_437 = tpu.memref_squeeze %dma_start3A_436 : memref<1x1x128xi32, #tpu.memory_space<hbm>> -> memref<128xi32, #tpu.memory_space<hbm>>
        tpu.enqueue_dma source(%dma_start3A_437 : memref<128xi32, #tpu.memory_space<hbm>>) target(%dma_start3A_434 : memref<128xi32, #tpu.memory_space<vmem>>) target_semaphore(%dma_start3A_431 : memref<!tpu.dma_semaphore, #tpu.memory_space<semaphore_mem>>)
        %add3A_438 = arith.constant 32 : i32
        %add3A_439 = arith.addi %add3A_138, %add3A_438 : i32
        %dma_start3A_440 = arith.constant 2 : i32
        %dma_start3A_441 = arith.constant 2 : i32
        %dma_start3A_442 = arith.constant 0 : i32
        %dma_start3A_443 = tpu.memref_slice %arg9[%dma_start3A_440, %dma_start3A_442] : memref<4x128xi32, #tpu.memory_space<vmem>> -> memref<1x128xi32, #tpu.memory_space<vmem>>
        %dma_start3A_444 = tpu.memref_squeeze %dma_start3A_443 : memref<1x128xi32, #tpu.memory_space<vmem>> -> memref<128xi32, #tpu.memory_space<vmem>>
        %dma_start3A_445 = arith.constant 0 : i32
        %dma_start3A_446 = tpu.memref_slice %arg3[%add3A_439, %dma_start3A_445] : memref<1280x128xi32, #tpu.memory_space<hbm>> -> memref<1x128xi32, #tpu.memory_space<hbm>>
        %dma_start3A_447 = tpu.memref_squeeze %dma_start3A_446 : memref<1x128xi32, #tpu.memory_space<hbm>> -> memref<128xi32, #tpu.memory_space<hbm>>
        %dma_start3A_448 = tpu.memref_slice %arg13[%dma_start3A_441] : memref<4x!tpu.dma_semaphore, #tpu.memory_space<semaphore_mem>> -> memref<1x!tpu.dma_semaphore, #tpu.memory_space<semaphore_mem>>
        %dma_start3A_449 = tpu.memref_squeeze %dma_start3A_448 : memref<1x!tpu.dma_semaphore, #tpu.memory_space<semaphore_mem>> -> memref<!tpu.dma_semaphore, #tpu.memory_space<semaphore_mem>>
        %dma_start3A_450 = arith.constant 0 : i32
        %dma_start3A_451 = tpu.memref_slice %arg9[%dma_start3A_440, %dma_start3A_450] : memref<4x128xi32, #tpu.memory_space<vmem>> -> memref<1x128xi32, #tpu.memory_space<vmem>>
        %dma_start3A_452 = tpu.memref_squeeze %dma_start3A_451 : memref<1x128xi32, #tpu.memory_space<vmem>> -> memref<128xi32, #tpu.memory_space<vmem>>
        %dma_start3A_453 = arith.constant 0 : i32
        %dma_start3A_454 = tpu.memref_slice %arg3[%add3A_439, %dma_start3A_453] : memref<1280x128xi32, #tpu.memory_space<hbm>> -> memref<1x128xi32, #tpu.memory_space<hbm>>
        %dma_start3A_455 = tpu.memref_squeeze %dma_start3A_454 : memref<1x128xi32, #tpu.memory_space<hbm>> -> memref<128xi32, #tpu.memory_space<hbm>>
        tpu.enqueue_dma source(%dma_start3A_455 : memref<128xi32, #tpu.memory_space<hbm>>) target(%dma_start3A_452 : memref<128xi32, #tpu.memory_space<vmem>>) target_semaphore(%dma_start3A_449 : memref<!tpu.dma_semaphore, #tpu.memory_space<semaphore_mem>>)
      } else {
      }
      %add3A_194 = arith.constant 1 : i32
      %add3A_195 = arith.addi %add3A_135, %add3A_194 : i32
      %lt3A_196 = arith.constant 80 : i32
      %lt3A_197 = arith.cmpi slt, %add3A_195, %lt3A_196 : i32
      %convert_element_type3A_198 = arith.extui %lt3A_197 : i1 to i32
      %cond3A_199 = arith.constant 0 : i32
      %cond3A_200 = arith.cmpi ne, %convert_element_type3A_198, %cond3A_199 : i32
      scf.if %cond3A_200 {
        %dma_wait3A_420 = arith.constant 1 : i32
        %dma_wait3A_421 = arith.constant 1 : i32
        %dma_wait3A_422 = arith.constant 0 : i32
        %dma_wait3A_423 = tpu.memref_slice %arg8[%dma_wait3A_420, %dma_wait3A_422] : memref<2x128xi32, #tpu.memory_space<vmem>> -> memref<1x128xi32, #tpu.memory_space<vmem>>
        %dma_wait3A_424 = tpu.memref_squeeze %dma_wait3A_423 : memref<1x128xi32, #tpu.memory_space<vmem>> -> memref<128xi32, #tpu.memory_space<vmem>>
        %dma_wait3A_425 = arith.constant 0 : i32
        %dma_wait3A_426 = tpu.memref_slice %arg2[%arg0, %arg1, %dma_wait3A_425] : memref<2x1280x128xi32, #tpu.memory_space<hbm>> -> memref<1x1x128xi32, #tpu.memory_space<hbm>>
        %dma_wait3A_427 = tpu.memref_squeeze %dma_wait3A_426 : memref<1x1x128xi32, #tpu.memory_space<hbm>> -> memref<128xi32, #tpu.memory_space<hbm>>
        %dma_wait3A_428 = tpu.memref_slice %arg12[%dma_wait3A_421] : memref<2x!tpu.dma_semaphore, #tpu.memory_space<semaphore_mem>> -> memref<1x!tpu.dma_semaphore, #tpu.memory_space<semaphore_mem>>
        %dma_wait3A_429 = tpu.memref_squeeze %dma_wait3A_428 : memref<1x!tpu.dma_semaphore, #tpu.memory_space<semaphore_mem>> -> memref<!tpu.dma_semaphore, #tpu.memory_space<semaphore_mem>>
        %dma_wait3A_430 = arith.constant 0 : i32
        %dma_wait3A_431 = tpu.memref_slice %arg8[%dma_wait3A_420, %dma_wait3A_430] : memref<2x128xi32, #tpu.memory_space<vmem>> -> memref<1x128xi32, #tpu.memory_space<vmem>>
        %dma_wait3A_432 = tpu.memref_squeeze %dma_wait3A_431 : memref<1x128xi32, #tpu.memory_space<vmem>> -> memref<128xi32, #tpu.memory_space<vmem>>
        %dma_wait3A_433 = arith.constant 0 : i32
        %dma_wait3A_434 = tpu.memref_slice %arg2[%arg0, %arg1, %dma_wait3A_433] : memref<2x1280x128xi32, #tpu.memory_space<hbm>> -> memref<1x1x128xi32, #tpu.memory_space<hbm>>
        %dma_wait3A_435 = tpu.memref_squeeze %dma_wait3A_434 : memref<1x1x128xi32, #tpu.memory_space<hbm>> -> memref<128xi32, #tpu.memory_space<hbm>>
        tpu.wait_dma2 semaphore(%dma_wait3A_429 : memref<!tpu.dma_semaphore, #tpu.memory_space<semaphore_mem>>) src(%dma_wait3A_435 : memref<128xi32, #tpu.memory_space<hbm>>) dst(%dma_wait3A_432 : memref<128xi32, #tpu.memory_space<vmem>>)
        %dma_start3A_436 = arith.constant 1 : i32
        %dma_start3A_437 = arith.constant 1 : i32
        %dma_start3A_438 = arith.constant 1 : i32
        %dma_start3A_439 = arith.constant 0 : i32
        %dma_start3A_440 = arith.constant 0 : i32
        %dma_start3A_441 = tpu.memref_slice %arg7[%dma_start3A_437, %dma_start3A_439, %dma_start3A_440] : memref<2x128x128xf32, #tpu.memory_space<vmem>> -> memref<1x128x128xf32, #tpu.memory_space<vmem>>
        %dma_start3A_442 = tpu.memref_squeeze %dma_start3A_441 : memref<1x128x128xf32, #tpu.memory_space<vmem>> -> memref<128x128xf32, #tpu.memory_space<vmem>>
        %dma_start3A_443 = arith.constant 0 : i32
        %dma_start3A_444 = tpu.memref_slice %arg8[%dma_start3A_436, %dma_start3A_443] : memref<2x128xi32, #tpu.memory_space<vmem>> -> memref<1x128xi32, #tpu.memory_space<vmem>>
        %dma_start3A_445 = tpu.memref_squeeze %dma_start3A_444 : memref<1x128xi32, #tpu.memory_space<vmem>> -> memref<128xi32, #tpu.memory_space<vmem>>
        %dma_start3A_446 = arith.constant 0 : i32
        %dma_start3A_447 = arith.constant 0 : i32
        %dma_start3A_448 = tpu.memref_slice %arg4[%dma_start3A_446, %dma_start3A_447] : memref<20480x128xf32, #tpu.memory_space<hbm>> -> memref<20480x128xf32, #tpu.memory_space<hbm>>
        %dma_start3A_449 = tpu.memref_slice %arg10[%dma_start3A_438] : memref<2x!tpu.dma_semaphore, #tpu.memory_space<semaphore_mem>> -> memref<1x!tpu.dma_semaphore, #tpu.memory_space<semaphore_mem>>
        %dma_start3A_450 = tpu.memref_squeeze %dma_start3A_449 : memref<1x!tpu.dma_semaphore, #tpu.memory_space<semaphore_mem>> -> memref<!tpu.dma_semaphore, #tpu.memory_space<semaphore_mem>>
        tpu.enqueue_indirect_dma source(%dma_start3A_448 : memref<20480x128xf32, #tpu.memory_space<hbm>>) target(%dma_start3A_442 : memref<128x128xf32, #tpu.memory_space<vmem>>) offsets(%dma_start3A_445 : memref<128xi32, #tpu.memory_space<vmem>>) semaphore(%dma_start3A_450 : memref<!tpu.dma_semaphore, #tpu.memory_space<semaphore_mem>>)
      } else {
      }
      %mul3A_201 = arith.constant 4 : i32
      %mul3A_202 = arith.muli %mul3A_201, %scan3A_131 : i32
      %add3A_203 = arith.constant 1 : i32
      %add3A_204 = arith.addi %mul3A_202, %add3A_203 : i32
      %mul3A_205 = arith.constant 16 : i32
      %mul3A_206 = arith.muli %add3A_204, %mul3A_205 : i32
      %add3A_207 = arith.addi %arg1, %mul3A_206 : i32
      %dma_wait3A_208 = arith.constant 1 : i32
      %dma_wait3A_209 = arith.constant 1 : i32
      %dma_wait3A_210 = arith.constant 1 : i32
      %dma_wait3A_211 = arith.constant 0 : i32
      %dma_wait3A_212 = arith.constant 0 : i32
      %dma_wait3A_213 = tpu.memref_slice %arg7[%dma_wait3A_209, %dma_wait3A_211, %dma_wait3A_212] : memref<2x128x128xf32, #tpu.memory_space<vmem>> -> memref<1x128x128xf32, #tpu.memory_space<vmem>>
      %dma_wait3A_214 = tpu.memref_squeeze %dma_wait3A_213 : memref<1x128x128xf32, #tpu.memory_space<vmem>> -> memref<128x128xf32, #tpu.memory_space<vmem>>
      %dma_wait3A_215 = arith.constant 0 : i32
      %dma_wait3A_216 = tpu.memref_slice %arg8[%dma_wait3A_208, %dma_wait3A_215] : memref<2x128xi32, #tpu.memory_space<vmem>> -> memref<1x128xi32, #tpu.memory_space<vmem>>
      %dma_wait3A_217 = tpu.memref_squeeze %dma_wait3A_216 : memref<1x128xi32, #tpu.memory_space<vmem>> -> memref<128xi32, #tpu.memory_space<vmem>>
      %dma_wait3A_218 = arith.constant 0 : i32
      %dma_wait3A_219 = arith.constant 0 : i32
      %dma_wait3A_220 = tpu.memref_slice %arg4[%dma_wait3A_218, %dma_wait3A_219] : memref<20480x128xf32, #tpu.memory_space<hbm>> -> memref<20480x128xf32, #tpu.memory_space<hbm>>
      %dma_wait3A_221 = tpu.memref_slice %arg10[%dma_wait3A_210] : memref<2x!tpu.dma_semaphore, #tpu.memory_space<semaphore_mem>> -> memref<1x!tpu.dma_semaphore, #tpu.memory_space<semaphore_mem>>
      %dma_wait3A_222 = tpu.memref_squeeze %dma_wait3A_221 : memref<1x!tpu.dma_semaphore, #tpu.memory_space<semaphore_mem>> -> memref<!tpu.dma_semaphore, #tpu.memory_space<semaphore_mem>>
      tpu.wait_indirect_dma semaphore(%dma_wait3A_222 : memref<!tpu.dma_semaphore, #tpu.memory_space<semaphore_mem>>) src(%dma_wait3A_220 : memref<20480x128xf32, #tpu.memory_space<hbm>>) dst(%dma_wait3A_214 : memref<128x128xf32, #tpu.memory_space<vmem>>)
      %dma_wait3A_223 = arith.constant 1 : i32
      %dma_wait3A_224 = arith.constant 1 : i32
      %dma_wait3A_225 = arith.constant 0 : i32
      %dma_wait3A_226 = tpu.memref_slice %arg9[%dma_wait3A_223, %dma_wait3A_225] : memref<4x128xi32, #tpu.memory_space<vmem>> -> memref<1x128xi32, #tpu.memory_space<vmem>>
      %dma_wait3A_227 = tpu.memref_squeeze %dma_wait3A_226 : memref<1x128xi32, #tpu.memory_space<vmem>> -> memref<128xi32, #tpu.memory_space<vmem>>
      %dma_wait3A_228 = arith.constant 0 : i32
      %dma_wait3A_229 = tpu.memref_slice %arg3[%arg1, %dma_wait3A_228] : memref<1280x128xi32, #tpu.memory_space<hbm>> -> memref<1x128xi32, #tpu.memory_space<hbm>>
      %dma_wait3A_230 = tpu.memref_squeeze %dma_wait3A_229 : memref<1x128xi32, #tpu.memory_space<hbm>> -> memref<128xi32, #tpu.memory_space<hbm>>
      %dma_wait3A_231 = tpu.memref_slice %arg13[%dma_wait3A_224] : memref<4x!tpu.dma_semaphore, #tpu.memory_space<semaphore_mem>> -> memref<1x!tpu.dma_semaphore, #tpu.memory_space<semaphore_mem>>
      %dma_wait3A_232 = tpu.memref_squeeze %dma_wait3A_231 : memref<1x!tpu.dma_semaphore, #tpu.memory_space<semaphore_mem>> -> memref<!tpu.dma_semaphore, #tpu.memory_space<semaphore_mem>>
      %dma_wait3A_233 = arith.constant 0 : i32
      %dma_wait3A_234 = tpu.memref_slice %arg9[%dma_wait3A_223, %dma_wait3A_233] : memref<4x128xi32, #tpu.memory_space<vmem>> -> memref<1x128xi32, #tpu.memory_space<vmem>>
      %dma_wait3A_235 = tpu.memref_squeeze %dma_wait3A_234 : memref<1x128xi32, #tpu.memory_space<vmem>> -> memref<128xi32, #tpu.memory_space<vmem>>
      %dma_wait3A_236 = arith.constant 0 : i32
      %dma_wait3A_237 = tpu.memref_slice %arg3[%arg1, %dma_wait3A_236] : memref<1280x128xi32, #tpu.memory_space<hbm>> -> memref<1x128xi32, #tpu.memory_space<hbm>>
      %dma_wait3A_238 = tpu.memref_squeeze %dma_wait3A_237 : memref<1x128xi32, #tpu.memory_space<hbm>> -> memref<128xi32, #tpu.memory_space<hbm>>
      tpu.wait_dma2 semaphore(%dma_wait3A_232 : memref<!tpu.dma_semaphore, #tpu.memory_space<semaphore_mem>>) src(%dma_wait3A_238 : memref<128xi32, #tpu.memory_space<hbm>>) dst(%dma_wait3A_235 : memref<128xi32, #tpu.memory_space<vmem>>)
      %dma_start3A_239 = arith.constant 1 : i32
      %dma_start3A_240 = arith.constant 1 : i32
      %dma_start3A_241 = arith.constant 0 : i32
      %dma_start3A_242 = arith.constant 0 : i32
      %dma_start3A_243 = tpu.memref_slice %arg7[%dma_start3A_239, %dma_start3A_241, %dma_start3A_242] : memref<2x128x128xf32, #tpu.memory_space<vmem>> -> memref<1x128x128xf32, #tpu.memory_space<vmem>>
      %dma_start3A_244 = tpu.memref_squeeze %dma_start3A_243 : memref<1x128x128xf32, #tpu.memory_space<vmem>> -> memref<128x128xf32, #tpu.memory_space<vmem>>
      %dma_start3A_245 = arith.constant 0 : i32
      %dma_start3A_246 = tpu.memref_slice %arg6[%mul3A_0, %dma_start3A_245] : memref<10240x128xf32, #tpu.memory_space<vmem_shared>> -> memref<128x128xf32, #tpu.memory_space<vmem_shared>>
      %dma_start3A_247 = tpu.memref_slice %arg11[%dma_start3A_240] : memref<2x!tpu.dma_semaphore, #tpu.memory_space<semaphore_mem>> -> memref<1x!tpu.dma_semaphore, #tpu.memory_space<semaphore_mem>>
      %dma_start3A_248 = tpu.memref_squeeze %dma_start3A_247 : memref<1x!tpu.dma_semaphore, #tpu.memory_space<semaphore_mem>> -> memref<!tpu.dma_semaphore, #tpu.memory_space<semaphore_mem>>
      %dma_start3A_249 = arith.constant 0 : i32
      %dma_start3A_250 = tpu.memref_slice %arg6[%mul3A_0, %dma_start3A_249] : memref<10240x128xf32, #tpu.memory_space<vmem_shared>> -> memref<128x128xf32, #tpu.memory_space<vmem_shared>>
      %dma_start3A_251 = arith.constant 0 : i32
      %dma_start3A_252 = arith.constant 0 : i32
      %dma_start3A_253 = tpu.memref_slice %arg7[%dma_start3A_239, %dma_start3A_251, %dma_start3A_252] : memref<2x128x128xf32, #tpu.memory_space<vmem>> -> memref<1x128x128xf32, #tpu.memory_space<vmem>>
      %dma_start3A_254 = tpu.memref_squeeze %dma_start3A_253 : memref<1x128x128xf32, #tpu.memory_space<vmem>> -> memref<128x128xf32, #tpu.memory_space<vmem>>
      tpu.enqueue_dma source(%dma_start3A_254 : memref<128x128xf32, #tpu.memory_space<vmem>>) target(%dma_start3A_250 : memref<128x128xf32, #tpu.memory_space<vmem_shared>>) target_semaphore(%dma_start3A_248 : memref<!tpu.dma_semaphore, #tpu.memory_space<semaphore_mem>>)
      %ge3A_255 = arith.constant 1 : i32
      %ge3A_256 = arith.cmpi sge, %add3A_204, %ge3A_255 : i32
      %convert_element_type3A_257 = arith.extui %ge3A_256 : i1 to i32
      %cond3A_258 = arith.constant 0 : i32
      %cond3A_259 = arith.cmpi ne, %convert_element_type3A_257, %cond3A_258 : i32
      scf.if %cond3A_259 {
        %dma_wait3A_420 = arith.constant 0 : i32
        %dma_wait3A_421 = arith.constant 0 : i32
        %dma_wait3A_422 = arith.constant 0 : i32
        %dma_wait3A_423 = arith.constant 0 : i32
        %dma_wait3A_424 = tpu.memref_slice %arg7[%dma_wait3A_420, %dma_wait3A_422, %dma_wait3A_423] : memref<2x128x128xf32, #tpu.memory_space<vmem>> -> memref<1x128x128xf32, #tpu.memory_space<vmem>>
        %dma_wait3A_425 = tpu.memref_squeeze %dma_wait3A_424 : memref<1x128x128xf32, #tpu.memory_space<vmem>> -> memref<128x128xf32, #tpu.memory_space<vmem>>
        %dma_wait3A_426 = arith.constant 0 : i32
        %dma_wait3A_427 = tpu.memref_slice %arg6[%mul3A_0, %dma_wait3A_426] : memref<10240x128xf32, #tpu.memory_space<vmem_shared>> -> memref<128x128xf32, #tpu.memory_space<vmem_shared>>
        %dma_wait3A_428 = tpu.memref_slice %arg11[%dma_wait3A_421] : memref<2x!tpu.dma_semaphore, #tpu.memory_space<semaphore_mem>> -> memref<1x!tpu.dma_semaphore, #tpu.memory_space<semaphore_mem>>
        %dma_wait3A_429 = tpu.memref_squeeze %dma_wait3A_428 : memref<1x!tpu.dma_semaphore, #tpu.memory_space<semaphore_mem>> -> memref<!tpu.dma_semaphore, #tpu.memory_space<semaphore_mem>>
        %dma_wait3A_430 = arith.constant 0 : i32
        %dma_wait3A_431 = tpu.memref_slice %arg6[%mul3A_0, %dma_wait3A_430] : memref<10240x128xf32, #tpu.memory_space<vmem_shared>> -> memref<128x128xf32, #tpu.memory_space<vmem_shared>>
        %dma_wait3A_432 = arith.constant 0 : i32
        %dma_wait3A_433 = arith.constant 0 : i32
        %dma_wait3A_434 = tpu.memref_slice %arg7[%dma_wait3A_420, %dma_wait3A_432, %dma_wait3A_433] : memref<2x128x128xf32, #tpu.memory_space<vmem>> -> memref<1x128x128xf32, #tpu.memory_space<vmem>>
        %dma_wait3A_435 = tpu.memref_squeeze %dma_wait3A_434 : memref<1x128x128xf32, #tpu.memory_space<vmem>> -> memref<128x128xf32, #tpu.memory_space<vmem>>
        tpu.wait_dma2 semaphore(%dma_wait3A_429 : memref<!tpu.dma_semaphore, #tpu.memory_space<semaphore_mem>>) src(%dma_wait3A_435 : memref<128x128xf32, #tpu.memory_space<vmem>>) dst(%dma_wait3A_431 : memref<128x128xf32, #tpu.memory_space<vmem_shared>>)
      } else {
      }
      %add3A_260 = arith.constant 2 : i32
      %add3A_261 = arith.addi %add3A_204, %add3A_260 : i32
      %lt3A_262 = arith.constant 80 : i32
      %lt3A_263 = arith.cmpi slt, %add3A_261, %lt3A_262 : i32
      %convert_element_type3A_264 = arith.extui %lt3A_263 : i1 to i32
      %cond3A_265 = arith.constant 0 : i32
      %cond3A_266 = arith.cmpi ne, %convert_element_type3A_264, %cond3A_265 : i32
      scf.if %cond3A_266 {
        %add3A_420 = arith.constant 32 : i32
        %add3A_421 = arith.addi %add3A_207, %add3A_420 : i32
        %dma_start3A_422 = arith.constant 1 : i32
        %dma_start3A_423 = arith.constant 1 : i32
        %dma_start3A_424 = arith.constant 0 : i32
        %dma_start3A_425 = tpu.memref_slice %arg8[%dma_start3A_422, %dma_start3A_424] : memref<2x128xi32, #tpu.memory_space<vmem>> -> memref<1x128xi32, #tpu.memory_space<vmem>>
        %dma_start3A_426 = tpu.memref_squeeze %dma_start3A_425 : memref<1x128xi32, #tpu.memory_space<vmem>> -> memref<128xi32, #tpu.memory_space<vmem>>
        %dma_start3A_427 = arith.constant 0 : i32
        %dma_start3A_428 = tpu.memref_slice %arg2[%arg0, %add3A_421, %dma_start3A_427] : memref<2x1280x128xi32, #tpu.memory_space<hbm>> -> memref<1x1x128xi32, #tpu.memory_space<hbm>>
        %dma_start3A_429 = tpu.memref_squeeze %dma_start3A_428 : memref<1x1x128xi32, #tpu.memory_space<hbm>> -> memref<128xi32, #tpu.memory_space<hbm>>
        %dma_start3A_430 = tpu.memref_slice %arg12[%dma_start3A_423] : memref<2x!tpu.dma_semaphore, #tpu.memory_space<semaphore_mem>> -> memref<1x!tpu.dma_semaphore, #tpu.memory_space<semaphore_mem>>
        %dma_start3A_431 = tpu.memref_squeeze %dma_start3A_430 : memref<1x!tpu.dma_semaphore, #tpu.memory_space<semaphore_mem>> -> memref<!tpu.dma_semaphore, #tpu.memory_space<semaphore_mem>>
        %dma_start3A_432 = arith.constant 0 : i32
        %dma_start3A_433 = tpu.memref_slice %arg8[%dma_start3A_422, %dma_start3A_432] : memref<2x128xi32, #tpu.memory_space<vmem>> -> memref<1x128xi32, #tpu.memory_space<vmem>>
        %dma_start3A_434 = tpu.memref_squeeze %dma_start3A_433 : memref<1x128xi32, #tpu.memory_space<vmem>> -> memref<128xi32, #tpu.memory_space<vmem>>
        %dma_start3A_435 = arith.constant 0 : i32
        %dma_start3A_436 = tpu.memref_slice %arg2[%arg0, %add3A_421, %dma_start3A_435] : memref<2x1280x128xi32, #tpu.memory_space<hbm>> -> memref<1x1x128xi32, #tpu.memory_space<hbm>>
        %dma_start3A_437 = tpu.memref_squeeze %dma_start3A_436 : memref<1x1x128xi32, #tpu.memory_space<hbm>> -> memref<128xi32, #tpu.memory_space<hbm>>
        tpu.enqueue_dma source(%dma_start3A_437 : memref<128xi32, #tpu.memory_space<hbm>>) target(%dma_start3A_434 : memref<128xi32, #tpu.memory_space<vmem>>) target_semaphore(%dma_start3A_431 : memref<!tpu.dma_semaphore, #tpu.memory_space<semaphore_mem>>)
        %add3A_438 = arith.constant 32 : i32
        %add3A_439 = arith.addi %add3A_207, %add3A_438 : i32
        %dma_start3A_440 = arith.constant 3 : i32
        %dma_start3A_441 = arith.constant 3 : i32
        %dma_start3A_442 = arith.constant 0 : i32
        %dma_start3A_443 = tpu.memref_slice %arg9[%dma_start3A_440, %dma_start3A_442] : memref<4x128xi32, #tpu.memory_space<vmem>> -> memref<1x128xi32, #tpu.memory_space<vmem>>
        %dma_start3A_444 = tpu.memref_squeeze %dma_start3A_443 : memref<1x128xi32, #tpu.memory_space<vmem>> -> memref<128xi32, #tpu.memory_space<vmem>>
        %dma_start3A_445 = arith.constant 0 : i32
        %dma_start3A_446 = tpu.memref_slice %arg3[%add3A_439, %dma_start3A_445] : memref<1280x128xi32, #tpu.memory_space<hbm>> -> memref<1x128xi32, #tpu.memory_space<hbm>>
        %dma_start3A_447 = tpu.memref_squeeze %dma_start3A_446 : memref<1x128xi32, #tpu.memory_space<hbm>> -> memref<128xi32, #tpu.memory_space<hbm>>
        %dma_start3A_448 = tpu.memref_slice %arg13[%dma_start3A_441] : memref<4x!tpu.dma_semaphore, #tpu.memory_space<semaphore_mem>> -> memref<1x!tpu.dma_semaphore, #tpu.memory_space<semaphore_mem>>
        %dma_start3A_449 = tpu.memref_squeeze %dma_start3A_448 : memref<1x!tpu.dma_semaphore, #tpu.memory_space<semaphore_mem>> -> memref<!tpu.dma_semaphore, #tpu.memory_space<semaphore_mem>>
        %dma_start3A_450 = arith.constant 0 : i32
        %dma_start3A_451 = tpu.memref_slice %arg9[%dma_start3A_440, %dma_start3A_450] : memref<4x128xi32, #tpu.memory_space<vmem>> -> memref<1x128xi32, #tpu.memory_space<vmem>>
        %dma_start3A_452 = tpu.memref_squeeze %dma_start3A_451 : memref<1x128xi32, #tpu.memory_space<vmem>> -> memref<128xi32, #tpu.memory_space<vmem>>
        %dma_start3A_453 = arith.constant 0 : i32
        %dma_start3A_454 = tpu.memref_slice %arg3[%add3A_439, %dma_start3A_453] : memref<1280x128xi32, #tpu.memory_space<hbm>> -> memref<1x128xi32, #tpu.memory_space<hbm>>
        %dma_start3A_455 = tpu.memref_squeeze %dma_start3A_454 : memref<1x128xi32, #tpu.memory_space<hbm>> -> memref<128xi32, #tpu.memory_space<hbm>>
        tpu.enqueue_dma source(%dma_start3A_455 : memref<128xi32, #tpu.memory_space<hbm>>) target(%dma_start3A_452 : memref<128xi32, #tpu.memory_space<vmem>>) target_semaphore(%dma_start3A_449 : memref<!tpu.dma_semaphore, #tpu.memory_space<semaphore_mem>>)
      } else {
      }
      %add3A_267 = arith.constant 1 : i32
      %add3A_268 = arith.addi %add3A_204, %add3A_267 : i32
      %lt3A_269 = arith.constant 80 : i32
      %lt3A_270 = arith.cmpi slt, %add3A_268, %lt3A_269 : i32
      %convert_element_type3A_271 = arith.extui %lt3A_270 : i1 to i32
      %cond3A_272 = arith.constant 0 : i32
      %cond3A_273 = arith.cmpi ne, %convert_element_type3A_271, %cond3A_272 : i32
      scf.if %cond3A_273 {
        %dma_wait3A_420 = arith.constant 0 : i32
        %dma_wait3A_421 = arith.constant 0 : i32
        %dma_wait3A_422 = arith.constant 0 : i32
        %dma_wait3A_423 = tpu.memref_slice %arg8[%dma_wait3A_420, %dma_wait3A_422] : memref<2x128xi32, #tpu.memory_space<vmem>> -> memref<1x128xi32, #tpu.memory_space<vmem>>
        %dma_wait3A_424 = tpu.memref_squeeze %dma_wait3A_423 : memref<1x128xi32, #tpu.memory_space<vmem>> -> memref<128xi32, #tpu.memory_space<vmem>>
        %dma_wait3A_425 = arith.constant 0 : i32
        %dma_wait3A_426 = tpu.memref_slice %arg2[%arg0, %arg1, %dma_wait3A_425] : memref<2x1280x128xi32, #tpu.memory_space<hbm>> -> memref<1x1x128xi32, #tpu.memory_space<hbm>>
        %dma_wait3A_427 = tpu.memref_squeeze %dma_wait3A_426 : memref<1x1x128xi32, #tpu.memory_space<hbm>> -> memref<128xi32, #tpu.memory_space<hbm>>
        %dma_wait3A_428 = tpu.memref_slice %arg12[%dma_wait3A_421] : memref<2x!tpu.dma_semaphore, #tpu.memory_space<semaphore_mem>> -> memref<1x!tpu.dma_semaphore, #tpu.memory_space<semaphore_mem>>
        %dma_wait3A_429 = tpu.memref_squeeze %dma_wait3A_428 : memref<1x!tpu.dma_semaphore, #tpu.memory_space<semaphore_mem>> -> memref<!tpu.dma_semaphore, #tpu.memory_space<semaphore_mem>>
        %dma_wait3A_430 = arith.constant 0 : i32
        %dma_wait3A_431 = tpu.memref_slice %arg8[%dma_wait3A_420, %dma_wait3A_430] : memref<2x128xi32, #tpu.memory_space<vmem>> -> memref<1x128xi32, #tpu.memory_space<vmem>>
        %dma_wait3A_432 = tpu.memref_squeeze %dma_wait3A_431 : memref<1x128xi32, #tpu.memory_space<vmem>> -> memref<128xi32, #tpu.memory_space<vmem>>
        %dma_wait3A_433 = arith.constant 0 : i32
        %dma_wait3A_434 = tpu.memref_slice %arg2[%arg0, %arg1, %dma_wait3A_433] : memref<2x1280x128xi32, #tpu.memory_space<hbm>> -> memref<1x1x128xi32, #tpu.memory_space<hbm>>
        %dma_wait3A_435 = tpu.memref_squeeze %dma_wait3A_434 : memref<1x1x128xi32, #tpu.memory_space<hbm>> -> memref<128xi32, #tpu.memory_space<hbm>>
        tpu.wait_dma2 semaphore(%dma_wait3A_429 : memref<!tpu.dma_semaphore, #tpu.memory_space<semaphore_mem>>) src(%dma_wait3A_435 : memref<128xi32, #tpu.memory_space<hbm>>) dst(%dma_wait3A_432 : memref<128xi32, #tpu.memory_space<vmem>>)
        %dma_start3A_436 = arith.constant 0 : i32
        %dma_start3A_437 = arith.constant 0 : i32
        %dma_start3A_438 = arith.constant 0 : i32
        %dma_start3A_439 = arith.constant 0 : i32
        %dma_start3A_440 = arith.constant 0 : i32
        %dma_start3A_441 = tpu.memref_slice %arg7[%dma_start3A_437, %dma_start3A_439, %dma_start3A_440] : memref<2x128x128xf32, #tpu.memory_space<vmem>> -> memref<1x128x128xf32, #tpu.memory_space<vmem>>
        %dma_start3A_442 = tpu.memref_squeeze %dma_start3A_441 : memref<1x128x128xf32, #tpu.memory_space<vmem>> -> memref<128x128xf32, #tpu.memory_space<vmem>>
        %dma_start3A_443 = arith.constant 0 : i32
        %dma_start3A_444 = tpu.memref_slice %arg8[%dma_start3A_436, %dma_start3A_443] : memref<2x128xi32, #tpu.memory_space<vmem>> -> memref<1x128xi32, #tpu.memory_space<vmem>>
        %dma_start3A_445 = tpu.memref_squeeze %dma_start3A_444 : memref<1x128xi32, #tpu.memory_space<vmem>> -> memref<128xi32, #tpu.memory_space<vmem>>
        %dma_start3A_446 = arith.constant 0 : i32
        %dma_start3A_447 = arith.constant 0 : i32
        %dma_start3A_448 = tpu.memref_slice %arg4[%dma_start3A_446, %dma_start3A_447] : memref<20480x128xf32, #tpu.memory_space<hbm>> -> memref<20480x128xf32, #tpu.memory_space<hbm>>
        %dma_start3A_449 = tpu.memref_slice %arg10[%dma_start3A_438] : memref<2x!tpu.dma_semaphore, #tpu.memory_space<semaphore_mem>> -> memref<1x!tpu.dma_semaphore, #tpu.memory_space<semaphore_mem>>
        %dma_start3A_450 = tpu.memref_squeeze %dma_start3A_449 : memref<1x!tpu.dma_semaphore, #tpu.memory_space<semaphore_mem>> -> memref<!tpu.dma_semaphore, #tpu.memory_space<semaphore_mem>>
        tpu.enqueue_indirect_dma source(%dma_start3A_448 : memref<20480x128xf32, #tpu.memory_space<hbm>>) target(%dma_start3A_442 : memref<128x128xf32, #tpu.memory_space<vmem>>) offsets(%dma_start3A_445 : memref<128xi32, #tpu.memory_space<vmem>>) semaphore(%dma_start3A_450 : memref<!tpu.dma_semaphore, #tpu.memory_space<semaphore_mem>>)
      } else {
      }
      %mul3A_274 = arith.constant 4 : i32
      %mul3A_275 = arith.muli %mul3A_274, %scan3A_131 : i32
      %add3A_276 = arith.constant 2 : i32
      %add3A_277 = arith.addi %mul3A_275, %add3A_276 : i32
      %mul3A_278 = arith.constant 16 : i32
      %mul3A_279 = arith.muli %add3A_277, %mul3A_278 : i32
      %add3A_280 = arith.addi %arg1, %mul3A_279 : i32
      %dma_wait3A_281 = arith.constant 0 : i32
      %dma_wait3A_282 = arith.constant 0 : i32
      %dma_wait3A_283 = arith.constant 0 : i32
      %dma_wait3A_284 = arith.constant 0 : i32
      %dma_wait3A_285 = arith.constant 0 : i32
      %dma_wait3A_286 = tpu.memref_slice %arg7[%dma_wait3A_282, %dma_wait3A_284, %dma_wait3A_285] : memref<2x128x128xf32, #tpu.memory_space<vmem>> -> memref<1x128x128xf32, #tpu.memory_space<vmem>>
      %dma_wait3A_287 = tpu.memref_squeeze %dma_wait3A_286 : memref<1x128x128xf32, #tpu.memory_space<vmem>> -> memref<128x128xf32, #tpu.memory_space<vmem>>
      %dma_wait3A_288 = arith.constant 0 : i32
      %dma_wait3A_289 = tpu.memref_slice %arg8[%dma_wait3A_281, %dma_wait3A_288] : memref<2x128xi32, #tpu.memory_space<vmem>> -> memref<1x128xi32, #tpu.memory_space<vmem>>
      %dma_wait3A_290 = tpu.memref_squeeze %dma_wait3A_289 : memref<1x128xi32, #tpu.memory_space<vmem>> -> memref<128xi32, #tpu.memory_space<vmem>>
      %dma_wait3A_291 = arith.constant 0 : i32
      %dma_wait3A_292 = arith.constant 0 : i32
      %dma_wait3A_293 = tpu.memref_slice %arg4[%dma_wait3A_291, %dma_wait3A_292] : memref<20480x128xf32, #tpu.memory_space<hbm>> -> memref<20480x128xf32, #tpu.memory_space<hbm>>
      %dma_wait3A_294 = tpu.memref_slice %arg10[%dma_wait3A_283] : memref<2x!tpu.dma_semaphore, #tpu.memory_space<semaphore_mem>> -> memref<1x!tpu.dma_semaphore, #tpu.memory_space<semaphore_mem>>
      %dma_wait3A_295 = tpu.memref_squeeze %dma_wait3A_294 : memref<1x!tpu.dma_semaphore, #tpu.memory_space<semaphore_mem>> -> memref<!tpu.dma_semaphore, #tpu.memory_space<semaphore_mem>>
      tpu.wait_indirect_dma semaphore(%dma_wait3A_295 : memref<!tpu.dma_semaphore, #tpu.memory_space<semaphore_mem>>) src(%dma_wait3A_293 : memref<20480x128xf32, #tpu.memory_space<hbm>>) dst(%dma_wait3A_287 : memref<128x128xf32, #tpu.memory_space<vmem>>)
      %dma_wait3A_296 = arith.constant 2 : i32
      %dma_wait3A_297 = arith.constant 2 : i32
      %dma_wait3A_298 = arith.constant 0 : i32
      %dma_wait3A_299 = tpu.memref_slice %arg9[%dma_wait3A_296, %dma_wait3A_298] : memref<4x128xi32, #tpu.memory_space<vmem>> -> memref<1x128xi32, #tpu.memory_space<vmem>>
      %dma_wait3A_300 = tpu.memref_squeeze %dma_wait3A_299 : memref<1x128xi32, #tpu.memory_space<vmem>> -> memref<128xi32, #tpu.memory_space<vmem>>
      %dma_wait3A_301 = arith.constant 0 : i32
      %dma_wait3A_302 = tpu.memref_slice %arg3[%arg1, %dma_wait3A_301] : memref<1280x128xi32, #tpu.memory_space<hbm>> -> memref<1x128xi32, #tpu.memory_space<hbm>>
      %dma_wait3A_303 = tpu.memref_squeeze %dma_wait3A_302 : memref<1x128xi32, #tpu.memory_space<hbm>> -> memref<128xi32, #tpu.memory_space<hbm>>
      %dma_wait3A_304 = tpu.memref_slice %arg13[%dma_wait3A_297] : memref<4x!tpu.dma_semaphore, #tpu.memory_space<semaphore_mem>> -> memref<1x!tpu.dma_semaphore, #tpu.memory_space<semaphore_mem>>
      %dma_wait3A_305 = tpu.memref_squeeze %dma_wait3A_304 : memref<1x!tpu.dma_semaphore, #tpu.memory_space<semaphore_mem>> -> memref<!tpu.dma_semaphore, #tpu.memory_space<semaphore_mem>>
      %dma_wait3A_306 = arith.constant 0 : i32
      %dma_wait3A_307 = tpu.memref_slice %arg9[%dma_wait3A_296, %dma_wait3A_306] : memref<4x128xi32, #tpu.memory_space<vmem>> -> memref<1x128xi32, #tpu.memory_space<vmem>>
      %dma_wait3A_308 = tpu.memref_squeeze %dma_wait3A_307 : memref<1x128xi32, #tpu.memory_space<vmem>> -> memref<128xi32, #tpu.memory_space<vmem>>
      %dma_wait3A_309 = arith.constant 0 : i32
      %dma_wait3A_310 = tpu.memref_slice %arg3[%arg1, %dma_wait3A_309] : memref<1280x128xi32, #tpu.memory_space<hbm>> -> memref<1x128xi32, #tpu.memory_space<hbm>>
      %dma_wait3A_311 = tpu.memref_squeeze %dma_wait3A_310 : memref<1x128xi32, #tpu.memory_space<hbm>> -> memref<128xi32, #tpu.memory_space<hbm>>
      tpu.wait_dma2 semaphore(%dma_wait3A_305 : memref<!tpu.dma_semaphore, #tpu.memory_space<semaphore_mem>>) src(%dma_wait3A_311 : memref<128xi32, #tpu.memory_space<hbm>>) dst(%dma_wait3A_308 : memref<128xi32, #tpu.memory_space<vmem>>)
      %dma_start3A_312 = arith.constant 0 : i32
      %dma_start3A_313 = arith.constant 0 : i32
      %dma_start3A_314 = arith.constant 0 : i32
      %dma_start3A_315 = arith.constant 0 : i32
      %dma_start3A_316 = tpu.memref_slice %arg7[%dma_start3A_312, %dma_start3A_314, %dma_start3A_315] : memref<2x128x128xf32, #tpu.memory_space<vmem>> -> memref<1x128x128xf32, #tpu.memory_space<vmem>>
      %dma_start3A_317 = tpu.memref_squeeze %dma_start3A_316 : memref<1x128x128xf32, #tpu.memory_space<vmem>> -> memref<128x128xf32, #tpu.memory_space<vmem>>
      %dma_start3A_318 = arith.constant 0 : i32
      %dma_start3A_319 = tpu.memref_slice %arg6[%mul3A_0, %dma_start3A_318] : memref<10240x128xf32, #tpu.memory_space<vmem_shared>> -> memref<128x128xf32, #tpu.memory_space<vmem_shared>>
      %dma_start3A_320 = tpu.memref_slice %arg11[%dma_start3A_313] : memref<2x!tpu.dma_semaphore, #tpu.memory_space<semaphore_mem>> -> memref<1x!tpu.dma_semaphore, #tpu.memory_space<semaphore_mem>>
      %dma_start3A_321 = tpu.memref_squeeze %dma_start3A_320 : memref<1x!tpu.dma_semaphore, #tpu.memory_space<semaphore_mem>> -> memref<!tpu.dma_semaphore, #tpu.memory_space<semaphore_mem>>
      %dma_start3A_322 = arith.constant 0 : i32
      %dma_start3A_323 = tpu.memref_slice %arg6[%mul3A_0, %dma_start3A_322] : memref<10240x128xf32, #tpu.memory_space<vmem_shared>> -> memref<128x128xf32, #tpu.memory_space<vmem_shared>>
      %dma_start3A_324 = arith.constant 0 : i32
      %dma_start3A_325 = arith.constant 0 : i32
      %dma_start3A_326 = tpu.memref_slice %arg7[%dma_start3A_312, %dma_start3A_324, %dma_start3A_325] : memref<2x128x128xf32, #tpu.memory_space<vmem>> -> memref<1x128x128xf32, #tpu.memory_space<vmem>>
      %dma_start3A_327 = tpu.memref_squeeze %dma_start3A_326 : memref<1x128x128xf32, #tpu.memory_space<vmem>> -> memref<128x128xf32, #tpu.memory_space<vmem>>
      tpu.enqueue_dma source(%dma_start3A_327 : memref<128x128xf32, #tpu.memory_space<vmem>>) target(%dma_start3A_323 : memref<128x128xf32, #tpu.memory_space<vmem_shared>>) target_semaphore(%dma_start3A_321 : memref<!tpu.dma_semaphore, #tpu.memory_space<semaphore_mem>>)
      %ge3A_328 = arith.constant 1 : i32
      %ge3A_329 = arith.cmpi sge, %add3A_277, %ge3A_328 : i32
      %convert_element_type3A_330 = arith.extui %ge3A_329 : i1 to i32
      %cond3A_331 = arith.constant 0 : i32
      %cond3A_332 = arith.cmpi ne, %convert_element_type3A_330, %cond3A_331 : i32
      scf.if %cond3A_332 {
        %dma_wait3A_420 = arith.constant 1 : i32
        %dma_wait3A_421 = arith.constant 1 : i32
        %dma_wait3A_422 = arith.constant 0 : i32
        %dma_wait3A_423 = arith.constant 0 : i32
        %dma_wait3A_424 = tpu.memref_slice %arg7[%dma_wait3A_420, %dma_wait3A_422, %dma_wait3A_423] : memref<2x128x128xf32, #tpu.memory_space<vmem>> -> memref<1x128x128xf32, #tpu.memory_space<vmem>>
        %dma_wait3A_425 = tpu.memref_squeeze %dma_wait3A_424 : memref<1x128x128xf32, #tpu.memory_space<vmem>> -> memref<128x128xf32, #tpu.memory_space<vmem>>
        %dma_wait3A_426 = arith.constant 0 : i32
        %dma_wait3A_427 = tpu.memref_slice %arg6[%mul3A_0, %dma_wait3A_426] : memref<10240x128xf32, #tpu.memory_space<vmem_shared>> -> memref<128x128xf32, #tpu.memory_space<vmem_shared>>
        %dma_wait3A_428 = tpu.memref_slice %arg11[%dma_wait3A_421] : memref<2x!tpu.dma_semaphore, #tpu.memory_space<semaphore_mem>> -> memref<1x!tpu.dma_semaphore, #tpu.memory_space<semaphore_mem>>
        %dma_wait3A_429 = tpu.memref_squeeze %dma_wait3A_428 : memref<1x!tpu.dma_semaphore, #tpu.memory_space<semaphore_mem>> -> memref<!tpu.dma_semaphore, #tpu.memory_space<semaphore_mem>>
        %dma_wait3A_430 = arith.constant 0 : i32
        %dma_wait3A_431 = tpu.memref_slice %arg6[%mul3A_0, %dma_wait3A_430] : memref<10240x128xf32, #tpu.memory_space<vmem_shared>> -> memref<128x128xf32, #tpu.memory_space<vmem_shared>>
        %dma_wait3A_432 = arith.constant 0 : i32
        %dma_wait3A_433 = arith.constant 0 : i32
        %dma_wait3A_434 = tpu.memref_slice %arg7[%dma_wait3A_420, %dma_wait3A_432, %dma_wait3A_433] : memref<2x128x128xf32, #tpu.memory_space<vmem>> -> memref<1x128x128xf32, #tpu.memory_space<vmem>>
        %dma_wait3A_435 = tpu.memref_squeeze %dma_wait3A_434 : memref<1x128x128xf32, #tpu.memory_space<vmem>> -> memref<128x128xf32, #tpu.memory_space<vmem>>
        tpu.wait_dma2 semaphore(%dma_wait3A_429 : memref<!tpu.dma_semaphore, #tpu.memory_space<semaphore_mem>>) src(%dma_wait3A_435 : memref<128x128xf32, #tpu.memory_space<vmem>>) dst(%dma_wait3A_431 : memref<128x128xf32, #tpu.memory_space<vmem_shared>>)
      } else {
      }
      %add3A_333 = arith.constant 2 : i32
      %add3A_334 = arith.addi %add3A_277, %add3A_333 : i32
      %lt3A_335 = arith.constant 80 : i32
      %lt3A_336 = arith.cmpi slt, %add3A_334, %lt3A_335 : i32
      %convert_element_type3A_337 = arith.extui %lt3A_336 : i1 to i32
      %cond3A_338 = arith.constant 0 : i32
      %cond3A_339 = arith.cmpi ne, %convert_element_type3A_337, %cond3A_338 : i32
      scf.if %cond3A_339 {
        %add3A_420 = arith.constant 32 : i32
        %add3A_421 = arith.addi %add3A_280, %add3A_420 : i32
        %dma_start3A_422 = arith.constant 0 : i32
        %dma_start3A_423 = arith.constant 0 : i32
        %dma_start3A_424 = arith.constant 0 : i32
        %dma_start3A_425 = tpu.memref_slice %arg8[%dma_start3A_422, %dma_start3A_424] : memref<2x128xi32, #tpu.memory_space<vmem>> -> memref<1x128xi32, #tpu.memory_space<vmem>>
        %dma_start3A_426 = tpu.memref_squeeze %dma_start3A_425 : memref<1x128xi32, #tpu.memory_space<vmem>> -> memref<128xi32, #tpu.memory_space<vmem>>
        %dma_start3A_427 = arith.constant 0 : i32
        %dma_start3A_428 = tpu.memref_slice %arg2[%arg0, %add3A_421, %dma_start3A_427] : memref<2x1280x128xi32, #tpu.memory_space<hbm>> -> memref<1x1x128xi32, #tpu.memory_space<hbm>>
        %dma_start3A_429 = tpu.memref_squeeze %dma_start3A_428 : memref<1x1x128xi32, #tpu.memory_space<hbm>> -> memref<128xi32, #tpu.memory_space<hbm>>
        %dma_start3A_430 = tpu.memref_slice %arg12[%dma_start3A_423] : memref<2x!tpu.dma_semaphore, #tpu.memory_space<semaphore_mem>> -> memref<1x!tpu.dma_semaphore, #tpu.memory_space<semaphore_mem>>
        %dma_start3A_431 = tpu.memref_squeeze %dma_start3A_430 : memref<1x!tpu.dma_semaphore, #tpu.memory_space<semaphore_mem>> -> memref<!tpu.dma_semaphore, #tpu.memory_space<semaphore_mem>>
        %dma_start3A_432 = arith.constant 0 : i32
        %dma_start3A_433 = tpu.memref_slice %arg8[%dma_start3A_422, %dma_start3A_432] : memref<2x128xi32, #tpu.memory_space<vmem>> -> memref<1x128xi32, #tpu.memory_space<vmem>>
        %dma_start3A_434 = tpu.memref_squeeze %dma_start3A_433 : memref<1x128xi32, #tpu.memory_space<vmem>> -> memref<128xi32, #tpu.memory_space<vmem>>
        %dma_start3A_435 = arith.constant 0 : i32
        %dma_start3A_436 = tpu.memref_slice %arg2[%arg0, %add3A_421, %dma_start3A_435] : memref<2x1280x128xi32, #tpu.memory_space<hbm>> -> memref<1x1x128xi32, #tpu.memory_space<hbm>>
        %dma_start3A_437 = tpu.memref_squeeze %dma_start3A_436 : memref<1x1x128xi32, #tpu.memory_space<hbm>> -> memref<128xi32, #tpu.memory_space<hbm>>
        tpu.enqueue_dma source(%dma_start3A_437 : memref<128xi32, #tpu.memory_space<hbm>>) target(%dma_start3A_434 : memref<128xi32, #tpu.memory_space<vmem>>) target_semaphore(%dma_start3A_431 : memref<!tpu.dma_semaphore, #tpu.memory_space<semaphore_mem>>)
        %add3A_438 = arith.constant 32 : i32
        %add3A_439 = arith.addi %add3A_280, %add3A_438 : i32
        %dma_start3A_440 = arith.constant 0 : i32
        %dma_start3A_441 = arith.constant 0 : i32
        %dma_start3A_442 = arith.constant 0 : i32
        %dma_start3A_443 = tpu.memref_slice %arg9[%dma_start3A_440, %dma_start3A_442] : memref<4x128xi32, #tpu.memory_space<vmem>> -> memref<1x128xi32, #tpu.memory_space<vmem>>
        %dma_start3A_444 = tpu.memref_squeeze %dma_start3A_443 : memref<1x128xi32, #tpu.memory_space<vmem>> -> memref<128xi32, #tpu.memory_space<vmem>>
        %dma_start3A_445 = arith.constant 0 : i32
        %dma_start3A_446 = tpu.memref_slice %arg3[%add3A_439, %dma_start3A_445] : memref<1280x128xi32, #tpu.memory_space<hbm>> -> memref<1x128xi32, #tpu.memory_space<hbm>>
        %dma_start3A_447 = tpu.memref_squeeze %dma_start3A_446 : memref<1x128xi32, #tpu.memory_space<hbm>> -> memref<128xi32, #tpu.memory_space<hbm>>
        %dma_start3A_448 = tpu.memref_slice %arg13[%dma_start3A_441] : memref<4x!tpu.dma_semaphore, #tpu.memory_space<semaphore_mem>> -> memref<1x!tpu.dma_semaphore, #tpu.memory_space<semaphore_mem>>
        %dma_start3A_449 = tpu.memref_squeeze %dma_start3A_448 : memref<1x!tpu.dma_semaphore, #tpu.memory_space<semaphore_mem>> -> memref<!tpu.dma_semaphore, #tpu.memory_space<semaphore_mem>>
        %dma_start3A_450 = arith.constant 0 : i32
        %dma_start3A_451 = tpu.memref_slice %arg9[%dma_start3A_440, %dma_start3A_450] : memref<4x128xi32, #tpu.memory_space<vmem>> -> memref<1x128xi32, #tpu.memory_space<vmem>>
        %dma_start3A_452 = tpu.memref_squeeze %dma_start3A_451 : memref<1x128xi32, #tpu.memory_space<vmem>> -> memref<128xi32, #tpu.memory_space<vmem>>
        %dma_start3A_453 = arith.constant 0 : i32
        %dma_start3A_454 = tpu.memref_slice %arg3[%add3A_439, %dma_start3A_453] : memref<1280x128xi32, #tpu.memory_space<hbm>> -> memref<1x128xi32, #tpu.memory_space<hbm>>
        %dma_start3A_455 = tpu.memref_squeeze %dma_start3A_454 : memref<1x128xi32, #tpu.memory_space<hbm>> -> memref<128xi32, #tpu.memory_space<hbm>>
        tpu.enqueue_dma source(%dma_start3A_455 : memref<128xi32, #tpu.memory_space<hbm>>) target(%dma_start3A_452 : memref<128xi32, #tpu.memory_space<vmem>>) target_semaphore(%dma_start3A_449 : memref<!tpu.dma_semaphore, #tpu.memory_space<semaphore_mem>>)
      } else {
      }
      %add3A_340 = arith.constant 1 : i32
      %add3A_341 = arith.addi %add3A_277, %add3A_340 : i32
      %lt3A_342 = arith.constant 80 : i32
      %lt3A_343 = arith.cmpi slt, %add3A_341, %lt3A_342 : i32
      %convert_element_type3A_344 = arith.extui %lt3A_343 : i1 to i32
      %cond3A_345 = arith.constant 0 : i32
      %cond3A_346 = arith.cmpi ne, %convert_element_type3A_344, %cond3A_345 : i32
      scf.if %cond3A_346 {
        %dma_wait3A_420 = arith.constant 1 : i32
        %dma_wait3A_421 = arith.constant 1 : i32
        %dma_wait3A_422 = arith.constant 0 : i32
        %dma_wait3A_423 = tpu.memref_slice %arg8[%dma_wait3A_420, %dma_wait3A_422] : memref<2x128xi32, #tpu.memory_space<vmem>> -> memref<1x128xi32, #tpu.memory_space<vmem>>
        %dma_wait3A_424 = tpu.memref_squeeze %dma_wait3A_423 : memref<1x128xi32, #tpu.memory_space<vmem>> -> memref<128xi32, #tpu.memory_space<vmem>>
        %dma_wait3A_425 = arith.constant 0 : i32
        %dma_wait3A_426 = tpu.memref_slice %arg2[%arg0, %arg1, %dma_wait3A_425] : memref<2x1280x128xi32, #tpu.memory_space<hbm>> -> memref<1x1x128xi32, #tpu.memory_space<hbm>>
        %dma_wait3A_427 = tpu.memref_squeeze %dma_wait3A_426 : memref<1x1x128xi32, #tpu.memory_space<hbm>> -> memref<128xi32, #tpu.memory_space<hbm>>
        %dma_wait3A_428 = tpu.memref_slice %arg12[%dma_wait3A_421] : memref<2x!tpu.dma_semaphore, #tpu.memory_space<semaphore_mem>> -> memref<1x!tpu.dma_semaphore, #tpu.memory_space<semaphore_mem>>
        %dma_wait3A_429 = tpu.memref_squeeze %dma_wait3A_428 : memref<1x!tpu.dma_semaphore, #tpu.memory_space<semaphore_mem>> -> memref<!tpu.dma_semaphore, #tpu.memory_space<semaphore_mem>>
        %dma_wait3A_430 = arith.constant 0 : i32
        %dma_wait3A_431 = tpu.memref_slice %arg8[%dma_wait3A_420, %dma_wait3A_430] : memref<2x128xi32, #tpu.memory_space<vmem>> -> memref<1x128xi32, #tpu.memory_space<vmem>>
        %dma_wait3A_432 = tpu.memref_squeeze %dma_wait3A_431 : memref<1x128xi32, #tpu.memory_space<vmem>> -> memref<128xi32, #tpu.memory_space<vmem>>
        %dma_wait3A_433 = arith.constant 0 : i32
        %dma_wait3A_434 = tpu.memref_slice %arg2[%arg0, %arg1, %dma_wait3A_433] : memref<2x1280x128xi32, #tpu.memory_space<hbm>> -> memref<1x1x128xi32, #tpu.memory_space<hbm>>
        %dma_wait3A_435 = tpu.memref_squeeze %dma_wait3A_434 : memref<1x1x128xi32, #tpu.memory_space<hbm>> -> memref<128xi32, #tpu.memory_space<hbm>>
        tpu.wait_dma2 semaphore(%dma_wait3A_429 : memref<!tpu.dma_semaphore, #tpu.memory_space<semaphore_mem>>) src(%dma_wait3A_435 : memref<128xi32, #tpu.memory_space<hbm>>) dst(%dma_wait3A_432 : memref<128xi32, #tpu.memory_space<vmem>>)
        %dma_start3A_436 = arith.constant 1 : i32
        %dma_start3A_437 = arith.constant 1 : i32
        %dma_start3A_438 = arith.constant 1 : i32
        %dma_start3A_439 = arith.constant 0 : i32
        %dma_start3A_440 = arith.constant 0 : i32
        %dma_start3A_441 = tpu.memref_slice %arg7[%dma_start3A_437, %dma_start3A_439, %dma_start3A_440] : memref<2x128x128xf32, #tpu.memory_space<vmem>> -> memref<1x128x128xf32, #tpu.memory_space<vmem>>
        %dma_start3A_442 = tpu.memref_squeeze %dma_start3A_441 : memref<1x128x128xf32, #tpu.memory_space<vmem>> -> memref<128x128xf32, #tpu.memory_space<vmem>>
        %dma_start3A_443 = arith.constant 0 : i32
        %dma_start3A_444 = tpu.memref_slice %arg8[%dma_start3A_436, %dma_start3A_443] : memref<2x128xi32, #tpu.memory_space<vmem>> -> memref<1x128xi32, #tpu.memory_space<vmem>>
        %dma_start3A_445 = tpu.memref_squeeze %dma_start3A_444 : memref<1x128xi32, #tpu.memory_space<vmem>> -> memref<128xi32, #tpu.memory_space<vmem>>
        %dma_start3A_446 = arith.constant 0 : i32
        %dma_start3A_447 = arith.constant 0 : i32
        %dma_start3A_448 = tpu.memref_slice %arg4[%dma_start3A_446, %dma_start3A_447] : memref<20480x128xf32, #tpu.memory_space<hbm>> -> memref<20480x128xf32, #tpu.memory_space<hbm>>
        %dma_start3A_449 = tpu.memref_slice %arg10[%dma_start3A_438] : memref<2x!tpu.dma_semaphore, #tpu.memory_space<semaphore_mem>> -> memref<1x!tpu.dma_semaphore, #tpu.memory_space<semaphore_mem>>
        %dma_start3A_450 = tpu.memref_squeeze %dma_start3A_449 : memref<1x!tpu.dma_semaphore, #tpu.memory_space<semaphore_mem>> -> memref<!tpu.dma_semaphore, #tpu.memory_space<semaphore_mem>>
        tpu.enqueue_indirect_dma source(%dma_start3A_448 : memref<20480x128xf32, #tpu.memory_space<hbm>>) target(%dma_start3A_442 : memref<128x128xf32, #tpu.memory_space<vmem>>) offsets(%dma_start3A_445 : memref<128xi32, #tpu.memory_space<vmem>>) semaphore(%dma_start3A_450 : memref<!tpu.dma_semaphore, #tpu.memory_space<semaphore_mem>>)
      } else {
      }
      %mul3A_347 = arith.constant 4 : i32
      %mul3A_348 = arith.muli %mul3A_347, %scan3A_131 : i32
      %add3A_349 = arith.constant 3 : i32
      %add3A_350 = arith.addi %mul3A_348, %add3A_349 : i32
      %mul3A_351 = arith.constant 16 : i32
      %mul3A_352 = arith.muli %add3A_350, %mul3A_351 : i32
      %add3A_353 = arith.addi %arg1, %mul3A_352 : i32
      %dma_wait3A_354 = arith.constant 1 : i32
      %dma_wait3A_355 = arith.constant 1 : i32
      %dma_wait3A_356 = arith.constant 1 : i32
      %dma_wait3A_357 = arith.constant 0 : i32
      %dma_wait3A_358 = arith.constant 0 : i32
      %dma_wait3A_359 = tpu.memref_slice %arg7[%dma_wait3A_355, %dma_wait3A_357, %dma_wait3A_358] : memref<2x128x128xf32, #tpu.memory_space<vmem>> -> memref<1x128x128xf32, #tpu.memory_space<vmem>>
      %dma_wait3A_360 = tpu.memref_squeeze %dma_wait3A_359 : memref<1x128x128xf32, #tpu.memory_space<vmem>> -> memref<128x128xf32, #tpu.memory_space<vmem>>
      %dma_wait3A_361 = arith.constant 0 : i32
      %dma_wait3A_362 = tpu.memref_slice %arg8[%dma_wait3A_354, %dma_wait3A_361] : memref<2x128xi32, #tpu.memory_space<vmem>> -> memref<1x128xi32, #tpu.memory_space<vmem>>
      %dma_wait3A_363 = tpu.memref_squeeze %dma_wait3A_362 : memref<1x128xi32, #tpu.memory_space<vmem>> -> memref<128xi32, #tpu.memory_space<vmem>>
      %dma_wait3A_364 = arith.constant 0 : i32
      %dma_wait3A_365 = arith.constant 0 : i32
      %dma_wait3A_366 = tpu.memref_slice %arg4[%dma_wait3A_364, %dma_wait3A_365] : memref<20480x128xf32, #tpu.memory_space<hbm>> -> memref<20480x128xf32, #tpu.memory_space<hbm>>
      %dma_wait3A_367 = tpu.memref_slice %arg10[%dma_wait3A_356] : memref<2x!tpu.dma_semaphore, #tpu.memory_space<semaphore_mem>> -> memref<1x!tpu.dma_semaphore, #tpu.memory_space<semaphore_mem>>
      %dma_wait3A_368 = tpu.memref_squeeze %dma_wait3A_367 : memref<1x!tpu.dma_semaphore, #tpu.memory_space<semaphore_mem>> -> memref<!tpu.dma_semaphore, #tpu.memory_space<semaphore_mem>>
      tpu.wait_indirect_dma semaphore(%dma_wait3A_368 : memref<!tpu.dma_semaphore, #tpu.memory_space<semaphore_mem>>) src(%dma_wait3A_366 : memref<20480x128xf32, #tpu.memory_space<hbm>>) dst(%dma_wait3A_360 : memref<128x128xf32, #tpu.memory_space<vmem>>)
      %dma_wait3A_369 = arith.constant 3 : i32
      %dma_wait3A_370 = arith.constant 3 : i32
      %dma_wait3A_371 = arith.constant 0 : i32
      %dma_wait3A_372 = tpu.memref_slice %arg9[%dma_wait3A_369, %dma_wait3A_371] : memref<4x128xi32, #tpu.memory_space<vmem>> -> memref<1x128xi32, #tpu.memory_space<vmem>>
      %dma_wait3A_373 = tpu.memref_squeeze %dma_wait3A_372 : memref<1x128xi32, #tpu.memory_space<vmem>> -> memref<128xi32, #tpu.memory_space<vmem>>
      %dma_wait3A_374 = arith.constant 0 : i32
      %dma_wait3A_375 = tpu.memref_slice %arg3[%arg1, %dma_wait3A_374] : memref<1280x128xi32, #tpu.memory_space<hbm>> -> memref<1x128xi32, #tpu.memory_space<hbm>>
      %dma_wait3A_376 = tpu.memref_squeeze %dma_wait3A_375 : memref<1x128xi32, #tpu.memory_space<hbm>> -> memref<128xi32, #tpu.memory_space<hbm>>
      %dma_wait3A_377 = tpu.memref_slice %arg13[%dma_wait3A_370] : memref<4x!tpu.dma_semaphore, #tpu.memory_space<semaphore_mem>> -> memref<1x!tpu.dma_semaphore, #tpu.memory_space<semaphore_mem>>
      %dma_wait3A_378 = tpu.memref_squeeze %dma_wait3A_377 : memref<1x!tpu.dma_semaphore, #tpu.memory_space<semaphore_mem>> -> memref<!tpu.dma_semaphore, #tpu.memory_space<semaphore_mem>>
      %dma_wait3A_379 = arith.constant 0 : i32
      %dma_wait3A_380 = tpu.memref_slice %arg9[%dma_wait3A_369, %dma_wait3A_379] : memref<4x128xi32, #tpu.memory_space<vmem>> -> memref<1x128xi32, #tpu.memory_space<vmem>>
      %dma_wait3A_381 = tpu.memref_squeeze %dma_wait3A_380 : memref<1x128xi32, #tpu.memory_space<vmem>> -> memref<128xi32, #tpu.memory_space<vmem>>
      %dma_wait3A_382 = arith.constant 0 : i32
      %dma_wait3A_383 = tpu.memref_slice %arg3[%arg1, %dma_wait3A_382] : memref<1280x128xi32, #tpu.memory_space<hbm>> -> memref<1x128xi32, #tpu.memory_space<hbm>>
      %dma_wait3A_384 = tpu.memref_squeeze %dma_wait3A_383 : memref<1x128xi32, #tpu.memory_space<hbm>> -> memref<128xi32, #tpu.memory_space<hbm>>
      tpu.wait_dma2 semaphore(%dma_wait3A_378 : memref<!tpu.dma_semaphore, #tpu.memory_space<semaphore_mem>>) src(%dma_wait3A_384 : memref<128xi32, #tpu.memory_space<hbm>>) dst(%dma_wait3A_381 : memref<128xi32, #tpu.memory_space<vmem>>)
      %dma_start3A_385 = arith.constant 1 : i32
      %dma_start3A_386 = arith.constant 1 : i32
      %dma_start3A_387 = arith.constant 0 : i32
      %dma_start3A_388 = arith.constant 0 : i32
      %dma_start3A_389 = tpu.memref_slice %arg7[%dma_start3A_385, %dma_start3A_387, %dma_start3A_388] : memref<2x128x128xf32, #tpu.memory_space<vmem>> -> memref<1x128x128xf32, #tpu.memory_space<vmem>>
      %dma_start3A_390 = tpu.memref_squeeze %dma_start3A_389 : memref<1x128x128xf32, #tpu.memory_space<vmem>> -> memref<128x128xf32, #tpu.memory_space<vmem>>
      %dma_start3A_391 = arith.constant 0 : i32
      %dma_start3A_392 = tpu.memref_slice %arg6[%mul3A_0, %dma_start3A_391] : memref<10240x128xf32, #tpu.memory_space<vmem_shared>> -> memref<128x128xf32, #tpu.memory_space<vmem_shared>>
      %dma_start3A_393 = tpu.memref_slice %arg11[%dma_start3A_386] : memref<2x!tpu.dma_semaphore, #tpu.memory_space<semaphore_mem>> -> memref<1x!tpu.dma_semaphore, #tpu.memory_space<semaphore_mem>>
      %dma_start3A_394 = tpu.memref_squeeze %dma_start3A_393 : memref<1x!tpu.dma_semaphore, #tpu.memory_space<semaphore_mem>> -> memref<!tpu.dma_semaphore, #tpu.memory_space<semaphore_mem>>
      %dma_start3A_395 = arith.constant 0 : i32
      %dma_start3A_396 = tpu.memref_slice %arg6[%mul3A_0, %dma_start3A_395] : memref<10240x128xf32, #tpu.memory_space<vmem_shared>> -> memref<128x128xf32, #tpu.memory_space<vmem_shared>>
      %dma_start3A_397 = arith.constant 0 : i32
      %dma_start3A_398 = arith.constant 0 : i32
      %dma_start3A_399 = tpu.memref_slice %arg7[%dma_start3A_385, %dma_start3A_397, %dma_start3A_398] : memref<2x128x128xf32, #tpu.memory_space<vmem>> -> memref<1x128x128xf32, #tpu.memory_space<vmem>>
      %dma_start3A_400 = tpu.memref_squeeze %dma_start3A_399 : memref<1x128x128xf32, #tpu.memory_space<vmem>> -> memref<128x128xf32, #tpu.memory_space<vmem>>
      tpu.enqueue_dma source(%dma_start3A_400 : memref<128x128xf32, #tpu.memory_space<vmem>>) target(%dma_start3A_396 : memref<128x128xf32, #tpu.memory_space<vmem_shared>>) target_semaphore(%dma_start3A_394 : memref<!tpu.dma_semaphore, #tpu.memory_space<semaphore_mem>>)
      %ge3A_401 = arith.constant 1 : i32
      %ge3A_402 = arith.cmpi sge, %add3A_350, %ge3A_401 : i32
      %convert_element_type3A_403 = arith.extui %ge3A_402 : i1 to i32
      %cond3A_404 = arith.constant 0 : i32
      %cond3A_405 = arith.cmpi ne, %convert_element_type3A_403, %cond3A_404 : i32
      scf.if %cond3A_405 {
        %dma_wait3A_420 = arith.constant 0 : i32
        %dma_wait3A_421 = arith.constant 0 : i32
        %dma_wait3A_422 = arith.constant 0 : i32
        %dma_wait3A_423 = arith.constant 0 : i32
        %dma_wait3A_424 = tpu.memref_slice %arg7[%dma_wait3A_420, %dma_wait3A_422, %dma_wait3A_423] : memref<2x128x128xf32, #tpu.memory_space<vmem>> -> memref<1x128x128xf32, #tpu.memory_space<vmem>>
        %dma_wait3A_425 = tpu.memref_squeeze %dma_wait3A_424 : memref<1x128x128xf32, #tpu.memory_space<vmem>> -> memref<128x128xf32, #tpu.memory_space<vmem>>
        %dma_wait3A_426 = arith.constant 0 : i32
        %dma_wait3A_427 = tpu.memref_slice %arg6[%mul3A_0, %dma_wait3A_426] : memref<10240x128xf32, #tpu.memory_space<vmem_shared>> -> memref<128x128xf32, #tpu.memory_space<vmem_shared>>
        %dma_wait3A_428 = tpu.memref_slice %arg11[%dma_wait3A_421] : memref<2x!tpu.dma_semaphore, #tpu.memory_space<semaphore_mem>> -> memref<1x!tpu.dma_semaphore, #tpu.memory_space<semaphore_mem>>
        %dma_wait3A_429 = tpu.memref_squeeze %dma_wait3A_428 : memref<1x!tpu.dma_semaphore, #tpu.memory_space<semaphore_mem>> -> memref<!tpu.dma_semaphore, #tpu.memory_space<semaphore_mem>>
        %dma_wait3A_430 = arith.constant 0 : i32
        %dma_wait3A_431 = tpu.memref_slice %arg6[%mul3A_0, %dma_wait3A_430] : memref<10240x128xf32, #tpu.memory_space<vmem_shared>> -> memref<128x128xf32, #tpu.memory_space<vmem_shared>>
        %dma_wait3A_432 = arith.constant 0 : i32
        %dma_wait3A_433 = arith.constant 0 : i32
        %dma_wait3A_434 = tpu.memref_slice %arg7[%dma_wait3A_420, %dma_wait3A_432, %dma_wait3A_433] : memref<2x128x128xf32, #tpu.memory_space<vmem>> -> memref<1x128x128xf32, #tpu.memory_space<vmem>>
        %dma_wait3A_435 = tpu.memref_squeeze %dma_wait3A_434 : memref<1x128x128xf32, #tpu.memory_space<vmem>> -> memref<128x128xf32, #tpu.memory_space<vmem>>
        tpu.wait_dma2 semaphore(%dma_wait3A_429 : memref<!tpu.dma_semaphore, #tpu.memory_space<semaphore_mem>>) src(%dma_wait3A_435 : memref<128x128xf32, #tpu.memory_space<vmem>>) dst(%dma_wait3A_431 : memref<128x128xf32, #tpu.memory_space<vmem_shared>>)
      } else {
      }
      %add3A_406 = arith.constant 2 : i32
      %add3A_407 = arith.addi %add3A_350, %add3A_406 : i32
      %lt3A_408 = arith.constant 80 : i32
      %lt3A_409 = arith.cmpi slt, %add3A_407, %lt3A_408 : i32
      %convert_element_type3A_410 = arith.extui %lt3A_409 : i1 to i32
      %cond3A_411 = arith.constant 0 : i32
      %cond3A_412 = arith.cmpi ne, %convert_element_type3A_410, %cond3A_411 : i32
      scf.if %cond3A_412 {
        %add3A_420 = arith.constant 32 : i32
        %add3A_421 = arith.addi %add3A_353, %add3A_420 : i32
        %dma_start3A_422 = arith.constant 1 : i32
        %dma_start3A_423 = arith.constant 1 : i32
        %dma_start3A_424 = arith.constant 0 : i32
        %dma_start3A_425 = tpu.memref_slice %arg8[%dma_start3A_422, %dma_start3A_424] : memref<2x128xi32, #tpu.memory_space<vmem>> -> memref<1x128xi32, #tpu.memory_space<vmem>>
        %dma_start3A_426 = tpu.memref_squeeze %dma_start3A_425 : memref<1x128xi32, #tpu.memory_space<vmem>> -> memref<128xi32, #tpu.memory_space<vmem>>
        %dma_start3A_427 = arith.constant 0 : i32
        %dma_start3A_428 = tpu.memref_slice %arg2[%arg0, %add3A_421, %dma_start3A_427] : memref<2x1280x128xi32, #tpu.memory_space<hbm>> -> memref<1x1x128xi32, #tpu.memory_space<hbm>>
        %dma_start3A_429 = tpu.memref_squeeze %dma_start3A_428 : memref<1x1x128xi32, #tpu.memory_space<hbm>> -> memref<128xi32, #tpu.memory_space<hbm>>
        %dma_start3A_430 = tpu.memref_slice %arg12[%dma_start3A_423] : memref<2x!tpu.dma_semaphore, #tpu.memory_space<semaphore_mem>> -> memref<1x!tpu.dma_semaphore, #tpu.memory_space<semaphore_mem>>
        %dma_start3A_431 = tpu.memref_squeeze %dma_start3A_430 : memref<1x!tpu.dma_semaphore, #tpu.memory_space<semaphore_mem>> -> memref<!tpu.dma_semaphore, #tpu.memory_space<semaphore_mem>>
        %dma_start3A_432 = arith.constant 0 : i32
        %dma_start3A_433 = tpu.memref_slice %arg8[%dma_start3A_422, %dma_start3A_432] : memref<2x128xi32, #tpu.memory_space<vmem>> -> memref<1x128xi32, #tpu.memory_space<vmem>>
        %dma_start3A_434 = tpu.memref_squeeze %dma_start3A_433 : memref<1x128xi32, #tpu.memory_space<vmem>> -> memref<128xi32, #tpu.memory_space<vmem>>
        %dma_start3A_435 = arith.constant 0 : i32
        %dma_start3A_436 = tpu.memref_slice %arg2[%arg0, %add3A_421, %dma_start3A_435] : memref<2x1280x128xi32, #tpu.memory_space<hbm>> -> memref<1x1x128xi32, #tpu.memory_space<hbm>>
        %dma_start3A_437 = tpu.memref_squeeze %dma_start3A_436 : memref<1x1x128xi32, #tpu.memory_space<hbm>> -> memref<128xi32, #tpu.memory_space<hbm>>
        tpu.enqueue_dma source(%dma_start3A_437 : memref<128xi32, #tpu.memory_space<hbm>>) target(%dma_start3A_434 : memref<128xi32, #tpu.memory_space<vmem>>) target_semaphore(%dma_start3A_431 : memref<!tpu.dma_semaphore, #tpu.memory_space<semaphore_mem>>)
        %add3A_438 = arith.constant 32 : i32
        %add3A_439 = arith.addi %add3A_353, %add3A_438 : i32
        %dma_start3A_440 = arith.constant 1 : i32
        %dma_start3A_441 = arith.constant 1 : i32
        %dma_start3A_442 = arith.constant 0 : i32
        %dma_start3A_443 = tpu.memref_slice %arg9[%dma_start3A_440, %dma_start3A_442] : memref<4x128xi32, #tpu.memory_space<vmem>> -> memref<1x128xi32, #tpu.memory_space<vmem>>
        %dma_start3A_444 = tpu.memref_squeeze %dma_start3A_443 : memref<1x128xi32, #tpu.memory_space<vmem>> -> memref<128xi32, #tpu.memory_space<vmem>>
        %dma_start3A_445 = arith.constant 0 : i32
        %dma_start3A_446 = tpu.memref_slice %arg3[%add3A_439, %dma_start3A_445] : memref<1280x128xi32, #tpu.memory_space<hbm>> -> memref<1x128xi32, #tpu.memory_space<hbm>>
        %dma_start3A_447 = tpu.memref_squeeze %dma_start3A_446 : memref<1x128xi32, #tpu.memory_space<hbm>> -> memref<128xi32, #tpu.memory_space<hbm>>
        %dma_start3A_448 = tpu.memref_slice %arg13[%dma_start3A_441] : memref<4x!tpu.dma_semaphore, #tpu.memory_space<semaphore_mem>> -> memref<1x!tpu.dma_semaphore, #tpu.memory_space<semaphore_mem>>
        %dma_start3A_449 = tpu.memref_squeeze %dma_start3A_448 : memref<1x!tpu.dma_semaphore, #tpu.memory_space<semaphore_mem>> -> memref<!tpu.dma_semaphore, #tpu.memory_space<semaphore_mem>>
        %dma_start3A_450 = arith.constant 0 : i32
        %dma_start3A_451 = tpu.memref_slice %arg9[%dma_start3A_440, %dma_start3A_450] : memref<4x128xi32, #tpu.memory_space<vmem>> -> memref<1x128xi32, #tpu.memory_space<vmem>>
        %dma_start3A_452 = tpu.memref_squeeze %dma_start3A_451 : memref<1x128xi32, #tpu.memory_space<vmem>> -> memref<128xi32, #tpu.memory_space<vmem>>
        %dma_start3A_453 = arith.constant 0 : i32
        %dma_start3A_454 = tpu.memref_slice %arg3[%add3A_439, %dma_start3A_453] : memref<1280x128xi32, #tpu.memory_space<hbm>> -> memref<1x128xi32, #tpu.memory_space<hbm>>
        %dma_start3A_455 = tpu.memref_squeeze %dma_start3A_454 : memref<1x128xi32, #tpu.memory_space<hbm>> -> memref<128xi32, #tpu.memory_space<hbm>>
        tpu.enqueue_dma source(%dma_start3A_455 : memref<128xi32, #tpu.memory_space<hbm>>) target(%dma_start3A_452 : memref<128xi32, #tpu.memory_space<vmem>>) target_semaphore(%dma_start3A_449 : memref<!tpu.dma_semaphore, #tpu.memory_space<semaphore_mem>>)
      } else {
      }
      %add3A_413 = arith.constant 1 : i32
      %add3A_414 = arith.addi %add3A_350, %add3A_413 : i32
      %lt3A_415 = arith.constant 80 : i32
      %lt3A_416 = arith.cmpi slt, %add3A_414, %lt3A_415 : i32
      %convert_element_type3A_417 = arith.extui %lt3A_416 : i1 to i32
      %cond3A_418 = arith.constant 0 : i32
      %cond3A_419 = arith.cmpi ne, %convert_element_type3A_417, %cond3A_418 : i32
      scf.if %cond3A_419 {
        %dma_wait3A_420 = arith.constant 0 : i32
        %dma_wait3A_421 = arith.constant 0 : i32
        %dma_wait3A_422 = arith.constant 0 : i32
        %dma_wait3A_423 = tpu.memref_slice %arg8[%dma_wait3A_420, %dma_wait3A_422] : memref<2x128xi32, #tpu.memory_space<vmem>> -> memref<1x128xi32, #tpu.memory_space<vmem>>
        %dma_wait3A_424 = tpu.memref_squeeze %dma_wait3A_423 : memref<1x128xi32, #tpu.memory_space<vmem>> -> memref<128xi32, #tpu.memory_space<vmem>>
        %dma_wait3A_425 = arith.constant 0 : i32
        %dma_wait3A_426 = tpu.memref_slice %arg2[%arg0, %arg1, %dma_wait3A_425] : memref<2x1280x128xi32, #tpu.memory_space<hbm>> -> memref<1x1x128xi32, #tpu.memory_space<hbm>>
        %dma_wait3A_427 = tpu.memref_squeeze %dma_wait3A_426 : memref<1x1x128xi32, #tpu.memory_space<hbm>> -> memref<128xi32, #tpu.memory_space<hbm>>
        %dma_wait3A_428 = tpu.memref_slice %arg12[%dma_wait3A_421] : memref<2x!tpu.dma_semaphore, #tpu.memory_space<semaphore_mem>> -> memref<1x!tpu.dma_semaphore, #tpu.memory_space<semaphore_mem>>
        %dma_wait3A_429 = tpu.memref_squeeze %dma_wait3A_428 : memref<1x!tpu.dma_semaphore, #tpu.memory_space<semaphore_mem>> -> memref<!tpu.dma_semaphore, #tpu.memory_space<semaphore_mem>>
        %dma_wait3A_430 = arith.constant 0 : i32
        %dma_wait3A_431 = tpu.memref_slice %arg8[%dma_wait3A_420, %dma_wait3A_430] : memref<2x128xi32, #tpu.memory_space<vmem>> -> memref<1x128xi32, #tpu.memory_space<vmem>>
        %dma_wait3A_432 = tpu.memref_squeeze %dma_wait3A_431 : memref<1x128xi32, #tpu.memory_space<vmem>> -> memref<128xi32, #tpu.memory_space<vmem>>
        %dma_wait3A_433 = arith.constant 0 : i32
        %dma_wait3A_434 = tpu.memref_slice %arg2[%arg0, %arg1, %dma_wait3A_433] : memref<2x1280x128xi32, #tpu.memory_space<hbm>> -> memref<1x1x128xi32, #tpu.memory_space<hbm>>
        %dma_wait3A_435 = tpu.memref_squeeze %dma_wait3A_434 : memref<1x1x128xi32, #tpu.memory_space<hbm>> -> memref<128xi32, #tpu.memory_space<hbm>>
        tpu.wait_dma2 semaphore(%dma_wait3A_429 : memref<!tpu.dma_semaphore, #tpu.memory_space<semaphore_mem>>) src(%dma_wait3A_435 : memref<128xi32, #tpu.memory_space<hbm>>) dst(%dma_wait3A_432 : memref<128xi32, #tpu.memory_space<vmem>>)
        %dma_start3A_436 = arith.constant 0 : i32
        %dma_start3A_437 = arith.constant 0 : i32
        %dma_start3A_438 = arith.constant 0 : i32
        %dma_start3A_439 = arith.constant 0 : i32
        %dma_start3A_440 = arith.constant 0 : i32
        %dma_start3A_441 = tpu.memref_slice %arg7[%dma_start3A_437, %dma_start3A_439, %dma_start3A_440] : memref<2x128x128xf32, #tpu.memory_space<vmem>> -> memref<1x128x128xf32, #tpu.memory_space<vmem>>
        %dma_start3A_442 = tpu.memref_squeeze %dma_start3A_441 : memref<1x128x128xf32, #tpu.memory_space<vmem>> -> memref<128x128xf32, #tpu.memory_space<vmem>>
        %dma_start3A_443 = arith.constant 0 : i32
        %dma_start3A_444 = tpu.memref_slice %arg8[%dma_start3A_436, %dma_start3A_443] : memref<2x128xi32, #tpu.memory_space<vmem>> -> memref<1x128xi32, #tpu.memory_space<vmem>>
        %dma_start3A_445 = tpu.memref_squeeze %dma_start3A_444 : memref<1x128xi32, #tpu.memory_space<vmem>> -> memref<128xi32, #tpu.memory_space<vmem>>
        %dma_start3A_446 = arith.constant 0 : i32
        %dma_start3A_447 = arith.constant 0 : i32
        %dma_start3A_448 = tpu.memref_slice %arg4[%dma_start3A_446, %dma_start3A_447] : memref<20480x128xf32, #tpu.memory_space<hbm>> -> memref<20480x128xf32, #tpu.memory_space<hbm>>
        %dma_start3A_449 = tpu.memref_slice %arg10[%dma_start3A_438] : memref<2x!tpu.dma_semaphore, #tpu.memory_space<semaphore_mem>> -> memref<1x!tpu.dma_semaphore, #tpu.memory_space<semaphore_mem>>
        %dma_start3A_450 = tpu.memref_squeeze %dma_start3A_449 : memref<1x!tpu.dma_semaphore, #tpu.memory_space<semaphore_mem>> -> memref<!tpu.dma_semaphore, #tpu.memory_space<semaphore_mem>>
        tpu.enqueue_indirect_dma source(%dma_start3A_448 : memref<20480x128xf32, #tpu.memory_space<hbm>>) target(%dma_start3A_442 : memref<128x128xf32, #tpu.memory_space<vmem>>) offsets(%dma_start3A_445 : memref<128xi32, #tpu.memory_space<vmem>>) semaphore(%dma_start3A_450 : memref<!tpu.dma_semaphore, #tpu.memory_space<semaphore_mem>>)
      } else {
      }
    }
    %scan3A_107 = arith.constant 20 : i32
    %dma_wait3A_108 = arith.constant 1 : i32
    %dma_wait3A_109 = arith.constant 1 : i32
    %dma_wait3A_110 = arith.constant 0 : i32
    %dma_wait3A_111 = arith.constant 0 : i32
    %dma_wait3A_112 = tpu.memref_slice %arg7[%dma_wait3A_108, %dma_wait3A_110, %dma_wait3A_111] : memref<2x128x128xf32, #tpu.memory_space<vmem>> -> memref<1x128x128xf32, #tpu.memory_space<vmem>>
    %dma_wait3A_113 = tpu.memref_squeeze %dma_wait3A_112 : memref<1x128x128xf32, #tpu.memory_space<vmem>> -> memref<128x128xf32, #tpu.memory_space<vmem>>
    %dma_wait3A_114 = arith.constant 0 : i32
    %dma_wait3A_115 = tpu.memref_slice %arg6[%mul3A_0, %dma_wait3A_114] : memref<10240x128xf32, #tpu.memory_space<vmem_shared>> -> memref<128x128xf32, #tpu.memory_space<vmem_shared>>
    %dma_wait3A_116 = tpu.memref_slice %arg11[%dma_wait3A_109] : memref<2x!tpu.dma_semaphore, #tpu.memory_space<semaphore_mem>> -> memref<1x!tpu.dma_semaphore, #tpu.memory_space<semaphore_mem>>
    %dma_wait3A_117 = tpu.memref_squeeze %dma_wait3A_116 : memref<1x!tpu.dma_semaphore, #tpu.memory_space<semaphore_mem>> -> memref<!tpu.dma_semaphore, #tpu.memory_space<semaphore_mem>>
    %dma_wait3A_118 = arith.constant 0 : i32
    %dma_wait3A_119 = tpu.memref_slice %arg6[%mul3A_0, %dma_wait3A_118] : memref<10240x128xf32, #tpu.memory_space<vmem_shared>> -> memref<128x128xf32, #tpu.memory_space<vmem_shared>>
    %dma_wait3A_120 = arith.constant 0 : i32
    %dma_wait3A_121 = arith.constant 0 : i32
    %dma_wait3A_122 = tpu.memref_slice %arg7[%dma_wait3A_108, %dma_wait3A_120, %dma_wait3A_121] : memref<2x128x128xf32, #tpu.memory_space<vmem>> -> memref<1x128x128xf32, #tpu.memory_space<vmem>>
    %dma_wait3A_123 = tpu.memref_squeeze %dma_wait3A_122 : memref<1x128x128xf32, #tpu.memory_space<vmem>> -> memref<128x128xf32, #tpu.memory_space<vmem>>
    tpu.wait_dma2 semaphore(%dma_wait3A_117 : memref<!tpu.dma_semaphore, #tpu.memory_space<semaphore_mem>>) src(%dma_wait3A_123 : memref<128x128xf32, #tpu.memory_space<vmem>>) dst(%dma_wait3A_119 : memref<128x128xf32, #tpu.memory_space<vmem_shared>>)
    %barrier3A_124 = arith.constant 0 : index
    tpu.barrier barrier_id(%barrier3A_124)
    %scan3A_125 = arith.constant 0 : i32
    %scan3A_126 = arith.constant 0 : i32
    %scan3A_127 = arith.constant 5 : i32
    %scan3A_128 = arith.addi %scan3A_126, %scan3A_127 : i32
    %scan3A_129 = arith.constant 1 : i32
    scf.for %scan3A_131 = %scan3A_126 to %scan3A_128 step %scan3A_129  : i32 {
      %mul3A_132 = arith.constant 128 : i32
      %mul3A_133 = arith.muli %scan3A_131, %mul3A_132 : i32
      %add3A_134 = arith.addi %mul3A_0, %mul3A_133 : i32
      %run_scoped3A = arith.constant 0 : i32
      "tpu.region"() ({
        %run_scoped3A_136 = tpu.sem_alloc : memref<!tpu.dma_semaphore, #tpu.memory_space<semaphore_mem>>
        %dma_start3A_137 = arith.constant 0 : i32
        %dma_start3A_138 = arith.constant 0 : i32
        %dma_start3A_139 = tpu.memref_slice %arg7[%run_scoped3A, %dma_start3A_137, %dma_start3A_138] : memref<2x128x128xf32, #tpu.memory_space<vmem>> -> memref<1x128x128xf32, #tpu.memory_space<vmem>>
        %dma_start3A_140 = tpu.memref_squeeze %dma_start3A_139 : memref<1x128x128xf32, #tpu.memory_space<vmem>> -> memref<128x128xf32, #tpu.memory_space<vmem>>
        %dma_start3A_141 = arith.constant 0 : i32
        %dma_start3A_142 = tpu.memref_slice %arg6[%add3A_134, %dma_start3A_141] : memref<10240x128xf32, #tpu.memory_space<vmem_shared>> -> memref<128x128xf32, #tpu.memory_space<vmem_shared>>
        %dma_start3A_143 = arith.constant 0 : i32
        %dma_start3A_144 = arith.constant 0 : i32
        %dma_start3A_145 = tpu.memref_slice %arg7[%run_scoped3A, %dma_start3A_143, %dma_start3A_144] : memref<2x128x128xf32, #tpu.memory_space<vmem>> -> memref<1x128x128xf32, #tpu.memory_space<vmem>>
        %dma_start3A_146 = tpu.memref_squeeze %dma_start3A_145 : memref<1x128x128xf32, #tpu.memory_space<vmem>> -> memref<128x128xf32, #tpu.memory_space<vmem>>
        %dma_start3A_147 = arith.constant 0 : i32
        %dma_start3A_148 = tpu.memref_slice %arg6[%add3A_134, %dma_start3A_147] : memref<10240x128xf32, #tpu.memory_space<vmem_shared>> -> memref<128x128xf32, #tpu.memory_space<vmem_shared>>
        tpu.enqueue_dma source(%dma_start3A_148 : memref<128x128xf32, #tpu.memory_space<vmem_shared>>) target(%dma_start3A_146 : memref<128x128xf32, #tpu.memory_space<vmem>>) target_semaphore(%run_scoped3A_136 : memref<!tpu.dma_semaphore, #tpu.memory_space<semaphore_mem>>)
        %dma_wait3A_149 = arith.constant 0 : i32
        %dma_wait3A_150 = arith.constant 0 : i32
        %dma_wait3A_151 = tpu.memref_slice %arg7[%run_scoped3A, %dma_wait3A_149, %dma_wait3A_150] : memref<2x128x128xf32, #tpu.memory_space<vmem>> -> memref<1x128x128xf32, #tpu.memory_space<vmem>>
        %dma_wait3A_152 = tpu.memref_squeeze %dma_wait3A_151 : memref<1x128x128xf32, #tpu.memory_space<vmem>> -> memref<128x128xf32, #tpu.memory_space<vmem>>
        %dma_wait3A_153 = arith.constant 0 : i32
        %dma_wait3A_154 = tpu.memref_slice %arg6[%add3A_134, %dma_wait3A_153] : memref<10240x128xf32, #tpu.memory_space<vmem_shared>> -> memref<128x128xf32, #tpu.memory_space<vmem_shared>>
        %dma_wait3A_155 = arith.constant 0 : i32
        %dma_wait3A_156 = arith.constant 0 : i32
        %dma_wait3A_157 = tpu.memref_slice %arg7[%run_scoped3A, %dma_wait3A_155, %dma_wait3A_156] : memref<2x128x128xf32, #tpu.memory_space<vmem>> -> memref<1x128x128xf32, #tpu.memory_space<vmem>>
        %dma_wait3A_158 = tpu.memref_squeeze %dma_wait3A_157 : memref<1x128x128xf32, #tpu.memory_space<vmem>> -> memref<128x128xf32, #tpu.memory_space<vmem>>
        %dma_wait3A_159 = arith.constant 0 : i32
        %dma_wait3A_160 = tpu.memref_slice %arg6[%add3A_134, %dma_wait3A_159] : memref<10240x128xf32, #tpu.memory_space<vmem_shared>> -> memref<128x128xf32, #tpu.memory_space<vmem_shared>>
        tpu.wait_dma2 semaphore(%run_scoped3A_136 : memref<!tpu.dma_semaphore, #tpu.memory_space<semaphore_mem>>) src(%dma_wait3A_160 : memref<128x128xf32, #tpu.memory_space<vmem_shared>>) dst(%dma_wait3A_158 : memref<128x128xf32, #tpu.memory_space<vmem>>)
        tpu.yield
      }) : () -> ()
      %run_scoped3A_135 = arith.constant 0 : i32
      "tpu.region"() ({
        %run_scoped3A_136 = tpu.sem_alloc : memref<!tpu.dma_semaphore, #tpu.memory_space<semaphore_mem>>
        %dma_start3A_137 = arith.constant 0 : i32
        %dma_start3A_138 = arith.constant 0 : i32
        %dma_start3A_139 = tpu.memref_slice %arg7[%run_scoped3A_135, %dma_start3A_137, %dma_start3A_138] : memref<2x128x128xf32, #tpu.memory_space<vmem>> -> memref<1x128x128xf32, #tpu.memory_space<vmem>>
        %dma_start3A_140 = tpu.memref_squeeze %dma_start3A_139 : memref<1x128x128xf32, #tpu.memory_space<vmem>> -> memref<128x128xf32, #tpu.memory_space<vmem>>
        %dma_start3A_141 = arith.constant 0 : i32
        %dma_start3A_142 = tpu.memref_slice %arg5[%arg0, %add3A_134, %dma_start3A_141] : memref<2x10240x128xf32, #tpu.memory_space<hbm>> -> memref<1x128x128xf32, #tpu.memory_space<hbm>>
        %dma_start3A_143 = tpu.memref_squeeze %dma_start3A_142 : memref<1x128x128xf32, #tpu.memory_space<hbm>> -> memref<128x128xf32, #tpu.memory_space<hbm>>
        %dma_start3A_144 = arith.constant 0 : i32
        %dma_start3A_145 = tpu.memref_slice %arg5[%arg0, %add3A_134, %dma_start3A_144] : memref<2x10240x128xf32, #tpu.memory_space<hbm>> -> memref<1x128x128xf32, #tpu.memory_space<hbm>>
        %dma_start3A_146 = tpu.memref_squeeze %dma_start3A_145 : memref<1x128x128xf32, #tpu.memory_space<hbm>> -> memref<128x128xf32, #tpu.memory_space<hbm>>
        %dma_start3A_147 = arith.constant 0 : i32
        %dma_start3A_148 = arith.constant 0 : i32
        %dma_start3A_149 = tpu.memref_slice %arg7[%run_scoped3A_135, %dma_start3A_147, %dma_start3A_148] : memref<2x128x128xf32, #tpu.memory_space<vmem>> -> memref<1x128x128xf32, #tpu.memory_space<vmem>>
        %dma_start3A_150 = tpu.memref_squeeze %dma_start3A_149 : memref<1x128x128xf32, #tpu.memory_space<vmem>> -> memref<128x128xf32, #tpu.memory_space<vmem>>
        tpu.enqueue_dma source(%dma_start3A_150 : memref<128x128xf32, #tpu.memory_space<vmem>>) target(%dma_start3A_146 : memref<128x128xf32, #tpu.memory_space<hbm>>) target_semaphore(%run_scoped3A_136 : memref<!tpu.dma_semaphore, #tpu.memory_space<semaphore_mem>>)
        %dma_wait3A_151 = arith.constant 0 : i32
        %dma_wait3A_152 = arith.constant 0 : i32
        %dma_wait3A_153 = tpu.memref_slice %arg7[%run_scoped3A_135, %dma_wait3A_151, %dma_wait3A_152] : memref<2x128x128xf32, #tpu.memory_space<vmem>> -> memref<1x128x128xf32, #tpu.memory_space<vmem>>
        %dma_wait3A_154 = tpu.memref_squeeze %dma_wait3A_153 : memref<1x128x128xf32, #tpu.memory_space<vmem>> -> memref<128x128xf32, #tpu.memory_space<vmem>>
        %dma_wait3A_155 = arith.constant 0 : i32
        %dma_wait3A_156 = tpu.memref_slice %arg5[%arg0, %add3A_134, %dma_wait3A_155] : memref<2x10240x128xf32, #tpu.memory_space<hbm>> -> memref<1x128x128xf32, #tpu.memory_space<hbm>>
        %dma_wait3A_157 = tpu.memref_squeeze %dma_wait3A_156 : memref<1x128x128xf32, #tpu.memory_space<hbm>> -> memref<128x128xf32, #tpu.memory_space<hbm>>
        %dma_wait3A_158 = arith.constant 0 : i32
        %dma_wait3A_159 = tpu.memref_slice %arg5[%arg0, %add3A_134, %dma_wait3A_158] : memref<2x10240x128xf32, #tpu.memory_space<hbm>> -> memref<1x128x128xf32, #tpu.memory_space<hbm>>
        %dma_wait3A_160 = tpu.memref_squeeze %dma_wait3A_159 : memref<1x128x128xf32, #tpu.memory_space<hbm>> -> memref<128x128xf32, #tpu.memory_space<hbm>>
        %dma_wait3A_161 = arith.constant 0 : i32
        %dma_wait3A_162 = arith.constant 0 : i32
        %dma_wait3A_163 = tpu.memref_slice %arg7[%run_scoped3A_135, %dma_wait3A_161, %dma_wait3A_162] : memref<2x128x128xf32, #tpu.memory_space<vmem>> -> memref<1x128x128xf32, #tpu.memory_space<vmem>>
        %dma_wait3A_164 = tpu.memref_squeeze %dma_wait3A_163 : memref<1x128x128xf32, #tpu.memory_space<vmem>> -> memref<128x128xf32, #tpu.memory_space<vmem>>
        tpu.wait_dma2 semaphore(%run_scoped3A_136 : memref<!tpu.dma_semaphore, #tpu.memory_space<semaphore_mem>>) src(%dma_wait3A_164 : memref<128x128xf32, #tpu.memory_space<vmem>>) dst(%dma_wait3A_160 : memref<128x128xf32, #tpu.memory_space<hbm>>)
        tpu.yield
      }) : () -> ()
    }
    %scan3A_130 = arith.constant 5 : i32
    return
  }
}

module attributes {stable_mosaic.version = 14 : i64} {
  func.func @_prep_body(%arg0: i32, %arg1: memref<2x1024x16xf32, #tpu.memory_space<vmem>>, %arg2: memref<1024x256xf32, #tpu.memory_space<vmem>>, %arg3: memref<1024x1xf32, #tpu.memory_space<vmem>>, %arg4: memref<2x1024x128xf32, #tpu.memory_space<vmem>>) attributes {dimension_semantics = [#tpu.dimension_semantics<arbitrary>], iteration_bounds = array<i64: 10>, scalar_prefetch = 0 : i64, scratch_operands = 0 : i64, tpu.core_type = #tpu.core_type<tc>, window_params = [{transform_indices = @transform_0, window_bounds = array<i64: 2, 1024, 16>}, {transform_indices = @transform_1, window_bounds = array<i64: 1024, 256>}, {transform_indices = @transform_2, window_bounds = array<i64: 1024, 1>}, {transform_indices = @transform_3, window_bounds = array<i64: 2, 1024, 128>}]} {
    %get3A = arith.constant 0 : index
    %get3A_0 = arith.constant 0 : index
    %get3A_1 = arith.constant 0 : index
    %get3A_2 = vector.load %arg1[%get3A, %get3A_0, %get3A_1] : memref<2x1024x16xf32, #tpu.memory_space<vmem>>, vector<1x1024x1xf32>
    %get3A_3 = vector.shape_cast %get3A_2 : vector<1x1024x1xf32> to vector<1024x1xf32>
    %get3A_4 = arith.constant 1 : index
    %get3A_5 = arith.constant 0 : index
    %get3A_6 = arith.constant 0 : index
    %get3A_7 = vector.load %arg1[%get3A_4, %get3A_5, %get3A_6] : memref<2x1024x16xf32, #tpu.memory_space<vmem>>, vector<1x1024x1xf32>
    %get3A_8 = vector.shape_cast %get3A_7 : vector<1x1024x1xf32> to vector<1024x1xf32>
    %add3A = arith.addf %get3A_3, %get3A_8 : vector<1024x1xf32>
    %sub3A = arith.constant 1.000000e+00 : f32
    %sub3A_9 = vector.broadcast %sub3A : f32 to vector<1024x1xf32>
    %sub3A_10 = arith.subf %add3A, %sub3A_9 : vector<1024x1xf32>
    %rsqrt3A = math.rsqrt %sub3A_10 : vector<1024x1xf32>
    %swap3A = arith.constant 0 : index
    %swap3A_11 = arith.constant 0 : index
    %swap3A_12 = vector.load %arg3[%swap3A, %swap3A_11] : memref<1024x1xf32, #tpu.memory_space<vmem>>, vector<1024x1xf32>
    tpu.vector_store %arg3[%swap3A, %swap3A_11], %rsqrt3A {strides = array<i32>} : memref<1024x1xf32, #tpu.memory_space<vmem>>, vector<1024x1xf32>,
    %get3A_13 = arith.constant 0 : index
    %get3A_14 = arith.constant 0 : index
    %get3A_15 = vector.load %arg2[%get3A_13, %get3A_14] : memref<1024x256xf32, #tpu.memory_space<vmem>>, vector<1024x256xf32>
    %mul3A = vector.broadcast %rsqrt3A : vector<1024x1xf32> to vector<1024x256xf32>
    %mul3A_16 = arith.mulf %get3A_15, %mul3A : vector<1024x256xf32>
    %slice3A = vector.extract_strided_slice %mul3A_16 {offsets = [0, 0], sizes = [1024, 128], strides = [1, 1]} : vector<1024x256xf32> to vector<1024x128xf32>
    %swap3A_17 = arith.constant 0 : index
    %swap3A_18 = arith.constant 0 : index
    %swap3A_19 = arith.constant 0 : index
    %swap3A_20 = vector.load %arg4[%swap3A_17, %swap3A_18, %swap3A_19] : memref<2x1024x128xf32, #tpu.memory_space<vmem>>, vector<1x1024x128xf32>
    %swap3A_21 = vector.shape_cast %swap3A_20 : vector<1x1024x128xf32> to vector<1024x128xf32>
    %swap3A_22 = vector.shape_cast %slice3A : vector<1024x128xf32> to vector<1x1024x128xf32>
    tpu.vector_store %arg4[%swap3A_17, %swap3A_18, %swap3A_19], %swap3A_22 {strides = array<i32>} : memref<2x1024x128xf32, #tpu.memory_space<vmem>>, vector<1x1024x128xf32>,
    %slice3A_23 = vector.extract_strided_slice %mul3A_16 {offsets = [0, 128], sizes = [1024, 128], strides = [1, 1]} : vector<1024x256xf32> to vector<1024x128xf32>
    %swap3A_24 = arith.constant 1 : index
    %swap3A_25 = arith.constant 0 : index
    %swap3A_26 = arith.constant 0 : index
    %swap3A_27 = vector.load %arg4[%swap3A_24, %swap3A_25, %swap3A_26] : memref<2x1024x128xf32, #tpu.memory_space<vmem>>, vector<1x1024x128xf32>
    %swap3A_28 = vector.shape_cast %swap3A_27 : vector<1x1024x128xf32> to vector<1024x128xf32>
    %swap3A_29 = vector.shape_cast %slice3A_23 : vector<1024x128xf32> to vector<1x1024x128xf32>
    tpu.vector_store %arg4[%swap3A_24, %swap3A_25, %swap3A_26], %swap3A_29 {strides = array<i32>} : memref<2x1024x128xf32, #tpu.memory_space<vmem>>, vector<1x1024x128xf32>,
    return
  }
  func.func @transform_0(%arg0: i32) -> (i32, i32, i32) {
    %c0_i32 = arith.constant 0 : i32
    %c0_i32_0 = arith.constant 0 : i32
    %c0_i32_1 = arith.constant 0 : i32
    return %c0_i32, %arg0, %c0_i32_0 : i32, i32, i32
  }
  func.func @transform_1(%arg0: i32) -> (i32, i32) {
    %c0_i32 = arith.constant 0 : i32
    %c0_i32_0 = arith.constant 0 : i32
    return %arg0, %c0_i32 : i32, i32
  }
  func.func @transform_2(%arg0: i32) -> (i32, i32) {
    %c0_i32 = arith.constant 0 : i32
    %c0_i32_0 = arith.constant 0 : i32
    return %arg0, %c0_i32 : i32, i32
  }
  func.func @transform_3(%arg0: i32) -> (i32, i32, i32) {
    %c0_i32 = arith.constant 0 : i32
    %c0_i32_0 = arith.constant 0 : i32
    %c0_i32_1 = arith.constant 0 : i32
    return %c0_i32, %arg0, %c0_i32_0 : i32, i32, i32
  }
}

module attributes {stable_mosaic.version = 14 : i64} {
  func.func @_mid_body(%arg0: i32, %arg1: memref<2x1024x128xf32, #tpu.memory_space<vmem>>, %arg2: memref<1024x1xf32, #tpu.memory_space<vmem>>, %arg3: memref<256x512xf32, #tpu.memory_space<vmem>>, %arg4: memref<1x512xf32, #tpu.memory_space<vmem>>, %arg5: memref<512x256xf32, #tpu.memory_space<vmem>>, %arg6: memref<2x1024x128xf32, #tpu.memory_space<vmem>>) attributes {dimension_semantics = [#tpu.dimension_semantics<arbitrary>], iteration_bounds = array<i64: 10>, scalar_prefetch = 0 : i64, scratch_operands = 0 : i64, tpu.core_type = #tpu.core_type<tc>, window_params = [{transform_indices = @transform_0, window_bounds = array<i64: 2, 1024, 128>}, {transform_indices = @transform_1, window_bounds = array<i64: 1024, 1>}, {pipeline_mode = #tpu.pipeline_mode<synchronous>, transform_indices = @transform_2, window_bounds = array<i64: 256, 512>}, {pipeline_mode = #tpu.pipeline_mode<synchronous>, transform_indices = @transform_3, window_bounds = array<i64: 1, 512>}, {pipeline_mode = #tpu.pipeline_mode<synchronous>, transform_indices = @transform_4, window_bounds = array<i64: 512, 256>}, {transform_indices = @transform_5, window_bounds = array<i64: 2, 1024, 128>}]} {
    %get3A = arith.constant 0 : index
    %get3A_0 = arith.constant 0 : index
    %get3A_1 = vector.load %arg2[%get3A, %get3A_0] : memref<1024x1xf32, #tpu.memory_space<vmem>>, vector<1024x1xf32>
    %get3A_2 = arith.constant 0 : index
    %get3A_3 = arith.constant 0 : index
    %get3A_4 = arith.constant 0 : index
    %get3A_5 = vector.load %arg1[%get3A_2, %get3A_3, %get3A_4] : memref<2x1024x128xf32, #tpu.memory_space<vmem>>, vector<1x1024x128xf32>
    %get3A_6 = vector.shape_cast %get3A_5 : vector<1x1024x128xf32> to vector<1024x128xf32>
    %get3A_7 = arith.constant 1 : index
    %get3A_8 = arith.constant 0 : index
    %get3A_9 = arith.constant 0 : index
    %get3A_10 = vector.load %arg1[%get3A_7, %get3A_8, %get3A_9] : memref<2x1024x128xf32, #tpu.memory_space<vmem>>, vector<1x1024x128xf32>
    %get3A_11 = vector.shape_cast %get3A_10 : vector<1x1024x128xf32> to vector<1024x128xf32>
    %concatenate3A = tpu.concatenate %get3A_6, %get3A_11 in 1 : vector<1024x128xf32>, vector<1024x128xf32> -> vector<1024x256xf32>
    %mul3A = vector.broadcast %get3A_1 : vector<1024x1xf32> to vector<1024x256xf32>
    %mul3A_12 = arith.mulf %concatenate3A, %mul3A : vector<1024x256xf32>
    %get3A_13 = arith.constant 0 : index
    %get3A_14 = arith.constant 0 : index
    %get3A_15 = vector.load %arg3[%get3A_13, %get3A_14] : memref<256x512xf32, #tpu.memory_space<vmem>>, vector<256x512xf32>
    %dot_general3A = arith.constant dense<0.000000e+00> : vector<1024x512xf32>
    %dot_general3A_16 = tpu.matmul %mul3A_12, %get3A_15, %dot_general3A {dimension_numbers = #tpu.dot_dimension_numbers<[1], [0], [0], [1], [0, 0, 1, 1], [], []>, transpose_lhs_hint = false} : vector<1024x256xf32>, vector<256x512xf32>, vector<1024x512xf32> -> vector<1024x512xf32>
    %get3A_17 = arith.constant 0 : index
    %get3A_18 = arith.constant 0 : index
    %get3A_19 = vector.load %arg4[%get3A_17, %get3A_18] : memref<1x512xf32, #tpu.memory_space<vmem>>, vector<1x512xf32>
    %add3A = vector.broadcast %get3A_19 : vector<1x512xf32> to vector<1024x512xf32>
    %add3A_20 = arith.addf %dot_general3A_16, %add3A : vector<1024x512xf32>
    %max3A = arith.constant 0.000000e+00 : f32
    %max3A_21 = vector.broadcast %max3A : f32 to vector<1024x512xf32>
    %max3A_22 = arith.maximumf %add3A_20, %max3A_21 : vector<1024x512xf32>
    %get3A_23 = arith.constant 0 : index
    %get3A_24 = arith.constant 0 : index
    %get3A_25 = vector.load %arg5[%get3A_23, %get3A_24] : memref<512x256xf32, #tpu.memory_space<vmem>>, vector<512x256xf32>
    %dot_general3A_26 = arith.constant dense<0.000000e+00> : vector<1024x256xf32>
    %dot_general3A_27 = tpu.matmul %max3A_22, %get3A_25, %dot_general3A_26 {dimension_numbers = #tpu.dot_dimension_numbers<[1], [0], [0], [1], [0, 0, 1, 1], [], []>, transpose_lhs_hint = false} : vector<1024x512xf32>, vector<512x256xf32>, vector<1024x256xf32> -> vector<1024x256xf32>
    %mul3A_28 = vector.broadcast %get3A_1 : vector<1024x1xf32> to vector<1024x256xf32>
    %mul3A_29 = arith.mulf %dot_general3A_27, %mul3A_28 : vector<1024x256xf32>
    %slice3A = vector.extract_strided_slice %mul3A_29 {offsets = [0, 0], sizes = [1024, 128], strides = [1, 1]} : vector<1024x256xf32> to vector<1024x128xf32>
    %swap3A = arith.constant 0 : index
    %swap3A_30 = arith.constant 0 : index
    %swap3A_31 = arith.constant 0 : index
    %swap3A_32 = vector.load %arg6[%swap3A, %swap3A_30, %swap3A_31] : memref<2x1024x128xf32, #tpu.memory_space<vmem>>, vector<1x1024x128xf32>
    %swap3A_33 = vector.shape_cast %swap3A_32 : vector<1x1024x128xf32> to vector<1024x128xf32>
    %swap3A_34 = vector.shape_cast %slice3A : vector<1024x128xf32> to vector<1x1024x128xf32>
    tpu.vector_store %arg6[%swap3A, %swap3A_30, %swap3A_31], %swap3A_34 {strides = array<i32>} : memref<2x1024x128xf32, #tpu.memory_space<vmem>>, vector<1x1024x128xf32>,
    %slice3A_35 = vector.extract_strided_slice %mul3A_29 {offsets = [0, 128], sizes = [1024, 128], strides = [1, 1]} : vector<1024x256xf32> to vector<1024x128xf32>
    %swap3A_36 = arith.constant 1 : index
    %swap3A_37 = arith.constant 0 : index
    %swap3A_38 = arith.constant 0 : index
    %swap3A_39 = vector.load %arg6[%swap3A_36, %swap3A_37, %swap3A_38] : memref<2x1024x128xf32, #tpu.memory_space<vmem>>, vector<1x1024x128xf32>
    %swap3A_40 = vector.shape_cast %swap3A_39 : vector<1x1024x128xf32> to vector<1024x128xf32>
    %swap3A_41 = vector.shape_cast %slice3A_35 : vector<1024x128xf32> to vector<1x1024x128xf32>
    tpu.vector_store %arg6[%swap3A_36, %swap3A_37, %swap3A_38], %swap3A_41 {strides = array<i32>} : memref<2x1024x128xf32, #tpu.memory_space<vmem>>, vector<1x1024x128xf32>,
    return
  }
  func.func @transform_0(%arg0: i32) -> (i32, i32, i32) {
    %c0_i32 = arith.constant 0 : i32
    %c0_i32_0 = arith.constant 0 : i32
    %c0_i32_1 = arith.constant 0 : i32
    return %c0_i32, %arg0, %c0_i32_0 : i32, i32, i32
  }
  func.func @transform_1(%arg0: i32) -> (i32, i32) {
    %c0_i32 = arith.constant 0 : i32
    %c0_i32_0 = arith.constant 0 : i32
    return %arg0, %c0_i32 : i32, i32
  }
  func.func @transform_2(%arg0: i32) -> (i32, i32) {
    %c0_i32 = arith.constant 0 : i32
    %c0_i32_0 = arith.constant 0 : i32
    %c0_i32_1 = arith.constant 0 : i32
    return %c0_i32, %c0_i32_0 : i32, i32
  }
  func.func @transform_3(%arg0: i32) -> (i32, i32) {
    %c0_i32 = arith.constant 0 : i32
    %c0_i32_0 = arith.constant 0 : i32
    %c0_i32_1 = arith.constant 0 : i32
    return %c0_i32, %c0_i32_0 : i32, i32
  }
  func.func @transform_4(%arg0: i32) -> (i32, i32) {
    %c0_i32 = arith.constant 0 : i32
    %c0_i32_0 = arith.constant 0 : i32
    %c0_i32_1 = arith.constant 0 : i32
    return %c0_i32, %c0_i32_0 : i32, i32
  }
  func.func @transform_5(%arg0: i32) -> (i32, i32, i32) {
    %c0_i32 = arith.constant 0 : i32
    %c0_i32_0 = arith.constant 0 : i32
    %c0_i32_1 = arith.constant 0 : i32
    return %c0_i32, %arg0, %c0_i32_0 : i32, i32, i32
  }
}

module attributes {stable_mosaic.version = 14 : i64} {
  func.func @_fin_body(%arg0: i32, %arg1: memref<2x1024x128xf32, #tpu.memory_space<vmem>>, %arg2: memref<1024x1xf32, #tpu.memory_space<vmem>>, %arg3: memref<1x256xf32, #tpu.memory_space<vmem>>, %arg4: memref<1024x256xf32, #tpu.memory_space<vmem>>) attributes {dimension_semantics = [#tpu.dimension_semantics<arbitrary>], iteration_bounds = array<i64: 10>, scalar_prefetch = 0 : i64, scratch_operands = 0 : i64, tpu.core_type = #tpu.core_type<tc>, window_params = [{transform_indices = @transform_0, window_bounds = array<i64: 2, 1024, 128>}, {transform_indices = @transform_1, window_bounds = array<i64: 1024, 1>}, {pipeline_mode = #tpu.pipeline_mode<synchronous>, transform_indices = @transform_2, window_bounds = array<i64: 1, 256>}, {transform_indices = @transform_3, window_bounds = array<i64: 1024, 256>}]} {
    %get3A = arith.constant 0 : index
    %get3A_0 = arith.constant 0 : index
    %get3A_1 = arith.constant 0 : index
    %get3A_2 = vector.load %arg1[%get3A, %get3A_0, %get3A_1] : memref<2x1024x128xf32, #tpu.memory_space<vmem>>, vector<1x1024x128xf32>
    %get3A_3 = vector.shape_cast %get3A_2 : vector<1x1024x128xf32> to vector<1024x128xf32>
    %get3A_4 = arith.constant 1 : index
    %get3A_5 = arith.constant 0 : index
    %get3A_6 = arith.constant 0 : index
    %get3A_7 = vector.load %arg1[%get3A_4, %get3A_5, %get3A_6] : memref<2x1024x128xf32, #tpu.memory_space<vmem>>, vector<1x1024x128xf32>
    %get3A_8 = vector.shape_cast %get3A_7 : vector<1x1024x128xf32> to vector<1024x128xf32>
    %concatenate3A = tpu.concatenate %get3A_3, %get3A_8 in 1 : vector<1024x128xf32>, vector<1024x128xf32> -> vector<1024x256xf32>
    %get3A_9 = arith.constant 0 : index
    %get3A_10 = arith.constant 0 : index
    %get3A_11 = vector.load %arg2[%get3A_9, %get3A_10] : memref<1024x1xf32, #tpu.memory_space<vmem>>, vector<1024x1xf32>
    %mul3A = vector.broadcast %get3A_11 : vector<1024x1xf32> to vector<1024x256xf32>
    %mul3A_12 = arith.mulf %concatenate3A, %mul3A : vector<1024x256xf32>
    %get3A_13 = arith.constant 0 : index
    %get3A_14 = arith.constant 0 : index
    %get3A_15 = vector.load %arg3[%get3A_13, %get3A_14] : memref<1x256xf32, #tpu.memory_space<vmem>>, vector<1x256xf32>
    %add3A = vector.broadcast %get3A_15 : vector<1x256xf32> to vector<1024x256xf32>
    %add3A_16 = arith.addf %mul3A_12, %add3A : vector<1024x256xf32>
    %swap3A = arith.constant 0 : index
    %swap3A_17 = arith.constant 0 : index
    %swap3A_18 = vector.load %arg4[%swap3A, %swap3A_17] : memref<1024x256xf32, #tpu.memory_space<vmem>>, vector<1024x256xf32>
    tpu.vector_store %arg4[%swap3A, %swap3A_17], %add3A_16 {strides = array<i32>} : memref<1024x256xf32, #tpu.memory_space<vmem>>, vector<1024x256xf32>,
    return
  }
  func.func @transform_0(%arg0: i32) -> (i32, i32, i32) {
    %c0_i32 = arith.constant 0 : i32
    %c0_i32_0 = arith.constant 0 : i32
    %c0_i32_1 = arith.constant 0 : i32
    return %c0_i32, %arg0, %c0_i32_0 : i32, i32, i32
  }
  func.func @transform_1(%arg0: i32) -> (i32, i32) {
    %c0_i32 = arith.constant 0 : i32
    %c0_i32_0 = arith.constant 0 : i32
    return %arg0, %c0_i32 : i32, i32
  }
  func.func @transform_2(%arg0: i32) -> (i32, i32) {
    %c0_i32 = arith.constant 0 : i32
    %c0_i32_0 = arith.constant 0 : i32
    %c0_i32_1 = arith.constant 0 : i32
    return %c0_i32, %c0_i32_0 : i32, i32
  }
  func.func @transform_3(%arg0: i32) -> (i32, i32) {
    %c0_i32 = arith.constant 0 : i32
    %c0_i32_0 = arith.constant 0 : i32
    return %arg0, %c0_i32 : i32, i32
  }
}

</mosaic_0001>

<sc_bundles>
// kernel: kernel.11.cloned.1.call-start
scs
__scs_entry_jumppad:
0x0: {  	(pc) =	sbr.rel $0x88, $3  }
0x1: {  	(tag) =	ssettag $0x0;
	lr =	simm.s32 $0x1  }
0x2: {  	[smem:$0x3F9B] =	sst lr;
	_ =	strace $0xD0000000  }
0x3: {  	_ = 	snop  }
0x4: {  	_ = 	snop  }
0x5: {  	_ = 	snop  }
0x6: {  	_ = 	snop  }
0x7: {  	_ = 	snop  }
__scs_overlays_trampoline_lowered:
0x8: {  	[smem:$0x3FAA] =	sst s0  }
0x9: {  	[smem:$0x3FAB] =	sst s1  }
0xa: {  	[smem:$0x3FAC] =	sst s2  }
0xb: {  	[smem:$0x3FAD] =	sst s3  }
0xc: {  	[smem:$0x3FAE] =	sst s4  }
0xd: {  	[smem:$0x3FAF] =	sst s5  }
0xe: {  	[smem:$0x3FB0] =	sst s6  }
0xf: {  	[smem:$0x3FB1] =	sst s7  }
0x10: {  	[smem:$0x3FB2] =	sst s8  }
0x11: {  	[smem:$0x3FB3] =	sst s9;
	s0 =	simm.s32 @!p0 $0x0  }
0x12: {  	s1 =	sld [smem:$0x3F99];
	s0 =	simm.s32 @p0 $0x1  }
0x13: {  	[smem:$0x3FB4] =	sst s0;
	s0 =	simm.s32 @!p1 $0x0  }
0x14: {  	s2 =	sld [smem:$0x3F98];
	s0 =	simm.s32 @p1 $0x1  }
0x15: {  	[smem:$0x3FB5] =	sst s0;
	s0 =	simm.s32 @!p2 $0x0  }
0x16: {  	s3 =	sld [smem:$0x3FDB];
	s0 =	simm.s32 @p2 $0x1  }
0x17: {  	s4 =	simm.s32 $0x1BF5;
	[smem:$0x3FB7] =	sst s0  }
0x18: {  	s0 =	sld [smem:$0x3F9A];
	_ =	swait.ge [sflag:s4], $0x0  }
0x19: {  	s7 =	sld [smem:$0x3F9B]  }
0x1a: {  	s8 =	sadd.s32 $0xFFFFE003, lr  }
0x1b: {  	s9 =	sadd.s32 $0xFFFFFEF7, lr;
	s5 =	simm.s32 $0xFFFFFFFF;
	p2 =	slt.u32 s8, $0xFFFFF086  }
0x1c: {  	p1 =	slt.u32 s9, $0xF7A;
	s5 =	simm.s32 @!p2 $0x0  }
0x1d: {  	s5 =	simm.s32 @p1 $0x1;
	p0 =	seq.s32 s7, s2  }
0x1e: {  	s7 =	smul.u32 @!p0 $0xF7A, s2;
	p2 =	seq.s32 @!p0 s5, $0x0  }
0x1f: {  	s9 =	smul.u32 $0xF7A, s1;
	s8 =	simm.s32 @!p0 $0x1BF5;
	p2 =	por !p2, p0  }
0x20: {  	[sflag:s8] =	ssyncset.s32 @!p0 $0xFFFFF086;
	s6 =	sadd.s32 @!p0 s3, s7;
	s7 =	simm.s32 @!p0 $0x108  }
0x21: {  	s3 =	sadd.s32 s3, s9;
	s6 =	sadd.s32 @!p0 $0x88, s6;
	s7 =	simm.s32 @p2 $0x1082  }
0x22: {  	[simem:s7], [sflag:s8] =	dma.local @!p0 [hbm:s6], $0xF7A  }
0x23: {  	s9 =	sor.u32 $0xD0000000, s2;
	s6 =	simm.s32 $0x108;
	_ =	swait.ge @!p0 [sflag:s8], $0x0  }
0x24: {  	s3 =	sadd.s32 $0x88, s3;
	s6 =	simm.s32 @!p1 $0x1082;
	[sflag:s4] =	ssyncset.s32 $0xFFFFF086  }
0x25: {  	[simem:s6], [sflag:s4] =	dma.local [hbm:s3], $0xF7A  }
0x26: {  	[smem:$0x3F9B] =	sst s1;
	(tag) =	ssettag s2;
	_ =	strace s9  }
0x27: {  	s1 =	sld [smem:$0x3FAB]  }
0x28: {  	s2 =	sld [smem:$0x3FAC]  }
0x29: {  	s4 =	sld [smem:$0x3FAE]  }
0x2a: {  	p0 =	seq.s32 s5, $0x0;
	s5 =	sld [smem:$0x3FAF]  }
0x2b: {  	s6 =	sld [smem:$0x3FB0]  }
0x2c: {  	s7 =	sld [smem:$0x3FB1]  }
0x2d: {  	s3 =	simm.s32 $0x108;
	s8 =	sld [smem:$0x3FB2]  }
0x2e: {  	s3 =	simm.s32 @!p0 $0x1082;
	s9 =	sld [smem:$0x3FB3]  }
0x2f: {  	lr =	sadd.s32 s0, s3;
	s0 =	sld [smem:$0x3FAA]  }
0x30: {  	s3 =	sld [smem:$0x3FAD]  }
0x31: {  	[smem:$0x3FB6] =	sst s10  }
0x32: {  	s10 =	sld [smem:$0x3FB4];
	_ =	sdelay $0x3  }
0x33: {  	p0 =	seq.s32 s10, $0x1;
	s10 =	sld [smem:$0x3FB6];
	_ =	sdelay $0x3  }
0x34: {  	[smem:$0x3FB6] =	sst s10  }
0x35: {  	s10 =	sld [smem:$0x3FB5];
	_ =	sdelay $0x3  }
0x36: {  	p1 =	seq.s32 s10, $0x1;
	s10 =	sld [smem:$0x3FB6];
	_ =	sdelay $0x3  }
0x37: {  	[smem:$0x3FB6] =	sst s10  }
0x38: {  	s10 =	sld [smem:$0x3FB7]  }
0x39: {  	_ = 	snop;
	(pc) =	sbr.ind lr, $3  }
0x3a: {  	_ = 	snop  }
0x3b: {  	_ = 	snop  }
0x3c: {  	p2 =	seq.s32 s10, $0x1;
	s10 =	sld [smem:$0x3FB6]  }
0x3d: {  	_ =	shalt  }
0x3e: {  	_ =	shalt  }
0x3f: {  	_ =	shalt  }
0x40: {  	_ =	shalt  }
0x41: {  	_ =	shalt  }
0x42: {  	_ =	shalt  }
0x43: {  	_ =	shalt  }
0x44: {  	_ =	shalt  }
0x45: {  	_ =	shalt  }
0x46: {  	_ =	shalt  }
0x47: {  	_ =	shalt  }
0x48: {  	_ =	shalt  }
0x49: {  	_ =	shalt  }
0x4a: {  	_ =	shalt  }
0x4b: {  	_ =	shalt  }
0x4c: {  	_ =	shalt  }
0x4d: {  	_ =	shalt  }
0x4e: {  	_ =	shalt  }
0x4f: {  	_ =	shalt  }
0x50: {  	_ =	shalt  }
0x51: {  	_ =	shalt  }
0x52: {  	_ =	shalt  }
0x53: {  	_ =	shalt  }
0x54: {  	_ =	shalt  }
0x55: {  	_ =	shalt  }
0x56: {  	_ =	shalt  }
0x57: {  	_ =	shalt  }
0x58: {  	_ =	shalt  }
0x59: {  	_ =	shalt  }
0x5a: {  	_ =	shalt  }
0x5b: {  	_ =	shalt  }
0x5c: {  	_ =	shalt  }
0x5d: {  	_ =	shalt  }
0x5e: {  	_ =	shalt  }
0x5f: {  	_ =	shalt  }
0x60: {  	_ =	shalt  }
0x61: {  	_ =	shalt  }
0x62: {  	_ =	shalt  }
0x63: {  	_ =	shalt  }
0x64: {  	_ =	shalt  }
0x65: {  	_ =	shalt  }
0x66: {  	_ =	shalt  }
0x67: {  	_ =	shalt  }
0x68: {  	_ =	shalt  }
0x69: {  	_ =	shalt  }
0x6a: {  	_ =	shalt  }
0x6b: {  	_ =	shalt  }
0x6c: {  	_ =	shalt  }
0x6d: {  	_ =	shalt  }
0x6e: {  	_ =	shalt  }
0x6f: {  	_ =	shalt  }
0x70: {  	_ =	shalt  }
0x71: {  	_ =	shalt  }
0x72: {  	_ =	shalt  }
0x73: {  	_ =	shalt  }
0x74: {  	_ =	shalt  }
0x75: {  	_ =	shalt  }
0x76: {  	_ =	shalt  }
0x77: {  	_ =	shalt  }
0x78: {  	_ =	shalt  }
0x79: {  	_ =	shalt  }
0x7a: {  	_ =	shalt  }
0x7b: {  	_ =	shalt  }
0x7c: {  	_ =	shalt  }
0x7d: {  	_ =	shalt  }
0x7e: {  	_ =	shalt  }
0x7f: {  	_ =	shalt  }
0x80: {  	_ =	shalt  }
0x81: {  	_ =	shalt  }
0x82: {  	_ =	shalt  }
0x83: {  	_ =	shalt  }
0x84: {  	_ =	shalt  }
0x85: {  	_ =	shalt  }
0x86: {  	_ =	shalt  }
0x87: {  	_ =	shalt  }
.Lfunc_end0:
.L_simem_size_0:
called_computation.1_lowered:
.L_overlay_start_0:
0x88: {  	s2 =	sld [smem:$0x3FD9]  }
0x89: {  	s3 =	sld [smem:$0x3FFE];
	_ =	sdelay $0x1  }
0x8a: {  	s1 =	srdreg.scid  }
0x8b: {  	s0 =	sand.u32 $0x1, s1  }
0x8c: {  	s16 =	sshll.u32 s0, $0xA;
	s2 =	sadd.s32 s3, s2  }
0x8d: {  	s2 =	sadd.s32 s2, s16  }
0x8e: {  	[smem:$0x3FC2] =	sst s2  }
0x8f: {  	_ = 	snop  }
0x90: {  	(tm) =	ssettm $0x1  }
0x91: {  	s17 =	sld [smem:$0x3FFB];
	_ =	sdelay $0x3  }
0x92: {  	_ =	strace s17  }
0x93: {  	s2 =	sld [smem:$0x3FFC];
	_ =	sdelay $0x3  }
0x94: {  	_ =	strace s2  }
0x95: {  	s2 =	sld [smem:$0x3FFD];
	_ =	sdelay $0x3  }
0x96: {  	_ =	strace s2  }
0x97: {  	_ =	strace $0x8FFFFFFF  }
0x98: {  	s18 =	sld [smem:$0x3FDB];
	_ =	sdelay $0x1  }
0x99: {  	s19 =	simm.s32 $_scs_section_size  }
0x9a: {  	s4 =	simm.s32 $_size__tile_overlayer_lowered;
	s5 =	simm.s32 $_tile_overlayer_lowered  }
0x9b: {  	s22 =	simm.s32 $0x1BFF;
	s21 =	sshll.u32 s5, $0x1;
	s2 =	sadd.s32 s19, s18  }
0x9c: {  	s6 =	simm.s32 $0x0;
	s20 =	sshll.u32 s4, $0x1;
	s4 =	sadd.s32 s21, s2  }
0x9d: {  	[timem:s6], [sflag:s22] =	dma.local [hbm:s4], s20  }
0x9e: {  	_ =	swait.ge [sflag:s22], s20  }
0x9f: {  	s3 =	ssub.s32 $0x0, s20;
	[sflag:s22] =	ssyncset.done $0x0  }
0xa0: {  	[sflag:s22] =	ssyncadd.s32 s3;
	_ =	sdelay $0x1  }
0xa1: {  	s23 =	simm.s32 $0x1B8B  }
0xa2: {  	_ =	swait.ge [sflag:s23], $0x1  }
0xa3: {  	[sflag:s23] =	ssyncset.done $0x0  }
0xa4: {  	s25 =	simm.s32 $0x1B8E;
	s24 =	sld [smem:$0x3FFE];
	[sflag:s23] =	ssyncadd.s32 $0xFFFFFFFF  }
0xa5: {  	s26 =	simm.s32 $execute0_lowered;
	[smem:$0x3FD2] =	sst s25  }
0xa6: {  	s4 =	sshll.u32 s26, $0x1;
	_ =	strace $0x80000049;
	[dreg:$0x1] =	wrdreg $0xFFFFFFFF  }
0xa7: {  	s28 =	simm.s32 $_size_execute0_lowered;
	s2 =	sadd.s32 s2, s4;
	[dreg:$0x0] =	wrdreg $0x0  }
0xa8: {  	s4 =	sshll.u32 s28, $0x1;
	[dreg:$0x2] =	wrdreg s2  }
0xa9: {  	[dreg:$0x3] =	wrdreg s4  }
0xaa: {  	[dreg:$0x4] =	wrdreg $0xC0  }
0xab: {  	_ =	task [dreg:s6], $0x5FFFF  }
0xac: {  	[dreg:$0x1] =	wrdreg $0xFFFFFFFF  }
0xad: {  	[dreg:$0x0] =	wrdreg $0x60  }
0xae: {  	[dreg:$0x2] =	wrdreg s24  }
0xaf: {  	[dreg:$0x3] =	wrdreg $0x0  }
0xb0: {  	[dreg:$0x4] =	wrdreg $0x9  }
0xb1: {  	_ =	task.clear_ibuf [dreg:s6], $0x5FFFF;
	_ =	strace $0x90000049  }
0xb2: {  	s29 =	simm.s32 $0x9;
	_ =	strace $0x8000004B  }
0xb3: {  	_ =	swait.ge [sflag:s29], $0x1  }
0xb4: {  	[sflag:s29] =	ssyncadd.s32 $0xFFFFFFFF  }
0xb5: {  	_ =	strace $0x9000004B  }
0xb6: {  	_ =	sfence  }
0xb7: {  	s30 =	sld [smem:$0x0];
	_ =	sdelay $0x2  }
0xb8: {  	s31 =	sshll.u32 s1, $0xD;
	s1 =	sshrl.u32 s1, $0x2  }
0xb9: {  	s3 =	sand.u32 $0x4000, s31;
	s1 =	sadd.s32 s1, s30  }
0xba: {  	s0 =	sor.u32 s3, s0;
	s1 =	sshll.u32 s1, $0x11  }
0xbb: {  	s0 =	sor.u32 s1, s0  }
0xbc: {  	s0 =	sadd.s32 $0x8F2B, s0  }
0xbd: {  	[sflag:s0] =	ssyncadd.remote.s32 $0x1  }
0xbe: {  	_ =	sfence.sel $0xFFFF  }
0xbf: {  	[dreg:$0x0] =	wrdreg $0xFFFFFFFF;
	(pc) =	sbr.abs _section_cstart, $3  }
0xc0: {  	[dreg:$0x1] =	wrdreg $0xFFFFFFFF  }
0xc1: {  	_ =	task.clear_ibuf [dreg:s6], $0x2FFFF;
	_ =	strace $0x9FFFFFFF  }
0xc2: {  	(tm) =	ssettm $0x7FFFFFFF  }
0xc3: {  	_ =	shalt  }
tec
execute0_lowered:
.L_overlay_start_1:
0x0: {  	(tag) =	ssettag $0x1  }
0x1: {  	s0 =	rddreg [dreg:$0x0]  }
0x2: {  	s1 =	rddreg [dreg:$0x1];
	s2 =	simm.s32 $0x0  }
0x3: {  	s3 =	srdreg.scid;
	s21 =	stileid.u32;
	s31 =	simm.s32 $0x3  }
0x4: {  	[smem:$0x7FF] =	sst s2;
	s5 =	sand.u32 $0x1, s3;
	s6 =	smul.u32 $0x280, s21  }
0x5: {  	s7 =	sadd.s32 $0x56E00, s0;
	s8 =	smul.u32 $0x50000, s21;
	s25 =	sshll.u32 s21, $0x7  }
0x6: {  	s26 =	smul.u32 $0x14000, s21;
	_ =	strace $0x8000004A;
	s3 =	ssub.s32 $0x2, s5  }
0x7: {  	s10 =	smul.u32 $0x2800, s5;
	s11 =	sand.u32 $0x380, s25;
	s12 =	sand.u32 $0x400, s25  }
0x8: {  	s4 =	sshrl.u32 s3, $0x1;
	s8 =	sshrl.u32 s8, $0x2;
	s14 =	sadd.s32 $0x80, s6  }
0x9: {  	s15 =	sadd.s32 $0x100, s6;
	s9 =	ssub.s32 s3, s4;
	s3 =	smul.u32 $0x28000, s5  }
0xa: {  	s18 =	sadd.s32 $0x180, s6;
	s4 =	sadd.s32 s8, s1;
	s5 =	smul.u32 $0x140000, s5  }
0xb: {  	s8 =	sadd.s32 s10, s6;
	s17 =	sadd.s32 s10, s14;
	s14 =	sshll.u32 s14, $0x7  }
0xc: {  	s16 =	sshll.u32 s15, $0x7;
	s19 =	sadd.s32 s10, s15;
	s20 =	sadd.s32 s10, s18  }
0xd: {  	s15 =	sshll.u32 s18, $0x7;
	s6 =	sadd.s32 $0x200, s6;
	s22 =	sadd.s32 s14, s1  }
0xe: {  	s23 =	sadd.s32 s16, s1;
	s10 =	sadd.s32 s10, s6;
	s6 =	sshll.u32 s6, $0x7  }
0xf: {  	s24 =	sadd.s32 s15, s1;
	s13 =	sor.u32 s3, s11;
	s25 =	sadd.s32 s6, s1  }
0x10: {  	s26 =	sadd.s32 s5, s26;
	s14 =	sadd.s32 s5, s14;
	s16 =	sadd.s32 s5, s16  }
0x11: {  	s15 =	sadd.s32 s5, s15;
	s5 =	sadd.s32 s5, s6;
	[dreg:$0x3] =	wrdreg s22  }
0x12: {  	s6 =	sor.u32 s12, s13;
	s1 =	sshrl.u32 s26, $0x3;
	s14 =	sshrl.u32 s14, $0x3  }
0x13: {  	s26 =	sshrl.u32 s15, $0x3;
	s5 =	sshrl.u32 s5, $0x3;
	s1 =	sadd.s32 s7, s1  }
0x14: {  	s18 =	sadd.s32 s7, s14;
	s14 =	smov.u32 s25;
	[dreg:$0x7] =	wrdreg s1  }
0x15: {  	s25 =	sshrl.u32 s16, $0x3;
	s15 =	sadd.s32 s7, s5;
	[dreg:$0x8] =	wrdreg s18  }
0x16: {  	s16 =	sor.u32 $0x800, s12;
	s6 =	sshrl.u32 s6, $0x3;
	[dreg:$0xb] =	wrdreg s15  }
0x17: {  	s5 =	sshll.u32 s20, $0x4;
	s1 =	sadd.s32 s7, s25;
	[dreg:$0x6] =	wrdreg s14  }
0x18: {  	s18 =	sor.u32 s16, s13;
	s15 =	smax.u32 s9, $0x1;
	[dreg:$0x9] =	wrdreg s1  }
0x19: {  	s1 =	sadd.s32 s7, s26;
	s7 =	sor.u32 s11, s12;
	s12 =	sadd.s32 $0x1E00, s0  }
0x1a: {  	s26 =	sshll.u32 s21, $0x4;
	[dreg:$0x10] =	wrdreg s15;
	s21 =	sshll.u32 s17, $0x4  }
0x1b: {  	s15 =	smov.u32 s3;
	[dreg:$0xa] =	wrdreg s1;
	s1 =	sor.u32 s11, s16  }
0x1c: {  	s11 =	sadd.s32 $0xA6E00, s0;
	s16 =	sadd.s32 $0x6E00, s0;
	s0 =	sadd.s32 s12, s26  }
0x1d: {  	s29 =	smov.u32 s12;
	s25 =	sadd.s32 s11, s6;
	[dreg:$0xd] =	wrdreg s0  }
0x1e: {  	s6 =	sshrl.u32 s18, $0x3;
	s1 =	sshrl.u32 s1, $0x3;
	s18 =	sshll.u32 s8, $0x4  }
0x1f: {  	s26 =	sadd.s32 s16, s21;
	s8 =	sor.u32 s3, s7;
	s3 =	smov.u32 s23  }
0x20: {  	s21 =	sor.u32 $0x2000, s7;
	s23 =	sor.u32 $0x1800, s7;
	[dreg:$0xc] =	wrdreg s25  }
0x21: {  	s28 =	smov.u32 s11;
	s0 =	sadd.s32 s11, s6;
	[dreg:$0x12] =	wrdreg s26  }
0x22: {  	s13 =	sadd.s32 s12, s1;
	s25 =	sshll.u32 s19, $0x4;
	[dreg:$0x18] =	wrdreg s21  }
0x23: {  	s6 =	sshll.u32 s10, $0x4;
	s10 =	sor.u32 $0x2800, s8;
	[dreg:$0x4] =	wrdreg s3  }
0x24: {  	s17 =	sor.u32 $0x1800, s8;
	s20 =	sor.u32 $0x1000, s8;
	[dreg:$0xe] =	wrdreg s0  }
0x25: {  	s21 =	simm.s32 $0x7;
	s8 =	simm.s32 $0xA;
	[dreg:$0xf] =	wrdreg s13  }
0x26: {  	s0 =	sadd.s32 s16, s18;
	s1 =	sadd.s32 s16, s25;
	s9 =	sadd.s32 s16, s6  }
0x27: {  	s13 =	sor.u32 $0x2800, s7;
	s19 =	sshrl.u32 s17, $0x3;
	s25 =	sor.u32 $0x1000, s7  }
0x28: {  	s26 =	sshrl.u32 s20, $0x3;
	s20 =	simm.s32 $0x1;
	[dreg:$0x11] =	wrdreg s0  }
0x29: {  	s6 =	simm.s32 $0x9;
	s7 =	simm.s32 $0x4;
	[dreg:$0x13] =	wrdreg s1  }
0x2a: {  	s17 =	simm.s32 $0x0;
	s0 =	sadd.s32 s16, s5;
	[dreg:$0x15] =	wrdreg s9  }
0x2b: {  	s18 =	sshrl.u32 s13, $0x3;
	s30 =	sadd.s32 s19, s11;
	s1 =	sshrl.u32 s23, $0x3  }
0x2c: {  	s5 =	sshrl.u32 s25, $0x3;
	s13 =	simm.s32 $0x1C080;
	s19 =	simm.s32 $0x80  }
0x2d: {  	s23 =	simm.s32 $0x6;
	s25 =	simm.s32 $0x2;
	[dreg:$0x19] =	wrdreg s17  }
0x2e: {  	[dreg:$0x14] =	wrdreg s0;
	s0 =	sshrl.u32 s10, $0x3;
	s9 =	sadd.s32 s5, s12  }
.Ltmp0:
0x2f: {  	s5 =	smov.u32 s24;
	s10 =	simm.s32 $0x14000;
	(pc) =	sbr.rel .LBB2_1-.Ltmp0, $4  }
0x30: {  	s24 =	simm.s32 $0x18000;
	s0 =	sadd.s32 s0, s11;
	[dreg:$0x5] =	wrdreg s5  }
0x31: {  	[dreg:$0x16] =	wrdreg s0;
	s0 =	sadd.s32 s18, s12;
	s18 =	simm.s32 $0x5  }
0x32: {  	[dreg:$0x17] =	wrdreg s0;
	s0 =	sadd.s32 s1, s12;
	s1 =	sadd.s32 s26, s11  }
0x33: {  	s11 =	simm.s32 $0xB;
	s12 =	simm.s32 $0x1C000;
	s26 =	simm.s32 $0x8  }
.LBB2_4:
0x34: {  	_ =	swait.ge [sflag:s7], $0x4000  }
0x35: {  	[sflag:s7] =	ssyncset.done $0x0  }
0x36: {  	[sflag:s7] =	ssyncadd.s32 $0xFFFFC000  }
0x37: {  	[bflag:$0x0] =	sbarrier.arrive $0xFFFF  }
0x38: {  	[tilespmem:s10], [sflag:$0xB] =	stream.linear.gather [spmem:s4], $0x4000, $0x38;
	[tilespmem:$0x1C300] =	vst v63  }
0x39: {  	_ =	swait.ge [sflag:s11], $0x4000  }
0x3a: {  	[sflag:s11] =	ssyncset.done $0x0  }
0x3b: {  	s3 =	rddreg [dreg:$0x7];
	[sflag:s11] =	ssyncadd.s32 $0xFFFFC000  }
0x3c: {  	[hbm4b:s3+s2] =	stream.linear.scatter [tilespmem:s10], [sflag:$0xB], $0x4000, $0x38;
	[tilespmem:$0x1C300] =	vst v63  }
0x3d: {  	_ =	swait.ge [sflag:s11], $0x4000  }
0x3e: {  	[sflag:s11] =	ssyncset.done $0x0  }
0x3f: {  	s17 =	rddreg [dreg:$0x3];
	[sflag:s11] =	ssyncadd.s32 $0xFFFFC000  }
0x40: {  	[tilespmem:s10], [sflag:$0xB] =	stream.linear.gather [spmem:s17], $0x4000, $0x38;
	[tilespmem:$0x1C300] =	vst v63  }
0x41: {  	_ =	swait.ge [sflag:s11], $0x4000  }
0x42: {  	[sflag:s11] =	ssyncset.done $0x0  }
0x43: {  	s22 =	rddreg [dreg:$0x8];
	[sflag:s11] =	ssyncadd.s32 $0xFFFFC000  }
0x44: {  	[hbm4b:s22+s2] =	stream.linear.scatter [tilespmem:s10], [sflag:$0xB], $0x4000, $0x38;
	[tilespmem:$0x1C300] =	vst v63  }
0x45: {  	_ =	swait.ge [sflag:s11], $0x4000  }
0x46: {  	[sflag:s11] =	ssyncset.done $0x0  }
0x47: {  	s3 =	rddreg [dreg:$0x4];
	[sflag:s11] =	ssyncadd.s32 $0xFFFFC000  }
0x48: {  	[tilespmem:s10], [sflag:$0xB] =	stream.linear.gather [spmem:s3], $0x4000, $0x38;
	[tilespmem:$0x1C300] =	vst v63  }
0x49: {  	_ =	swait.ge [sflag:s11], $0x4000  }
0x4a: {  	[sflag:s11] =	ssyncset.done $0x0  }
0x4b: {  	s5 =	rddreg [dreg:$0x9];
	[sflag:s11] =	ssyncadd.s32 $0xFFFFC000  }
0x4c: {  	[hbm4b:s5+s2] =	stream.linear.scatter [tilespmem:s10], [sflag:$0xB], $0x4000, $0x38;
	[tilespmem:$0x1C300] =	vst v63  }
0x4d: {  	_ =	swait.ge [sflag:s11], $0x4000  }
0x4e: {  	[sflag:s11] =	ssyncset.done $0x0  }
0x4f: {  	s5 =	rddreg [dreg:$0x5];
	[sflag:s11] =	ssyncadd.s32 $0xFFFFC000  }
0x50: {  	[tilespmem:s10], [sflag:$0xB] =	stream.linear.gather [spmem:s5], $0x4000, $0x38;
	[tilespmem:$0x1C300] =	vst v63  }
0x51: {  	_ =	swait.ge [sflag:s11], $0x4000  }
0x52: {  	[sflag:s11] =	ssyncset.done $0x0  }
0x53: {  	s14 =	rddreg [dreg:$0xa];
	[sflag:s11] =	ssyncadd.s32 $0xFFFFC000  }
0x54: {  	[hbm4b:s14+s2] =	stream.linear.scatter [tilespmem:s10], [sflag:$0xB], $0x4000, $0x38;
	[tilespmem:$0x1C300] =	vst v63  }
0x55: {  	_ =	swait.ge [sflag:s11], $0x4000  }
0x56: {  	[sflag:s11] =	ssyncset.done $0x0  }
0x57: {  	s14 =	rddreg [dreg:$0x6];
	[sflag:s11] =	ssyncadd.s32 $0xFFFFC000  }
0x58: {  	[tilespmem:s10], [sflag:$0xB] =	stream.linear.gather [spmem:s14], $0x4000, $0x38;
	[tilespmem:$0x1C300] =	vst v63  }
0x59: {  	_ =	swait.ge [sflag:s11], $0x4000  }
0x5a: {  	[sflag:s11] =	ssyncset.done $0x0  }
0x5b: {  	s17 =	rddreg [dreg:$0xb];
	[sflag:s11] =	ssyncadd.s32 $0xFFFFC000  }
0x5c: {  	[hbm4b:s17+s2] =	stream.linear.scatter [tilespmem:s10], [sflag:$0xB], $0x4000, $0x38;
	[tilespmem:$0x1C300] =	vst v63  }
0x5d: {  	_ =	swait.ge [sflag:s11], $0x4000  }
0x5e: {  	s22 =	rddreg [dreg:$0x19]  }
0x5f: {  	s17 =	rddreg [dreg:$0x10];
	s22 =	sadd.s32 $0x1, s22  }
0x60: {  	p0 =	sne.s32 s22, s17  }
.Ltmp1:
0x61: {  	_ = 	snop;
	(pc) =	sbr.rel @!p0 .LBB2_5-.Ltmp1, $3  }
0x62: {  	_ =	sdelay $0x1  }
0x63: {  	[sflag:s11] =	ssyncset.done $0x0;
	[dreg:$0x19] =	wrdreg s22  }
0x64: {  	[sflag:s11] =	ssyncadd.s32 $0xFFFFC000;
	s22 =	rddreg [dreg:$0x3]  }
.LBB2_1:
0x65: {  	s17 =	rddreg [dreg:$0x11]  }
0x66: {  	[tilespmem:s10], [sflag:$0xB] =	stream.linear.gather [hbm4b:s17+s2], $0x4000, $0x38;
	[tilespmem:$0x1C300] =	vst v63  }
0x67: {  	_ =	swait.ge [sflag:s11], $0x4000  }
0x68: {  	[sflag:s11] =	ssyncset.done $0x0  }
0x69: {  	[sflag:s11] =	ssyncadd.s32 $0xFFFFC000  }
0x6a: {  	[spmem:s4] =	stream.linear.scatter [tilespmem:s10], [sflag:$0xB], $0x4000, $0x38;
	[tilespmem:$0x1C300] =	vst v63  }
0x6b: {  	_ =	swait.ge [sflag:s11], $0x4000  }
0x6c: {  	[sflag:s11] =	ssyncset.done $0x0  }
0x6d: {  	s17 =	rddreg [dreg:$0x12];
	[sflag:s11] =	ssyncadd.s32 $0xFFFFC000  }
0x6e: {  	[tilespmem:s10], [sflag:$0xB] =	stream.linear.gather [hbm4b:s17+s2], $0x4000, $0x38;
	[tilespmem:$0x1C300] =	vst v63  }
0x6f: {  	_ =	swait.ge [sflag:s11], $0x4000  }
0x70: {  	[sflag:s11] =	ssyncset.done $0x0  }
0x71: {  	[sflag:s11] =	ssyncadd.s32 $0xFFFFC000  }
0x72: {  	[spmem:s22] =	stream.linear.scatter [tilespmem:s10], [sflag:$0xB], $0x4000, $0x38;
	[tilespmem:$0x1C300] =	vst v63  }
0x73: {  	_ =	swait.ge [sflag:s11], $0x4000  }
0x74: {  	[sflag:s11] =	ssyncset.done $0x0  }
0x75: {  	s22 =	rddreg [dreg:$0x13];
	[sflag:s11] =	ssyncadd.s32 $0xFFFFC000  }
0x76: {  	[tilespmem:s10], [sflag:$0xB] =	stream.linear.gather [hbm4b:s22+s2], $0x4000, $0x38;
	[tilespmem:$0x1C300] =	vst v63  }
0x77: {  	_ =	swait.ge [sflag:s11], $0x4000  }
0x78: {  	[sflag:s11] =	ssyncset.done $0x0  }
0x79: {  	[sflag:s11] =	ssyncadd.s32 $0xFFFFC000  }
0x7a: {  	[spmem:s3] =	stream.linear.scatter [tilespmem:s10], [sflag:$0xB], $0x4000, $0x38;
	[tilespmem:$0x1C300] =	vst v63  }
0x7b: {  	_ =	swait.ge [sflag:s11], $0x4000  }
0x7c: {  	[sflag:s11] =	ssyncset.done $0x0  }
0x7d: {  	s22 =	rddreg [dreg:$0x14];
	[sflag:s11] =	ssyncadd.s32 $0xFFFFC000  }
0x7e: {  	[tilespmem:s10], [sflag:$0xB] =	stream.linear.gather [hbm4b:s22+s2], $0x4000, $0x38;
	[tilespmem:$0x1C300] =	vst v63  }
0x7f: {  	_ =	swait.ge [sflag:s11], $0x4000  }
0x80: {  	[sflag:s11] =	ssyncset.done $0x0  }
0x81: {  	[sflag:s11] =	ssyncadd.s32 $0xFFFFC000  }
0x82: {  	[spmem:s5] =	stream.linear.scatter [tilespmem:s10], [sflag:$0xB], $0x4000, $0x38;
	[tilespmem:$0x1C300] =	vst v63  }
0x83: {  	_ =	swait.ge [sflag:s11], $0x4000  }
0x84: {  	[sflag:s11] =	ssyncset.done $0x0  }
0x85: {  	s5 =	rddreg [dreg:$0x15];
	[sflag:s11] =	ssyncadd.s32 $0xFFFFC000  }
0x86: {  	[tilespmem:s10], [sflag:$0xB] =	stream.linear.gather [hbm4b:s5+s2], $0x4000, $0x38;
	[tilespmem:$0x1C300] =	vst v63  }
0x87: {  	_ =	swait.ge [sflag:s11], $0x4000  }
0x88: {  	[sflag:s11] =	ssyncset.done $0x0  }
0x89: {  	[sflag:s11] =	ssyncadd.s32 $0xFFFFC000  }
0x8a: {  	[spmem:s14] =	stream.linear.scatter [tilespmem:s10], [sflag:$0xB], $0x4000, $0x38;
	[tilespmem:$0x1C300] =	vst v63  }
0x8b: {  	_ =	swait.ge [sflag:s11], $0x4000  }
0x8c: {  	[sflag:s11] =	ssyncset.done $0x0  }
0x8d: {  	[sflag:s11] =	ssyncadd.s32 $0xFFFFC000  }
0x8e: {  	[bflag:$0x0] =	sbarrier.arrive $0xFFFF  }
0x8f: {  	s14 =	rddreg [dreg:$0xc]  }
0x90: {  	[tilespmem:s12], [sflag:$0x5] =	stream.linear.gather [hbm4b:s14+s2], $0x80, $0x38;
	[tilespmem:$0x1C300] =	vst v63  }
0x91: {  	s22 =	simm.s32 $0x1C100;
	s17 =	rddreg [dreg:$0xd]  }
0x92: {  	[tilespmem:s22], [sflag:$0x7] =	stream.linear.gather [hbm4b:s17+s2], $0x80, $0x38;
	[tilespmem:$0x1C300] =	vst v63  }
0x93: {  	s14 =	rddreg [dreg:$0xe]  }
0x94: {  	[tilespmem:s13], [sflag:$0x6] =	stream.linear.gather [hbm4b:s14+s2], $0x80, $0x38;
	[tilespmem:$0x1C300] =	vst v63  }
0x95: {  	s17 =	rddreg [dreg:$0xf];
	s22 =	simm.s32 $0x1C180  }
0x96: {  	[tilespmem:s22], [sflag:$0x8] =	stream.linear.gather [hbm4b:s17+s2], $0x80, $0x38;
	[tilespmem:$0x1C300] =	vst v63  }
0x97: {  	_ =	swait.ge [sflag:s18], $0x80  }
0x98: {  	[sflag:s18] =	ssyncset.done $0x0  }
0x99: {  	s17 =	simm.s32 $0x0;
	s22 =	rddreg [dreg:$0x18];
	[sflag:s18] =	ssyncadd.s32 $0xFFFFFF80  }
0x9a: {  	[tilespmem:s10], [sflag:$0x1] =	stream.indirect.gather [hbm4b:s16+s19], $0x80, s12, s19, $0xb8;
	[tilespmem:$0x1C300] =	vst v63  }
.LBB2_2:
0x9b: {  	_ =	swait.ge [sflag:s20], $0x4000  }
0x9c: {  	[sflag:s20] =	ssyncset.done $0x0  }
0x9d: {  	[sflag:s20] =	ssyncadd.s32 $0xFFFFC000  }
0x9e: {  	_ =	swait.ge [sflag:s21], $0x80  }
0x9f: {  	p0 =	seq.s32 s17, $0x0;
	[sflag:s21] =	ssyncset.done $0x0  }
0xa0: {  	s5 =	simm.s32 @!p0 $0x4;
	[sflag:s21] =	ssyncadd.s32 $0xFFFFFF80  }
0xa1: {  	[spmem:s4] =	stream.linear.scatter [tilespmem:s10], [sflag:$0x3], $0x4000, $0x38;
	[tilespmem:$0x1C300] =	vst v63  }
0xa2: {  	_ =	swait.ge @!p0 [sflag:s5], $0x4000  }
0xa3: {  	[sflag:s5] =	ssyncset.done @!p0 $0x0  }
0xa4: {  	s3 =	sadd.s32 s17, s1;
	[sflag:s5] =	ssyncadd.s32 @!p0 $0xFFFFC000  }
0xa5: {  	[tilespmem:s12], [sflag:$0x5] =	stream.linear.gather [hbm4b:s3+s2], $0x80, $0x38;
	[tilespmem:$0x1C300] =	vst v63  }
0xa6: {  	s14 =	sadd.s32 s17, s9;
	s3 =	simm.s32 $0x1C200  }
0xa7: {  	[tilespmem:s3], [sflag:$0x9] =	stream.linear.gather [hbm4b:s14+s2], $0x80, $0x38;
	[tilespmem:$0x1C300] =	vst v63  }
0xa8: {  	_ =	swait.ge [sflag:s23], $0x80  }
0xa9: {  	[sflag:s23] =	ssyncset.done $0x0  }
0xaa: {  	[sflag:s23] =	ssyncadd.s32 $0xFFFFFF80  }
0xab: {  	[tilespmem:s24], [sflag:$0x2] =	stream.indirect.gather [hbm4b:s16+s19], $0x80, s13, s19, $0xb8;
	[tilespmem:$0x1C300] =	vst v63  }
0xac: {  	_ =	swait.ge [sflag:s25], $0x4000  }
0xad: {  	[sflag:s25] =	ssyncset.done $0x0  }
0xae: {  	[sflag:s25] =	ssyncadd.s32 $0xFFFFC000  }
0xaf: {  	_ =	swait.ge [sflag:s26], $0x80  }
0xb0: {  	[sflag:s26] =	ssyncset.done $0x0  }
0xb1: {  	[sflag:s26] =	ssyncadd.s32 $0xFFFFFF80  }
0xb2: {  	[spmem:s4] =	stream.linear.scatter [tilespmem:s24], [sflag:$0x4], $0x4000, $0x38;
	[tilespmem:$0x1C300] =	vst v63  }
0xb3: {  	_ =	swait.ge [sflag:s31], $0x4000  }
0xb4: {  	[sflag:s31] =	ssyncset.done $0x0  }
0xb5: {  	s14 =	sadd.s32 s17, s30;
	[sflag:s31] =	ssyncadd.s32 $0xFFFFC000  }
0xb6: {  	[tilespmem:s13], [sflag:$0x6] =	stream.linear.gather [hbm4b:s14+s2], $0x80, $0x38;
	[tilespmem:$0x1C300] =	vst v63  }
0xb7: {  	s3 =	sadd.s32 s17, s0;
	s14 =	simm.s32 $0x1C280  }
0xb8: {  	[tilespmem:s14], [sflag:$0xA] =	stream.linear.gather [hbm4b:s3+s2], $0x80, $0x38;
	[tilespmem:$0x1C300] =	vst v63  }
0xb9: {  	_ =	swait.ge [sflag:s18], $0x80  }
0xba: {  	[sflag:s18] =	ssyncset.done $0x0  }
0xbb: {  	[sflag:s18] =	ssyncadd.s32 $0xFFFFFF80  }
0xbc: {  	[tilespmem:s10], [sflag:$0x1] =	stream.indirect.gather [hbm4b:s16+s19], $0x80, s12, s19, $0xb8;
	[tilespmem:$0x1C300] =	vst v63  }
0xbd: {  	_ =	swait.ge [sflag:s20], $0x4000  }
0xbe: {  	[sflag:s20] =	ssyncset.done $0x0  }
0xbf: {  	[sflag:s20] =	ssyncadd.s32 $0xFFFFC000  }
0xc0: {  	_ =	swait.ge [sflag:s6], $0x80  }
0xc1: {  	p0 =	seq.s32 s17, $0x4C00;
	[sflag:s6] =	ssyncset.done $0x0  }
0xc2: {  	s5 =	sadd.s32 @!p0 s22, s15;
	[sflag:s6] =	ssyncadd.s32 $0xFFFFFF80  }
0xc3: {  	[spmem:s4] =	stream.linear.scatter [tilespmem:s10], [sflag:$0x3], $0x4000, $0x38;
	[tilespmem:$0x1C300] =	vst v63  }
0xc4: {  	s5 =	sshrl.u32 @!p0 s5, $0x3;
	_ =	swait.ge [sflag:s7], $0x4000  }
0xc5: {  	s5 =	sadd.s32 @!p0 s28, s5;
	[sflag:s7] =	ssyncset.done $0x0  }
0xc6: {  	s3 =	simm.s32 @!p0 $0x0;
	s14 =	simm.s32 @!p0 $0x1C000;
	[sflag:s7] =	ssyncadd.s32 $0xFFFFC000  }
0xc7: {  	[tilespmem:s14], [sflag:$0x5] =	stream.linear.gather @!p0 [hbm4b:s5+s3], $0x80, $0x38;
	[tilespmem:$0x1C300] =	vst v63  }
0xc8: {  	s5 =	sshrl.u32 @!p0 s22, $0x3  }
0xc9: {  	s14 =	simm.s32 @!p0 $0x1C100;
	s5 =	sadd.s32 @!p0 s29, s5  }
0xca: {  	[tilespmem:s14], [sflag:$0x7] =	stream.linear.gather @!p0 [hbm4b:s5+s3], $0x80, $0x38;
	[tilespmem:$0x1C300] =	vst v63  }
0xcb: {  	_ =	swait.ge [sflag:s23], $0x80  }
0xcc: {  	[sflag:s23] =	ssyncset.done $0x0  }
0xcd: {  	[sflag:s23] =	ssyncadd.s32 $0xFFFFFF80  }
0xce: {  	[tilespmem:s24], [sflag:$0x2] =	stream.indirect.gather [hbm4b:s16+s19], $0x80, s13, s19, $0xb8;
	[tilespmem:$0x1C300] =	vst v63  }
0xcf: {  	_ =	swait.ge [sflag:s25], $0x4000  }
0xd0: {  	[sflag:s25] =	ssyncset.done $0x0  }
0xd1: {  	[sflag:s25] =	ssyncadd.s32 $0xFFFFC000  }
0xd2: {  	_ =	swait.ge [sflag:s8], $0x80  }
0xd3: {  	[sflag:s8] =	ssyncset.done $0x0  }
.Ltmp2:
0xd4: {  	[sflag:s8] =	ssyncadd.s32 $0xFFFFFF80;
	(pc) =	sbr.rel @p0 .LBB2_4-.Ltmp2, $4  }
0xd5: {  	[spmem:s4] =	stream.linear.scatter [tilespmem:s24], [sflag:$0x4], $0x4000, $0x38;
	[tilespmem:$0x1C300] =	vst v63  }
0xd6: {  	_ =	swait.ge [sflag:s31], $0x4000  }
0xd7: {  	[sflag:s31] =	ssyncset.done $0x0  }
0xd8: {  	[sflag:s31] =	ssyncadd.s32 $0xFFFFC000  }
0xd9: {  	s3 =	rddreg [dreg:$0x16]  }
0xda: {  	s14 =	rddreg [dreg:$0x17];
	s3 =	sadd.s32 s17, s3  }
0xdb: {  	[tilespmem:s13], [sflag:$0x6] =	stream.linear.gather [hbm4b:s3+s2], $0x80, $0x38;
	[tilespmem:$0x1C300] =	vst v63  }
0xdc: {  	s5 =	simm.s32 $0x1C180;
	s3 =	sadd.s32 s17, s14  }
0xdd: {  	[tilespmem:s5], [sflag:$0x8] =	stream.linear.gather [hbm4b:s3+s2], $0x80, $0x38;
	[tilespmem:$0x1C300] =	vst v63  }
.Ltmp3:
0xde: {  	_ = 	snop;
	(pc) =	sbr.rel .LBB2_2-.Ltmp3, $4  }
0xdf: {  	_ =	swait.ge [sflag:s18], $0x80  }
0xe0: {  	[sflag:s18] =	ssyncset.done $0x0  }
0xe1: {  	s22 =	sadd.s32 $0x2000, s22;
	s17 =	sadd.s32 $0x400, s17;
	[sflag:s18] =	ssyncadd.s32 $0xFFFFFF80  }
0xe2: {  	[tilespmem:s10], [sflag:$0x1] =	stream.indirect.gather [hbm4b:s16+s19], $0x80, s12, s19, $0xb8;
	[tilespmem:$0x1C300] =	vst v63  }
.LBB2_5:
0xe3: {  	_ =	sfence.sel $0x180000  }
0xe4: {  	[bflag:$0x0] =	sbarrier.arrive $0xFFFF  }
0xe5: {  	_ =	strace $0x9000004A  }
0xe6: {  	s0 =	stileid.u32;
	[bflag:$0x2] =	sbarrier.arrive $0xFFFF  }
0xe7: {  	p0 =	sne.s32 s0, $0x0;
	s0 =	rddreg [dreg:$0x2]  }
0xe8: {  	s0 =	sadd.s32 @!p0 $0x100000, s0  }
0xe9: {  	[sflag:s0] =	ssyncadd.tile.s32 @!p0 $0x1;
	_ =	shalt  }
.Lfunc_end2:
_tile_overlayer_lowered:
.L_overlay_start_2:
0xea: {  	(tag) =	ssettag $0x2  }
0xeb: {  	s0 =	rddreg [dreg:$0x0];
	s2 =	stileid.u32  }
0xec: {  	s1 =	rddreg [dreg:$0x1];
	p0 =	sne.s32 s2, $0x0  }
0xed: {  	s3 =	rddreg [dreg:$0x2];
	[bflag:$0x3] =	sbarrier.arrive $0xFFFF;
	s2 =	simm.s32 @!p0 $0x1C0B  }
0xee: {  	[timem:s3], [sflag:s2] =	dma.local @!p0 [hbm:s0], s1  }
0xef: {  	s0 =	simm.s32 @!p0 $0xB  }
0xf0: {  	_ =	swait.ge @!p0 [sflag:s0], s1  }
0xf1: {  	s1 =	ssub.s32 @!p0 $0x0, s1;
	[sflag:s0] =	ssyncset.done @!p0 $0x0  }
0xf2: {  	[sflag:s0] =	ssyncadd.s32 @!p0 s1  }
0xf3: {  	[bflag:$0x3] =	sbarrier.arrive $0xFFFF  }
0xf4: {  	_ =	shalt  }

// kernel: kernel.14.cloned.1.call-start
scs
__scs_entry_jumppad:
0x0: {  	(pc) =	sbr.rel $0x88, $3  }
0x1: {  	(tag) =	ssettag $0x0;
	lr =	simm.s32 $0x1  }
0x2: {  	[smem:$0x3F9B] =	sst lr;
	_ =	strace $0xD0000000  }
0x3: {  	_ = 	snop  }
0x4: {  	_ = 	snop  }
0x5: {  	_ = 	snop  }
0x6: {  	_ = 	snop  }
0x7: {  	_ = 	snop  }
__scs_overlays_trampoline_lowered:
0x8: {  	[smem:$0x3FAA] =	sst s0  }
0x9: {  	[smem:$0x3FAB] =	sst s1  }
0xa: {  	[smem:$0x3FAC] =	sst s2  }
0xb: {  	[smem:$0x3FAD] =	sst s3  }
0xc: {  	[smem:$0x3FAE] =	sst s4  }
0xd: {  	[smem:$0x3FAF] =	sst s5  }
0xe: {  	[smem:$0x3FB0] =	sst s6  }
0xf: {  	[smem:$0x3FB1] =	sst s7  }
0x10: {  	[smem:$0x3FB2] =	sst s8  }
0x11: {  	[smem:$0x3FB3] =	sst s9;
	s0 =	simm.s32 @!p0 $0x0  }
0x12: {  	s1 =	sld [smem:$0x3F99];
	s0 =	simm.s32 @p0 $0x1  }
0x13: {  	[smem:$0x3FB4] =	sst s0;
	s0 =	simm.s32 @!p1 $0x0  }
0x14: {  	s2 =	sld [smem:$0x3F98];
	s0 =	simm.s32 @p1 $0x1  }
0x15: {  	[smem:$0x3FB5] =	sst s0;
	s0 =	simm.s32 @!p2 $0x0  }
0x16: {  	s3 =	sld [smem:$0x3FDB];
	s0 =	simm.s32 @p2 $0x1  }
0x17: {  	s4 =	simm.s32 $0x1BF5;
	[smem:$0x3FB7] =	sst s0  }
0x18: {  	s0 =	sld [smem:$0x3F9A];
	_ =	swait.ge [sflag:s4], $0x0  }
0x19: {  	s7 =	sld [smem:$0x3F9B]  }
0x1a: {  	s8 =	sadd.s32 $0xFFFFE003, lr  }
0x1b: {  	s9 =	sadd.s32 $0xFFFFFEF7, lr;
	s5 =	simm.s32 $0xFFFFFFFF;
	p2 =	slt.u32 s8, $0xFFFFF086  }
0x1c: {  	p1 =	slt.u32 s9, $0xF7A;
	s5 =	simm.s32 @!p2 $0x0  }
0x1d: {  	s5 =	simm.s32 @p1 $0x1;
	p0 =	seq.s32 s7, s2  }
0x1e: {  	s7 =	smul.u32 @!p0 $0xF7A, s2;
	p2 =	seq.s32 @!p0 s5, $0x0  }
0x1f: {  	s9 =	smul.u32 $0xF7A, s1;
	s8 =	simm.s32 @!p0 $0x1BF5;
	p2 =	por !p2, p0  }
0x20: {  	[sflag:s8] =	ssyncset.s32 @!p0 $0xFFFFF086;
	s6 =	sadd.s32 @!p0 s3, s7;
	s7 =	simm.s32 @!p0 $0x108  }
0x21: {  	s3 =	sadd.s32 s3, s9;
	s6 =	sadd.s32 @!p0 $0x88, s6;
	s7 =	simm.s32 @p2 $0x1082  }
0x22: {  	[simem:s7], [sflag:s8] =	dma.local @!p0 [hbm:s6], $0xF7A  }
0x23: {  	s9 =	sor.u32 $0xD0000000, s2;
	s6 =	simm.s32 $0x108;
	_ =	swait.ge @!p0 [sflag:s8], $0x0  }
0x24: {  	s3 =	sadd.s32 $0x88, s3;
	s6 =	simm.s32 @!p1 $0x1082;
	[sflag:s4] =	ssyncset.s32 $0xFFFFF086  }
0x25: {  	[simem:s6], [sflag:s4] =	dma.local [hbm:s3], $0xF7A  }
0x26: {  	[smem:$0x3F9B] =	sst s1;
	(tag) =	ssettag s2;
	_ =	strace s9  }
0x27: {  	s1 =	sld [smem:$0x3FAB]  }
0x28: {  	s2 =	sld [smem:$0x3FAC]  }
0x29: {  	s4 =	sld [smem:$0x3FAE]  }
0x2a: {  	p0 =	seq.s32 s5, $0x0;
	s5 =	sld [smem:$0x3FAF]  }
0x2b: {  	s6 =	sld [smem:$0x3FB0]  }
0x2c: {  	s7 =	sld [smem:$0x3FB1]  }
0x2d: {  	s3 =	simm.s32 $0x108;
	s8 =	sld [smem:$0x3FB2]  }
0x2e: {  	s3 =	simm.s32 @!p0 $0x1082;
	s9 =	sld [smem:$0x3FB3]  }
0x2f: {  	lr =	sadd.s32 s0, s3;
	s0 =	sld [smem:$0x3FAA]  }
0x30: {  	s3 =	sld [smem:$0x3FAD]  }
0x31: {  	[smem:$0x3FB6] =	sst s10  }
0x32: {  	s10 =	sld [smem:$0x3FB4];
	_ =	sdelay $0x3  }
0x33: {  	p0 =	seq.s32 s10, $0x1;
	s10 =	sld [smem:$0x3FB6];
	_ =	sdelay $0x3  }
0x34: {  	[smem:$0x3FB6] =	sst s10  }
0x35: {  	s10 =	sld [smem:$0x3FB5];
	_ =	sdelay $0x3  }
0x36: {  	p1 =	seq.s32 s10, $0x1;
	s10 =	sld [smem:$0x3FB6];
	_ =	sdelay $0x3  }
0x37: {  	[smem:$0x3FB6] =	sst s10  }
0x38: {  	s10 =	sld [smem:$0x3FB7]  }
0x39: {  	_ = 	snop;
	(pc) =	sbr.ind lr, $3  }
0x3a: {  	_ = 	snop  }
0x3b: {  	_ = 	snop  }
0x3c: {  	p2 =	seq.s32 s10, $0x1;
	s10 =	sld [smem:$0x3FB6]  }
0x3d: {  	_ =	shalt  }
0x3e: {  	_ =	shalt  }
0x3f: {  	_ =	shalt  }
0x40: {  	_ =	shalt  }
0x41: {  	_ =	shalt  }
0x42: {  	_ =	shalt  }
0x43: {  	_ =	shalt  }
0x44: {  	_ =	shalt  }
0x45: {  	_ =	shalt  }
0x46: {  	_ =	shalt  }
0x47: {  	_ =	shalt  }
0x48: {  	_ =	shalt  }
0x49: {  	_ =	shalt  }
0x4a: {  	_ =	shalt  }
0x4b: {  	_ =	shalt  }
0x4c: {  	_ =	shalt  }
0x4d: {  	_ =	shalt  }
0x4e: {  	_ =	shalt  }
0x4f: {  	_ =	shalt  }
0x50: {  	_ =	shalt  }
0x51: {  	_ =	shalt  }
0x52: {  	_ =	shalt  }
0x53: {  	_ =	shalt  }
0x54: {  	_ =	shalt  }
0x55: {  	_ =	shalt  }
0x56: {  	_ =	shalt  }
0x57: {  	_ =	shalt  }
0x58: {  	_ =	shalt  }
0x59: {  	_ =	shalt  }
0x5a: {  	_ =	shalt  }
0x5b: {  	_ =	shalt  }
0x5c: {  	_ =	shalt  }
0x5d: {  	_ =	shalt  }
0x5e: {  	_ =	shalt  }
0x5f: {  	_ =	shalt  }
0x60: {  	_ =	shalt  }
0x61: {  	_ =	shalt  }
0x62: {  	_ =	shalt  }
0x63: {  	_ =	shalt  }
0x64: {  	_ =	shalt  }
0x65: {  	_ =	shalt  }
0x66: {  	_ =	shalt  }
0x67: {  	_ =	shalt  }
0x68: {  	_ =	shalt  }
0x69: {  	_ =	shalt  }
0x6a: {  	_ =	shalt  }
0x6b: {  	_ =	shalt  }
0x6c: {  	_ =	shalt  }
0x6d: {  	_ =	shalt  }
0x6e: {  	_ =	shalt  }
0x6f: {  	_ =	shalt  }
0x70: {  	_ =	shalt  }
0x71: {  	_ =	shalt  }
0x72: {  	_ =	shalt  }
0x73: {  	_ =	shalt  }
0x74: {  	_ =	shalt  }
0x75: {  	_ =	shalt  }
0x76: {  	_ =	shalt  }
0x77: {  	_ =	shalt  }
0x78: {  	_ =	shalt  }
0x79: {  	_ =	shalt  }
0x7a: {  	_ =	shalt  }
0x7b: {  	_ =	shalt  }
0x7c: {  	_ =	shalt  }
0x7d: {  	_ =	shalt  }
0x7e: {  	_ =	shalt  }
0x7f: {  	_ =	shalt  }
0x80: {  	_ =	shalt  }
0x81: {  	_ =	shalt  }
0x82: {  	_ =	shalt  }
0x83: {  	_ =	shalt  }
0x84: {  	_ =	shalt  }
0x85: {  	_ =	shalt  }
0x86: {  	_ =	shalt  }
0x87: {  	_ =	shalt  }
.Lfunc_end0:
.L_simem_size_0:
called_computation.2_lowered:
.L_overlay_start_0:
0x88: {  	s2 =	sld [smem:$0x3FD9]  }
0x89: {  	s3 =	sld [smem:$0x3FFE];
	_ =	sdelay $0x1  }
0x8a: {  	s1 =	srdreg.scid  }
0x8b: {  	s0 =	sand.u32 $0x1, s1  }
0x8c: {  	s16 =	sshll.u32 s0, $0xA;
	s2 =	sadd.s32 s3, s2  }
0x8d: {  	s2 =	sadd.s32 s2, s16  }
0x8e: {  	[smem:$0x3FC2] =	sst s2  }
0x8f: {  	_ = 	snop  }
0x90: {  	(tm) =	ssettm $0x1  }
0x91: {  	s17 =	sld [smem:$0x3FFB];
	_ =	sdelay $0x3  }
0x92: {  	_ =	strace s17  }
0x93: {  	s2 =	sld [smem:$0x3FFC];
	_ =	sdelay $0x3  }
0x94: {  	_ =	strace s2  }
0x95: {  	s2 =	sld [smem:$0x3FFD];
	_ =	sdelay $0x3  }
0x96: {  	_ =	strace s2  }
0x97: {  	_ =	strace $0x8FFFFFFF  }
0x98: {  	s18 =	sld [smem:$0x3FDB];
	_ =	sdelay $0x1  }
0x99: {  	s19 =	simm.s32 $_scs_section_size  }
0x9a: {  	s4 =	simm.s32 $_size__tile_overlayer_lowered;
	s5 =	simm.s32 $_tile_overlayer_lowered  }
0x9b: {  	s22 =	simm.s32 $0x1BFF;
	s21 =	sshll.u32 s5, $0x1;
	s2 =	sadd.s32 s19, s18  }
0x9c: {  	s6 =	simm.s32 $0x0;
	s20 =	sshll.u32 s4, $0x1;
	s4 =	sadd.s32 s21, s2  }
0x9d: {  	[timem:s6], [sflag:s22] =	dma.local [hbm:s4], s20  }
0x9e: {  	_ =	swait.ge [sflag:s22], s20  }
0x9f: {  	s3 =	ssub.s32 $0x0, s20;
	[sflag:s22] =	ssyncset.done $0x0  }
0xa0: {  	[sflag:s22] =	ssyncadd.s32 s3;
	_ =	sdelay $0x1  }
0xa1: {  	s23 =	simm.s32 $0x1B8B  }
0xa2: {  	_ =	swait.ge [sflag:s23], $0x1  }
0xa3: {  	[sflag:s23] =	ssyncset.done $0x0  }
0xa4: {  	s25 =	simm.s32 $0x1B8E;
	s24 =	sld [smem:$0x3FFE];
	[sflag:s23] =	ssyncadd.s32 $0xFFFFFFFF  }
0xa5: {  	s26 =	simm.s32 $execute0_lowered;
	[smem:$0x3FD2] =	sst s25  }
0xa6: {  	s4 =	sshll.u32 s26, $0x1;
	_ =	strace $0x8000004C;
	[dreg:$0x1] =	wrdreg $0xFFFFFFFF  }
0xa7: {  	s28 =	simm.s32 $_size_execute0_lowered;
	s2 =	sadd.s32 s2, s4;
	[dreg:$0x0] =	wrdreg $0x0  }
0xa8: {  	s4 =	sshll.u32 s28, $0x1;
	[dreg:$0x2] =	wrdreg s2  }
0xa9: {  	[dreg:$0x3] =	wrdreg s4  }
0xaa: {  	[dreg:$0x4] =	wrdreg $0xC0  }
0xab: {  	_ =	task [dreg:s6], $0x5FFFF  }
0xac: {  	[dreg:$0x1] =	wrdreg $0xFFFFFFFF  }
0xad: {  	[dreg:$0x0] =	wrdreg $0x60  }
0xae: {  	[dreg:$0x2] =	wrdreg s24  }
0xaf: {  	[dreg:$0x3] =	wrdreg $0x0  }
0xb0: {  	[dreg:$0x4] =	wrdreg $0x9  }
0xb1: {  	_ =	task.clear_ibuf [dreg:s6], $0x5FFFF;
	_ =	strace $0x9000004C  }
0xb2: {  	s29 =	simm.s32 $0x9;
	_ =	strace $0x8000004E  }
0xb3: {  	_ =	swait.ge [sflag:s29], $0x1  }
0xb4: {  	[sflag:s29] =	ssyncadd.s32 $0xFFFFFFFF  }
0xb5: {  	_ =	strace $0x9000004E  }
0xb6: {  	_ =	sfence  }
0xb7: {  	s30 =	sld [smem:$0x0];
	_ =	sdelay $0x2  }
0xb8: {  	s31 =	sshll.u32 s1, $0xD;
	s1 =	sshrl.u32 s1, $0x2  }
0xb9: {  	s3 =	sand.u32 $0x4000, s31;
	s1 =	sadd.s32 s1, s30  }
0xba: {  	s0 =	sor.u32 s3, s0;
	s1 =	sshll.u32 s1, $0x11  }
0xbb: {  	s0 =	sor.u32 s1, s0  }
0xbc: {  	s0 =	sadd.s32 $0x8F2B, s0  }
0xbd: {  	[sflag:s0] =	ssyncadd.remote.s32 $0x1  }
0xbe: {  	_ =	sfence.sel $0xFFFF  }
0xbf: {  	[dreg:$0x0] =	wrdreg $0xFFFFFFFF;
	(pc) =	sbr.abs _section_cstart, $3  }
0xc0: {  	[dreg:$0x1] =	wrdreg $0xFFFFFFFF  }
0xc1: {  	_ =	task.clear_ibuf [dreg:s6], $0x2FFFF;
	_ =	strace $0x9FFFFFFF  }
0xc2: {  	(tm) =	ssettm $0x7FFFFFFF  }
0xc3: {  	_ =	shalt  }
tec
execute0_lowered:
.L_overlay_start_1:
0x0: {  	(tag) =	ssettag $0x1  }
0x1: {  	s0 =	rddreg [dreg:$0x0]  }
0x2: {  	s1 =	rddreg [dreg:$0x1];
	s2 =	simm.s32 $0x0  }
0x3: {  	s3 =	srdreg.scid;
	s21 =	stileid.u32;
	s31 =	simm.s32 $0x3  }
0x4: {  	[smem:$0x7FF] =	sst s2;
	s5 =	sand.u32 $0x1, s3;
	s6 =	smul.u32 $0x280, s21  }
0x5: {  	s7 =	sadd.s32 $0x56E00, s0;
	s8 =	smul.u32 $0x50000, s21;
	s25 =	sshll.u32 s21, $0x7  }
0x6: {  	s26 =	smul.u32 $0x14000, s21;
	_ =	strace $0x8000004D;
	s3 =	ssub.s32 $0x2, s5  }
0x7: {  	s10 =	smul.u32 $0x2800, s5;
	s11 =	sand.u32 $0x380, s25;
	s12 =	sand.u32 $0x400, s25  }
0x8: {  	s4 =	sshrl.u32 s3, $0x1;
	s8 =	sshrl.u32 s8, $0x2;
	s14 =	sadd.s32 $0x80, s6  }
0x9: {  	s15 =	sadd.s32 $0x100, s6;
	s9 =	ssub.s32 s3, s4;
	s3 =	smul.u32 $0x28000, s5  }
0xa: {  	s18 =	sadd.s32 $0x180, s6;
	s4 =	sadd.s32 s8, s1;
	s5 =	smul.u32 $0x140000, s5  }
0xb: {  	s8 =	sadd.s32 s10, s6;
	s17 =	sadd.s32 s10, s14;
	s14 =	sshll.u32 s14, $0x7  }
0xc: {  	s16 =	sshll.u32 s15, $0x7;
	s19 =	sadd.s32 s10, s15;
	s20 =	sadd.s32 s10, s18  }
0xd: {  	s15 =	sshll.u32 s18, $0x7;
	s6 =	sadd.s32 $0x200, s6;
	s22 =	sadd.s32 s14, s1  }
0xe: {  	s23 =	sadd.s32 s16, s1;
	s10 =	sadd.s32 s10, s6;
	s6 =	sshll.u32 s6, $0x7  }
0xf: {  	s24 =	sadd.s32 s15, s1;
	s13 =	sor.u32 s3, s11;
	s25 =	sadd.s32 s6, s1  }
0x10: {  	s26 =	sadd.s32 s5, s26;
	s14 =	sadd.s32 s5, s14;
	s16 =	sadd.s32 s5, s16  }
0x11: {  	s15 =	sadd.s32 s5, s15;
	s5 =	sadd.s32 s5, s6;
	[dreg:$0x3] =	wrdreg s22  }
0x12: {  	s6 =	sor.u32 s12, s13;
	s1 =	sshrl.u32 s26, $0x3;
	s14 =	sshrl.u32 s14, $0x3  }
0x13: {  	s26 =	sshrl.u32 s15, $0x3;
	s5 =	sshrl.u32 s5, $0x3;
	s1 =	sadd.s32 s7, s1  }
0x14: {  	s18 =	sadd.s32 s7, s14;
	s14 =	smov.u32 s25;
	[dreg:$0x7] =	wrdreg s1  }
0x15: {  	s25 =	sshrl.u32 s16, $0x3;
	s15 =	sadd.s32 s7, s5;
	[dreg:$0x8] =	wrdreg s18  }
0x16: {  	s16 =	sor.u32 $0x800, s12;
	s6 =	sshrl.u32 s6, $0x3;
	[dreg:$0xb] =	wrdreg s15  }
0x17: {  	s5 =	sshll.u32 s20, $0x4;
	s1 =	sadd.s32 s7, s25;
	[dreg:$0x6] =	wrdreg s14  }
0x18: {  	s18 =	sor.u32 s16, s13;
	s15 =	smax.u32 s9, $0x1;
	[dreg:$0x9] =	wrdreg s1  }
0x19: {  	s1 =	sadd.s32 s7, s26;
	s7 =	sor.u32 s11, s12;
	s12 =	sadd.s32 $0x1E00, s0  }
0x1a: {  	s26 =	sshll.u32 s21, $0x4;
	[dreg:$0x10] =	wrdreg s15;
	s21 =	sshll.u32 s17, $0x4  }
0x1b: {  	s15 =	smov.u32 s3;
	[dreg:$0xa] =	wrdreg s1;
	s1 =	sor.u32 s11, s16  }
0x1c: {  	s11 =	sadd.s32 $0xA6E00, s0;
	s16 =	sadd.s32 $0x6E00, s0;
	s0 =	sadd.s32 s12, s26  }
0x1d: {  	s29 =	smov.u32 s12;
	s25 =	sadd.s32 s11, s6;
	[dreg:$0xd] =	wrdreg s0  }
0x1e: {  	s6 =	sshrl.u32 s18, $0x3;
	s1 =	sshrl.u32 s1, $0x3;
	s18 =	sshll.u32 s8, $0x4  }
0x1f: {  	s26 =	sadd.s32 s16, s21;
	s8 =	sor.u32 s3, s7;
	s3 =	smov.u32 s23  }
0x20: {  	s21 =	sor.u32 $0x2000, s7;
	s23 =	sor.u32 $0x1800, s7;
	[dreg:$0xc] =	wrdreg s25  }
0x21: {  	s28 =	smov.u32 s11;
	s0 =	sadd.s32 s11, s6;
	[dreg:$0x12] =	wrdreg s26  }
0x22: {  	s13 =	sadd.s32 s12, s1;
	s25 =	sshll.u32 s19, $0x4;
	[dreg:$0x18] =	wrdreg s21  }
0x23: {  	s6 =	sshll.u32 s10, $0x4;
	s10 =	sor.u32 $0x2800, s8;
	[dreg:$0x4] =	wrdreg s3  }
0x24: {  	s17 =	sor.u32 $0x1800, s8;
	s20 =	sor.u32 $0x1000, s8;
	[dreg:$0xe] =	wrdreg s0  }
0x25: {  	s21 =	simm.s32 $0x7;
	s8 =	simm.s32 $0xA;
	[dreg:$0xf] =	wrdreg s13  }
0x26: {  	s0 =	sadd.s32 s16, s18;
	s1 =	sadd.s32 s16, s25;
	s9 =	sadd.s32 s16, s6  }
0x27: {  	s13 =	sor.u32 $0x2800, s7;
	s19 =	sshrl.u32 s17, $0x3;
	s25 =	sor.u32 $0x1000, s7  }
0x28: {  	s26 =	sshrl.u32 s20, $0x3;
	s20 =	simm.s32 $0x1;
	[dreg:$0x11] =	wrdreg s0  }
0x29: {  	s6 =	simm.s32 $0x9;
	s7 =	simm.s32 $0x4;
	[dreg:$0x13] =	wrdreg s1  }
0x2a: {  	s17 =	simm.s32 $0x0;
	s0 =	sadd.s32 s16, s5;
	[dreg:$0x15] =	wrdreg s9  }
0x2b: {  	s18 =	sshrl.u32 s13, $0x3;
	s30 =	sadd.s32 s19, s11;
	s1 =	sshrl.u32 s23, $0x3  }
0x2c: {  	s5 =	sshrl.u32 s25, $0x3;
	s13 =	simm.s32 $0x1C080;
	s19 =	simm.s32 $0x80  }
0x2d: {  	s23 =	simm.s32 $0x6;
	s25 =	simm.s32 $0x2;
	[dreg:$0x19] =	wrdreg s17  }
0x2e: {  	[dreg:$0x14] =	wrdreg s0;
	s0 =	sshrl.u32 s10, $0x3;
	s9 =	sadd.s32 s5, s12  }
.Ltmp0:
0x2f: {  	s5 =	smov.u32 s24;
	s10 =	simm.s32 $0x14000;
	(pc) =	sbr.rel .LBB2_1-.Ltmp0, $4  }
0x30: {  	s24 =	simm.s32 $0x18000;
	s0 =	sadd.s32 s0, s11;
	[dreg:$0x5] =	wrdreg s5  }
0x31: {  	[dreg:$0x16] =	wrdreg s0;
	s0 =	sadd.s32 s18, s12;
	s18 =	simm.s32 $0x5  }
0x32: {  	[dreg:$0x17] =	wrdreg s0;
	s0 =	sadd.s32 s1, s12;
	s1 =	sadd.s32 s26, s11  }
0x33: {  	s11 =	simm.s32 $0xB;
	s12 =	simm.s32 $0x1C000;
	s26 =	simm.s32 $0x8  }
.LBB2_4:
0x34: {  	_ =	swait.ge [sflag:s7], $0x4000  }
0x35: {  	[sflag:s7] =	ssyncset.done $0x0  }
0x36: {  	[sflag:s7] =	ssyncadd.s32 $0xFFFFC000  }
0x37: {  	[bflag:$0x0] =	sbarrier.arrive $0xFFFF  }
0x38: {  	[tilespmem:s10], [sflag:$0xB] =	stream.linear.gather [spmem:s4], $0x4000, $0x38;
	[tilespmem:$0x1C300] =	vst v63  }
0x39: {  	_ =	swait.ge [sflag:s11], $0x4000  }
0x3a: {  	[sflag:s11] =	ssyncset.done $0x0  }
0x3b: {  	s3 =	rddreg [dreg:$0x7];
	[sflag:s11] =	ssyncadd.s32 $0xFFFFC000  }
0x3c: {  	[hbm4b:s3+s2] =	stream.linear.scatter [tilespmem:s10], [sflag:$0xB], $0x4000, $0x38;
	[tilespmem:$0x1C300] =	vst v63  }
0x3d: {  	_ =	swait.ge [sflag:s11], $0x4000  }
0x3e: {  	[sflag:s11] =	ssyncset.done $0x0  }
0x3f: {  	s17 =	rddreg [dreg:$0x3];
	[sflag:s11] =	ssyncadd.s32 $0xFFFFC000  }
0x40: {  	[tilespmem:s10], [sflag:$0xB] =	stream.linear.gather [spmem:s17], $0x4000, $0x38;
	[tilespmem:$0x1C300] =	vst v63  }
0x41: {  	_ =	swait.ge [sflag:s11], $0x4000  }
0x42: {  	[sflag:s11] =	ssyncset.done $0x0  }
0x43: {  	s22 =	rddreg [dreg:$0x8];
	[sflag:s11] =	ssyncadd.s32 $0xFFFFC000  }
0x44: {  	[hbm4b:s22+s2] =	stream.linear.scatter [tilespmem:s10], [sflag:$0xB], $0x4000, $0x38;
	[tilespmem:$0x1C300] =	vst v63  }
0x45: {  	_ =	swait.ge [sflag:s11], $0x4000  }
0x46: {  	[sflag:s11] =	ssyncset.done $0x0  }
0x47: {  	s3 =	rddreg [dreg:$0x4];
	[sflag:s11] =	ssyncadd.s32 $0xFFFFC000  }
0x48: {  	[tilespmem:s10], [sflag:$0xB] =	stream.linear.gather [spmem:s3], $0x4000, $0x38;
	[tilespmem:$0x1C300] =	vst v63  }
0x49: {  	_ =	swait.ge [sflag:s11], $0x4000  }
0x4a: {  	[sflag:s11] =	ssyncset.done $0x0  }
0x4b: {  	s5 =	rddreg [dreg:$0x9];
	[sflag:s11] =	ssyncadd.s32 $0xFFFFC000  }
0x4c: {  	[hbm4b:s5+s2] =	stream.linear.scatter [tilespmem:s10], [sflag:$0xB], $0x4000, $0x38;
	[tilespmem:$0x1C300] =	vst v63  }
0x4d: {  	_ =	swait.ge [sflag:s11], $0x4000  }
0x4e: {  	[sflag:s11] =	ssyncset.done $0x0  }
0x4f: {  	s5 =	rddreg [dreg:$0x5];
	[sflag:s11] =	ssyncadd.s32 $0xFFFFC000  }
0x50: {  	[tilespmem:s10], [sflag:$0xB] =	stream.linear.gather [spmem:s5], $0x4000, $0x38;
	[tilespmem:$0x1C300] =	vst v63  }
0x51: {  	_ =	swait.ge [sflag:s11], $0x4000  }
0x52: {  	[sflag:s11] =	ssyncset.done $0x0  }
0x53: {  	s14 =	rddreg [dreg:$0xa];
	[sflag:s11] =	ssyncadd.s32 $0xFFFFC000  }
0x54: {  	[hbm4b:s14+s2] =	stream.linear.scatter [tilespmem:s10], [sflag:$0xB], $0x4000, $0x38;
	[tilespmem:$0x1C300] =	vst v63  }
0x55: {  	_ =	swait.ge [sflag:s11], $0x4000  }
0x56: {  	[sflag:s11] =	ssyncset.done $0x0  }
0x57: {  	s14 =	rddreg [dreg:$0x6];
	[sflag:s11] =	ssyncadd.s32 $0xFFFFC000  }
0x58: {  	[tilespmem:s10], [sflag:$0xB] =	stream.linear.gather [spmem:s14], $0x4000, $0x38;
	[tilespmem:$0x1C300] =	vst v63  }
0x59: {  	_ =	swait.ge [sflag:s11], $0x4000  }
0x5a: {  	[sflag:s11] =	ssyncset.done $0x0  }
0x5b: {  	s17 =	rddreg [dreg:$0xb];
	[sflag:s11] =	ssyncadd.s32 $0xFFFFC000  }
0x5c: {  	[hbm4b:s17+s2] =	stream.linear.scatter [tilespmem:s10], [sflag:$0xB], $0x4000, $0x38;
	[tilespmem:$0x1C300] =	vst v63  }
0x5d: {  	_ =	swait.ge [sflag:s11], $0x4000  }
0x5e: {  	s22 =	rddreg [dreg:$0x19]  }
0x5f: {  	s17 =	rddreg [dreg:$0x10];
	s22 =	sadd.s32 $0x1, s22  }
0x60: {  	p0 =	sne.s32 s22, s17  }
.Ltmp1:
0x61: {  	_ = 	snop;
	(pc) =	sbr.rel @!p0 .LBB2_5-.Ltmp1, $3  }
0x62: {  	_ =	sdelay $0x1  }
0x63: {  	[sflag:s11] =	ssyncset.done $0x0;
	[dreg:$0x19] =	wrdreg s22  }
0x64: {  	[sflag:s11] =	ssyncadd.s32 $0xFFFFC000;
	s22 =	rddreg [dreg:$0x3]  }
.LBB2_1:
0x65: {  	s17 =	rddreg [dreg:$0x11]  }
0x66: {  	[tilespmem:s10], [sflag:$0xB] =	stream.linear.gather [hbm4b:s17+s2], $0x4000, $0x38;
	[tilespmem:$0x1C300] =	vst v63  }
0x67: {  	_ =	swait.ge [sflag:s11], $0x4000  }
0x68: {  	[sflag:s11] =	ssyncset.done $0x0  }
0x69: {  	[sflag:s11] =	ssyncadd.s32 $0xFFFFC000  }
0x6a: {  	[spmem:s4] =	stream.linear.scatter [tilespmem:s10], [sflag:$0xB], $0x4000, $0x38;
	[tilespmem:$0x1C300] =	vst v63  }
0x6b: {  	_ =	swait.ge [sflag:s11], $0x4000  }
0x6c: {  	[sflag:s11] =	ssyncset.done $0x0  }
0x6d: {  	s17 =	rddreg [dreg:$0x12];
	[sflag:s11] =	ssyncadd.s32 $0xFFFFC000  }
0x6e: {  	[tilespmem:s10], [sflag:$0xB] =	stream.linear.gather [hbm4b:s17+s2], $0x4000, $0x38;
	[tilespmem:$0x1C300] =	vst v63  }
0x6f: {  	_ =	swait.ge [sflag:s11], $0x4000  }
0x70: {  	[sflag:s11] =	ssyncset.done $0x0  }
0x71: {  	[sflag:s11] =	ssyncadd.s32 $0xFFFFC000  }
0x72: {  	[spmem:s22] =	stream.linear.scatter [tilespmem:s10], [sflag:$0xB], $0x4000, $0x38;
	[tilespmem:$0x1C300] =	vst v63  }
0x73: {  	_ =	swait.ge [sflag:s11], $0x4000  }
0x74: {  	[sflag:s11] =	ssyncset.done $0x0  }
0x75: {  	s22 =	rddreg [dreg:$0x13];
	[sflag:s11] =	ssyncadd.s32 $0xFFFFC000  }
0x76: {  	[tilespmem:s10], [sflag:$0xB] =	stream.linear.gather [hbm4b:s22+s2], $0x4000, $0x38;
	[tilespmem:$0x1C300] =	vst v63  }
0x77: {  	_ =	swait.ge [sflag:s11], $0x4000  }
0x78: {  	[sflag:s11] =	ssyncset.done $0x0  }
0x79: {  	[sflag:s11] =	ssyncadd.s32 $0xFFFFC000  }
0x7a: {  	[spmem:s3] =	stream.linear.scatter [tilespmem:s10], [sflag:$0xB], $0x4000, $0x38;
	[tilespmem:$0x1C300] =	vst v63  }
0x7b: {  	_ =	swait.ge [sflag:s11], $0x4000  }
0x7c: {  	[sflag:s11] =	ssyncset.done $0x0  }
0x7d: {  	s22 =	rddreg [dreg:$0x14];
	[sflag:s11] =	ssyncadd.s32 $0xFFFFC000  }
0x7e: {  	[tilespmem:s10], [sflag:$0xB] =	stream.linear.gather [hbm4b:s22+s2], $0x4000, $0x38;
	[tilespmem:$0x1C300] =	vst v63  }
0x7f: {  	_ =	swait.ge [sflag:s11], $0x4000  }
0x80: {  	[sflag:s11] =	ssyncset.done $0x0  }
0x81: {  	[sflag:s11] =	ssyncadd.s32 $0xFFFFC000  }
0x82: {  	[spmem:s5] =	stream.linear.scatter [tilespmem:s10], [sflag:$0xB], $0x4000, $0x38;
	[tilespmem:$0x1C300] =	vst v63  }
0x83: {  	_ =	swait.ge [sflag:s11], $0x4000  }
0x84: {  	[sflag:s11] =	ssyncset.done $0x0  }
0x85: {  	s5 =	rddreg [dreg:$0x15];
	[sflag:s11] =	ssyncadd.s32 $0xFFFFC000  }
0x86: {  	[tilespmem:s10], [sflag:$0xB] =	stream.linear.gather [hbm4b:s5+s2], $0x4000, $0x38;
	[tilespmem:$0x1C300] =	vst v63  }
0x87: {  	_ =	swait.ge [sflag:s11], $0x4000  }
0x88: {  	[sflag:s11] =	ssyncset.done $0x0  }
0x89: {  	[sflag:s11] =	ssyncadd.s32 $0xFFFFC000  }
0x8a: {  	[spmem:s14] =	stream.linear.scatter [tilespmem:s10], [sflag:$0xB], $0x4000, $0x38;
	[tilespmem:$0x1C300] =	vst v63  }
0x8b: {  	_ =	swait.ge [sflag:s11], $0x4000  }
0x8c: {  	[sflag:s11] =	ssyncset.done $0x0  }
0x8d: {  	[sflag:s11] =	ssyncadd.s32 $0xFFFFC000  }
0x8e: {  	[bflag:$0x0] =	sbarrier.arrive $0xFFFF  }
0x8f: {  	s14 =	rddreg [dreg:$0xc]  }
0x90: {  	[tilespmem:s12], [sflag:$0x5] =	stream.linear.gather [hbm4b:s14+s2], $0x80, $0x38;
	[tilespmem:$0x1C300] =	vst v63  }
0x91: {  	s22 =	simm.s32 $0x1C100;
	s17 =	rddreg [dreg:$0xd]  }
0x92: {  	[tilespmem:s22], [sflag:$0x7] =	stream.linear.gather [hbm4b:s17+s2], $0x80, $0x38;
	[tilespmem:$0x1C300] =	vst v63  }
0x93: {  	s14 =	rddreg [dreg:$0xe]  }
0x94: {  	[tilespmem:s13], [sflag:$0x6] =	stream.linear.gather [hbm4b:s14+s2], $0x80, $0x38;
	[tilespmem:$0x1C300] =	vst v63  }
0x95: {  	s17 =	rddreg [dreg:$0xf];
	s22 =	simm.s32 $0x1C180  }
0x96: {  	[tilespmem:s22], [sflag:$0x8] =	stream.linear.gather [hbm4b:s17+s2], $0x80, $0x38;
	[tilespmem:$0x1C300] =	vst v63  }
0x97: {  	_ =	swait.ge [sflag:s18], $0x80  }
0x98: {  	[sflag:s18] =	ssyncset.done $0x0  }
0x99: {  	s17 =	simm.s32 $0x0;
	s22 =	rddreg [dreg:$0x18];
	[sflag:s18] =	ssyncadd.s32 $0xFFFFFF80  }
0x9a: {  	[tilespmem:s10], [sflag:$0x1] =	stream.indirect.gather [hbm4b:s16+s19], $0x80, s12, s19, $0xb8;
	[tilespmem:$0x1C300] =	vst v63  }
.LBB2_2:
0x9b: {  	_ =	swait.ge [sflag:s20], $0x4000  }
0x9c: {  	[sflag:s20] =	ssyncset.done $0x0  }
0x9d: {  	[sflag:s20] =	ssyncadd.s32 $0xFFFFC000  }
0x9e: {  	_ =	swait.ge [sflag:s21], $0x80  }
0x9f: {  	p0 =	seq.s32 s17, $0x0;
	[sflag:s21] =	ssyncset.done $0x0  }
0xa0: {  	s5 =	simm.s32 @!p0 $0x4;
	[sflag:s21] =	ssyncadd.s32 $0xFFFFFF80  }
0xa1: {  	[spmem:s4] =	stream.linear.scatter [tilespmem:s10], [sflag:$0x3], $0x4000, $0x38;
	[tilespmem:$0x1C300] =	vst v63  }
0xa2: {  	_ =	swait.ge @!p0 [sflag:s5], $0x4000  }
0xa3: {  	[sflag:s5] =	ssyncset.done @!p0 $0x0  }
0xa4: {  	s3 =	sadd.s32 s17, s1;
	[sflag:s5] =	ssyncadd.s32 @!p0 $0xFFFFC000  }
0xa5: {  	[tilespmem:s12], [sflag:$0x5] =	stream.linear.gather [hbm4b:s3+s2], $0x80, $0x38;
	[tilespmem:$0x1C300] =	vst v63  }
0xa6: {  	s14 =	sadd.s32 s17, s9;
	s3 =	simm.s32 $0x1C200  }
0xa7: {  	[tilespmem:s3], [sflag:$0x9] =	stream.linear.gather [hbm4b:s14+s2], $0x80, $0x38;
	[tilespmem:$0x1C300] =	vst v63  }
0xa8: {  	_ =	swait.ge [sflag:s23], $0x80  }
0xa9: {  	[sflag:s23] =	ssyncset.done $0x0  }
0xaa: {  	[sflag:s23] =	ssyncadd.s32 $0xFFFFFF80  }
0xab: {  	[tilespmem:s24], [sflag:$0x2] =	stream.indirect.gather [hbm4b:s16+s19], $0x80, s13, s19, $0xb8;
	[tilespmem:$0x1C300] =	vst v63  }
0xac: {  	_ =	swait.ge [sflag:s25], $0x4000  }
0xad: {  	[sflag:s25] =	ssyncset.done $0x0  }
0xae: {  	[sflag:s25] =	ssyncadd.s32 $0xFFFFC000  }
0xaf: {  	_ =	swait.ge [sflag:s26], $0x80  }
0xb0: {  	[sflag:s26] =	ssyncset.done $0x0  }
0xb1: {  	[sflag:s26] =	ssyncadd.s32 $0xFFFFFF80  }
0xb2: {  	[spmem:s4] =	stream.linear.scatter [tilespmem:s24], [sflag:$0x4], $0x4000, $0x38;
	[tilespmem:$0x1C300] =	vst v63  }
0xb3: {  	_ =	swait.ge [sflag:s31], $0x4000  }
0xb4: {  	[sflag:s31] =	ssyncset.done $0x0  }
0xb5: {  	s14 =	sadd.s32 s17, s30;
	[sflag:s31] =	ssyncadd.s32 $0xFFFFC000  }
0xb6: {  	[tilespmem:s13], [sflag:$0x6] =	stream.linear.gather [hbm4b:s14+s2], $0x80, $0x38;
	[tilespmem:$0x1C300] =	vst v63  }
0xb7: {  	s3 =	sadd.s32 s17, s0;
	s14 =	simm.s32 $0x1C280  }
0xb8: {  	[tilespmem:s14], [sflag:$0xA] =	stream.linear.gather [hbm4b:s3+s2], $0x80, $0x38;
	[tilespmem:$0x1C300] =	vst v63  }
0xb9: {  	_ =	swait.ge [sflag:s18], $0x80  }
0xba: {  	[sflag:s18] =	ssyncset.done $0x0  }
0xbb: {  	[sflag:s18] =	ssyncadd.s32 $0xFFFFFF80  }
0xbc: {  	[tilespmem:s10], [sflag:$0x1] =	stream.indirect.gather [hbm4b:s16+s19], $0x80, s12, s19, $0xb8;
	[tilespmem:$0x1C300] =	vst v63  }
0xbd: {  	_ =	swait.ge [sflag:s20], $0x4000  }
0xbe: {  	[sflag:s20] =	ssyncset.done $0x0  }
0xbf: {  	[sflag:s20] =	ssyncadd.s32 $0xFFFFC000  }
0xc0: {  	_ =	swait.ge [sflag:s6], $0x80  }
0xc1: {  	p0 =	seq.s32 s17, $0x4C00;
	[sflag:s6] =	ssyncset.done $0x0  }
0xc2: {  	s5 =	sadd.s32 @!p0 s22, s15;
	[sflag:s6] =	ssyncadd.s32 $0xFFFFFF80  }
0xc3: {  	[spmem:s4] =	stream.linear.scatter [tilespmem:s10], [sflag:$0x3], $0x4000, $0x38;
	[tilespmem:$0x1C300] =	vst v63  }
0xc4: {  	s5 =	sshrl.u32 @!p0 s5, $0x3;
	_ =	swait.ge [sflag:s7], $0x4000  }
0xc5: {  	s5 =	sadd.s32 @!p0 s28, s5;
	[sflag:s7] =	ssyncset.done $0x0  }
0xc6: {  	s3 =	simm.s32 @!p0 $0x0;
	s14 =	simm.s32 @!p0 $0x1C000;
	[sflag:s7] =	ssyncadd.s32 $0xFFFFC000  }
0xc7: {  	[tilespmem:s14], [sflag:$0x5] =	stream.linear.gather @!p0 [hbm4b:s5+s3], $0x80, $0x38;
	[tilespmem:$0x1C300] =	vst v63  }
0xc8: {  	s5 =	sshrl.u32 @!p0 s22, $0x3  }
0xc9: {  	s14 =	simm.s32 @!p0 $0x1C100;
	s5 =	sadd.s32 @!p0 s29, s5  }
0xca: {  	[tilespmem:s14], [sflag:$0x7] =	stream.linear.gather @!p0 [hbm4b:s5+s3], $0x80, $0x38;
	[tilespmem:$0x1C300] =	vst v63  }
0xcb: {  	_ =	swait.ge [sflag:s23], $0x80  }
0xcc: {  	[sflag:s23] =	ssyncset.done $0x0  }
0xcd: {  	[sflag:s23] =	ssyncadd.s32 $0xFFFFFF80  }
0xce: {  	[tilespmem:s24], [sflag:$0x2] =	stream.indirect.gather [hbm4b:s16+s19], $0x80, s13, s19, $0xb8;
	[tilespmem:$0x1C300] =	vst v63  }
0xcf: {  	_ =	swait.ge [sflag:s25], $0x4000  }
0xd0: {  	[sflag:s25] =	ssyncset.done $0x0  }
0xd1: {  	[sflag:s25] =	ssyncadd.s32 $0xFFFFC000  }
0xd2: {  	_ =	swait.ge [sflag:s8], $0x80  }
0xd3: {  	[sflag:s8] =	ssyncset.done $0x0  }
.Ltmp2:
0xd4: {  	[sflag:s8] =	ssyncadd.s32 $0xFFFFFF80;
	(pc) =	sbr.rel @p0 .LBB2_4-.Ltmp2, $4  }
0xd5: {  	[spmem:s4] =	stream.linear.scatter [tilespmem:s24], [sflag:$0x4], $0x4000, $0x38;
	[tilespmem:$0x1C300] =	vst v63  }
0xd6: {  	_ =	swait.ge [sflag:s31], $0x4000  }
0xd7: {  	[sflag:s31] =	ssyncset.done $0x0  }
0xd8: {  	[sflag:s31] =	ssyncadd.s32 $0xFFFFC000  }
0xd9: {  	s3 =	rddreg [dreg:$0x16]  }
0xda: {  	s14 =	rddreg [dreg:$0x17];
	s3 =	sadd.s32 s17, s3  }
0xdb: {  	[tilespmem:s13], [sflag:$0x6] =	stream.linear.gather [hbm4b:s3+s2], $0x80, $0x38;
	[tilespmem:$0x1C300] =	vst v63  }
0xdc: {  	s5 =	simm.s32 $0x1C180;
	s3 =	sadd.s32 s17, s14  }
0xdd: {  	[tilespmem:s5], [sflag:$0x8] =	stream.linear.gather [hbm4b:s3+s2], $0x80, $0x38;
	[tilespmem:$0x1C300] =	vst v63  }
.Ltmp3:
0xde: {  	_ = 	snop;
	(pc) =	sbr.rel .LBB2_2-.Ltmp3, $4  }
0xdf: {  	_ =	swait.ge [sflag:s18], $0x80  }
0xe0: {  	[sflag:s18] =	ssyncset.done $0x0  }
0xe1: {  	s22 =	sadd.s32 $0x2000, s22;
	s17 =	sadd.s32 $0x400, s17;
	[sflag:s18] =	ssyncadd.s32 $0xFFFFFF80  }
0xe2: {  	[tilespmem:s10], [sflag:$0x1] =	stream.indirect.gather [hbm4b:s16+s19], $0x80, s12, s19, $0xb8;
	[tilespmem:$0x1C300] =	vst v63  }
.LBB2_5:
0xe3: {  	_ =	sfence.sel $0x180000  }
0xe4: {  	[bflag:$0x0] =	sbarrier.arrive $0xFFFF  }
0xe5: {  	_ =	strace $0x9000004D  }
0xe6: {  	s0 =	stileid.u32;
	[bflag:$0x2] =	sbarrier.arrive $0xFFFF  }
0xe7: {  	p0 =	sne.s32 s0, $0x0;
	s0 =	rddreg [dreg:$0x2]  }
0xe8: {  	s0 =	sadd.s32 @!p0 $0x100000, s0  }
0xe9: {  	[sflag:s0] =	ssyncadd.tile.s32 @!p0 $0x1;
	_ =	shalt  }
.Lfunc_end2:
_tile_overlayer_lowered:
.L_overlay_start_2:
0xea: {  	(tag) =	ssettag $0x2  }
0xeb: {  	s0 =	rddreg [dreg:$0x0];
	s2 =	stileid.u32  }
0xec: {  	s1 =	rddreg [dreg:$0x1];
	p0 =	sne.s32 s2, $0x0  }
0xed: {  	s3 =	rddreg [dreg:$0x2];
	[bflag:$0x3] =	sbarrier.arrive $0xFFFF;
	s2 =	simm.s32 @!p0 $0x1C0B  }
0xee: {  	[timem:s3], [sflag:s2] =	dma.local @!p0 [hbm:s0], s1  }
0xef: {  	s0 =	simm.s32 @!p0 $0xB  }
0xf0: {  	_ =	swait.ge @!p0 [sflag:s0], s1  }
0xf1: {  	s1 =	ssub.s32 @!p0 $0x0, s1;
	[sflag:s0] =	ssyncset.done @!p0 $0x0  }
0xf2: {  	[sflag:s0] =	ssyncadd.s32 @!p0 s1  }
0xf3: {  	[bflag:$0x3] =	sbarrier.arrive $0xFFFF  }
0xf4: {  	_ =	shalt  }

// kernel: kernel.8.cloned.1.call-start
scs
__scs_entry_jumppad:
0x0: {  	(pc) =	sbr.rel $0x88, $3  }
0x1: {  	(tag) =	ssettag $0x0;
	lr =	simm.s32 $0x1  }
0x2: {  	[smem:$0x3F9B] =	sst lr;
	_ =	strace $0xD0000000  }
0x3: {  	_ = 	snop  }
0x4: {  	_ = 	snop  }
0x5: {  	_ = 	snop  }
0x6: {  	_ = 	snop  }
0x7: {  	_ = 	snop  }
__scs_overlays_trampoline_lowered:
0x8: {  	[smem:$0x3FAA] =	sst s0  }
0x9: {  	[smem:$0x3FAB] =	sst s1  }
0xa: {  	[smem:$0x3FAC] =	sst s2  }
0xb: {  	[smem:$0x3FAD] =	sst s3  }
0xc: {  	[smem:$0x3FAE] =	sst s4  }
0xd: {  	[smem:$0x3FAF] =	sst s5  }
0xe: {  	[smem:$0x3FB0] =	sst s6  }
0xf: {  	[smem:$0x3FB1] =	sst s7  }
0x10: {  	[smem:$0x3FB2] =	sst s8  }
0x11: {  	[smem:$0x3FB3] =	sst s9;
	s0 =	simm.s32 @!p0 $0x0  }
0x12: {  	s1 =	sld [smem:$0x3F99];
	s0 =	simm.s32 @p0 $0x1  }
0x13: {  	[smem:$0x3FB4] =	sst s0;
	s0 =	simm.s32 @!p1 $0x0  }
0x14: {  	s2 =	sld [smem:$0x3F98];
	s0 =	simm.s32 @p1 $0x1  }
0x15: {  	[smem:$0x3FB5] =	sst s0;
	s0 =	simm.s32 @!p2 $0x0  }
0x16: {  	s3 =	sld [smem:$0x3FDB];
	s0 =	simm.s32 @p2 $0x1  }
0x17: {  	s4 =	simm.s32 $0x1BF5;
	[smem:$0x3FB7] =	sst s0  }
0x18: {  	s0 =	sld [smem:$0x3F9A];
	_ =	swait.ge [sflag:s4], $0x0  }
0x19: {  	s7 =	sld [smem:$0x3F9B]  }
0x1a: {  	s8 =	sadd.s32 $0xFFFFE003, lr  }
0x1b: {  	s9 =	sadd.s32 $0xFFFFFEF7, lr;
	s5 =	simm.s32 $0xFFFFFFFF;
	p2 =	slt.u32 s8, $0xFFFFF086  }
0x1c: {  	p1 =	slt.u32 s9, $0xF7A;
	s5 =	simm.s32 @!p2 $0x0  }
0x1d: {  	s5 =	simm.s32 @p1 $0x1;
	p0 =	seq.s32 s7, s2  }
0x1e: {  	s7 =	smul.u32 @!p0 $0xF7A, s2;
	p2 =	seq.s32 @!p0 s5, $0x0  }
0x1f: {  	s9 =	smul.u32 $0xF7A, s1;
	s8 =	simm.s32 @!p0 $0x1BF5;
	p2 =	por !p2, p0  }
0x20: {  	[sflag:s8] =	ssyncset.s32 @!p0 $0xFFFFF086;
	s6 =	sadd.s32 @!p0 s3, s7;
	s7 =	simm.s32 @!p0 $0x108  }
0x21: {  	s3 =	sadd.s32 s3, s9;
	s6 =	sadd.s32 @!p0 $0x88, s6;
	s7 =	simm.s32 @p2 $0x1082  }
0x22: {  	[simem:s7], [sflag:s8] =	dma.local @!p0 [hbm:s6], $0xF7A  }
0x23: {  	s9 =	sor.u32 $0xD0000000, s2;
	s6 =	simm.s32 $0x108;
	_ =	swait.ge @!p0 [sflag:s8], $0x0  }
0x24: {  	s3 =	sadd.s32 $0x88, s3;
	s6 =	simm.s32 @!p1 $0x1082;
	[sflag:s4] =	ssyncset.s32 $0xFFFFF086  }
0x25: {  	[simem:s6], [sflag:s4] =	dma.local [hbm:s3], $0xF7A  }
0x26: {  	[smem:$0x3F9B] =	sst s1;
	(tag) =	ssettag s2;
	_ =	strace s9  }
0x27: {  	s1 =	sld [smem:$0x3FAB]  }
0x28: {  	s2 =	sld [smem:$0x3FAC]  }
0x29: {  	s4 =	sld [smem:$0x3FAE]  }
0x2a: {  	p0 =	seq.s32 s5, $0x0;
	s5 =	sld [smem:$0x3FAF]  }
0x2b: {  	s6 =	sld [smem:$0x3FB0]  }
0x2c: {  	s7 =	sld [smem:$0x3FB1]  }
0x2d: {  	s3 =	simm.s32 $0x108;
	s8 =	sld [smem:$0x3FB2]  }
0x2e: {  	s3 =	simm.s32 @!p0 $0x1082;
	s9 =	sld [smem:$0x3FB3]  }
0x2f: {  	lr =	sadd.s32 s0, s3;
	s0 =	sld [smem:$0x3FAA]  }
0x30: {  	s3 =	sld [smem:$0x3FAD]  }
0x31: {  	[smem:$0x3FB6] =	sst s10  }
0x32: {  	s10 =	sld [smem:$0x3FB4];
	_ =	sdelay $0x3  }
0x33: {  	p0 =	seq.s32 s10, $0x1;
	s10 =	sld [smem:$0x3FB6];
	_ =	sdelay $0x3  }
0x34: {  	[smem:$0x3FB6] =	sst s10  }
0x35: {  	s10 =	sld [smem:$0x3FB5];
	_ =	sdelay $0x3  }
0x36: {  	p1 =	seq.s32 s10, $0x1;
	s10 =	sld [smem:$0x3FB6];
	_ =	sdelay $0x3  }
0x37: {  	[smem:$0x3FB6] =	sst s10  }
0x38: {  	s10 =	sld [smem:$0x3FB7]  }
0x39: {  	_ = 	snop;
	(pc) =	sbr.ind lr, $3  }
0x3a: {  	_ = 	snop  }
0x3b: {  	_ = 	snop  }
0x3c: {  	p2 =	seq.s32 s10, $0x1;
	s10 =	sld [smem:$0x3FB6]  }
0x3d: {  	_ =	shalt  }
0x3e: {  	_ =	shalt  }
0x3f: {  	_ =	shalt  }
0x40: {  	_ =	shalt  }
0x41: {  	_ =	shalt  }
0x42: {  	_ =	shalt  }
0x43: {  	_ =	shalt  }
0x44: {  	_ =	shalt  }
0x45: {  	_ =	shalt  }
0x46: {  	_ =	shalt  }
0x47: {  	_ =	shalt  }
0x48: {  	_ =	shalt  }
0x49: {  	_ =	shalt  }
0x4a: {  	_ =	shalt  }
0x4b: {  	_ =	shalt  }
0x4c: {  	_ =	shalt  }
0x4d: {  	_ =	shalt  }
0x4e: {  	_ =	shalt  }
0x4f: {  	_ =	shalt  }
0x50: {  	_ =	shalt  }
0x51: {  	_ =	shalt  }
0x52: {  	_ =	shalt  }
0x53: {  	_ =	shalt  }
0x54: {  	_ =	shalt  }
0x55: {  	_ =	shalt  }
0x56: {  	_ =	shalt  }
0x57: {  	_ =	shalt  }
0x58: {  	_ =	shalt  }
0x59: {  	_ =	shalt  }
0x5a: {  	_ =	shalt  }
0x5b: {  	_ =	shalt  }
0x5c: {  	_ =	shalt  }
0x5d: {  	_ =	shalt  }
0x5e: {  	_ =	shalt  }
0x5f: {  	_ =	shalt  }
0x60: {  	_ =	shalt  }
0x61: {  	_ =	shalt  }
0x62: {  	_ =	shalt  }
0x63: {  	_ =	shalt  }
0x64: {  	_ =	shalt  }
0x65: {  	_ =	shalt  }
0x66: {  	_ =	shalt  }
0x67: {  	_ =	shalt  }
0x68: {  	_ =	shalt  }
0x69: {  	_ =	shalt  }
0x6a: {  	_ =	shalt  }
0x6b: {  	_ =	shalt  }
0x6c: {  	_ =	shalt  }
0x6d: {  	_ =	shalt  }
0x6e: {  	_ =	shalt  }
0x6f: {  	_ =	shalt  }
0x70: {  	_ =	shalt  }
0x71: {  	_ =	shalt  }
0x72: {  	_ =	shalt  }
0x73: {  	_ =	shalt  }
0x74: {  	_ =	shalt  }
0x75: {  	_ =	shalt  }
0x76: {  	_ =	shalt  }
0x77: {  	_ =	shalt  }
0x78: {  	_ =	shalt  }
0x79: {  	_ =	shalt  }
0x7a: {  	_ =	shalt  }
0x7b: {  	_ =	shalt  }
0x7c: {  	_ =	shalt  }
0x7d: {  	_ =	shalt  }
0x7e: {  	_ =	shalt  }
0x7f: {  	_ =	shalt  }
0x80: {  	_ =	shalt  }
0x81: {  	_ =	shalt  }
0x82: {  	_ =	shalt  }
0x83: {  	_ =	shalt  }
0x84: {  	_ =	shalt  }
0x85: {  	_ =	shalt  }
0x86: {  	_ =	shalt  }
0x87: {  	_ =	shalt  }
.Lfunc_end0:
.L_simem_size_0:
called_computation_lowered:
.L_overlay_start_0:
0x88: {  	s2 =	sld [smem:$0x3FD9]  }
0x89: {  	s3 =	sld [smem:$0x3FFE];
	_ =	sdelay $0x1  }
0x8a: {  	s1 =	srdreg.scid  }
0x8b: {  	s0 =	sand.u32 $0x1, s1  }
0x8c: {  	s17 =	sshll.u32 s0, $0xA;
	s2 =	sadd.s32 s3, s2  }
0x8d: {  	s2 =	sadd.s32 s2, s17  }
0x8e: {  	[smem:$0x3FC2] =	sst s2  }
0x8f: {  	_ = 	snop  }
0x90: {  	s2 =	sld [smem:$0x3FD0];
	(tm) =	ssettm $0x1  }
0x91: {  	s18 =	sld [smem:$0x3FFB];
	_ =	sdelay $0x3  }
0x92: {  	_ =	strace s18  }
0x93: {  	s3 =	sld [smem:$0x3FFC];
	_ =	sdelay $0x3  }
0x94: {  	_ =	strace s3  }
0x95: {  	s3 =	sld [smem:$0x3FFD];
	_ =	sdelay $0x3  }
0x96: {  	_ =	strace s3  }
0x97: {  	_ =	strace $0x8FFFFFFF  }
0x98: {  	s19 =	sld [smem:$0x3FDB];
	_ =	sdelay $0x1  }
0x99: {  	s4 =	simm.s32 $_scs_section_size  }
0x9a: {  	s5 =	simm.s32 $_size__tile_overlayer_lowered;
	s6 =	simm.s32 $_tile_overlayer_lowered  }
0x9b: {  	s22 =	simm.s32 $0x1BFF;
	s21 =	sshll.u32 s6, $0x1;
	s3 =	sadd.s32 s4, s19  }
0x9c: {  	s7 =	simm.s32 $0x0;
	s20 =	sshll.u32 s5, $0x1;
	s5 =	sadd.s32 s21, s3  }
0x9d: {  	[timem:s7], [sflag:s22] =	dma.local [hbm:s5], s20  }
0x9e: {  	_ =	swait.ge [sflag:s22], s20  }
0x9f: {  	s4 =	ssub.s32 $0x0, s20;
	[sflag:s22] =	ssyncset.done $0x0  }
0xa0: {  	[sflag:s22] =	ssyncadd.s32 s4;
	_ =	sdelay $0x1  }
0xa1: {  	s23 =	simm.s32 $0x1B8B  }
0xa2: {  	_ =	swait.ge [sflag:s23], $0x1  }
0xa3: {  	[sflag:s23] =	ssyncset.done $0x0  }
0xa4: {  	s25 =	simm.s32 $0x1B8E;
	s24 =	sld [smem:$0x3FFE];
	[sflag:s23] =	ssyncadd.s32 $0xFFFFFFFF  }
0xa5: {  	s26 =	simm.s32 $execute0_lowered;
	[smem:$0x3FD2] =	sst s25  }
0xa6: {  	s5 =	sshll.u32 s26, $0x1;
	_ =	strace $0x80000046;
	[dreg:$0x1] =	wrdreg $0xFFFFFFFF  }
0xa7: {  	s28 =	simm.s32 $_size_execute0_lowered;
	s3 =	sadd.s32 s3, s5;
	[dreg:$0x0] =	wrdreg $0x0  }
0xa8: {  	s5 =	sshll.u32 s28, $0x1;
	[dreg:$0x2] =	wrdreg s3  }
0xa9: {  	[dreg:$0x3] =	wrdreg s5  }
0xaa: {  	[dreg:$0x4] =	wrdreg $0xC0  }
0xab: {  	_ =	task [dreg:s7], $0x5FFFF  }
0xac: {  	[dreg:$0x1] =	wrdreg $0xFFFFFFFF  }
0xad: {  	[dreg:$0x0] =	wrdreg $0x60  }
0xae: {  	[dreg:$0x2] =	wrdreg s24  }
0xaf: {  	[dreg:$0x3] =	wrdreg s2  }
0xb0: {  	[dreg:$0x4] =	wrdreg $0x0  }
0xb1: {  	[dreg:$0x5] =	wrdreg $0x9  }
0xb2: {  	_ =	task.clear_ibuf [dreg:s7], $0x6FFFF;
	_ =	strace $0x90000046  }
0xb3: {  	s29 =	simm.s32 $0x9;
	_ =	strace $0x80000048  }
0xb4: {  	_ =	swait.ge [sflag:s29], $0x1  }
0xb5: {  	[sflag:s29] =	ssyncadd.s32 $0xFFFFFFFF  }
0xb6: {  	_ =	strace $0x90000048  }
0xb7: {  	_ =	sfence  }
0xb8: {  	s30 =	sld [smem:$0x0];
	_ =	sdelay $0x2  }
0xb9: {  	s31 =	sshll.u32 s1, $0xD;
	s1 =	sshrl.u32 s1, $0x2  }
0xba: {  	s3 =	sand.u32 $0x4000, s31;
	s1 =	sadd.s32 s1, s30  }
0xbb: {  	s0 =	sor.u32 s3, s0;
	s1 =	sshll.u32 s1, $0x11  }
0xbc: {  	s0 =	sor.u32 s1, s0  }
0xbd: {  	s0 =	sadd.s32 $0x8F2B, s0  }
0xbe: {  	[sflag:s0] =	ssyncadd.remote.s32 $0x1  }
0xbf: {  	_ =	sfence.sel $0xFFFF  }
0xc0: {  	[dreg:$0x0] =	wrdreg $0xFFFFFFFF;
	(pc) =	sbr.abs _section_cstart, $3  }
0xc1: {  	[dreg:$0x1] =	wrdreg $0xFFFFFFFF  }
0xc2: {  	_ =	task.clear_ibuf [dreg:s7], $0x2FFFF;
	_ =	strace $0x9FFFFFFF  }
0xc3: {  	(tm) =	ssettm $0x7FFFFFFF  }
tec
execute0_lowered:
.L_overlay_start_1:
0x0: {  	(tag) =	ssettag $0x1  }
0x1: {  	s0 =	rddreg [dreg:$0x0]  }
0x2: {  	s8 =	rddreg [dreg:$0x1]  }
0x3: {  	s3 =	rddreg [dreg:$0x2]  }
0x4: {  	s10 =	rddreg [dreg:$0x3]  }
0x5: {  	s1 =	srdreg.scid;
	s7 =	stileid.u32;
	s2 =	simm.s32 $0x0  }
0x6: {  	s25 =	simm.s32 $0x6880;
	s26 =	simm.s32 $0x6900;
	[smem:$0x7FF] =	sst s2  }
0x7: {  	s9 =	simm.s32 $0x6B80;
	_ =	strace $0x80000047;
	[dreg:$0x7] =	wrdreg s25  }
0x8: {  	s11 =	simm.s32 $0x6C00;
	s13 =	simm.s32 $0x6C80;
	[dreg:$0x8] =	wrdreg s26  }
0x9: {  	s15 =	simm.s32 $0x6D00;
	s16 =	simm.s32 $0x6D80;
	[dreg:$0xd] =	wrdreg s9  }
0xa: {  	s18 =	simm.s32 $0x6E00;
	s19 =	simm.s32 $0x6E80;
	[dreg:$0xe] =	wrdreg s11  }
0xb: {  	s20 =	simm.s32 $0x6F00;
	s21 =	simm.s32 $0x6F80;
	[dreg:$0xf] =	wrdreg s13  }
0xc: {  	s22 =	simm.s32 $0x7000;
	s23 =	simm.s32 $0x7080;
	[dreg:$0x10] =	wrdreg s15  }
0xd: {  	s31 =	simm.s32 $0x6800;
	s24 =	simm.s32 $0x7100;
	[dreg:$0x11] =	wrdreg s16  }
0xe: {  	s28 =	simm.s32 $0x7280;
	s29 =	simm.s32 $0x7300;
	[dreg:$0x12] =	wrdreg s18  }
0xf: {  	s30 =	simm.s32 $0x7380;
	p0 =	por $0x0, $0x0;
	[dreg:$0x13] =	wrdreg s19  }
0x10: {  	s1 =	sand.u32 $0x1, s1;
	s5 =	smul.u32 $0x14000, s7;
	[dreg:$0x14] =	wrdreg s20  }
0x11: {  	s4 =	sshll.u32 s7, $0x1;
	s14 =	smul.u32 $0x50000, s7;
	[dreg:$0x15] =	wrdreg s21  }
0x12: {  	s7 =	simm.s32 $0x1;
	s4 =	sor.u32 s1, s4;
	[dreg:$0x16] =	wrdreg s22  }
0x13: {  	s6 =	smul.u32 $0x140000, s1;
	s1 =	ssub.s32 $0x2, s1;
	[dreg:$0x17] =	wrdreg s23  }
0x14: {  	s9 =	simm.s32 $0x80;
	[dreg:$0x18] =	wrdreg s24;
	s25 =	simm.s32 $0x7180  }
0x15: {  	s26 =	simm.s32 $0x7200;
	s19 =	simm.s32 $0x7400;
	s20 =	simm.s32 $0x7480  }
0x16: {  	s21 =	simm.s32 $0x7500;
	s22 =	simm.s32 $0x7580;
	s23 =	simm.s32 $0x7600  }
0x17: {  	s24 =	simm.s32 $0x7680;
	s11 =	simm.s32 $0x7800;
	s13 =	simm.s32 $0x7900  }
0x18: {  	s15 =	simm.s32 $0x7A00;
	s16 =	simm.s32 $0x7A80;
	s18 =	simm.s32 $0x7B80  }
0x19: {  	s4 =	smul.u32 $0x280, s4;
	s12 =	sshrl.u32 s1, $0x1;
	[dreg:$0x19] =	wrdreg s25  }
0x1a: {  	s17 =	sshrl.u32 s14, $0x2;
	[dreg:$0x1a] =	wrdreg s26;
	s25 =	simm.s32 $0x7700  }
0x1b: {  	s26 =	simm.s32 $0x7780;
	s14 =	simm.s32 $0x7980;
	s6 =	sadd.s32 s5, s6  }
0x1c: {  	s5 =	sshrl.u32 s5, $0x3;
	s1 =	ssub.s32 s1, s12;
	s12 =	simm.s32 $0x7880  }
0x1d: {  	s4 =	sadd.s32 s4, s0;
	s6 =	sshrl.u32 s6, $0x3;
	s5 =	sadd.s32 s8, s5  }
0x1e: {  	s8 =	simm.s32 $0x6B00;
	s1 =	smax.u32 s1, $0x1;
	[dreg:$0x4] =	wrdreg s5  }
0x1f: {  	s0 =	sadd.s32 s6, s0;
	s4 =	sadd.s32 $0x1E00, s4;
	[dreg:$0xc] =	wrdreg s8  }
0x20: {  	s5 =	simm.s32 $0x6A00;
	p1 =	sne.s32 s1, $0x1;
	[dreg:$0x5] =	wrdreg s4  }
.Ltmp0:
0x21: {  	s6 =	simm.s32 $0x6A80;
	[dreg:$0xa] =	wrdreg s5;
	(pc) =	sbr.rel @!p1 .LBB2_1-.Ltmp0, $4  }
0x22: {  	s8 =	simm.s32 $0x2800;
	s0 =	sadd.s32 $0x6E00, s0;
	[dreg:$0xb] =	wrdreg s6  }
0x23: {  	s4 =	simm.s32 $0x6980;
	s5 =	simm.s32 $0x7C00;
	[dreg:$0x6] =	wrdreg s0  }
0x24: {  	s6 =	simm.s32 $0x2;
	[dreg:$0x9] =	wrdreg s4;
	s4 =	sadd.s32 s17, s3  }
0x25: {  	s0 =	sadd.s32 $0xFFFFFFFF, s1;
	s17 =	simm.s32 $0x7B00;
	s1 =	rddreg [dreg:$0x4]  }
0x26: {  	[tilespmem:s5], [sflag:$0x2] =	stream.linear.gather [hbm4b:s1+s2], $0x14000, $0x38;
	[tilespmem:$0x1BC00] =	vst v63  }
0x27: {  	_ =	swait.ge [sflag:s6], $0x14000  }
0x28: {  	[sflag:s6] =	ssyncset.done $0x0  }
0x29: {  	[sflag:s6] =	ssyncadd.s32 $0xFFFEC000  }
0x2a: {  	[spmem:s4] =	stream.linear.scatter [tilespmem:s5], [sflag:$0x2], $0x14000, $0x38;
	[tilespmem:$0x1BC00] =	vst v63  }
0x2b: {  	_ =	swait.ge [sflag:s6], $0x14000  }
0x2c: {  	[sflag:s6] =	ssyncset.done $0x0  }
0x2d: {  	[sflag:s6] =	ssyncadd.s32 $0xFFFEC000  }
0x2e: {  	s1 =	rddreg [dreg:$0x1]  }
0x2f: {  	[tilespmem:s8], [sflag:$0x2] =	stream.linear.gather [hbm4b:s1+s2], $0x4000, $0x38;
	[tilespmem:$0x1BC00] =	vst v63  }
0x30: {  	_ =	swait.ge [sflag:s6], $0x4000  }
0x31: {  	[sflag:s6] =	ssyncset.done $0x0  }
0x32: {  	s10 =	smov.u32 s0;
	s0 =	rddreg [dreg:$0x5];
	[sflag:s6] =	ssyncadd.s32 $0xFFFFC000  }
0x33: {  	[tilespmem:s31], [sflag:$0x2] =	stream.linear.gather [hbm4b:s0+s2], $0x1400, $0x38;
	[tilespmem:$0x1BC00] =	vst v63  }
0x34: {  	_ =	swait.ge [sflag:s6], $0x1400  }
0x35: {  	[sflag:s6] =	ssyncset.done $0x0  }
0x36: {  	[sflag:s6] =	ssyncadd.s32 $0xFFFFEC00  }
0x37: {  	[bflag:$0x0] =	sbarrier.arrive $0xFFFF  }
0x38: {  	[spmem:s3] =	stream.indirect.scatter.add.f32 [tilespmem:s8], [sflag:$0x1], $0x10, s31, s9, $0xb8;
	[tilespmem:$0x1BC00] =	vst v63  }
0x39: {  	s1 =	rddreg [dreg:$0x7]  }
0x3a: {  	[spmem:s3] =	stream.indirect.scatter.add.f32 [tilespmem:s8], [sflag:$0x1], $0x10, s1, s9, $0xb8;
	[tilespmem:$0x1BC00] =	vst v63  }
0x3b: {  	s0 =	rddreg [dreg:$0x8]  }
0x3c: {  	[spmem:s3] =	stream.indirect.scatter.add.f32 [tilespmem:s8], [sflag:$0x1], $0x10, s0, s9, $0xb8;
	[tilespmem:$0x1BC00] =	vst v63  }
0x3d: {  	s1 =	rddreg [dreg:$0x9]  }
0x3e: {  	[spmem:s3] =	stream.indirect.scatter.add.f32 [tilespmem:s8], [sflag:$0x1], $0x10, s1, s9, $0xb8;
	[tilespmem:$0x1BC00] =	vst v63  }
0x3f: {  	s0 =	rddreg [dreg:$0xa]  }
0x40: {  	[spmem:s3] =	stream.indirect.scatter.add.f32 [tilespmem:s8], [sflag:$0x1], $0x10, s0, s9, $0xb8;
	[tilespmem:$0x1BC00] =	vst v63  }
0x41: {  	s1 =	rddreg [dreg:$0xb]  }
0x42: {  	[spmem:s3] =	stream.indirect.scatter.add.f32 [tilespmem:s8], [sflag:$0x1], $0x10, s1, s9, $0xb8;
	[tilespmem:$0x1BC00] =	vst v63  }
0x43: {  	s0 =	rddreg [dreg:$0xc]  }
0x44: {  	[spmem:s3] =	stream.indirect.scatter.add.f32 [tilespmem:s8], [sflag:$0x1], $0x10, s0, s9, $0xb8;
	[tilespmem:$0x1BC00] =	vst v63  }
0x45: {  	s1 =	rddreg [dreg:$0xd]  }
0x46: {  	[spmem:s3] =	stream.indirect.scatter.add.f32 [tilespmem:s8], [sflag:$0x1], $0x10, s1, s9, $0xb8;
	[tilespmem:$0x1BC00] =	vst v63  }
0x47: {  	_ =	swait.ge [sflag:s7], $0x800  }
0x48: {  	[sflag:s7] =	ssyncset.done $0x0  }
0x49: {  	[sflag:s7] =	ssyncadd.s32 $0xFFFFF800  }
0x4a: {  	_ =	swait.ge [sflag:s7], $0x800  }
0x4b: {  	[sflag:s7] =	ssyncset.done $0x0  }
0x4c: {  	[sflag:s7] =	ssyncadd.s32 $0xFFFFF800  }
0x4d: {  	_ =	swait.ge [sflag:s7], $0x800  }
0x4e: {  	[sflag:s7] =	ssyncset.done $0x0  }
0x4f: {  	[sflag:s7] =	ssyncadd.s32 $0xFFFFF800  }
0x50: {  	_ =	swait.ge [sflag:s7], $0x800  }
0x51: {  	[sflag:s7] =	ssyncset.done $0x0  }
0x52: {  	[sflag:s7] =	ssyncadd.s32 $0xFFFFF800  }
0x53: {  	_ =	swait.ge [sflag:s7], $0x800  }
0x54: {  	[sflag:s7] =	ssyncset.done $0x0  }
0x55: {  	[sflag:s7] =	ssyncadd.s32 $0xFFFFF800  }
0x56: {  	_ =	swait.ge [sflag:s7], $0x800  }
0x57: {  	[sflag:s7] =	ssyncset.done $0x0  }
0x58: {  	[sflag:s7] =	ssyncadd.s32 $0xFFFFF800  }
0x59: {  	_ =	swait.ge [sflag:s7], $0x800  }
0x5a: {  	[sflag:s7] =	ssyncset.done $0x0  }
0x5b: {  	[sflag:s7] =	ssyncadd.s32 $0xFFFFF800  }
0x5c: {  	_ =	swait.ge [sflag:s7], $0x800  }
0x5d: {  	[sflag:s7] =	ssyncset.done $0x0  }
0x5e: {  	s0 =	rddreg [dreg:$0xe];
	[sflag:s7] =	ssyncadd.s32 $0xFFFFF800  }
0x5f: {  	[spmem:s3] =	stream.indirect.scatter.add.f32 [tilespmem:s8], [sflag:$0x1], $0x10, s0, s9, $0xb8;
	[tilespmem:$0x1BC00] =	vst v63  }
0x60: {  	s1 =	rddreg [dreg:$0xf]  }
0x61: {  	[spmem:s3] =	stream.indirect.scatter.add.f32 [tilespmem:s8], [sflag:$0x1], $0x10, s1, s9, $0xb8;
	[tilespmem:$0x1BC00] =	vst v63  }
0x62: {  	s0 =	rddreg [dreg:$0x10]  }
0x63: {  	[spmem:s3] =	stream.indirect.scatter.add.f32 [tilespmem:s8], [sflag:$0x1], $0x10, s0, s9, $0xb8;
	[tilespmem:$0x1BC00] =	vst v63  }
0x64: {  	s1 =	rddreg [dreg:$0x11]  }
0x65: {  	[spmem:s3] =	stream.indirect.scatter.add.f32 [tilespmem:s8], [sflag:$0x1], $0x10, s1, s9, $0xb8;
	[tilespmem:$0x1BC00] =	vst v63  }
0x66: {  	s0 =	rddreg [dreg:$0x12]  }
0x67: {  	[spmem:s3] =	stream.indirect.scatter.add.f32 [tilespmem:s8], [sflag:$0x1], $0x10, s0, s9, $0xb8;
	[tilespmem:$0x1BC00] =	vst v63  }
0x68: {  	s1 =	rddreg [dreg:$0x13]  }
0x69: {  	[spmem:s3] =	stream.indirect.scatter.add.f32 [tilespmem:s8], [sflag:$0x1], $0x10, s1, s9, $0xb8;
	[tilespmem:$0x1BC00] =	vst v63  }
0x6a: {  	s0 =	rddreg [dreg:$0x14]  }
0x6b: {  	[spmem:s3] =	stream.indirect.scatter.add.f32 [tilespmem:s8], [sflag:$0x1], $0x10, s0, s9, $0xb8;
	[tilespmem:$0x1BC00] =	vst v63  }
0x6c: {  	s1 =	rddreg [dreg:$0x15]  }
0x6d: {  	[spmem:s3] =	stream.indirect.scatter.add.f32 [tilespmem:s8], [sflag:$0x1], $0x10, s1, s9, $0xb8;
	[tilespmem:$0x1BC00] =	vst v63  }
0x6e: {  	_ =	swait.ge [sflag:s7], $0x800  }
0x6f: {  	[sflag:s7] =	ssyncset.done $0x0  }
0x70: {  	[sflag:s7] =	ssyncadd.s32 $0xFFFFF800  }
0x71: {  	_ =	swait.ge [sflag:s7], $0x800  }
0x72: {  	[sflag:s7] =	ssyncset.done $0x0  }
0x73: {  	[sflag:s7] =	ssyncadd.s32 $0xFFFFF800  }
0x74: {  	_ =	swait.ge [sflag:s7], $0x800  }
0x75: {  	[sflag:s7] =	ssyncset.done $0x0  }
0x76: {  	[sflag:s7] =	ssyncadd.s32 $0xFFFFF800  }
0x77: {  	_ =	swait.ge [sflag:s7], $0x800  }
0x78: {  	[sflag:s7] =	ssyncset.done $0x0  }
0x79: {  	[sflag:s7] =	ssyncadd.s32 $0xFFFFF800  }
0x7a: {  	_ =	swait.ge [sflag:s7], $0x800  }
0x7b: {  	[sflag:s7] =	ssyncset.done $0x0  }
0x7c: {  	[sflag:s7] =	ssyncadd.s32 $0xFFFFF800  }
0x7d: {  	_ =	swait.ge [sflag:s7], $0x800  }
0x7e: {  	[sflag:s7] =	ssyncset.done $0x0  }
0x7f: {  	[sflag:s7] =	ssyncadd.s32 $0xFFFFF800  }
0x80: {  	_ =	swait.ge [sflag:s7], $0x800  }
0x81: {  	[sflag:s7] =	ssyncset.done $0x0  }
0x82: {  	[sflag:s7] =	ssyncadd.s32 $0xFFFFF800  }
0x83: {  	_ =	swait.ge [sflag:s7], $0x800  }
0x84: {  	[sflag:s7] =	ssyncset.done $0x0  }
0x85: {  	s0 =	rddreg [dreg:$0x16];
	[sflag:s7] =	ssyncadd.s32 $0xFFFFF800  }
0x86: {  	[spmem:s3] =	stream.indirect.scatter.add.f32 [tilespmem:s8], [sflag:$0x1], $0x10, s0, s9, $0xb8;
	[tilespmem:$0x1BC00] =	vst v63  }
0x87: {  	s1 =	rddreg [dreg:$0x17]  }
0x88: {  	[spmem:s3] =	stream.indirect.scatter.add.f32 [tilespmem:s8], [sflag:$0x1], $0x10, s1, s9, $0xb8;
	[tilespmem:$0x1BC00] =	vst v63  }
0x89: {  	s0 =	rddreg [dreg:$0x18]  }
0x8a: {  	[spmem:s3] =	stream.indirect.scatter.add.f32 [tilespmem:s8], [sflag:$0x1], $0x10, s0, s9, $0xb8;
	[tilespmem:$0x1BC00] =	vst v63  }
0x8b: {  	s1 =	rddreg [dreg:$0x19]  }
0x8c: {  	[spmem:s3] =	stream.indirect.scatter.add.f32 [tilespmem:s8], [sflag:$0x1], $0x10, s1, s9, $0xb8;
	[tilespmem:$0x1BC00] =	vst v63  }
0x8d: {  	s0 =	rddreg [dreg:$0x1a]  }
0x8e: {  	[spmem:s3] =	stream.indirect.scatter.add.f32 [tilespmem:s8], [sflag:$0x1], $0x10, s0, s9, $0xb8;
	[tilespmem:$0x1BC00] =	vst v63  }
0x8f: {  	_ = 	snop  }
0x90: {  	[spmem:s3] =	stream.indirect.scatter.add.f32 [tilespmem:s8], [sflag:$0x1], $0x10, s28, s9, $0xb8;
	[tilespmem:$0x1BC00] =	vst v63  }
0x91: {  	_ = 	snop  }
0x92: {  	[spmem:s3] =	stream.indirect.scatter.add.f32 [tilespmem:s8], [sflag:$0x1], $0x10, s29, s9, $0xb8;
	[tilespmem:$0x1BC00] =	vst v63  }
0x93: {  	_ = 	snop  }
0x94: {  	[spmem:s3] =	stream.indirect.scatter.add.f32 [tilespmem:s8], [sflag:$0x1], $0x10, s30, s9, $0xb8;
	[tilespmem:$0x1BC00] =	vst v63  }
0x95: {  	_ =	swait.ge [sflag:s7], $0x800  }
0x96: {  	[sflag:s7] =	ssyncset.done $0x0  }
0x97: {  	[sflag:s7] =	ssyncadd.s32 $0xFFFFF800  }
0x98: {  	_ =	swait.ge [sflag:s7], $0x800  }
0x99: {  	[sflag:s7] =	ssyncset.done $0x0  }
0x9a: {  	[sflag:s7] =	ssyncadd.s32 $0xFFFFF800  }
0x9b: {  	_ =	swait.ge [sflag:s7], $0x800  }
0x9c: {  	[sflag:s7] =	ssyncset.done $0x0  }
0x9d: {  	[sflag:s7] =	ssyncadd.s32 $0xFFFFF800  }
0x9e: {  	_ =	swait.ge [sflag:s7], $0x800  }
0x9f: {  	[sflag:s7] =	ssyncset.done $0x0  }
0xa0: {  	[sflag:s7] =	ssyncadd.s32 $0xFFFFF800  }
0xa1: {  	_ =	swait.ge [sflag:s7], $0x800  }
0xa2: {  	[sflag:s7] =	ssyncset.done $0x0  }
0xa3: {  	[sflag:s7] =	ssyncadd.s32 $0xFFFFF800  }
0xa4: {  	_ =	swait.ge [sflag:s7], $0x800  }
0xa5: {  	[sflag:s7] =	ssyncset.done $0x0  }
0xa6: {  	[sflag:s7] =	ssyncadd.s32 $0xFFFFF800  }
0xa7: {  	_ =	swait.ge [sflag:s7], $0x800  }
0xa8: {  	[sflag:s7] =	ssyncset.done $0x0  }
0xa9: {  	[sflag:s7] =	ssyncadd.s32 $0xFFFFF800  }
0xaa: {  	_ =	swait.ge [sflag:s7], $0x800  }
0xab: {  	[sflag:s7] =	ssyncset.done $0x0  }
0xac: {  	[sflag:s7] =	ssyncadd.s32 $0xFFFFF800  }
0xad: {  	[spmem:s3] =	stream.indirect.scatter.add.f32 [tilespmem:s8], [sflag:$0x1], $0x10, s19, s9, $0xb8;
	[tilespmem:$0x1BC00] =	vst v63  }
0xae: {  	_ = 	snop  }
0xaf: {  	[spmem:s3] =	stream.indirect.scatter.add.f32 [tilespmem:s8], [sflag:$0x1], $0x10, s20, s9, $0xb8;
	[tilespmem:$0x1BC00] =	vst v63  }
0xb0: {  	_ = 	snop  }
0xb1: {  	[spmem:s3] =	stream.indirect.scatter.add.f32 [tilespmem:s8], [sflag:$0x1], $0x10, s21, s9, $0xb8;
	[tilespmem:$0x1BC00] =	vst v63  }
0xb2: {  	_ = 	snop  }
0xb3: {  	[spmem:s3] =	stream.indirect.scatter.add.f32 [tilespmem:s8], [sflag:$0x1], $0x10, s22, s9, $0xb8;
	[tilespmem:$0x1BC00] =	vst v63  }
0xb4: {  	_ = 	snop  }
0xb5: {  	[spmem:s3] =	stream.indirect.scatter.add.f32 [tilespmem:s8], [sflag:$0x1], $0x10, s23, s9, $0xb8;
	[tilespmem:$0x1BC00] =	vst v63  }
0xb6: {  	_ = 	snop  }
0xb7: {  	[spmem:s3] =	stream.indirect.scatter.add.f32 [tilespmem:s8], [sflag:$0x1], $0x10, s24, s9, $0xb8;
	[tilespmem:$0x1BC00] =	vst v63  }
0xb8: {  	_ = 	snop  }
0xb9: {  	[spmem:s3] =	stream.indirect.scatter.add.f32 [tilespmem:s8], [sflag:$0x1], $0x10, s25, s9, $0xb8;
	[tilespmem:$0x1BC00] =	vst v63  }
0xba: {  	_ = 	snop  }
0xbb: {  	[spmem:s3] =	stream.indirect.scatter.add.f32 [tilespmem:s8], [sflag:$0x1], $0x10, s26, s9, $0xb8;
	[tilespmem:$0x1BC00] =	vst v63  }
0xbc: {  	_ =	swait.ge [sflag:s7], $0x800  }
0xbd: {  	[sflag:s7] =	ssyncset.done $0x0  }
0xbe: {  	[sflag:s7] =	ssyncadd.s32 $0xFFFFF800  }
0xbf: {  	_ =	swait.ge [sflag:s7], $0x800  }
0xc0: {  	[sflag:s7] =	ssyncset.done $0x0  }
0xc1: {  	[sflag:s7] =	ssyncadd.s32 $0xFFFFF800  }
0xc2: {  	_ =	swait.ge [sflag:s7], $0x800  }
0xc3: {  	[sflag:s7] =	ssyncset.done $0x0  }
0xc4: {  	[sflag:s7] =	ssyncadd.s32 $0xFFFFF800  }
0xc5: {  	_ =	swait.ge [sflag:s7], $0x800  }
0xc6: {  	[sflag:s7] =	ssyncset.done $0x0  }
0xc7: {  	[sflag:s7] =	ssyncadd.s32 $0xFFFFF800  }
0xc8: {  	_ =	swait.ge [sflag:s7], $0x800  }
0xc9: {  	[sflag:s7] =	ssyncset.done $0x0  }
0xca: {  	[sflag:s7] =	ssyncadd.s32 $0xFFFFF800  }
0xcb: {  	_ =	swait.ge [sflag:s7], $0x800  }
0xcc: {  	[sflag:s7] =	ssyncset.done $0x0  }
0xcd: {  	[sflag:s7] =	ssyncadd.s32 $0xFFFFF800  }
0xce: {  	_ =	swait.ge [sflag:s7], $0x800  }
0xcf: {  	[sflag:s7] =	ssyncset.done $0x0  }
0xd0: {  	[sflag:s7] =	ssyncadd.s32 $0xFFFFF800  }
0xd1: {  	_ =	swait.ge [sflag:s7], $0x800  }
0xd2: {  	[sflag:s7] =	ssyncset.done $0x0  }
0xd3: {  	[sflag:s7] =	ssyncadd.s32 $0xFFFFF800  }
0xd4: {  	[spmem:s3] =	stream.indirect.scatter.add.f32 [tilespmem:s8], [sflag:$0x1], $0x10, s11, s9, $0xb8;
	[tilespmem:$0x1BC00] =	vst v63  }
0xd5: {  	_ = 	snop  }
0xd6: {  	[spmem:s3] =	stream.indirect.scatter.add.f32 [tilespmem:s8], [sflag:$0x1], $0x10, s12, s9, $0xb8;
	[tilespmem:$0x1BC00] =	vst v63  }
0xd7: {  	_ = 	snop  }
0xd8: {  	[spmem:s3] =	stream.indirect.scatter.add.f32 [tilespmem:s8], [sflag:$0x1], $0x10, s13, s9, $0xb8;
	[tilespmem:$0x1BC00] =	vst v63  }
0xd9: {  	_ = 	snop  }
0xda: {  	[spmem:s3] =	stream.indirect.scatter.add.f32 [tilespmem:s8], [sflag:$0x1], $0x10, s14, s9, $0xb8;
	[tilespmem:$0x1BC00] =	vst v63  }
0xdb: {  	_ = 	snop  }
0xdc: {  	[spmem:s3] =	stream.indirect.scatter.add.f32 [tilespmem:s8], [sflag:$0x1], $0x10, s15, s9, $0xb8;
	[tilespmem:$0x1BC00] =	vst v63  }
0xdd: {  	_ = 	snop  }
0xde: {  	[spmem:s3] =	stream.indirect.scatter.add.f32 [tilespmem:s8], [sflag:$0x1], $0x10, s16, s9, $0xb8;
	[tilespmem:$0x1BC00] =	vst v63  }
0xdf: {  	_ = 	snop  }
0xe0: {  	[spmem:s3] =	stream.indirect.scatter.add.f32 [tilespmem:s8], [sflag:$0x1], $0x10, s17, s9, $0xb8;
	[tilespmem:$0x1BC00] =	vst v63  }
0xe1: {  	_ = 	snop  }
0xe2: {  	[spmem:s3] =	stream.indirect.scatter.add.f32 [tilespmem:s8], [sflag:$0x1], $0x10, s18, s9, $0xb8;
	[tilespmem:$0x1BC00] =	vst v63  }
0xe3: {  	_ =	swait.ge [sflag:s7], $0x800  }
0xe4: {  	[sflag:s7] =	ssyncset.done $0x0  }
0xe5: {  	[sflag:s7] =	ssyncadd.s32 $0xFFFFF800  }
0xe6: {  	_ =	swait.ge [sflag:s7], $0x800  }
0xe7: {  	[sflag:s7] =	ssyncset.done $0x0  }
0xe8: {  	[sflag:s7] =	ssyncadd.s32 $0xFFFFF800  }
0xe9: {  	_ =	swait.ge [sflag:s7], $0x800  }
0xea: {  	[sflag:s7] =	ssyncset.done $0x0  }
0xeb: {  	[sflag:s7] =	ssyncadd.s32 $0xFFFFF800  }
0xec: {  	_ =	swait.ge [sflag:s7], $0x800  }
0xed: {  	[sflag:s7] =	ssyncset.done $0x0  }
0xee: {  	[sflag:s7] =	ssyncadd.s32 $0xFFFFF800  }
0xef: {  	_ =	swait.ge [sflag:s7], $0x800  }
0xf0: {  	[sflag:s7] =	ssyncset.done $0x0  }
0xf1: {  	[sflag:s7] =	ssyncadd.s32 $0xFFFFF800  }
0xf2: {  	_ =	swait.ge [sflag:s7], $0x800  }
0xf3: {  	[sflag:s7] =	ssyncset.done $0x0  }
0xf4: {  	[sflag:s7] =	ssyncadd.s32 $0xFFFFF800  }
0xf5: {  	_ =	swait.ge [sflag:s7], $0x800  }
0xf6: {  	[sflag:s7] =	ssyncset.done $0x0  }
0xf7: {  	[sflag:s7] =	ssyncadd.s32 $0xFFFFF800  }
0xf8: {  	_ =	swait.ge [sflag:s7], $0x800  }
0xf9: {  	[sflag:s7] =	ssyncset.done $0x0  }
0xfa: {  	[sflag:s7] =	ssyncadd.s32 $0xFFFFF800  }
0xfb: {  	[bflag:$0x0] =	sbarrier.arrive $0xFFFF  }
0xfc: {  	[tilespmem:s5], [sflag:$0x2] =	stream.linear.gather [spmem:s4], $0x14000, $0x38;
	[tilespmem:$0x1BC00] =	vst v63  }
0xfd: {  	p1 =	sne.s32 s10, $0x1;
	_ =	swait.ge [sflag:s6], $0x14000  }
.Ltmp1:
0xfe: {  	[sflag:s6] =	ssyncset.done $0x0;
	(pc) =	sbr.rel @!p1 .LBB2_3-.Ltmp1, $4  }
0xff: {  	s1 =	rddreg [dreg:$0x6];
	[sflag:s6] =	ssyncadd.s32 $0xFFFEC000  }
0x100: {  	[hbm4b:s1+s2] =	stream.linear.scatter [tilespmem:s5], [sflag:$0x2], $0x14000, $0x38;
	[tilespmem:$0x1BC00] =	vst v63  }
0x101: {  	p0 =	por $0x1, $0x1;
	_ =	swait.ge [sflag:s6], $0x14000  }
0x102: {  	s0 =	sadd.s32 $0xFFFFFFFF, s10;
	s1 =	rddreg [dreg:$0x4];
	[sflag:s6] =	ssyncset.done $0x0  }
.LBB2_4:
0x103: {  	[sflag:s6] =	ssyncadd.s32 $0xFFFEC000  }
0x104: {  	[tilespmem:s5], [sflag:$0x2] =	stream.linear.gather [hbm4b:s1+s2], $0x14000, $0x38;
	[tilespmem:$0x1BC00] =	vst v63  }
0x105: {  	_ =	swait.ge [sflag:s6], $0x14000  }
0x106: {  	[sflag:s6] =	ssyncset.done $0x0  }
0x107: {  	[sflag:s6] =	ssyncadd.s32 $0xFFFEC000  }
0x108: {  	[spmem:s4] =	stream.linear.scatter [tilespmem:s5], [sflag:$0x2], $0x14000, $0x38;
	[tilespmem:$0x1BC00] =	vst v63  }
0x109: {  	_ =	swait.ge [sflag:s6], $0x14000  }
0x10a: {  	[sflag:s6] =	ssyncset.done $0x0  }
0x10b: {  	[sflag:s6] =	ssyncadd.s32 $0xFFFEC000  }
0x10c: {  	s10 =	rddreg [dreg:$0x1]  }
0x10d: {  	[tilespmem:s8], [sflag:$0x2] =	stream.linear.gather [hbm4b:s10+s2], $0x4000, $0x38;
	[tilespmem:$0x1BC00] =	vst v63  }
0x10e: {  	_ =	swait.ge [sflag:s6], $0x4000  }
0x10f: {  	[sflag:s6] =	ssyncset.done $0x0  }
0x110: {  	s10 =	rddreg [dreg:$0x5];
	[sflag:s6] =	ssyncadd.s32 $0xFFFFC000  }
0x111: {  	[tilespmem:s31], [sflag:$0x2] =	stream.linear.gather [hbm4b:s10+s2], $0x1400, $0x38;
	[tilespmem:$0x1BC00] =	vst v63  }
0x112: {  	_ =	swait.ge [sflag:s6], $0x1400  }
0x113: {  	[sflag:s6] =	ssyncset.done $0x0  }
0x114: {  	[sflag:s6] =	ssyncadd.s32 $0xFFFFEC00  }
0x115: {  	[bflag:$0x0] =	sbarrier.arrive $0xFFFF  }
0x116: {  	[spmem:s3] =	stream.indirect.scatter.add.f32 [tilespmem:s8], [sflag:$0x1], $0x10, s31, s9, $0xb8;
	[tilespmem:$0x1BC00] =	vst v63  }
0x117: {  	s1 =	rddreg [dreg:$0x7]  }
0x118: {  	[spmem:s3] =	stream.indirect.scatter.add.f32 [tilespmem:s8], [sflag:$0x1], $0x10, s1, s9, $0xb8;
	[tilespmem:$0x1BC00] =	vst v63  }
0x119: {  	s10 =	rddreg [dreg:$0x8]  }
0x11a: {  	[spmem:s3] =	stream.indirect.scatter.add.f32 [tilespmem:s8], [sflag:$0x1], $0x10, s10, s9, $0xb8;
	[tilespmem:$0x1BC00] =	vst v63  }
0x11b: {  	s1 =	rddreg [dreg:$0x9]  }
0x11c: {  	[spmem:s3] =	stream.indirect.scatter.add.f32 [tilespmem:s8], [sflag:$0x1], $0x10, s1, s9, $0xb8;
	[tilespmem:$0x1BC00] =	vst v63  }
0x11d: {  	s10 =	rddreg [dreg:$0xa]  }
0x11e: {  	[spmem:s3] =	stream.indirect.scatter.add.f32 [tilespmem:s8], [sflag:$0x1], $0x10, s10, s9, $0xb8;
	[tilespmem:$0x1BC00] =	vst v63  }
0x11f: {  	s1 =	rddreg [dreg:$0xb]  }
0x120: {  	[spmem:s3] =	stream.indirect.scatter.add.f32 [tilespmem:s8], [sflag:$0x1], $0x10, s1, s9, $0xb8;
	[tilespmem:$0x1BC00] =	vst v63  }
0x121: {  	s10 =	rddreg [dreg:$0xc]  }
0x122: {  	[spmem:s3] =	stream.indirect.scatter.add.f32 [tilespmem:s8], [sflag:$0x1], $0x10, s10, s9, $0xb8;
	[tilespmem:$0x1BC00] =	vst v63  }
0x123: {  	s1 =	rddreg [dreg:$0xd]  }
0x124: {  	[spmem:s3] =	stream.indirect.scatter.add.f32 [tilespmem:s8], [sflag:$0x1], $0x10, s1, s9, $0xb8;
	[tilespmem:$0x1BC00] =	vst v63  }
0x125: {  	_ =	swait.ge [sflag:s7], $0x800  }
0x126: {  	[sflag:s7] =	ssyncset.done $0x0  }
0x127: {  	[sflag:s7] =	ssyncadd.s32 $0xFFFFF800  }
0x128: {  	_ =	swait.ge [sflag:s7], $0x800  }
0x129: {  	[sflag:s7] =	ssyncset.done $0x0  }
0x12a: {  	[sflag:s7] =	ssyncadd.s32 $0xFFFFF800  }
0x12b: {  	_ =	swait.ge [sflag:s7], $0x800  }
0x12c: {  	[sflag:s7] =	ssyncset.done $0x0  }
0x12d: {  	[sflag:s7] =	ssyncadd.s32 $0xFFFFF800  }
0x12e: {  	_ =	swait.ge [sflag:s7], $0x800  }
0x12f: {  	[sflag:s7] =	ssyncset.done $0x0  }
0x130: {  	[sflag:s7] =	ssyncadd.s32 $0xFFFFF800  }
0x131: {  	_ =	swait.ge [sflag:s7], $0x800  }
0x132: {  	[sflag:s7] =	ssyncset.done $0x0  }
0x133: {  	[sflag:s7] =	ssyncadd.s32 $0xFFFFF800  }
0x134: {  	_ =	swait.ge [sflag:s7], $0x800  }
0x135: {  	[sflag:s7] =	ssyncset.done $0x0  }
0x136: {  	[sflag:s7] =	ssyncadd.s32 $0xFFFFF800  }
0x137: {  	_ =	swait.ge [sflag:s7], $0x800  }
0x138: {  	[sflag:s7] =	ssyncset.done $0x0  }
0x139: {  	[sflag:s7] =	ssyncadd.s32 $0xFFFFF800  }
0x13a: {  	_ =	swait.ge [sflag:s7], $0x800  }
0x13b: {  	[sflag:s7] =	ssyncset.done $0x0  }
0x13c: {  	s1 =	rddreg [dreg:$0xe];
	[sflag:s7] =	ssyncadd.s32 $0xFFFFF800  }
0x13d: {  	[spmem:s3] =	stream.indirect.scatter.add.f32 [tilespmem:s8], [sflag:$0x1], $0x10, s1, s9, $0xb8;
	[tilespmem:$0x1BC00] =	vst v63  }
0x13e: {  	s10 =	rddreg [dreg:$0xf]  }
0x13f: {  	[spmem:s3] =	stream.indirect.scatter.add.f32 [tilespmem:s8], [sflag:$0x1], $0x10, s10, s9, $0xb8;
	[tilespmem:$0x1BC00] =	vst v63  }
0x140: {  	s1 =	rddreg [dreg:$0x10]  }
0x141: {  	[spmem:s3] =	stream.indirect.scatter.add.f32 [tilespmem:s8], [sflag:$0x1], $0x10, s1, s9, $0xb8;
	[tilespmem:$0x1BC00] =	vst v63  }
0x142: {  	s10 =	rddreg [dreg:$0x11]  }
0x143: {  	[spmem:s3] =	stream.indirect.scatter.add.f32 [tilespmem:s8], [sflag:$0x1], $0x10, s10, s9, $0xb8;
	[tilespmem:$0x1BC00] =	vst v63  }
0x144: {  	s1 =	rddreg [dreg:$0x12]  }
0x145: {  	[spmem:s3] =	stream.indirect.scatter.add.f32 [tilespmem:s8], [sflag:$0x1], $0x10, s1, s9, $0xb8;
	[tilespmem:$0x1BC00] =	vst v63  }
0x146: {  	s10 =	rddreg [dreg:$0x13]  }
0x147: {  	[spmem:s3] =	stream.indirect.scatter.add.f32 [tilespmem:s8], [sflag:$0x1], $0x10, s10, s9, $0xb8;
	[tilespmem:$0x1BC00] =	vst v63  }
0x148: {  	s1 =	rddreg [dreg:$0x14]  }
0x149: {  	[spmem:s3] =	stream.indirect.scatter.add.f32 [tilespmem:s8], [sflag:$0x1], $0x10, s1, s9, $0xb8;
	[tilespmem:$0x1BC00] =	vst v63  }
0x14a: {  	s10 =	rddreg [dreg:$0x15]  }
0x14b: {  	[spmem:s3] =	stream.indirect.scatter.add.f32 [tilespmem:s8], [sflag:$0x1], $0x10, s10, s9, $0xb8;
	[tilespmem:$0x1BC00] =	vst v63  }
0x14c: {  	_ =	swait.ge [sflag:s7], $0x800  }
0x14d: {  	[sflag:s7] =	ssyncset.done $0x0  }
0x14e: {  	[sflag:s7] =	ssyncadd.s32 $0xFFFFF800  }
0x14f: {  	_ =	swait.ge [sflag:s7], $0x800  }
0x150: {  	[sflag:s7] =	ssyncset.done $0x0  }
0x151: {  	[sflag:s7] =	ssyncadd.s32 $0xFFFFF800  }
0x152: {  	_ =	swait.ge [sflag:s7], $0x800  }
0x153: {  	[sflag:s7] =	ssyncset.done $0x0  }
0x154: {  	[sflag:s7] =	ssyncadd.s32 $0xFFFFF800  }
0x155: {  	_ =	swait.ge [sflag:s7], $0x800  }
0x156: {  	[sflag:s7] =	ssyncset.done $0x0  }
0x157: {  	[sflag:s7] =	ssyncadd.s32 $0xFFFFF800  }
0x158: {  	_ =	swait.ge [sflag:s7], $0x800  }
0x159: {  	[sflag:s7] =	ssyncset.done $0x0  }
0x15a: {  	[sflag:s7] =	ssyncadd.s32 $0xFFFFF800  }
0x15b: {  	_ =	swait.ge [sflag:s7], $0x800  }
0x15c: {  	[sflag:s7] =	ssyncset.done $0x0  }
0x15d: {  	[sflag:s7] =	ssyncadd.s32 $0xFFFFF800  }
0x15e: {  	_ =	swait.ge [sflag:s7], $0x800  }
0x15f: {  	[sflag:s7] =	ssyncset.done $0x0  }
0x160: {  	[sflag:s7] =	ssyncadd.s32 $0xFFFFF800  }
0x161: {  	_ =	swait.ge [sflag:s7], $0x800  }
0x162: {  	[sflag:s7] =	ssyncset.done $0x0  }
0x163: {  	s1 =	rddreg [dreg:$0x16];
	[sflag:s7] =	ssyncadd.s32 $0xFFFFF800  }
0x164: {  	[spmem:s3] =	stream.indirect.scatter.add.f32 [tilespmem:s8], [sflag:$0x1], $0x10, s1, s9, $0xb8;
	[tilespmem:$0x1BC00] =	vst v63  }
0x165: {  	s10 =	rddreg [dreg:$0x17]  }
0x166: {  	[spmem:s3] =	stream.indirect.scatter.add.f32 [tilespmem:s8], [sflag:$0x1], $0x10, s10, s9, $0xb8;
	[tilespmem:$0x1BC00] =	vst v63  }
0x167: {  	s1 =	rddreg [dreg:$0x18]  }
0x168: {  	[spmem:s3] =	stream.indirect.scatter.add.f32 [tilespmem:s8], [sflag:$0x1], $0x10, s1, s9, $0xb8;
	[tilespmem:$0x1BC00] =	vst v63  }
0x169: {  	s10 =	rddreg [dreg:$0x19]  }
0x16a: {  	[spmem:s3] =	stream.indirect.scatter.add.f32 [tilespmem:s8], [sflag:$0x1], $0x10, s10, s9, $0xb8;
	[tilespmem:$0x1BC00] =	vst v63  }
0x16b: {  	s1 =	rddreg [dreg:$0x1a]  }
0x16c: {  	[spmem:s3] =	stream.indirect.scatter.add.f32 [tilespmem:s8], [sflag:$0x1], $0x10, s1, s9, $0xb8;
	[tilespmem:$0x1BC00] =	vst v63  }
0x16d: {  	_ = 	snop  }
0x16e: {  	[spmem:s3] =	stream.indirect.scatter.add.f32 [tilespmem:s8], [sflag:$0x1], $0x10, s28, s9, $0xb8;
	[tilespmem:$0x1BC00] =	vst v63  }
0x16f: {  	_ = 	snop  }
0x170: {  	[spmem:s3] =	stream.indirect.scatter.add.f32 [tilespmem:s8], [sflag:$0x1], $0x10, s29, s9, $0xb8;
	[tilespmem:$0x1BC00] =	vst v63  }
0x171: {  	_ = 	snop  }
0x172: {  	[spmem:s3] =	stream.indirect.scatter.add.f32 [tilespmem:s8], [sflag:$0x1], $0x10, s30, s9, $0xb8;
	[tilespmem:$0x1BC00] =	vst v63  }
0x173: {  	_ =	swait.ge [sflag:s7], $0x800  }
0x174: {  	[sflag:s7] =	ssyncset.done $0x0  }
0x175: {  	[sflag:s7] =	ssyncadd.s32 $0xFFFFF800  }
0x176: {  	_ =	swait.ge [sflag:s7], $0x800  }
0x177: {  	[sflag:s7] =	ssyncset.done $0x0  }
0x178: {  	[sflag:s7] =	ssyncadd.s32 $0xFFFFF800  }
0x179: {  	_ =	swait.ge [sflag:s7], $0x800  }
0x17a: {  	[sflag:s7] =	ssyncset.done $0x0  }
0x17b: {  	[sflag:s7] =	ssyncadd.s32 $0xFFFFF800  }
0x17c: {  	_ =	swait.ge [sflag:s7], $0x800  }
0x17d: {  	[sflag:s7] =	ssyncset.done $0x0  }
0x17e: {  	[sflag:s7] =	ssyncadd.s32 $0xFFFFF800  }
0x17f: {  	_ =	swait.ge [sflag:s7], $0x800  }
0x180: {  	[sflag:s7] =	ssyncset.done $0x0  }
0x181: {  	[sflag:s7] =	ssyncadd.s32 $0xFFFFF800  }
0x182: {  	_ =	swait.ge [sflag:s7], $0x800  }
0x183: {  	[sflag:s7] =	ssyncset.done $0x0  }
0x184: {  	[sflag:s7] =	ssyncadd.s32 $0xFFFFF800  }
0x185: {  	_ =	swait.ge [sflag:s7], $0x800  }
0x186: {  	[sflag:s7] =	ssyncset.done $0x0  }
0x187: {  	[sflag:s7] =	ssyncadd.s32 $0xFFFFF800  }
0x188: {  	_ =	swait.ge [sflag:s7], $0x800  }
0x189: {  	[sflag:s7] =	ssyncset.done $0x0  }
0x18a: {  	[sflag:s7] =	ssyncadd.s32 $0xFFFFF800  }
0x18b: {  	[spmem:s3] =	stream.indirect.scatter.add.f32 [tilespmem:s8], [sflag:$0x1], $0x10, s19, s9, $0xb8;
	[tilespmem:$0x1BC00] =	vst v63  }
0x18c: {  	_ = 	snop  }
0x18d: {  	[spmem:s3] =	stream.indirect.scatter.add.f32 [tilespmem:s8], [sflag:$0x1], $0x10, s20, s9, $0xb8;
	[tilespmem:$0x1BC00] =	vst v63  }
0x18e: {  	_ = 	snop  }
0x18f: {  	[spmem:s3] =	stream.indirect.scatter.add.f32 [tilespmem:s8], [sflag:$0x1], $0x10, s21, s9, $0xb8;
	[tilespmem:$0x1BC00] =	vst v63  }
0x190: {  	_ = 	snop  }
0x191: {  	[spmem:s3] =	stream.indirect.scatter.add.f32 [tilespmem:s8], [sflag:$0x1], $0x10, s22, s9, $0xb8;
	[tilespmem:$0x1BC00] =	vst v63  }
0x192: {  	_ = 	snop  }
0x193: {  	[spmem:s3] =	stream.indirect.scatter.add.f32 [tilespmem:s8], [sflag:$0x1], $0x10, s23, s9, $0xb8;
	[tilespmem:$0x1BC00] =	vst v63  }
0x194: {  	_ = 	snop  }
0x195: {  	[spmem:s3] =	stream.indirect.scatter.add.f32 [tilespmem:s8], [sflag:$0x1], $0x10, s24, s9, $0xb8;
	[tilespmem:$0x1BC00] =	vst v63  }
0x196: {  	_ = 	snop  }
0x197: {  	[spmem:s3] =	stream.indirect.scatter.add.f32 [tilespmem:s8], [sflag:$0x1], $0x10, s25, s9, $0xb8;
	[tilespmem:$0x1BC00] =	vst v63  }
0x198: {  	_ = 	snop  }
0x199: {  	[spmem:s3] =	stream.indirect.scatter.add.f32 [tilespmem:s8], [sflag:$0x1], $0x10, s26, s9, $0xb8;
	[tilespmem:$0x1BC00] =	vst v63  }
0x19a: {  	_ =	swait.ge [sflag:s7], $0x800  }
0x19b: {  	[sflag:s7] =	ssyncset.done $0x0  }
0x19c: {  	[sflag:s7] =	ssyncadd.s32 $0xFFFFF800  }
0x19d: {  	_ =	swait.ge [sflag:s7], $0x800  }
0x19e: {  	[sflag:s7] =	ssyncset.done $0x0  }
0x19f: {  	[sflag:s7] =	ssyncadd.s32 $0xFFFFF800  }
0x1a0: {  	_ =	swait.ge [sflag:s7], $0x800  }
0x1a1: {  	[sflag:s7] =	ssyncset.done $0x0  }
0x1a2: {  	[sflag:s7] =	ssyncadd.s32 $0xFFFFF800  }
0x1a3: {  	_ =	swait.ge [sflag:s7], $0x800  }
0x1a4: {  	[sflag:s7] =	ssyncset.done $0x0  }
0x1a5: {  	[sflag:s7] =	ssyncadd.s32 $0xFFFFF800  }
0x1a6: {  	_ =	swait.ge [sflag:s7], $0x800  }
0x1a7: {  	[sflag:s7] =	ssyncset.done $0x0  }
0x1a8: {  	[sflag:s7] =	ssyncadd.s32 $0xFFFFF800  }
0x1a9: {  	_ =	swait.ge [sflag:s7], $0x800  }
0x1aa: {  	[sflag:s7] =	ssyncset.done $0x0  }
0x1ab: {  	[sflag:s7] =	ssyncadd.s32 $0xFFFFF800  }
0x1ac: {  	_ =	swait.ge [sflag:s7], $0x800  }
0x1ad: {  	[sflag:s7] =	ssyncset.done $0x0  }
0x1ae: {  	[sflag:s7] =	ssyncadd.s32 $0xFFFFF800  }
0x1af: {  	_ =	swait.ge [sflag:s7], $0x800  }
0x1b0: {  	[sflag:s7] =	ssyncset.done $0x0  }
0x1b1: {  	[sflag:s7] =	ssyncadd.s32 $0xFFFFF800  }
0x1b2: {  	[spmem:s3] =	stream.indirect.scatter.add.f32 [tilespmem:s8], [sflag:$0x1], $0x10, s11, s9, $0xb8;
	[tilespmem:$0x1BC00] =	vst v63  }
0x1b3: {  	_ = 	snop  }
0x1b4: {  	[spmem:s3] =	stream.indirect.scatter.add.f32 [tilespmem:s8], [sflag:$0x1], $0x10, s12, s9, $0xb8;
	[tilespmem:$0x1BC00] =	vst v63  }
0x1b5: {  	_ = 	snop  }
0x1b6: {  	[spmem:s3] =	stream.indirect.scatter.add.f32 [tilespmem:s8], [sflag:$0x1], $0x10, s13, s9, $0xb8;
	[tilespmem:$0x1BC00] =	vst v63  }
0x1b7: {  	_ = 	snop  }
0x1b8: {  	[spmem:s3] =	stream.indirect.scatter.add.f32 [tilespmem:s8], [sflag:$0x1], $0x10, s14, s9, $0xb8;
	[tilespmem:$0x1BC00] =	vst v63  }
0x1b9: {  	_ = 	snop  }
0x1ba: {  	[spmem:s3] =	stream.indirect.scatter.add.f32 [tilespmem:s8], [sflag:$0x1], $0x10, s15, s9, $0xb8;
	[tilespmem:$0x1BC00] =	vst v63  }
0x1bb: {  	_ = 	snop  }
0x1bc: {  	[spmem:s3] =	stream.indirect.scatter.add.f32 [tilespmem:s8], [sflag:$0x1], $0x10, s16, s9, $0xb8;
	[tilespmem:$0x1BC00] =	vst v63  }
0x1bd: {  	_ = 	snop  }
0x1be: {  	[spmem:s3] =	stream.indirect.scatter.add.f32 [tilespmem:s8], [sflag:$0x1], $0x10, s17, s9, $0xb8;
	[tilespmem:$0x1BC00] =	vst v63  }
0x1bf: {  	_ = 	snop  }
0x1c0: {  	[spmem:s3] =	stream.indirect.scatter.add.f32 [tilespmem:s8], [sflag:$0x1], $0x10, s18, s9, $0xb8;
	[tilespmem:$0x1BC00] =	vst v63  }
0x1c1: {  	_ =	swait.ge [sflag:s7], $0x800  }
0x1c2: {  	[sflag:s7] =	ssyncset.done $0x0  }
0x1c3: {  	[sflag:s7] =	ssyncadd.s32 $0xFFFFF800  }
0x1c4: {  	_ =	swait.ge [sflag:s7], $0x800  }
0x1c5: {  	[sflag:s7] =	ssyncset.done $0x0  }
0x1c6: {  	[sflag:s7] =	ssyncadd.s32 $0xFFFFF800  }
0x1c7: {  	_ =	swait.ge [sflag:s7], $0x800  }
0x1c8: {  	[sflag:s7] =	ssyncset.done $0x0  }
0x1c9: {  	[sflag:s7] =	ssyncadd.s32 $0xFFFFF800  }
0x1ca: {  	_ =	swait.ge [sflag:s7], $0x800  }
0x1cb: {  	[sflag:s7] =	ssyncset.done $0x0  }
0x1cc: {  	[sflag:s7] =	ssyncadd.s32 $0xFFFFF800  }
0x1cd: {  	_ =	swait.ge [sflag:s7], $0x800  }
0x1ce: {  	[sflag:s7] =	ssyncset.done $0x0  }
0x1cf: {  	[sflag:s7] =	ssyncadd.s32 $0xFFFFF800  }
0x1d0: {  	_ =	swait.ge [sflag:s7], $0x800  }
0x1d1: {  	[sflag:s7] =	ssyncset.done $0x0  }
0x1d2: {  	[sflag:s7] =	ssyncadd.s32 $0xFFFFF800  }
0x1d3: {  	_ =	swait.ge [sflag:s7], $0x800  }
0x1d4: {  	[sflag:s7] =	ssyncset.done $0x0  }
0x1d5: {  	[sflag:s7] =	ssyncadd.s32 $0xFFFFF800  }
0x1d6: {  	_ =	swait.ge [sflag:s7], $0x800  }
0x1d7: {  	[sflag:s7] =	ssyncset.done $0x0  }
0x1d8: {  	[sflag:s7] =	ssyncadd.s32 $0xFFFFF800  }
0x1d9: {  	[bflag:$0x0] =	sbarrier.arrive $0xFFFF  }
0x1da: {  	[tilespmem:s5], [sflag:$0x2] =	stream.linear.gather [spmem:s4], $0x14000, $0x38;
	[tilespmem:$0x1BC00] =	vst v63  }
0x1db: {  	p1 =	sne.s32 s0, $0x1;
	_ =	swait.ge [sflag:s6], $0x14000  }
.Ltmp2:
0x1dc: {  	[sflag:s6] =	ssyncset.done $0x0;
	(pc) =	sbr.rel @p1 .LBB2_4-.Ltmp2, $4  }
0x1dd: {  	s10 =	rddreg [dreg:$0x6];
	[sflag:s6] =	ssyncadd.s32 $0xFFFEC000  }
0x1de: {  	[hbm4b:s10+s2] =	stream.linear.scatter [tilespmem:s5], [sflag:$0x2], $0x14000, $0x38;
	[tilespmem:$0x1BC00] =	vst v63  }
0x1df: {  	_ =	swait.ge [sflag:s6], $0x14000  }
0x1e0: {  	s0 =	sadd.s32 $0xFFFFFFFF, s0;
	s1 =	rddreg [dreg:$0x4];
	[sflag:s6] =	ssyncset.done $0x0  }
0x1e1: {  	s0 =	rddreg [dreg:$0x1];
	s30 =	simm.s32 $0x7380;
	s29 =	simm.s32 $0x7300  }
0x1e2: {  	s28 =	simm.s32 $0x7280;
	s26 =	simm.s32 $0x7780;
	s25 =	simm.s32 $0x7700  }
0x1e3: {  	s24 =	simm.s32 $0x7680;
	s23 =	simm.s32 $0x7600;
	s22 =	simm.s32 $0x7580  }
0x1e4: {  	s21 =	simm.s32 $0x7500;
	s20 =	simm.s32 $0x7480;
	s19 =	simm.s32 $0x7400  }
0x1e5: {  	s18 =	simm.s32 $0x7B80;
	s17 =	simm.s32 $0x7B00;
	s16 =	simm.s32 $0x7A80  }
0x1e6: {  	s15 =	simm.s32 $0x7A00;
	s14 =	simm.s32 $0x7980;
	s13 =	simm.s32 $0x7900  }
0x1e7: {  	s12 =	simm.s32 $0x7880;
	s11 =	simm.s32 $0x7800;
	s10 =	rddreg [dreg:$0x3]  }
.LBB2_6:
0x1e8: {  	[sflag:s6] =	ssyncadd.s32 @p0 $0xFFFEC000  }
0x1e9: {  	[tilespmem:s5], [sflag:$0x2] =	stream.linear.gather [hbm4b:s1+s2], $0x14000, $0x38;
	[tilespmem:$0x1BC00] =	vst v63  }
0x1ea: {  	_ =	swait.ge [sflag:s6], $0x14000  }
0x1eb: {  	[sflag:s6] =	ssyncset.done $0x0  }
0x1ec: {  	[sflag:s6] =	ssyncadd.s32 $0xFFFEC000  }
0x1ed: {  	[spmem:s4] =	stream.linear.scatter [tilespmem:s5], [sflag:$0x2], $0x14000, $0x38;
	[tilespmem:$0x1BC00] =	vst v63  }
0x1ee: {  	_ =	swait.ge [sflag:s6], $0x14000  }
0x1ef: {  	[sflag:s6] =	ssyncset.done $0x0  }
0x1f0: {  	[sflag:s6] =	ssyncadd.s32 $0xFFFEC000  }
0x1f1: {  	[tilespmem:s8], [sflag:$0x2] =	stream.linear.gather [hbm4b:s0+s2], $0x4000, $0x38;
	[tilespmem:$0x1BC00] =	vst v63  }
0x1f2: {  	_ =	swait.ge [sflag:s6], $0x4000  }
0x1f3: {  	[sflag:s6] =	ssyncset.done $0x0  }
0x1f4: {  	s1 =	rddreg [dreg:$0x5];
	[sflag:s6] =	ssyncadd.s32 $0xFFFFC000  }
0x1f5: {  	[tilespmem:s31], [sflag:$0x2] =	stream.linear.gather [hbm4b:s1+s2], $0x1400, $0x38;
	[tilespmem:$0x1BC00] =	vst v63  }
0x1f6: {  	_ =	swait.ge [sflag:s6], $0x1400  }
0x1f7: {  	[sflag:s6] =	ssyncset.done $0x0  }
0x1f8: {  	[sflag:s6] =	ssyncadd.s32 $0xFFFFEC00  }
0x1f9: {  	[bflag:$0x0] =	sbarrier.arrive $0xFFFF  }
0x1fa: {  	[spmem:s3] =	stream.indirect.scatter.add.f32 [tilespmem:s8], [sflag:$0x1], $0x10, s31, s9, $0xb8;
	[tilespmem:$0x1BC00] =	vst v63  }
0x1fb: {  	s0 =	rddreg [dreg:$0x7]  }
0x1fc: {  	[spmem:s3] =	stream.indirect.scatter.add.f32 [tilespmem:s8], [sflag:$0x1], $0x10, s0, s9, $0xb8;
	[tilespmem:$0x1BC00] =	vst v63  }
0x1fd: {  	s1 =	rddreg [dreg:$0x8]  }
0x1fe: {  	[spmem:s3] =	stream.indirect.scatter.add.f32 [tilespmem:s8], [sflag:$0x1], $0x10, s1, s9, $0xb8;
	[tilespmem:$0x1BC00] =	vst v63  }
0x1ff: {  	s31 =	rddreg [dreg:$0x9]  }
0x200: {  	[spmem:s3] =	stream.indirect.scatter.add.f32 [tilespmem:s8], [sflag:$0x1], $0x10, s31, s9, $0xb8;
	[tilespmem:$0x1BC00] =	vst v63  }
0x201: {  	s1 =	rddreg [dreg:$0xa]  }
0x202: {  	[spmem:s3] =	stream.indirect.scatter.add.f32 [tilespmem:s8], [sflag:$0x1], $0x10, s1, s9, $0xb8;
	[tilespmem:$0x1BC00] =	vst v63  }
0x203: {  	s31 =	rddreg [dreg:$0xb]  }
0x204: {  	[spmem:s3] =	stream.indirect.scatter.add.f32 [tilespmem:s8], [sflag:$0x1], $0x10, s31, s9, $0xb8;
	[tilespmem:$0x1BC00] =	vst v63  }
0x205: {  	s1 =	rddreg [dreg:$0xc]  }
0x206: {  	[spmem:s3] =	stream.indirect.scatter.add.f32 [tilespmem:s8], [sflag:$0x1], $0x10, s1, s9, $0xb8;
	[tilespmem:$0x1BC00] =	vst v63  }
0x207: {  	s31 =	rddreg [dreg:$0xd]  }
0x208: {  	[spmem:s3] =	stream.indirect.scatter.add.f32 [tilespmem:s8], [sflag:$0x1], $0x10, s31, s9, $0xb8;
	[tilespmem:$0x1BC00] =	vst v63  }
0x209: {  	_ =	swait.ge [sflag:s7], $0x800  }
0x20a: {  	[sflag:s7] =	ssyncset.done $0x0  }
0x20b: {  	[sflag:s7] =	ssyncadd.s32 $0xFFFFF800  }
0x20c: {  	_ =	swait.ge [sflag:s7], $0x800  }
0x20d: {  	[sflag:s7] =	ssyncset.done $0x0  }
0x20e: {  	[sflag:s7] =	ssyncadd.s32 $0xFFFFF800  }
0x20f: {  	_ =	swait.ge [sflag:s7], $0x800  }
0x210: {  	[sflag:s7] =	ssyncset.done $0x0  }
0x211: {  	[sflag:s7] =	ssyncadd.s32 $0xFFFFF800  }
0x212: {  	_ =	swait.ge [sflag:s7], $0x800  }
0x213: {  	[sflag:s7] =	ssyncset.done $0x0  }
0x214: {  	[sflag:s7] =	ssyncadd.s32 $0xFFFFF800  }
0x215: {  	_ =	swait.ge [sflag:s7], $0x800  }
0x216: {  	[sflag:s7] =	ssyncset.done $0x0  }
0x217: {  	[sflag:s7] =	ssyncadd.s32 $0xFFFFF800  }
0x218: {  	_ =	swait.ge [sflag:s7], $0x800  }
0x219: {  	[sflag:s7] =	ssyncset.done $0x0  }
0x21a: {  	[sflag:s7] =	ssyncadd.s32 $0xFFFFF800  }
0x21b: {  	_ =	swait.ge [sflag:s7], $0x800  }
0x21c: {  	[sflag:s7] =	ssyncset.done $0x0  }
0x21d: {  	[sflag:s7] =	ssyncadd.s32 $0xFFFFF800  }
0x21e: {  	_ =	swait.ge [sflag:s7], $0x800  }
0x21f: {  	[sflag:s7] =	ssyncset.done $0x0  }
0x220: {  	s1 =	rddreg [dreg:$0xe];
	[sflag:s7] =	ssyncadd.s32 $0xFFFFF800  }
0x221: {  	[spmem:s3] =	stream.indirect.scatter.add.f32 [tilespmem:s8], [sflag:$0x1], $0x10, s1, s9, $0xb8;
	[tilespmem:$0x1BC00] =	vst v63  }
0x222: {  	s31 =	rddreg [dreg:$0xf]  }
0x223: {  	[spmem:s3] =	stream.indirect.scatter.add.f32 [tilespmem:s8], [sflag:$0x1], $0x10, s31, s9, $0xb8;
	[tilespmem:$0x1BC00] =	vst v63  }
0x224: {  	s0 =	rddreg [dreg:$0x10]  }
0x225: {  	[spmem:s3] =	stream.indirect.scatter.add.f32 [tilespmem:s8], [sflag:$0x1], $0x10, s0, s9, $0xb8;
	[tilespmem:$0x1BC00] =	vst v63  }
0x226: {  	s31 =	rddreg [dreg:$0x11]  }
0x227: {  	[spmem:s3] =	stream.indirect.scatter.add.f32 [tilespmem:s8], [sflag:$0x1], $0x10, s31, s9, $0xb8;
	[tilespmem:$0x1BC00] =	vst v63  }
0x228: {  	s0 =	rddreg [dreg:$0x12]  }
0x229: {  	[spmem:s3] =	stream.indirect.scatter.add.f32 [tilespmem:s8], [sflag:$0x1], $0x10, s0, s9, $0xb8;
	[tilespmem:$0x1BC00] =	vst v63  }
0x22a: {  	s31 =	rddreg [dreg:$0x13]  }
0x22b: {  	[spmem:s3] =	stream.indirect.scatter.add.f32 [tilespmem:s8], [sflag:$0x1], $0x10, s31, s9, $0xb8;
	[tilespmem:$0x1BC00] =	vst v63  }
0x22c: {  	s0 =	rddreg [dreg:$0x14]  }
0x22d: {  	[spmem:s3] =	stream.indirect.scatter.add.f32 [tilespmem:s8], [sflag:$0x1], $0x10, s0, s9, $0xb8;
	[tilespmem:$0x1BC00] =	vst v63  }
0x22e: {  	s31 =	rddreg [dreg:$0x15]  }
0x22f: {  	[spmem:s3] =	stream.indirect.scatter.add.f32 [tilespmem:s8], [sflag:$0x1], $0x10, s31, s9, $0xb8;
	[tilespmem:$0x1BC00] =	vst v63  }
0x230: {  	_ =	swait.ge [sflag:s7], $0x800  }
0x231: {  	[sflag:s7] =	ssyncset.done $0x0  }
0x232: {  	[sflag:s7] =	ssyncadd.s32 $0xFFFFF800  }
0x233: {  	_ =	swait.ge [sflag:s7], $0x800  }
0x234: {  	[sflag:s7] =	ssyncset.done $0x0  }
0x235: {  	[sflag:s7] =	ssyncadd.s32 $0xFFFFF800  }
0x236: {  	_ =	swait.ge [sflag:s7], $0x800  }
0x237: {  	[sflag:s7] =	ssyncset.done $0x0  }
0x238: {  	[sflag:s7] =	ssyncadd.s32 $0xFFFFF800  }
0x239: {  	_ =	swait.ge [sflag:s7], $0x800  }
0x23a: {  	[sflag:s7] =	ssyncset.done $0x0  }
0x23b: {  	[sflag:s7] =	ssyncadd.s32 $0xFFFFF800  }
0x23c: {  	_ =	swait.ge [sflag:s7], $0x800  }
0x23d: {  	[sflag:s7] =	ssyncset.done $0x0  }
0x23e: {  	[sflag:s7] =	ssyncadd.s32 $0xFFFFF800  }
0x23f: {  	_ =	swait.ge [sflag:s7], $0x800  }
0x240: {  	[sflag:s7] =	ssyncset.done $0x0  }
0x241: {  	[sflag:s7] =	ssyncadd.s32 $0xFFFFF800  }
0x242: {  	_ =	swait.ge [sflag:s7], $0x800  }
0x243: {  	[sflag:s7] =	ssyncset.done $0x0  }
0x244: {  	[sflag:s7] =	ssyncadd.s32 $0xFFFFF800  }
0x245: {  	_ =	swait.ge [sflag:s7], $0x800  }
0x246: {  	[sflag:s7] =	ssyncset.done $0x0  }
0x247: {  	s31 =	rddreg [dreg:$0x16];
	[sflag:s7] =	ssyncadd.s32 $0xFFFFF800  }
0x248: {  	[spmem:s3] =	stream.indirect.scatter.add.f32 [tilespmem:s8], [sflag:$0x1], $0x10, s31, s9, $0xb8;
	[tilespmem:$0x1BC00] =	vst v63  }
0x249: {  	s1 =	rddreg [dreg:$0x17]  }
0x24a: {  	[spmem:s3] =	stream.indirect.scatter.add.f32 [tilespmem:s8], [sflag:$0x1], $0x10, s1, s9, $0xb8;
	[tilespmem:$0x1BC00] =	vst v63  }
0x24b: {  	s31 =	rddreg [dreg:$0x18]  }
0x24c: {  	[spmem:s3] =	stream.indirect.scatter.add.f32 [tilespmem:s8], [sflag:$0x1], $0x10, s31, s9, $0xb8;
	[tilespmem:$0x1BC00] =	vst v63  }
0x24d: {  	s1 =	rddreg [dreg:$0x19]  }
0x24e: {  	[spmem:s3] =	stream.indirect.scatter.add.f32 [tilespmem:s8], [sflag:$0x1], $0x10, s1, s9, $0xb8;
	[tilespmem:$0x1BC00] =	vst v63  }
0x24f: {  	s31 =	rddreg [dreg:$0x1a]  }
0x250: {  	[spmem:s3] =	stream.indirect.scatter.add.f32 [tilespmem:s8], [sflag:$0x1], $0x10, s31, s9, $0xb8;
	[tilespmem:$0x1BC00] =	vst v63  }
0x251: {  	_ = 	snop  }
0x252: {  	[spmem:s3] =	stream.indirect.scatter.add.f32 [tilespmem:s8], [sflag:$0x1], $0x10, s28, s9, $0xb8;
	[tilespmem:$0x1BC00] =	vst v63  }
0x253: {  	_ = 	snop  }
0x254: {  	[spmem:s3] =	stream.indirect.scatter.add.f32 [tilespmem:s8], [sflag:$0x1], $0x10, s29, s9, $0xb8;
	[tilespmem:$0x1BC00] =	vst v63  }
0x255: {  	_ = 	snop  }
0x256: {  	[spmem:s3] =	stream.indirect.scatter.add.f32 [tilespmem:s8], [sflag:$0x1], $0x10, s30, s9, $0xb8;
	[tilespmem:$0x1BC00] =	vst v63  }
0x257: {  	_ =	swait.ge [sflag:s7], $0x800  }
0x258: {  	[sflag:s7] =	ssyncset.done $0x0  }
0x259: {  	[sflag:s7] =	ssyncadd.s32 $0xFFFFF800  }
0x25a: {  	_ =	swait.ge [sflag:s7], $0x800  }
0x25b: {  	[sflag:s7] =	ssyncset.done $0x0  }
0x25c: {  	[sflag:s7] =	ssyncadd.s32 $0xFFFFF800  }
0x25d: {  	_ =	swait.ge [sflag:s7], $0x800  }
0x25e: {  	[sflag:s7] =	ssyncset.done $0x0  }
0x25f: {  	[sflag:s7] =	ssyncadd.s32 $0xFFFFF800  }
0x260: {  	_ =	swait.ge [sflag:s7], $0x800  }
0x261: {  	[sflag:s7] =	ssyncset.done $0x0  }
0x262: {  	[sflag:s7] =	ssyncadd.s32 $0xFFFFF800  }
0x263: {  	_ =	swait.ge [sflag:s7], $0x800  }
0x264: {  	[sflag:s7] =	ssyncset.done $0x0  }
0x265: {  	[sflag:s7] =	ssyncadd.s32 $0xFFFFF800  }
0x266: {  	_ =	swait.ge [sflag:s7], $0x800  }
0x267: {  	[sflag:s7] =	ssyncset.done $0x0  }
0x268: {  	[sflag:s7] =	ssyncadd.s32 $0xFFFFF800  }
0x269: {  	_ =	swait.ge [sflag:s7], $0x800  }
0x26a: {  	[sflag:s7] =	ssyncset.done $0x0  }
0x26b: {  	[sflag:s7] =	ssyncadd.s32 $0xFFFFF800  }
0x26c: {  	_ =	swait.ge [sflag:s7], $0x800  }
0x26d: {  	[sflag:s7] =	ssyncset.done $0x0  }
0x26e: {  	[sflag:s7] =	ssyncadd.s32 $0xFFFFF800  }
0x26f: {  	[spmem:s3] =	stream.indirect.scatter.add.f32 [tilespmem:s8], [sflag:$0x1], $0x10, s19, s9, $0xb8;
	[tilespmem:$0x1BC00] =	vst v63  }
0x270: {  	_ = 	snop  }
0x271: {  	[spmem:s3] =	stream.indirect.scatter.add.f32 [tilespmem:s8], [sflag:$0x1], $0x10, s20, s9, $0xb8;
	[tilespmem:$0x1BC00] =	vst v63  }
0x272: {  	_ = 	snop  }
0x273: {  	[spmem:s3] =	stream.indirect.scatter.add.f32 [tilespmem:s8], [sflag:$0x1], $0x10, s21, s9, $0xb8;
	[tilespmem:$0x1BC00] =	vst v63  }
0x274: {  	_ = 	snop  }
0x275: {  	[spmem:s3] =	stream.indirect.scatter.add.f32 [tilespmem:s8], [sflag:$0x1], $0x10, s22, s9, $0xb8;
	[tilespmem:$0x1BC00] =	vst v63  }
0x276: {  	_ = 	snop  }
0x277: {  	[spmem:s3] =	stream.indirect.scatter.add.f32 [tilespmem:s8], [sflag:$0x1], $0x10, s23, s9, $0xb8;
	[tilespmem:$0x1BC00] =	vst v63  }
0x278: {  	_ = 	snop  }
0x279: {  	[spmem:s3] =	stream.indirect.scatter.add.f32 [tilespmem:s8], [sflag:$0x1], $0x10, s24, s9, $0xb8;
	[tilespmem:$0x1BC00] =	vst v63  }
0x27a: {  	_ = 	snop  }
0x27b: {  	[spmem:s3] =	stream.indirect.scatter.add.f32 [tilespmem:s8], [sflag:$0x1], $0x10, s25, s9, $0xb8;
	[tilespmem:$0x1BC00] =	vst v63  }
0x27c: {  	_ = 	snop  }
0x27d: {  	[spmem:s3] =	stream.indirect.scatter.add.f32 [tilespmem:s8], [sflag:$0x1], $0x10, s26, s9, $0xb8;
	[tilespmem:$0x1BC00] =	vst v63  }
0x27e: {  	_ =	swait.ge [sflag:s7], $0x800  }
0x27f: {  	[sflag:s7] =	ssyncset.done $0x0  }
0x280: {  	[sflag:s7] =	ssyncadd.s32 $0xFFFFF800  }
0x281: {  	_ =	swait.ge [sflag:s7], $0x800  }
0x282: {  	[sflag:s7] =	ssyncset.done $0x0  }
0x283: {  	[sflag:s7] =	ssyncadd.s32 $0xFFFFF800  }
0x284: {  	_ =	swait.ge [sflag:s7], $0x800  }
0x285: {  	[sflag:s7] =	ssyncset.done $0x0  }
0x286: {  	[sflag:s7] =	ssyncadd.s32 $0xFFFFF800  }
0x287: {  	_ =	swait.ge [sflag:s7], $0x800  }
0x288: {  	[sflag:s7] =	ssyncset.done $0x0  }
0x289: {  	[sflag:s7] =	ssyncadd.s32 $0xFFFFF800  }
0x28a: {  	_ =	swait.ge [sflag:s7], $0x800  }
0x28b: {  	[sflag:s7] =	ssyncset.done $0x0  }
0x28c: {  	[sflag:s7] =	ssyncadd.s32 $0xFFFFF800  }
0x28d: {  	_ =	swait.ge [sflag:s7], $0x800  }
0x28e: {  	[sflag:s7] =	ssyncset.done $0x0  }
0x28f: {  	[sflag:s7] =	ssyncadd.s32 $0xFFFFF800  }
0x290: {  	_ =	swait.ge [sflag:s7], $0x800  }
0x291: {  	[sflag:s7] =	ssyncset.done $0x0  }
0x292: {  	[sflag:s7] =	ssyncadd.s32 $0xFFFFF800  }
0x293: {  	_ =	swait.ge [sflag:s7], $0x800  }
0x294: {  	[sflag:s7] =	ssyncset.done $0x0  }
0x295: {  	[sflag:s7] =	ssyncadd.s32 $0xFFFFF800  }
0x296: {  	[spmem:s3] =	stream.indirect.scatter.add.f32 [tilespmem:s8], [sflag:$0x1], $0x10, s11, s9, $0xb8;
	[tilespmem:$0x1BC00] =	vst v63  }
0x297: {  	_ = 	snop  }
0x298: {  	[spmem:s3] =	stream.indirect.scatter.add.f32 [tilespmem:s8], [sflag:$0x1], $0x10, s12, s9, $0xb8;
	[tilespmem:$0x1BC00] =	vst v63  }
0x299: {  	_ = 	snop  }
0x29a: {  	[spmem:s3] =	stream.indirect.scatter.add.f32 [tilespmem:s8], [sflag:$0x1], $0x10, s13, s9, $0xb8;
	[tilespmem:$0x1BC00] =	vst v63  }
0x29b: {  	_ = 	snop  }
0x29c: {  	[spmem:s3] =	stream.indirect.scatter.add.f32 [tilespmem:s8], [sflag:$0x1], $0x10, s14, s9, $0xb8;
	[tilespmem:$0x1BC00] =	vst v63  }
0x29d: {  	_ = 	snop  }
0x29e: {  	[spmem:s3] =	stream.indirect.scatter.add.f32 [tilespmem:s8], [sflag:$0x1], $0x10, s15, s9, $0xb8;
	[tilespmem:$0x1BC00] =	vst v63  }
0x29f: {  	_ = 	snop  }
0x2a0: {  	[spmem:s3] =	stream.indirect.scatter.add.f32 [tilespmem:s8], [sflag:$0x1], $0x10, s16, s9, $0xb8;
	[tilespmem:$0x1BC00] =	vst v63  }
0x2a1: {  	_ = 	snop  }
0x2a2: {  	[spmem:s3] =	stream.indirect.scatter.add.f32 [tilespmem:s8], [sflag:$0x1], $0x10, s17, s9, $0xb8;
	[tilespmem:$0x1BC00] =	vst v63  }
0x2a3: {  	_ = 	snop  }
0x2a4: {  	[spmem:s3] =	stream.indirect.scatter.add.f32 [tilespmem:s8], [sflag:$0x1], $0x10, s18, s9, $0xb8;
	[tilespmem:$0x1BC00] =	vst v63  }
0x2a5: {  	_ =	swait.ge [sflag:s7], $0x800  }
0x2a6: {  	[sflag:s7] =	ssyncset.done $0x0  }
0x2a7: {  	[sflag:s7] =	ssyncadd.s32 $0xFFFFF800  }
0x2a8: {  	_ =	swait.ge [sflag:s7], $0x800  }
0x2a9: {  	[sflag:s7] =	ssyncset.done $0x0  }
0x2aa: {  	[sflag:s7] =	ssyncadd.s32 $0xFFFFF800  }
0x2ab: {  	_ =	swait.ge [sflag:s7], $0x800  }
0x2ac: {  	[sflag:s7] =	ssyncset.done $0x0  }
0x2ad: {  	[sflag:s7] =	ssyncadd.s32 $0xFFFFF800  }
0x2ae: {  	_ =	swait.ge [sflag:s7], $0x800  }
0x2af: {  	[sflag:s7] =	ssyncset.done $0x0  }
0x2b0: {  	[sflag:s7] =	ssyncadd.s32 $0xFFFFF800  }
0x2b1: {  	_ =	swait.ge [sflag:s7], $0x800  }
0x2b2: {  	[sflag:s7] =	ssyncset.done $0x0  }
0x2b3: {  	[sflag:s7] =	ssyncadd.s32 $0xFFFFF800  }
0x2b4: {  	_ =	swait.ge [sflag:s7], $0x800  }
0x2b5: {  	[sflag:s7] =	ssyncset.done $0x0  }
0x2b6: {  	[sflag:s7] =	ssyncadd.s32 $0xFFFFF800  }
0x2b7: {  	_ =	swait.ge [sflag:s7], $0x800  }
0x2b8: {  	[sflag:s7] =	ssyncset.done $0x0  }
0x2b9: {  	[sflag:s7] =	ssyncadd.s32 $0xFFFFF800  }
0x2ba: {  	_ =	swait.ge [sflag:s7], $0x800  }
0x2bb: {  	[sflag:s7] =	ssyncset.done $0x0  }
0x2bc: {  	[sflag:s7] =	ssyncadd.s32 $0xFFFFF800  }
0x2bd: {  	[bflag:$0x0] =	sbarrier.arrive $0xFFFF  }
0x2be: {  	[tilespmem:s5], [sflag:$0x2] =	stream.linear.gather [spmem:s4], $0x14000, $0x38;
	[tilespmem:$0x1BC00] =	vst v63  }
0x2bf: {  	_ =	swait.ge [sflag:s6], $0x14000  }
0x2c0: {  	[sflag:s6] =	ssyncset.done $0x0  }
0x2c1: {  	s30 =	rddreg [dreg:$0x6];
	[sflag:s6] =	ssyncadd.s32 $0xFFFEC000  }
0x2c2: {  	[hbm4b:s30+s2] =	stream.linear.scatter [tilespmem:s5], [sflag:$0x2], $0x14000, $0x38;
	[tilespmem:$0x1BC00] =	vst v63  }
0x2c3: {  	_ =	swait.ge [sflag:s6], $0x14000  }
0x2c4: {  	[sflag:s6] =	ssyncset.done $0x0  }
0x2c5: {  	[sflag:s6] =	ssyncadd.s32 $0xFFFEC000  }
0x2c6: {  	_ =	sfence.sel $0x180000  }
0x2c7: {  	s31 =	stileid.u32;
	[bflag:$0x0] =	sbarrier.arrive $0xFFFF  }
0x2c8: {  	p0 =	sne.s32 s31, $0x0;
	_ =	strace $0x90000047  }
0x2c9: {  	s0 =	sadd.s32 @!p0 $0x100000, s10;
	[bflag:$0x2] =	sbarrier.arrive $0xFFFF  }
0x2ca: {  	[sflag:s0] =	ssyncadd.tile.s32 @!p0 $0x1;
	_ =	shalt  }
.LBB2_1:
0x2cb: {  	s0 =	rddreg [dreg:$0x1];
	s30 =	simm.s32 $0x7380;
	s29 =	simm.s32 $0x7300  }
0x2cc: {  	s28 =	simm.s32 $0x7280;
	s26 =	simm.s32 $0x7780;
	s25 =	simm.s32 $0x7700  }
.Ltmp3:
0x2cd: {  	s24 =	simm.s32 $0x7680;
	s23 =	simm.s32 $0x7600;
	(pc) =	sbr.rel .LBB2_6-.Ltmp3, $4  }
0x2ce: {  	s22 =	simm.s32 $0x7580;
	s21 =	simm.s32 $0x7500;
	s20 =	simm.s32 $0x7480  }
0x2cf: {  	s19 =	simm.s32 $0x7400;
	s18 =	simm.s32 $0x7B80;
	s17 =	simm.s32 $0x7B00  }
0x2d0: {  	s16 =	simm.s32 $0x7A80;
	s15 =	simm.s32 $0x7A00;
	s14 =	simm.s32 $0x7980  }
0x2d1: {  	s13 =	simm.s32 $0x7900;
	s12 =	simm.s32 $0x7880;
	s11 =	simm.s32 $0x7800  }
.LBB2_3:
0x2d2: {  	s0 =	rddreg [dreg:$0x1]  }
0x2d3: {  	s30 =	simm.s32 $0x7380;
	s29 =	simm.s32 $0x7300;
	s28 =	simm.s32 $0x7280  }
0x2d4: {  	s26 =	simm.s32 $0x7780;
	s25 =	simm.s32 $0x7700;
	s24 =	simm.s32 $0x7680  }
.Ltmp4:
0x2d5: {  	s23 =	simm.s32 $0x7600;
	s22 =	simm.s32 $0x7580;
	(pc) =	sbr.rel .LBB2_6-.Ltmp4, $4  }
0x2d6: {  	s21 =	simm.s32 $0x7500;
	s20 =	simm.s32 $0x7480;
	s19 =	simm.s32 $0x7400  }
0x2d7: {  	s18 =	simm.s32 $0x7B80;
	s17 =	simm.s32 $0x7B00;
	s16 =	simm.s32 $0x7A80  }
0x2d8: {  	s15 =	simm.s32 $0x7A00;
	s14 =	simm.s32 $0x7980;
	s13 =	simm.s32 $0x7900  }
0x2d9: {  	s12 =	simm.s32 $0x7880;
	s11 =	simm.s32 $0x7800;
	s10 =	rddreg [dreg:$0x3]  }
.Lfunc_end2:
_tile_overlayer_lowered:
.L_overlay_start_2:
0x2da: {  	(tag) =	ssettag $0x2  }
0x2db: {  	s0 =	rddreg [dreg:$0x0];
	s2 =	stileid.u32  }
0x2dc: {  	s1 =	rddreg [dreg:$0x1];
	p0 =	sne.s32 s2, $0x0  }
0x2dd: {  	s3 =	rddreg [dreg:$0x2];
	[bflag:$0x3] =	sbarrier.arrive $0xFFFF;
	s2 =	simm.s32 @!p0 $0x1C02  }
0x2de: {  	[timem:s3], [sflag:s2] =	dma.local @!p0 [hbm:s0], s1  }
0x2df: {  	s0 =	simm.s32 @!p0 $0x2  }
0x2e0: {  	_ =	swait.ge @!p0 [sflag:s0], s1  }
0x2e1: {  	s1 =	ssub.s32 @!p0 $0x0, s1;
	[sflag:s0] =	ssyncset.done @!p0 $0x0  }
0x2e2: {  	[sflag:s0] =	ssyncadd.s32 @!p0 s1  }
0x2e3: {  	[bflag:$0x3] =	sbarrier.arrive $0xFFFF  }
0x2e4: {  	_ =	shalt  }

</sc_bundles>
